<compile_context>
chip_gen: v7x
topology: tpu7x:2x2x1
jax: 0.10.2.dev20260603
libtpu: 0.0.44.dev20260713+nightly
codegen_flags: <defaults>
</compile_context>

<pallas_src>
import functools

import jax
import jax.numpy as jnp
from jax import lax
from jax.experimental import pallas as pl
from jax.experimental.pallas import tpu as pltpu
from jax.experimental.pallas import tpu_sc as plsc

N = 50000
DIN = 128
H = 64
HH = H // 2
NSUB = 16
NACC = 50048
ROWS_PER_TILE = NACC // NSUB
ZCH = 136
NZ = ROWS_PER_TILE // ZCH
C = 128
RBLK = 2000


def _spmm_body_tbl(ep, src, xsrc, zeros, out, e_v, gath_v, acc,
                   sem_st, sem_g, sem_sc):
    _spmm_impl(ep, src, zeros, out, e_v, gath_v, acc, sem_st, sem_g,
               sem_sc, xsrc)


def _spmm_body(ep, src, zeros, out, e_v, gath_v, acc,
               sem_st, sem_g, sem_sc):
    _spmm_impl(ep, src, zeros, out, e_v, gath_v, acc, sem_st, sem_g,
               sem_sc, None)


def _spmm_impl(ep, src, zeros, out, e_v, gath_v, acc,
               sem_st, sem_g, sem_sc, xsrc):
    c = lax.axis_index("c")
    s = lax.axis_index("s")
    M = src.shape[0] // 2
    off = c * M
    CPT = ep.shape[0] // NSUB
    base = s * CPT

    row0 = pl.multiple_of(s * ROWS_PER_TILE, 8)
    pltpu.sync_copy(zeros, acc.at[pl.ds(row0, ROWS_PER_TILE)])
    plsc.subcore_barrier()

    def stage(k, eb):
        pltpu.async_copy(ep.at[base + k], e_v.at[eb], sem_st)

    def wait_stage():
        pltpu.make_async_copy(ep.at[base], e_v.at[0], sem_st).wait()

    def issue_gather(b, eb):
        @pl.when(c == 0)
        def _():
            pltpu.async_copy(src.at[e_v.at[eb, 1]], gath_v.at[b], sem_g)

        @pl.when(c == 1)
        def _():
            pltpu.async_copy(src.at[e_v.at[eb, 2]], gath_v.at[b], sem_g)

    def wait_gather():
        pltpu.make_async_copy(src.at[e_v.at[0, 1]], gath_v.at[0],
                              sem_g).wait()

    def issue_scatter(b, eb):
        pltpu.async_copy(gath_v.at[b], acc.at[e_v.at[eb, 0]], sem_sc,
                         add=True)

    def wait_scatter():
        pltpu.make_async_copy(gath_v.at[0], acc.at[e_v.at[0, 0]],
                              sem_sc).wait()

    stage(0, 0)
    stage(1, 1)
    wait_stage()
    issue_gather(0, 0)

    def iter_body(k, carry):
        b = lax.rem(k, 2)
        eb = lax.rem(k, 3)

        @pl.when(k + 1 < CPT)
        def _():
            wait_stage()

            @pl.when(k >= 1)
            def _():
                wait_scatter()

            issue_gather(lax.rem(k + 1, 2), lax.rem(k + 1, 3))

        @pl.when(k + 2 < CPT)
        def _():
            stage(k + 2, lax.rem(k + 2, 3))

        wait_gather()

        @plsc.parallel_loop(0, C // 16, unroll=2)
        def cgrp(g):
            vv = plsc.bitcast(e_v[eb, 3, pl.ds(g * 16, 16)], jnp.float32)
            for t in range(16):
                v = vv[t]
                r = g * 16 + t
                for j in range(HH // 16):
                    sl = pl.ds(j * 16, 16)
                    gath_v[b, r, sl] = gath_v[b, r, sl] * v
        issue_scatter(b, eb)
        return carry

    lax.fori_loop(0, CPT, iter_body, 0)
    wait_scatter()
    wait_scatter()
    plsc.subcore_barrier()
    LAST = N - 15 * ROWS_PER_TILE
    stride = N if xsrc is None else 2 * N

    @pl.when(s < NSUB - 1)
    def _():
        pltpu.sync_copy(acc.at[pl.ds(row0, ROWS_PER_TILE)],
                        out.at[pl.ds(c * stride + row0, ROWS_PER_TILE)])
        if xsrc is not None:
            pltpu.sync_copy(
                xsrc.at[pl.ds(c * N + row0, ROWS_PER_TILE)],
                out.at[pl.ds(c * stride + N + row0, ROWS_PER_TILE)])

    @pl.when(s == NSUB - 1)
    def _():
        pltpu.sync_copy(acc.at[pl.ds(row0, LAST)],
                        out.at[pl.ds(c * stride + row0, LAST)])
        if xsrc is not None:
            pltpu.sync_copy(xsrc.at[pl.ds(c * N + row0, LAST)],
                            out.at[pl.ds(c * stride + N + row0, LAST)])


def _pack_edges(rows, cols, vals, M):
    E = rows.shape[0]
    Ep = -(-E // (NSUB * C)) * (NSUB * C)
    pad = Ep - E
    if pad:
        rows = jnp.concatenate([rows, jnp.zeros((pad,), jnp.int32)])
        cols = jnp.concatenate([cols, jnp.zeros((pad,), jnp.int32)])
        vals = jnp.concatenate([vals, jnp.zeros((pad,), jnp.float32)])
    vb = lax.bitcast_convert_type(vals, jnp.int32)
    return jnp.stack([rows.reshape(-1, C), cols.reshape(-1, C),
                      (cols + M).reshape(-1, C), vb.reshape(-1, C)], axis=1)


def _spmm_sc(rows, cols, vals, src, dep=None, table_out=False):
    M = src.shape[0] // 2
    ep = _pack_edges(rows, cols, vals, M)
    out_rows = 4 * N if table_out else 2 * N
    mesh = plsc.VectorSubcoreMesh(core_axis_name="c", subcore_axis_name="s")
    kern = functools.partial(
        pl.kernel,
        out_type=jax.ShapeDtypeStruct((out_rows, HH), jnp.float32),
        mesh=mesh,
        compiler_params=pltpu.CompilerParams(use_tc_tiling_on_sc=False,
                                             needs_layout_passes=False),
        scratch_types=[
            pltpu.VMEM((3, 4, C), jnp.int32),
            pltpu.VMEM((2, C, HH), jnp.float32),
            pltpu.VMEM_SHARED((NACC, HH), jnp.float32),
            pltpu.SemaphoreType.DMA,
            pltpu.SemaphoreType.DMA,
            pltpu.SemaphoreType.DMA,
        ],
    )(_spmm_body_tbl if table_out else _spmm_body)
    zeros = jnp.zeros((ROWS_PER_TILE, HH), jnp.float32)
    if dep is not None:
        zeros, _ = lax.optimization_barrier((zeros, dep[0, :1]))
    if table_out:
        return kern(ep, src, src, zeros)
    return kern(ep, src, zeros)


def _prologue_body(nf, nt, W0, b0, Wa0, ba0, Wa1, ba1, x0_out, x1_out):
    hid = jnp.dot(nf[...], W0[...], preferred_element_type=jnp.float32)
    hid = hid + b0[...]
    hid = jnp.where(nt[...] == 0, hid, 0.0)
    x0 = jnp.dot(hid, Wa0[...], preferred_element_type=jnp.float32) + ba0[...]
    x1 = jnp.dot(hid, Wa1[...], preferred_element_type=jnp.float32) + ba1[...]
    x0_out[0] = x0[:, :HH]
    x0_out[1] = x0[:, HH:]
    x1_out[0] = x1[:, :HH]
    x1_out[1] = x1[:, HH:]


def _prologue(nf, nt, W0, b0, Wa0, ba0, Wa1, ba1):
    grid = (N // RBLK,)
    full = lambda shape: pl.BlockSpec(shape, lambda i: (0,) * len(shape))
    out_spec = pl.BlockSpec((2, RBLK, HH), lambda i: (0, i, 0))
    return pl.pallas_call(
        _prologue_body,
        grid=grid,
        in_specs=[
            pl.BlockSpec((RBLK, DIN), lambda i: (i, 0)),
            pl.BlockSpec((RBLK, 1), lambda i: (i, 0)),
            full((DIN, H)),
            full((1, H)),
            full((H, H)),
            full((1, H)),
            full((H, H)),
            full((1, H)),
        ],
        out_specs=[out_spec, out_spec],
        out_shape=[
            jax.ShapeDtypeStruct((2, N, HH), jnp.float32),
            jax.ShapeDtypeStruct((2, N, HH), jnp.float32),
        ],
    )(nf, nt, W0, b0, Wa0, ba0, Wa1, ba1)


def _layernorm(h, g, b):
    mu = jnp.mean(h, axis=-1, keepdims=True)
    var = jnp.mean((h - mu) ** 2, axis=-1, keepdims=True)
    return (h - mu) * lax.rsqrt(var + 1e-5) * g + b


def _epilogue_body(s20, s21, g0, bb0, g1, bb1, W1, b1, W2, b2, out):
    h0 = jnp.concatenate([s20[0], s20[1]], axis=-1)
    h1 = jnp.concatenate([s21[0], s21[1]], axis=-1)
    h0 = _layernorm(h0, g0[...], bb0[...])
    h1 = _layernorm(h1, g1[...], bb1[...])
    t0 = jnp.tanh(jnp.dot(h0, W1[...], preferred_element_type=jnp.float32)
                  + b1[...])
    t1 = jnp.tanh(jnp.dot(h1, W1[...], preferred_element_type=jnp.float32)
                  + b1[...])
    a0 = jnp.dot(t0, W2[...], preferred_element_type=jnp.float32) + b2[...]
    a1 = jnp.dot(t1, W2[...], preferred_element_type=jnp.float32) + b2[...]
    mx = jnp.maximum(a0, a1)
    e0 = jnp.exp(a0 - mx)
    e1 = jnp.exp(a1 - mx)
    z = e0 + e1
    out[...] = (e0 * h0 + e1 * h1) / z


def _epilogue(s20, s21, g0, bb0, g1, bb1, W1, b1, W2, b2):
    grid = (N // RBLK,)
    full = lambda shape: pl.BlockSpec(shape, lambda i: (0,) * len(shape))
    in_spec = pl.BlockSpec((2, RBLK, HH), lambda i: (0, i, 0))
    return pl.pallas_call(
        _epilogue_body,
        grid=grid,
        in_specs=[
            in_spec,
            in_spec,
            full((1, H)),
            full((1, H)),
            full((1, H)),
            full((1, H)),
            full((H, H)),
            full((1, H)),
            full((H, 1)),
            full((1, 1)),
        ],
        out_specs=pl.BlockSpec((RBLK, H), lambda i: (i, 0)),
        out_shape=jax.ShapeDtypeStruct((N, H), jnp.float32),
    )(s20, s21, g0, bb0, g1, bb1, W1, b1, W2, b2)


def kernel(node_feats, node_types, adj_indices, adj_values, idxes_seq,
           idxes_res, cosins, semantics, W0, b0, Wa_0, ba_0, gamma_0, beta_0,
           Wa_1, ba_1, gamma_1, beta_1, attn_W1, attn_b1, attn_W2, attn_b2):
    nt = node_types.reshape(N, 1)
    x0, x1 = _prologue(node_feats, nt, W0, b0.reshape(1, H),
                       Wa_0, ba_0.reshape(1, H), Wa_1, ba_1.reshape(1, H))
    xs = (x0, x1)
    s2s = []
    dep = None
    for m in range(2):
        xm = xs[m]
        xf = xm.reshape(2 * N, HH)
        k0 = idxes_seq[m, 0]
        k1 = idxes_seq[m, 1]
        r = idxes_res[m, 0]
        tbl = _spmm_sc(adj_indices[k0, 0], adj_indices[k0, 1],
                       adj_values[k0], xf, dep=dep,
                       table_out=True)
        rows_c = jnp.concatenate([adj_indices[k1, 0], adj_indices[r, 0]])
        cols_c = jnp.concatenate([adj_indices[k1, 1], adj_indices[r, 1] + N])
        vals_c = jnp.concatenate([adj_values[k1], adj_values[r]])
        s2 = _spmm_sc(rows_c, cols_c, vals_c, tbl)
        s2s.append(s2.reshape(2, N, HH))
        dep = s2
    return _epilogue(s2s[0], s2s[1], gamma_0.reshape(1, H),
                     beta_0.reshape(1, H), gamma_1.reshape(1, H),
                     beta_1.reshape(1, H), attn_W1, attn_b1.reshape(1, H),
                     attn_W2, attn_b2.reshape(1, 1))

# --- scband reference (transcript-rebuilt; emitter-appended) ---
"""Pipeline reference for scband-model-66468913873139 (READ-ONLY COPY).

The authoritative reference and input builder live on the scoring server;
editing this copy changes nothing except your own understanding.
"""

import jax, jax.numpy as jnp
import numpy as np

N = 50000
DIN = 128
H = 64
A = 4
E = 800000
N_STEPS = [2, 2]


def _spmm(idx, val, x, n):
    # sparse [n, n] (COO rows=idx[0], cols=idx[1], vals=val) times dense x [n, d]
    return jax.ops.segment_sum(val[:, None] * x[idx[1]], idx[0], num_segments=n)


def _layernorm(h, g, b):
    mu = jnp.mean(h, axis=-1, keepdims=True)
    var = jnp.mean((h - mu) ** 2, axis=-1, keepdims=True)
    return (h - mu) * jax.lax.rsqrt(var + 1e-5) * g + b


def setup_inputs(seed: int = 0):
    key = jax.random.key(seed)
    ks = jax.random.split(key, 16)
    inp = {}
    inp["node_feats"] = jax.random.normal(ks[0], (N, DIN), jnp.float32)
    inp["node_types"] = jnp.zeros((N,), jnp.int32)
    inp["adj_indices"] = jax.random.randint(ks[1], (A, 2, E), 0, N, jnp.int32)
    inp["adj_values"] = jax.random.uniform(ks[2], (A, E), jnp.float32) / 16.0
    inp["idxes_seq"] = jnp.array([[0, 1], [2, 0]], jnp.int32)  # indices into adjs[:-1], i.e. < A-1
    inp["idxes_res"] = jnp.array([[3], [2]], jnp.int32)  # indices into full adjs, i.e. < A
    inp["cosins"] = jnp.zeros((1,), jnp.float32)
    inp["semantics"] = jnp.zeros((1,), jnp.float32)
    inp["W0"] = jax.random.normal(ks[3], (DIN, H), jnp.float32) / np.sqrt(DIN)
    inp["b0"] = jnp.zeros((H,), jnp.float32)
    inp["Wa_0"] = jax.random.normal(ks[4], (H, H), jnp.float32) / np.sqrt(H)
    inp["ba_0"] = jnp.zeros((H,), jnp.float32)
    inp["gamma_0"] = jnp.ones((H,), jnp.float32)
    inp["beta_0"] = jnp.zeros((H,), jnp.float32)
    inp["Wa_1"] = jax.random.normal(ks[5], (H, H), jnp.float32) / np.sqrt(H)
    inp["ba_1"] = jnp.zeros((H,), jnp.float32)
    inp["gamma_1"] = jnp.ones((H,), jnp.float32)
    inp["beta_1"] = jnp.zeros((H,), jnp.float32)
    inp["attn_W1"] = jax.random.normal(ks[6], (H, 64), jnp.float32) / np.sqrt(H)
    inp["attn_b1"] = jnp.zeros((64,), jnp.float32)
    inp["attn_W2"] = jax.random.normal(ks[7], (64, 1), jnp.float32) / 8.0
    inp["attn_b2"] = jnp.zeros((1,), jnp.float32)
    return inp


def reference(node_feats, node_types, adj_indices, adj_values, idxes_seq, idxes_res,
              cosins, semantics, W0, b0, Wa_0, ba_0, gamma_0, beta_0,
              Wa_1, ba_1, gamma_1, beta_1, attn_W1, attn_b1, attn_W2, attn_b2):
    iseq = idxes_seq
    ires = idxes_res
    # single node type: hid[node_types == 0] = ws[0](node_feats[0])
    mask = node_types == 0
    hid = jnp.where(mask[:, None], node_feats @ W0 + b0, 0.0)
    cell_params = [(Wa_0, ba_0, gamma_0, beta_0), (Wa_1, ba_1, gamma_1, beta_1)]
    temps = []
    attns = []
    for m in range(len(N_STEPS)):
        Wa, ba, g, bb = cell_params[m]
        x = hid @ Wa + ba
        states = [x]
        offset = 0
        for i in range(N_STEPS[m]):
            k = iseq[m, i]
            seqi = _spmm(adj_indices[k], adj_values[k], states[i], N)
            resi = jnp.zeros_like(seqi)
            for j in range(i):
                r = ires[m, offset + j]
                resi = resi + _spmm(adj_indices[r], adj_values[r], states[j], N)
            offset += i
            states.append(seqi + resi)
        hidi = _layernorm(states[-1], g, bb)
        temps.append(hidi)
        attns.append(jnp.tanh(hidi @ attn_W1 + attn_b1) @ attn_W2 + attn_b2)
    hids = jnp.stack(temps, axis=0).transpose(1, 0, 2)
    att = jax.nn.softmax(jnp.concatenate(attns, axis=-1), axis=-1)
    out = (att[..., None] * hids).sum(axis=1)
    return out

if __name__ == "__main__":
    import jax
    _d = setup_inputs()
    print(jax.jit(kernel)(*tuple(_d.values())))

</pallas_src>

<mosaic_0001>
#map = affine_map<(d0, d1) -> (0, 0, 0)>
#map1 = affine_map<(d0, d1) -> (0, 0)>
module attributes {stable_mosaic.version = 14 : i64} {
  func.func @_spmm_body(%arg0: i32, %arg1: i32, %arg2: memref<12512x4x128xi32, #tpu.memory_space<hbm>>, %arg3: memref<200000x32xf32, #tpu.memory_space<hbm>>, %arg4: memref<3128x32xf32, #tpu.memory_space<hbm>>, %arg5: memref<100000x32xf32, #tpu.memory_space<hbm>>, %arg6: memref<3x4x128xi32, #tpu.memory_space<vmem>>, %arg7: memref<2x128x32xf32, #tpu.memory_space<vmem>>, %arg8: memref<50048x32xf32, #tpu.memory_space<vmem_shared>>, %arg9: memref<!tpu.dma_semaphore, #tpu.memory_space<semaphore_mem>>, %arg10: memref<!tpu.dma_semaphore, #tpu.memory_space<semaphore_mem>>, %arg11: memref<!tpu.dma_semaphore, #tpu.memory_space<semaphore_mem>>) attributes {dimension_semantics = [#tpu.dimension_semantics<core_parallel>, #tpu.dimension_semantics<subcore_parallel>], iteration_bounds = array<i64: 2, 16>, scalar_prefetch = 0 : i64, scratch_operands = 6 : i64, tpu.core_type = #tpu.core_type<sc_vector_subcore>, window_params = [{transform_indices = #map}, {transform_indices = #map1}, {transform_indices = #map1}, {transform_indices = #map1}]} {
    %mul3A = arith.constant 100000 : i32
    %mul3A_0 = arith.muli %arg0, %mul3A : i32
    %mul3A_1 = arith.constant 782 : i32
    %mul3A_2 = arith.muli %arg1, %mul3A_1 : i32
    %mul3A_3 = arith.constant 3128 : i32
    %mul3A_4 = arith.muli %arg1, %mul3A_3 : i32
    %multiple_of3A = tpu.assume_multiple %mul3A_4, 8 : i32
    "tpu.region"() ({
      %run_scoped3A = tpu.sem_alloc : memref<!tpu.dma_semaphore, #tpu.memory_space<semaphore_mem>>
      %dma_start3A_105 = arith.constant 0 : i32
      %dma_start3A_106 = tpu.memref_slice %arg8[%multiple_of3A, %dma_start3A_105] : memref<50048x32xf32, #tpu.memory_space<vmem_shared>> -> memref<3128x32xf32, #tpu.memory_space<vmem_shared>>
      tpu.enqueue_dma source(%arg4 : memref<3128x32xf32, #tpu.memory_space<hbm>>) target(%dma_start3A_106 : memref<3128x32xf32, #tpu.memory_space<vmem_shared>>) target_semaphore(%run_scoped3A : memref<!tpu.dma_semaphore, #tpu.memory_space<semaphore_mem>>)
      %dma_wait3A_107 = arith.constant 0 : i32
      %dma_wait3A_108 = tpu.memref_slice %arg8[%multiple_of3A, %dma_wait3A_107] : memref<50048x32xf32, #tpu.memory_space<vmem_shared>> -> memref<3128x32xf32, #tpu.memory_space<vmem_shared>>
      tpu.wait_dma2 semaphore(%run_scoped3A : memref<!tpu.dma_semaphore, #tpu.memory_space<semaphore_mem>>) src(%arg4 : memref<3128x32xf32, #tpu.memory_space<hbm>>) dst(%dma_wait3A_108 : memref<3128x32xf32, #tpu.memory_space<vmem_shared>>)
      tpu.yield
    }) : () -> ()
    %barrier3A = arith.constant 0 : index
    tpu.barrier barrier_id(%barrier3A)
    %add3A = arith.constant 0 : i32
    %add3A_5 = arith.addi %mul3A_2, %add3A : i32
    %dma_start3A = arith.constant 0 : i32
    %dma_start3A_6 = arith.constant 0 : i32
    %dma_start3A_7 = arith.constant 0 : i32
    %dma_start3A_8 = tpu.memref_slice %arg6[%dma_start3A, %dma_start3A_6, %dma_start3A_7] : memref<3x4x128xi32, #tpu.memory_space<vmem>> -> memref<1x4x128xi32, #tpu.memory_space<vmem>>
    %dma_start3A_9 = tpu.memref_squeeze %dma_start3A_8 : memref<1x4x128xi32, #tpu.memory_space<vmem>> -> memref<4x128xi32, #tpu.memory_space<vmem>>
    %dma_start3A_10 = arith.constant 0 : i32
    %dma_start3A_11 = arith.constant 0 : i32
    %dma_start3A_12 = tpu.memref_slice %arg2[%add3A_5, %dma_start3A_10, %dma_start3A_11] : memref<12512x4x128xi32, #tpu.memory_space<hbm>> -> memref<1x4x128xi32, #tpu.memory_space<hbm>>
    %dma_start3A_13 = tpu.memref_squeeze %dma_start3A_12 : memref<1x4x128xi32, #tpu.memory_space<hbm>> -> memref<4x128xi32, #tpu.memory_space<hbm>>
    %dma_start3A_14 = arith.constant 0 : i32
    %dma_start3A_15 = arith.constant 0 : i32
    %dma_start3A_16 = tpu.memref_slice %arg6[%dma_start3A, %dma_start3A_14, %dma_start3A_15] : memref<3x4x128xi32, #tpu.memory_space<vmem>> -> memref<1x4x128xi32, #tpu.memory_space<vmem>>
    %dma_start3A_17 = tpu.memref_squeeze %dma_start3A_16 : memref<1x4x128xi32, #tpu.memory_space<vmem>> -> memref<4x128xi32, #tpu.memory_space<vmem>>
    %dma_start3A_18 = arith.constant 0 : i32
    %dma_start3A_19 = arith.constant 0 : i32
    %dma_start3A_20 = tpu.memref_slice %arg2[%add3A_5, %dma_start3A_18, %dma_start3A_19] : memref<12512x4x128xi32, #tpu.memory_space<hbm>> -> memref<1x4x128xi32, #tpu.memory_space<hbm>>
    %dma_start3A_21 = tpu.memref_squeeze %dma_start3A_20 : memref<1x4x128xi32, #tpu.memory_space<hbm>> -> memref<4x128xi32, #tpu.memory_space<hbm>>
    tpu.enqueue_dma source(%dma_start3A_21 : memref<4x128xi32, #tpu.memory_space<hbm>>) target(%dma_start3A_17 : memref<4x128xi32, #tpu.memory_space<vmem>>) target_semaphore(%arg9 : memref<!tpu.dma_semaphore, #tpu.memory_space<semaphore_mem>>)
    %add3A_22 = arith.constant 1 : i32
    %add3A_23 = arith.addi %mul3A_2, %add3A_22 : i32
    %dma_start3A_24 = arith.constant 1 : i32
    %dma_start3A_25 = arith.constant 0 : i32
    %dma_start3A_26 = arith.constant 0 : i32
    %dma_start3A_27 = tpu.memref_slice %arg6[%dma_start3A_24, %dma_start3A_25, %dma_start3A_26] : memref<3x4x128xi32, #tpu.memory_space<vmem>> -> memref<1x4x128xi32, #tpu.memory_space<vmem>>
    %dma_start3A_28 = tpu.memref_squeeze %dma_start3A_27 : memref<1x4x128xi32, #tpu.memory_space<vmem>> -> memref<4x128xi32, #tpu.memory_space<vmem>>
    %dma_start3A_29 = arith.constant 0 : i32
    %dma_start3A_30 = arith.constant 0 : i32
    %dma_start3A_31 = tpu.memref_slice %arg2[%add3A_23, %dma_start3A_29, %dma_start3A_30] : memref<12512x4x128xi32, #tpu.memory_space<hbm>> -> memref<1x4x128xi32, #tpu.memory_space<hbm>>
    %dma_start3A_32 = tpu.memref_squeeze %dma_start3A_31 : memref<1x4x128xi32, #tpu.memory_space<hbm>> -> memref<4x128xi32, #tpu.memory_space<hbm>>
    %dma_start3A_33 = arith.constant 0 : i32
    %dma_start3A_34 = arith.constant 0 : i32
    %dma_start3A_35 = tpu.memref_slice %arg6[%dma_start3A_24, %dma_start3A_33, %dma_start3A_34] : memref<3x4x128xi32, #tpu.memory_space<vmem>> -> memref<1x4x128xi32, #tpu.memory_space<vmem>>
    %dma_start3A_36 = tpu.memref_squeeze %dma_start3A_35 : memref<1x4x128xi32, #tpu.memory_space<vmem>> -> memref<4x128xi32, #tpu.memory_space<vmem>>
    %dma_start3A_37 = arith.constant 0 : i32
    %dma_start3A_38 = arith.constant 0 : i32
    %dma_start3A_39 = tpu.memref_slice %arg2[%add3A_23, %dma_start3A_37, %dma_start3A_38] : memref<12512x4x128xi32, #tpu.memory_space<hbm>> -> memref<1x4x128xi32, #tpu.memory_space<hbm>>
    %dma_start3A_40 = tpu.memref_squeeze %dma_start3A_39 : memref<1x4x128xi32, #tpu.memory_space<hbm>> -> memref<4x128xi32, #tpu.memory_space<hbm>>
    tpu.enqueue_dma source(%dma_start3A_40 : memref<4x128xi32, #tpu.memory_space<hbm>>) target(%dma_start3A_36 : memref<4x128xi32, #tpu.memory_space<vmem>>) target_semaphore(%arg9 : memref<!tpu.dma_semaphore, #tpu.memory_space<semaphore_mem>>)
    %dma_wait3A = arith.constant 0 : i32
    %dma_wait3A_41 = arith.constant 0 : i32
    %dma_wait3A_42 = arith.constant 0 : i32
    %dma_wait3A_43 = tpu.memref_slice %arg6[%dma_wait3A, %dma_wait3A_41, %dma_wait3A_42] : memref<3x4x128xi32, #tpu.memory_space<vmem>> -> memref<1x4x128xi32, #tpu.memory_space<vmem>>
    %dma_wait3A_44 = tpu.memref_squeeze %dma_wait3A_43 : memref<1x4x128xi32, #tpu.memory_space<vmem>> -> memref<4x128xi32, #tpu.memory_space<vmem>>
    %dma_wait3A_45 = arith.constant 0 : i32
    %dma_wait3A_46 = arith.constant 0 : i32
    %dma_wait3A_47 = tpu.memref_slice %arg2[%mul3A_2, %dma_wait3A_45, %dma_wait3A_46] : memref<12512x4x128xi32, #tpu.memory_space<hbm>> -> memref<1x4x128xi32, #tpu.memory_space<hbm>>
    %dma_wait3A_48 = tpu.memref_squeeze %dma_wait3A_47 : memref<1x4x128xi32, #tpu.memory_space<hbm>> -> memref<4x128xi32, #tpu.memory_space<hbm>>
    %dma_wait3A_49 = arith.constant 0 : i32
    %dma_wait3A_50 = arith.constant 0 : i32
    %dma_wait3A_51 = tpu.memref_slice %arg6[%dma_wait3A, %dma_wait3A_49, %dma_wait3A_50] : memref<3x4x128xi32, #tpu.memory_space<vmem>> -> memref<1x4x128xi32, #tpu.memory_space<vmem>>
    %dma_wait3A_52 = tpu.memref_squeeze %dma_wait3A_51 : memref<1x4x128xi32, #tpu.memory_space<vmem>> -> memref<4x128xi32, #tpu.memory_space<vmem>>
    %dma_wait3A_53 = arith.constant 0 : i32
    %dma_wait3A_54 = arith.constant 0 : i32
    %dma_wait3A_55 = tpu.memref_slice %arg2[%mul3A_2, %dma_wait3A_53, %dma_wait3A_54] : memref<12512x4x128xi32, #tpu.memory_space<hbm>> -> memref<1x4x128xi32, #tpu.memory_space<hbm>>
    %dma_wait3A_56 = tpu.memref_squeeze %dma_wait3A_55 : memref<1x4x128xi32, #tpu.memory_space<hbm>> -> memref<4x128xi32, #tpu.memory_space<hbm>>
    tpu.wait_dma2 semaphore(%arg9 : memref<!tpu.dma_semaphore, #tpu.memory_space<semaphore_mem>>) src(%dma_wait3A_56 : memref<4x128xi32, #tpu.memory_space<hbm>>) dst(%dma_wait3A_52 : memref<4x128xi32, #tpu.memory_space<vmem>>)
    %eq3A = arith.constant 0 : i32
    %eq3A_57 = arith.cmpi eq, %arg0, %eq3A : i32
    %convert_element_type3A = arith.extui %eq3A_57 : i1 to i32
    %cond3A = arith.constant 0 : i32
    %cond3A_58 = arith.cmpi ne, %convert_element_type3A, %cond3A : i32
    scf.if %cond3A_58 {
      %dma_start3A_105 = arith.constant 0 : i32
      %dma_start3A_106 = arith.constant 1 : i32
      %dma_start3A_107 = arith.constant 0 : i32
      %dma_start3A_108 = arith.constant 0 : i32
      %dma_start3A_109 = arith.constant 0 : i32
      %dma_start3A_110 = tpu.memref_slice %arg7[%dma_start3A_107, %dma_start3A_108, %dma_start3A_109] : memref<2x128x32xf32, #tpu.memory_space<vmem>> -> memref<1x128x32xf32, #tpu.memory_space<vmem>>
      %dma_start3A_111 = tpu.memref_squeeze %dma_start3A_110 : memref<1x128x32xf32, #tpu.memory_space<vmem>> -> memref<128x32xf32, #tpu.memory_space<vmem>>
      %dma_start3A_112 = arith.constant 0 : i32
      %dma_start3A_113 = tpu.memref_slice %arg6[%dma_start3A_105, %dma_start3A_106, %dma_start3A_112] : memref<3x4x128xi32, #tpu.memory_space<vmem>> -> memref<1x1x128xi32, #tpu.memory_space<vmem>>
      %dma_start3A_114 = tpu.memref_squeeze %dma_start3A_113 : memref<1x1x128xi32, #tpu.memory_space<vmem>> -> memref<128xi32, #tpu.memory_space<vmem>>
      %dma_start3A_115 = arith.constant 0 : i32
      %dma_start3A_116 = arith.constant 0 : i32
      %dma_start3A_117 = tpu.memref_slice %arg3[%dma_start3A_115, %dma_start3A_116] : memref<200000x32xf32, #tpu.memory_space<hbm>> -> memref<200000x32xf32, #tpu.memory_space<hbm>>
      tpu.enqueue_indirect_dma source(%dma_start3A_117 : memref<200000x32xf32, #tpu.memory_space<hbm>>) target(%dma_start3A_111 : memref<128x32xf32, #tpu.memory_space<vmem>>) offsets(%dma_start3A_114 : memref<128xi32, #tpu.memory_space<vmem>>) semaphore(%arg10 : memref<!tpu.dma_semaphore, #tpu.memory_space<semaphore_mem>>)
    } else {
    }
    %eq3A_59 = arith.constant 1 : i32
    %eq3A_60 = arith.cmpi eq, %arg0, %eq3A_59 : i32
    %convert_element_type3A_61 = arith.extui %eq3A_60 : i1 to i32
    %cond3A_62 = arith.constant 0 : i32
    %cond3A_63 = arith.cmpi ne, %convert_element_type3A_61, %cond3A_62 : i32
    scf.if %cond3A_63 {
      %dma_start3A_105 = arith.constant 0 : i32
      %dma_start3A_106 = arith.constant 2 : i32
      %dma_start3A_107 = arith.constant 0 : i32
      %dma_start3A_108 = arith.constant 0 : i32
      %dma_start3A_109 = arith.constant 0 : i32
      %dma_start3A_110 = tpu.memref_slice %arg7[%dma_start3A_107, %dma_start3A_108, %dma_start3A_109] : memref<2x128x32xf32, #tpu.memory_space<vmem>> -> memref<1x128x32xf32, #tpu.memory_space<vmem>>
      %dma_start3A_111 = tpu.memref_squeeze %dma_start3A_110 : memref<1x128x32xf32, #tpu.memory_space<vmem>> -> memref<128x32xf32, #tpu.memory_space<vmem>>
      %dma_start3A_112 = arith.constant 0 : i32
      %dma_start3A_113 = tpu.memref_slice %arg6[%dma_start3A_105, %dma_start3A_106, %dma_start3A_112] : memref<3x4x128xi32, #tpu.memory_space<vmem>> -> memref<1x1x128xi32, #tpu.memory_space<vmem>>
      %dma_start3A_114 = tpu.memref_squeeze %dma_start3A_113 : memref<1x1x128xi32, #tpu.memory_space<vmem>> -> memref<128xi32, #tpu.memory_space<vmem>>
      %dma_start3A_115 = arith.constant 0 : i32
      %dma_start3A_116 = arith.constant 0 : i32
      %dma_start3A_117 = tpu.memref_slice %arg3[%dma_start3A_115, %dma_start3A_116] : memref<200000x32xf32, #tpu.memory_space<hbm>> -> memref<200000x32xf32, #tpu.memory_space<hbm>>
      tpu.enqueue_indirect_dma source(%dma_start3A_117 : memref<200000x32xf32, #tpu.memory_space<hbm>>) target(%dma_start3A_111 : memref<128x32xf32, #tpu.memory_space<vmem>>) offsets(%dma_start3A_114 : memref<128xi32, #tpu.memory_space<vmem>>) semaphore(%arg10 : memref<!tpu.dma_semaphore, #tpu.memory_space<semaphore_mem>>)
    } else {
    }
    %scan3A = arith.constant 0 : i32
    %scan3A_64 = arith.constant 0 : i32
    %scan3A_65 = arith.constant 782 : i32
    %scan3A_66 = arith.addi %scan3A_64, %scan3A_65 : i32
    %scan3A_67 = arith.constant 1 : i32
    scf.for %scan3A_105 = %scan3A_64 to %scan3A_66 step %scan3A_67  : i32 {
      %rem3A = arith.constant 2 : i32
      %rem3A_106 = arith.remsi %scan3A_105, %rem3A : i32
      %rem3A_107 = arith.constant 3 : i32
      %rem3A_108 = arith.remsi %scan3A_105, %rem3A_107 : i32
      %add3A_109 = arith.constant 1 : i32
      %add3A_110 = arith.addi %scan3A_105, %add3A_109 : i32
      %lt3A_111 = arith.constant 782 : i32
      %lt3A_112 = arith.cmpi slt, %add3A_110, %lt3A_111 : i32
      %convert_element_type3A_113 = arith.extui %lt3A_112 : i1 to i32
      %cond3A_114 = arith.constant 0 : i32
      %cond3A_115 = arith.cmpi ne, %convert_element_type3A_113, %cond3A_114 : i32
      scf.if %cond3A_115 {
        %dma_wait3A_149 = arith.constant 0 : i32
        %dma_wait3A_150 = arith.constant 0 : i32
        %dma_wait3A_151 = arith.constant 0 : i32
        %dma_wait3A_152 = tpu.memref_slice %arg6[%dma_wait3A_149, %dma_wait3A_150, %dma_wait3A_151] : memref<3x4x128xi32, #tpu.memory_space<vmem>> -> memref<1x4x128xi32, #tpu.memory_space<vmem>>
        %dma_wait3A_153 = tpu.memref_squeeze %dma_wait3A_152 : memref<1x4x128xi32, #tpu.memory_space<vmem>> -> memref<4x128xi32, #tpu.memory_space<vmem>>
        %dma_wait3A_154 = arith.constant 0 : i32
        %dma_wait3A_155 = arith.constant 0 : i32
        %dma_wait3A_156 = tpu.memref_slice %arg2[%mul3A_2, %dma_wait3A_154, %dma_wait3A_155] : memref<12512x4x128xi32, #tpu.memory_space<hbm>> -> memref<1x4x128xi32, #tpu.memory_space<hbm>>
        %dma_wait3A_157 = tpu.memref_squeeze %dma_wait3A_156 : memref<1x4x128xi32, #tpu.memory_space<hbm>> -> memref<4x128xi32, #tpu.memory_space<hbm>>
        %dma_wait3A_158 = arith.constant 0 : i32
        %dma_wait3A_159 = arith.constant 0 : i32
        %dma_wait3A_160 = tpu.memref_slice %arg6[%dma_wait3A_149, %dma_wait3A_158, %dma_wait3A_159] : memref<3x4x128xi32, #tpu.memory_space<vmem>> -> memref<1x4x128xi32, #tpu.memory_space<vmem>>
        %dma_wait3A_161 = tpu.memref_squeeze %dma_wait3A_160 : memref<1x4x128xi32, #tpu.memory_space<vmem>> -> memref<4x128xi32, #tpu.memory_space<vmem>>
        %dma_wait3A_162 = arith.constant 0 : i32
        %dma_wait3A_163 = arith.constant 0 : i32
        %dma_wait3A_164 = tpu.memref_slice %arg2[%mul3A_2, %dma_wait3A_162, %dma_wait3A_163] : memref<12512x4x128xi32, #tpu.memory_space<hbm>> -> memref<1x4x128xi32, #tpu.memory_space<hbm>>
        %dma_wait3A_165 = tpu.memref_squeeze %dma_wait3A_164 : memref<1x4x128xi32, #tpu.memory_space<hbm>> -> memref<4x128xi32, #tpu.memory_space<hbm>>
        tpu.wait_dma2 semaphore(%arg9 : memref<!tpu.dma_semaphore, #tpu.memory_space<semaphore_mem>>) src(%dma_wait3A_165 : memref<4x128xi32, #tpu.memory_space<hbm>>) dst(%dma_wait3A_161 : memref<4x128xi32, #tpu.memory_space<vmem>>)
        %ge3A = arith.constant 1 : i32
        %ge3A_166 = arith.cmpi sge, %scan3A_105, %ge3A : i32
        %convert_element_type3A_167 = arith.extui %ge3A_166 : i1 to i32
        %cond3A_168 = arith.constant 0 : i32
        %cond3A_169 = arith.cmpi ne, %convert_element_type3A_167, %cond3A_168 : i32
        scf.if %cond3A_169 {
          %dma_wait3A_188 = arith.constant 0 : i32
          %dma_wait3A_189 = arith.constant 0 : i32
          %dma_wait3A_190 = arith.constant 0 : i32
          %dma_wait3A_191 = arith.constant 0 : i32
          %dma_wait3A_192 = arith.constant 0 : i32
          %dma_wait3A_193 = tpu.memref_slice %arg7[%dma_wait3A_188, %dma_wait3A_191, %dma_wait3A_192] : memref<2x128x32xf32, #tpu.memory_space<vmem>> -> memref<1x128x32xf32, #tpu.memory_space<vmem>>
          %dma_wait3A_194 = tpu.memref_squeeze %dma_wait3A_193 : memref<1x128x32xf32, #tpu.memory_space<vmem>> -> memref<128x32xf32, #tpu.memory_space<vmem>>
          %dma_wait3A_195 = arith.constant 0 : i32
          %dma_wait3A_196 = tpu.memref_slice %arg6[%dma_wait3A_189, %dma_wait3A_190, %dma_wait3A_195] : memref<3x4x128xi32, #tpu.memory_space<vmem>> -> memref<1x1x128xi32, #tpu.memory_space<vmem>>
          %dma_wait3A_197 = tpu.memref_squeeze %dma_wait3A_196 : memref<1x1x128xi32, #tpu.memory_space<vmem>> -> memref<128xi32, #tpu.memory_space<vmem>>
          %dma_wait3A_198 = arith.constant 0 : i32
          %dma_wait3A_199 = arith.constant 0 : i32
          %dma_wait3A_200 = tpu.memref_slice %arg8[%dma_wait3A_198, %dma_wait3A_199] : memref<50048x32xf32, #tpu.memory_space<vmem_shared>> -> memref<50048x32xf32, #tpu.memory_space<vmem_shared>>
          tpu.wait_indirect_dma semaphore(%arg11 : memref<!tpu.dma_semaphore, #tpu.memory_space<semaphore_mem>>) src(%dma_wait3A_194 : memref<128x32xf32, #tpu.memory_space<vmem>>) dst(%dma_wait3A_200 : memref<50048x32xf32, #tpu.memory_space<vmem_shared>>)
        } else {
        }
        %add3A_170 = arith.constant 1 : i32
        %add3A_171 = arith.addi %scan3A_105, %add3A_170 : i32
        %rem3A_172 = arith.constant 2 : i32
        %rem3A_173 = arith.remsi %add3A_171, %rem3A_172 : i32
        %add3A_174 = arith.constant 1 : i32
        %add3A_175 = arith.addi %scan3A_105, %add3A_174 : i32
        %rem3A_176 = arith.constant 3 : i32
        %rem3A_177 = arith.remsi %add3A_175, %rem3A_176 : i32
        %eq3A_178 = arith.constant 0 : i32
        %eq3A_179 = arith.cmpi eq, %arg0, %eq3A_178 : i32
        %convert_element_type3A_180 = arith.extui %eq3A_179 : i1 to i32
        %cond3A_181 = arith.constant 0 : i32
        %cond3A_182 = arith.cmpi ne, %convert_element_type3A_180, %cond3A_181 : i32
        scf.if %cond3A_182 {
          %dma_start3A_188 = arith.constant 1 : i32
          %dma_start3A_189 = arith.constant 0 : i32
          %dma_start3A_190 = arith.constant 0 : i32
          %dma_start3A_191 = tpu.memref_slice %arg7[%rem3A_173, %dma_start3A_189, %dma_start3A_190] : memref<2x128x32xf32, #tpu.memory_space<vmem>> -> memref<1x128x32xf32, #tpu.memory_space<vmem>>
          %dma_start3A_192 = tpu.memref_squeeze %dma_start3A_191 : memref<1x128x32xf32, #tpu.memory_space<vmem>> -> memref<128x32xf32, #tpu.memory_space<vmem>>
          %dma_start3A_193 = arith.constant 0 : i32
          %dma_start3A_194 = tpu.memref_slice %arg6[%rem3A_177, %dma_start3A_188, %dma_start3A_193] : memref<3x4x128xi32, #tpu.memory_space<vmem>> -> memref<1x1x128xi32, #tpu.memory_space<vmem>>
          %dma_start3A_195 = tpu.memref_squeeze %dma_start3A_194 : memref<1x1x128xi32, #tpu.memory_space<vmem>> -> memref<128xi32, #tpu.memory_space<vmem>>
          %dma_start3A_196 = arith.constant 0 : i32
          %dma_start3A_197 = arith.constant 0 : i32
          %dma_start3A_198 = tpu.memref_slice %arg3[%dma_start3A_196, %dma_start3A_197] : memref<200000x32xf32, #tpu.memory_space<hbm>> -> memref<200000x32xf32, #tpu.memory_space<hbm>>
          tpu.enqueue_indirect_dma source(%dma_start3A_198 : memref<200000x32xf32, #tpu.memory_space<hbm>>) target(%dma_start3A_192 : memref<128x32xf32, #tpu.memory_space<vmem>>) offsets(%dma_start3A_195 : memref<128xi32, #tpu.memory_space<vmem>>) semaphore(%arg10 : memref<!tpu.dma_semaphore, #tpu.memory_space<semaphore_mem>>)
        } else {
        }
        %eq3A_183 = arith.constant 1 : i32
        %eq3A_184 = arith.cmpi eq, %arg0, %eq3A_183 : i32
        %convert_element_type3A_185 = arith.extui %eq3A_184 : i1 to i32
        %cond3A_186 = arith.constant 0 : i32
        %cond3A_187 = arith.cmpi ne, %convert_element_type3A_185, %cond3A_186 : i32
        scf.if %cond3A_187 {
          %dma_start3A_188 = arith.constant 2 : i32
          %dma_start3A_189 = arith.constant 0 : i32
          %dma_start3A_190 = arith.constant 0 : i32
          %dma_start3A_191 = tpu.memref_slice %arg7[%rem3A_173, %dma_start3A_189, %dma_start3A_190] : memref<2x128x32xf32, #tpu.memory_space<vmem>> -> memref<1x128x32xf32, #tpu.memory_space<vmem>>
          %dma_start3A_192 = tpu.memref_squeeze %dma_start3A_191 : memref<1x128x32xf32, #tpu.memory_space<vmem>> -> memref<128x32xf32, #tpu.memory_space<vmem>>
          %dma_start3A_193 = arith.constant 0 : i32
          %dma_start3A_194 = tpu.memref_slice %arg6[%rem3A_177, %dma_start3A_188, %dma_start3A_193] : memref<3x4x128xi32, #tpu.memory_space<vmem>> -> memref<1x1x128xi32, #tpu.memory_space<vmem>>
          %dma_start3A_195 = tpu.memref_squeeze %dma_start3A_194 : memref<1x1x128xi32, #tpu.memory_space<vmem>> -> memref<128xi32, #tpu.memory_space<vmem>>
          %dma_start3A_196 = arith.constant 0 : i32
          %dma_start3A_197 = arith.constant 0 : i32
          %dma_start3A_198 = tpu.memref_slice %arg3[%dma_start3A_196, %dma_start3A_197] : memref<200000x32xf32, #tpu.memory_space<hbm>> -> memref<200000x32xf32, #tpu.memory_space<hbm>>
          tpu.enqueue_indirect_dma source(%dma_start3A_198 : memref<200000x32xf32, #tpu.memory_space<hbm>>) target(%dma_start3A_192 : memref<128x32xf32, #tpu.memory_space<vmem>>) offsets(%dma_start3A_195 : memref<128xi32, #tpu.memory_space<vmem>>) semaphore(%arg10 : memref<!tpu.dma_semaphore, #tpu.memory_space<semaphore_mem>>)
        } else {
        }
      } else {
      }
      %add3A_116 = arith.constant 2 : i32
      %add3A_117 = arith.addi %scan3A_105, %add3A_116 : i32
      %lt3A_118 = arith.constant 782 : i32
      %lt3A_119 = arith.cmpi slt, %add3A_117, %lt3A_118 : i32
      %convert_element_type3A_120 = arith.extui %lt3A_119 : i1 to i32
      %cond3A_121 = arith.constant 0 : i32
      %cond3A_122 = arith.cmpi ne, %convert_element_type3A_120, %cond3A_121 : i32
      scf.if %cond3A_122 {
        %add3A_149 = arith.constant 2 : i32
        %add3A_150 = arith.addi %scan3A_105, %add3A_149 : i32
        %add3A_151 = arith.constant 2 : i32
        %add3A_152 = arith.addi %scan3A_105, %add3A_151 : i32
        %rem3A_153 = arith.constant 3 : i32
        %rem3A_154 = arith.remsi %add3A_152, %rem3A_153 : i32
        %add3A_155 = arith.addi %mul3A_2, %add3A_150 : i32
        %dma_start3A_156 = arith.constant 0 : i32
        %dma_start3A_157 = arith.constant 0 : i32
        %dma_start3A_158 = tpu.memref_slice %arg6[%rem3A_154, %dma_start3A_156, %dma_start3A_157] : memref<3x4x128xi32, #tpu.memory_space<vmem>> -> memref<1x4x128xi32, #tpu.memory_space<vmem>>
        %dma_start3A_159 = tpu.memref_squeeze %dma_start3A_158 : memref<1x4x128xi32, #tpu.memory_space<vmem>> -> memref<4x128xi32, #tpu.memory_space<vmem>>
        %dma_start3A_160 = arith.constant 0 : i32
        %dma_start3A_161 = arith.constant 0 : i32
        %dma_start3A_162 = tpu.memref_slice %arg2[%add3A_155, %dma_start3A_160, %dma_start3A_161] : memref<12512x4x128xi32, #tpu.memory_space<hbm>> -> memref<1x4x128xi32, #tpu.memory_space<hbm>>
        %dma_start3A_163 = tpu.memref_squeeze %dma_start3A_162 : memref<1x4x128xi32, #tpu.memory_space<hbm>> -> memref<4x128xi32, #tpu.memory_space<hbm>>
        %dma_start3A_164 = arith.constant 0 : i32
        %dma_start3A_165 = arith.constant 0 : i32
        %dma_start3A_166 = tpu.memref_slice %arg6[%rem3A_154, %dma_start3A_164, %dma_start3A_165] : memref<3x4x128xi32, #tpu.memory_space<vmem>> -> memref<1x4x128xi32, #tpu.memory_space<vmem>>
        %dma_start3A_167 = tpu.memref_squeeze %dma_start3A_166 : memref<1x4x128xi32, #tpu.memory_space<vmem>> -> memref<4x128xi32, #tpu.memory_space<vmem>>
        %dma_start3A_168 = arith.constant 0 : i32
        %dma_start3A_169 = arith.constant 0 : i32
        %dma_start3A_170 = tpu.memref_slice %arg2[%add3A_155, %dma_start3A_168, %dma_start3A_169] : memref<12512x4x128xi32, #tpu.memory_space<hbm>> -> memref<1x4x128xi32, #tpu.memory_space<hbm>>
        %dma_start3A_171 = tpu.memref_squeeze %dma_start3A_170 : memref<1x4x128xi32, #tpu.memory_space<hbm>> -> memref<4x128xi32, #tpu.memory_space<hbm>>
        tpu.enqueue_dma source(%dma_start3A_171 : memref<4x128xi32, #tpu.memory_space<hbm>>) target(%dma_start3A_167 : memref<4x128xi32, #tpu.memory_space<vmem>>) target_semaphore(%arg9 : memref<!tpu.dma_semaphore, #tpu.memory_space<semaphore_mem>>)
      } else {
      }
      %dma_wait3A_123 = arith.constant 0 : i32
      %dma_wait3A_124 = arith.constant 1 : i32
      %dma_wait3A_125 = arith.constant 0 : i32
      %dma_wait3A_126 = arith.constant 0 : i32
      %dma_wait3A_127 = arith.constant 0 : i32
      %dma_wait3A_128 = tpu.memref_slice %arg7[%dma_wait3A_125, %dma_wait3A_126, %dma_wait3A_127] : memref<2x128x32xf32, #tpu.memory_space<vmem>> -> memref<1x128x32xf32, #tpu.memory_space<vmem>>
      %dma_wait3A_129 = tpu.memref_squeeze %dma_wait3A_128 : memref<1x128x32xf32, #tpu.memory_space<vmem>> -> memref<128x32xf32, #tpu.memory_space<vmem>>
      %dma_wait3A_130 = arith.constant 0 : i32
      %dma_wait3A_131 = tpu.memref_slice %arg6[%dma_wait3A_123, %dma_wait3A_124, %dma_wait3A_130] : memref<3x4x128xi32, #tpu.memory_space<vmem>> -> memref<1x1x128xi32, #tpu.memory_space<vmem>>
      %dma_wait3A_132 = tpu.memref_squeeze %dma_wait3A_131 : memref<1x1x128xi32, #tpu.memory_space<vmem>> -> memref<128xi32, #tpu.memory_space<vmem>>
      %dma_wait3A_133 = arith.constant 0 : i32
      %dma_wait3A_134 = arith.constant 0 : i32
      %dma_wait3A_135 = tpu.memref_slice %arg3[%dma_wait3A_133, %dma_wait3A_134] : memref<200000x32xf32, #tpu.memory_space<hbm>> -> memref<200000x32xf32, #tpu.memory_space<hbm>>
      tpu.wait_indirect_dma semaphore(%arg10 : memref<!tpu.dma_semaphore, #tpu.memory_space<semaphore_mem>>) src(%dma_wait3A_135 : memref<200000x32xf32, #tpu.memory_space<hbm>>) dst(%dma_wait3A_129 : memref<128x32xf32, #tpu.memory_space<vmem>>)
      %parallel_loop3A = arith.constant 0 : i32
      %parallel_loop3A_136 = arith.constant 8 : i32
      %parallel_loop3A_137 = arith.constant 1 : i32
      scf.for %parallel_loop3A_149 = %parallel_loop3A to %parallel_loop3A_136 step %parallel_loop3A_137  : i32 {
        %parallel_loop3A_150 = arith.constant 16 : i32
        %parallel_loop3A_151 = arith.muli %parallel_loop3A_149, %parallel_loop3A_150 : i32
        %parallel_loop3A_152 = arith.constant 3 : i32
        %parallel_loop3A_153 = arith.index_cast %rem3A_108 : i32 to index
        %parallel_loop3A_154 = arith.index_cast %parallel_loop3A_152 : i32 to index
        %parallel_loop3A_155 = arith.index_cast %parallel_loop3A_151 : i32 to index
        %parallel_loop3A_156 = tpu.vector_load %arg6[%parallel_loop3A_153, %parallel_loop3A_154, %parallel_loop3A_155] {strides = array<i32>} : memref<3x4x128xi32, #tpu.memory_space<vmem>>, vector<16xi32>,
        %parallel_loop3A_157 = vector.bitcast %parallel_loop3A_156 : vector<16xi32> to vector<16xf32>
        %parallel_loop3A_158 = vector.extract_strided_slice %parallel_loop3A_157 {offsets = [0], sizes = [1], strides = [1]} : vector<16xf32> to vector<1xf32>
        %parallel_loop3A_159 = vector.extract %parallel_loop3A_158[0] : f32 from vector<1xf32>
        %parallel_loop3A_160 = arith.constant 16 : i32
        %parallel_loop3A_161 = arith.muli %parallel_loop3A_149, %parallel_loop3A_160 : i32
        %parallel_loop3A_162 = arith.constant 0 : i32
        %parallel_loop3A_163 = arith.addi %parallel_loop3A_161, %parallel_loop3A_162 : i32
        %parallel_loop3A_164 = arith.index_cast %rem3A_106 : i32 to index
        %parallel_loop3A_165 = arith.index_cast %parallel_loop3A_163 : i32 to index
        %parallel_loop3A_166 = arith.constant 0 : index
        %parallel_loop3A_167 = tpu.vector_load %arg7[%parallel_loop3A_164, %parallel_loop3A_165, %parallel_loop3A_166] {strides = array<i32>} : memref<2x128x32xf32, #tpu.memory_space<vmem>>, vector<16xf32>,
        %parallel_loop3A_168 = vector.broadcast %parallel_loop3A_159 : f32 to vector<16xf32>
        %parallel_loop3A_169 = arith.mulf %parallel_loop3A_167, %parallel_loop3A_168 : vector<16xf32>
        %parallel_loop3A_170 = arith.index_cast %rem3A_106 : i32 to index
        %parallel_loop3A_171 = arith.index_cast %parallel_loop3A_163 : i32 to index
        %parallel_loop3A_172 = arith.constant 0 : index
        %parallel_loop3A_173 = tpu.vector_load %arg7[%parallel_loop3A_170, %parallel_loop3A_171, %parallel_loop3A_172] {strides = array<i32>} : memref<2x128x32xf32, #tpu.memory_space<vmem>>, vector<16xf32>,
        tpu.vector_store %arg7[%parallel_loop3A_170, %parallel_loop3A_171, %parallel_loop3A_172], %parallel_loop3A_169 {strides = array<i32>} : memref<2x128x32xf32, #tpu.memory_space<vmem>>, vector<16xf32>,
        %parallel_loop3A_174 = arith.index_cast %rem3A_106 : i32 to index
        %parallel_loop3A_175 = arith.index_cast %parallel_loop3A_163 : i32 to index
        %parallel_loop3A_176 = arith.constant 16 : index
        %parallel_loop3A_177 = tpu.vector_load %arg7[%parallel_loop3A_174, %parallel_loop3A_175, %parallel_loop3A_176] {strides = array<i32>} : memref<2x128x32xf32, #tpu.memory_space<vmem>>, vector<16xf32>,
        %parallel_loop3A_178 = vector.broadcast %parallel_loop3A_159 : f32 to vector<16xf32>
        %parallel_loop3A_179 = arith.mulf %parallel_loop3A_177, %parallel_loop3A_178 : vector<16xf32>
        %parallel_loop3A_180 = arith.index_cast %rem3A_106 : i32 to index
        %parallel_loop3A_181 = arith.index_cast %parallel_loop3A_163 : i32 to index
        %parallel_loop3A_182 = arith.constant 16 : index
        %parallel_loop3A_183 = tpu.vector_load %arg7[%parallel_loop3A_180, %parallel_loop3A_181, %parallel_loop3A_182] {strides = array<i32>} : memref<2x128x32xf32, #tpu.memory_space<vmem>>, vector<16xf32>,
        tpu.vector_store %arg7[%parallel_loop3A_180, %parallel_loop3A_181, %parallel_loop3A_182], %parallel_loop3A_179 {strides = array<i32>} : memref<2x128x32xf32, #tpu.memory_space<vmem>>, vector<16xf32>,
        %parallel_loop3A_184 = vector.extract_strided_slice %parallel_loop3A_157 {offsets = [1], sizes = [1], strides = [1]} : vector<16xf32> to vector<1xf32>
        %parallel_loop3A_185 = vector.extract %parallel_loop3A_184[0] : f32 from vector<1xf32>
        %parallel_loop3A_186 = arith.constant 16 : i32
        %parallel_loop3A_187 = arith.muli %parallel_loop3A_149, %parallel_loop3A_186 : i32
        %parallel_loop3A_188 = arith.constant 1 : i32
        %parallel_loop3A_189 = arith.addi %parallel_loop3A_187, %parallel_loop3A_188 : i32
        %parallel_loop3A_190 = arith.index_cast %rem3A_106 : i32 to index
        %parallel_loop3A_191 = arith.index_cast %parallel_loop3A_189 : i32 to index
        %parallel_loop3A_192 = arith.constant 0 : index
        %parallel_loop3A_193 = tpu.vector_load %arg7[%parallel_loop3A_190, %parallel_loop3A_191, %parallel_loop3A_192] {strides = array<i32>} : memref<2x128x32xf32, #tpu.memory_space<vmem>>, vector<16xf32>,
        %parallel_loop3A_194 = vector.broadcast %parallel_loop3A_185 : f32 to vector<16xf32>
        %parallel_loop3A_195 = arith.mulf %parallel_loop3A_193, %parallel_loop3A_194 : vector<16xf32>
        %parallel_loop3A_196 = arith.index_cast %rem3A_106 : i32 to index
        %parallel_loop3A_197 = arith.index_cast %parallel_loop3A_189 : i32 to index
        %parallel_loop3A_198 = arith.constant 0 : index
        %parallel_loop3A_199 = tpu.vector_load %arg7[%parallel_loop3A_196, %parallel_loop3A_197, %parallel_loop3A_198] {strides = array<i32>} : memref<2x128x32xf32, #tpu.memory_space<vmem>>, vector<16xf32>,
        tpu.vector_store %arg7[%parallel_loop3A_196, %parallel_loop3A_197, %parallel_loop3A_198], %parallel_loop3A_195 {strides = array<i32>} : memref<2x128x32xf32, #tpu.memory_space<vmem>>, vector<16xf32>,
        %parallel_loop3A_200 = arith.index_cast %rem3A_106 : i32 to index
        %parallel_loop3A_201 = arith.index_cast %parallel_loop3A_189 : i32 to index
        %parallel_loop3A_202 = arith.constant 16 : index
        %parallel_loop3A_203 = tpu.vector_load %arg7[%parallel_loop3A_200, %parallel_loop3A_201, %parallel_loop3A_202] {strides = array<i32>} : memref<2x128x32xf32, #tpu.memory_space<vmem>>, vector<16xf32>,
        %parallel_loop3A_204 = vector.broadcast %parallel_loop3A_185 : f32 to vector<16xf32>
        %parallel_loop3A_205 = arith.mulf %parallel_loop3A_203, %parallel_loop3A_204 : vector<16xf32>
        %parallel_loop3A_206 = arith.index_cast %rem3A_106 : i32 to index
        %parallel_loop3A_207 = arith.index_cast %parallel_loop3A_189 : i32 to index
        %parallel_loop3A_208 = arith.constant 16 : index
        %parallel_loop3A_209 = tpu.vector_load %arg7[%parallel_loop3A_206, %parallel_loop3A_207, %parallel_loop3A_208] {strides = array<i32>} : memref<2x128x32xf32, #tpu.memory_space<vmem>>, vector<16xf32>,
        tpu.vector_store %arg7[%parallel_loop3A_206, %parallel_loop3A_207, %parallel_loop3A_208], %parallel_loop3A_205 {strides = array<i32>} : memref<2x128x32xf32, #tpu.memory_space<vmem>>, vector<16xf32>,
        %parallel_loop3A_210 = vector.extract_strided_slice %parallel_loop3A_157 {offsets = [2], sizes = [1], strides = [1]} : vector<16xf32> to vector<1xf32>
        %parallel_loop3A_211 = vector.extract %parallel_loop3A_210[0] : f32 from vector<1xf32>
        %parallel_loop3A_212 = arith.constant 16 : i32
        %parallel_loop3A_213 = arith.muli %parallel_loop3A_149, %parallel_loop3A_212 : i32
        %parallel_loop3A_214 = arith.constant 2 : i32
        %parallel_loop3A_215 = arith.addi %parallel_loop3A_213, %parallel_loop3A_214 : i32
        %parallel_loop3A_216 = arith.index_cast %rem3A_106 : i32 to index
        %parallel_loop3A_217 = arith.index_cast %parallel_loop3A_215 : i32 to index
        %parallel_loop3A_218 = arith.constant 0 : index
        %parallel_loop3A_219 = tpu.vector_load %arg7[%parallel_loop3A_216, %parallel_loop3A_217, %parallel_loop3A_218] {strides = array<i32>} : memref<2x128x32xf32, #tpu.memory_space<vmem>>, vector<16xf32>,
        %parallel_loop3A_220 = vector.broadcast %parallel_loop3A_211 : f32 to vector<16xf32>
        %parallel_loop3A_221 = arith.mulf %parallel_loop3A_219, %parallel_loop3A_220 : vector<16xf32>
        %parallel_loop3A_222 = arith.index_cast %rem3A_106 : i32 to index
        %parallel_loop3A_223 = arith.index_cast %parallel_loop3A_215 : i32 to index
        %parallel_loop3A_224 = arith.constant 0 : index
        %parallel_loop3A_225 = tpu.vector_load %arg7[%parallel_loop3A_222, %parallel_loop3A_223, %parallel_loop3A_224] {strides = array<i32>} : memref<2x128x32xf32, #tpu.memory_space<vmem>>, vector<16xf32>,
        tpu.vector_store %arg7[%parallel_loop3A_222, %parallel_loop3A_223, %parallel_loop3A_224], %parallel_loop3A_221 {strides = array<i32>} : memref<2x128x32xf32, #tpu.memory_space<vmem>>, vector<16xf32>,
        %parallel_loop3A_226 = arith.index_cast %rem3A_106 : i32 to index
        %parallel_loop3A_227 = arith.index_cast %parallel_loop3A_215 : i32 to index
        %parallel_loop3A_228 = arith.constant 16 : index
        %parallel_loop3A_229 = tpu.vector_load %arg7[%parallel_loop3A_226, %parallel_loop3A_227, %parallel_loop3A_228] {strides = array<i32>} : memref<2x128x32xf32, #tpu.memory_space<vmem>>, vector<16xf32>,
        %parallel_loop3A_230 = vector.broadcast %parallel_loop3A_211 : f32 to vector<16xf32>
        %parallel_loop3A_231 = arith.mulf %parallel_loop3A_229, %parallel_loop3A_230 : vector<16xf32>
        %parallel_loop3A_232 = arith.index_cast %rem3A_106 : i32 to index
        %parallel_loop3A_233 = arith.index_cast %parallel_loop3A_215 : i32 to index
        %parallel_loop3A_234 = arith.constant 16 : index
        %parallel_loop3A_235 = tpu.vector_load %arg7[%parallel_loop3A_232, %parallel_loop3A_233, %parallel_loop3A_234] {strides = array<i32>} : memref<2x128x32xf32, #tpu.memory_space<vmem>>, vector<16xf32>,
        tpu.vector_store %arg7[%parallel_loop3A_232, %parallel_loop3A_233, %parallel_loop3A_234], %parallel_loop3A_231 {strides = array<i32>} : memref<2x128x32xf32, #tpu.memory_space<vmem>>, vector<16xf32>,
        %parallel_loop3A_236 = vector.extract_strided_slice %parallel_loop3A_157 {offsets = [3], sizes = [1], strides = [1]} : vector<16xf32> to vector<1xf32>
        %parallel_loop3A_237 = vector.extract %parallel_loop3A_236[0] : f32 from vector<1xf32>
        %parallel_loop3A_238 = arith.constant 16 : i32
        %parallel_loop3A_239 = arith.muli %parallel_loop3A_149, %parallel_loop3A_238 : i32
        %parallel_loop3A_240 = arith.constant 3 : i32
        %parallel_loop3A_241 = arith.addi %parallel_loop3A_239, %parallel_loop3A_240 : i32
        %parallel_loop3A_242 = arith.index_cast %rem3A_106 : i32 to index
        %parallel_loop3A_243 = arith.index_cast %parallel_loop3A_241 : i32 to index
        %parallel_loop3A_244 = arith.constant 0 : index
        %parallel_loop3A_245 = tpu.vector_load %arg7[%parallel_loop3A_242, %parallel_loop3A_243, %parallel_loop3A_244] {strides = array<i32>} : memref<2x128x32xf32, #tpu.memory_space<vmem>>, vector<16xf32>,
        %parallel_loop3A_246 = vector.broadcast %parallel_loop3A_237 : f32 to vector<16xf32>
        %parallel_loop3A_247 = arith.mulf %parallel_loop3A_245, %parallel_loop3A_246 : vector<16xf32>
        %parallel_loop3A_248 = arith.index_cast %rem3A_106 : i32 to index
        %parallel_loop3A_249 = arith.index_cast %parallel_loop3A_241 : i32 to index
        %parallel_loop3A_250 = arith.constant 0 : index
        %parallel_loop3A_251 = tpu.vector_load %arg7[%parallel_loop3A_248, %parallel_loop3A_249, %parallel_loop3A_250] {strides = array<i32>} : memref<2x128x32xf32, #tpu.memory_space<vmem>>, vector<16xf32>,
        tpu.vector_store %arg7[%parallel_loop3A_248, %parallel_loop3A_249, %parallel_loop3A_250], %parallel_loop3A_247 {strides = array<i32>} : memref<2x128x32xf32, #tpu.memory_space<vmem>>, vector<16xf32>,
        %parallel_loop3A_252 = arith.index_cast %rem3A_106 : i32 to index
        %parallel_loop3A_253 = arith.index_cast %parallel_loop3A_241 : i32 to index
        %parallel_loop3A_254 = arith.constant 16 : index
        %parallel_loop3A_255 = tpu.vector_load %arg7[%parallel_loop3A_252, %parallel_loop3A_253, %parallel_loop3A_254] {strides = array<i32>} : memref<2x128x32xf32, #tpu.memory_space<vmem>>, vector<16xf32>,
        %parallel_loop3A_256 = vector.broadcast %parallel_loop3A_237 : f32 to vector<16xf32>
        %parallel_loop3A_257 = arith.mulf %parallel_loop3A_255, %parallel_loop3A_256 : vector<16xf32>
        %parallel_loop3A_258 = arith.index_cast %rem3A_106 : i32 to index
        %parallel_loop3A_259 = arith.index_cast %parallel_loop3A_241 : i32 to index
        %parallel_loop3A_260 = arith.constant 16 : index
        %parallel_loop3A_261 = tpu.vector_load %arg7[%parallel_loop3A_258, %parallel_loop3A_259, %parallel_loop3A_260] {strides = array<i32>} : memref<2x128x32xf32, #tpu.memory_space<vmem>>, vector<16xf32>,
        tpu.vector_store %arg7[%parallel_loop3A_258, %parallel_loop3A_259, %parallel_loop3A_260], %parallel_loop3A_257 {strides = array<i32>} : memref<2x128x32xf32, #tpu.memory_space<vmem>>, vector<16xf32>,
        %parallel_loop3A_262 = vector.extract_strided_slice %parallel_loop3A_157 {offsets = [4], sizes = [1], strides = [1]} : vector<16xf32> to vector<1xf32>
        %parallel_loop3A_263 = vector.extract %parallel_loop3A_262[0] : f32 from vector<1xf32>
        %parallel_loop3A_264 = arith.constant 16 : i32
        %parallel_loop3A_265 = arith.muli %parallel_loop3A_149, %parallel_loop3A_264 : i32
        %parallel_loop3A_266 = arith.constant 4 : i32
        %parallel_loop3A_267 = arith.addi %parallel_loop3A_265, %parallel_loop3A_266 : i32
        %parallel_loop3A_268 = arith.index_cast %rem3A_106 : i32 to index
        %parallel_loop3A_269 = arith.index_cast %parallel_loop3A_267 : i32 to index
        %parallel_loop3A_270 = arith.constant 0 : index
        %parallel_loop3A_271 = tpu.vector_load %arg7[%parallel_loop3A_268, %parallel_loop3A_269, %parallel_loop3A_270] {strides = array<i32>} : memref<2x128x32xf32, #tpu.memory_space<vmem>>, vector<16xf32>,
        %parallel_loop3A_272 = vector.broadcast %parallel_loop3A_263 : f32 to vector<16xf32>
        %parallel_loop3A_273 = arith.mulf %parallel_loop3A_271, %parallel_loop3A_272 : vector<16xf32>
        %parallel_loop3A_274 = arith.index_cast %rem3A_106 : i32 to index
        %parallel_loop3A_275 = arith.index_cast %parallel_loop3A_267 : i32 to index
        %parallel_loop3A_276 = arith.constant 0 : index
        %parallel_loop3A_277 = tpu.vector_load %arg7[%parallel_loop3A_274, %parallel_loop3A_275, %parallel_loop3A_276] {strides = array<i32>} : memref<2x128x32xf32, #tpu.memory_space<vmem>>, vector<16xf32>,
        tpu.vector_store %arg7[%parallel_loop3A_274, %parallel_loop3A_275, %parallel_loop3A_276], %parallel_loop3A_273 {strides = array<i32>} : memref<2x128x32xf32, #tpu.memory_space<vmem>>, vector<16xf32>,
        %parallel_loop3A_278 = arith.index_cast %rem3A_106 : i32 to index
        %parallel_loop3A_279 = arith.index_cast %parallel_loop3A_267 : i32 to index
        %parallel_loop3A_280 = arith.constant 16 : index
        %parallel_loop3A_281 = tpu.vector_load %arg7[%parallel_loop3A_278, %parallel_loop3A_279, %parallel_loop3A_280] {strides = array<i32>} : memref<2x128x32xf32, #tpu.memory_space<vmem>>, vector<16xf32>,
        %parallel_loop3A_282 = vector.broadcast %parallel_loop3A_263 : f32 to vector<16xf32>
        %parallel_loop3A_283 = arith.mulf %parallel_loop3A_281, %parallel_loop3A_282 : vector<16xf32>
        %parallel_loop3A_284 = arith.index_cast %rem3A_106 : i32 to index
        %parallel_loop3A_285 = arith.index_cast %parallel_loop3A_267 : i32 to index
        %parallel_loop3A_286 = arith.constant 16 : index
        %parallel_loop3A_287 = tpu.vector_load %arg7[%parallel_loop3A_284, %parallel_loop3A_285, %parallel_loop3A_286] {strides = array<i32>} : memref<2x128x32xf32, #tpu.memory_space<vmem>>, vector<16xf32>,
        tpu.vector_store %arg7[%parallel_loop3A_284, %parallel_loop3A_285, %parallel_loop3A_286], %parallel_loop3A_283 {strides = array<i32>} : memref<2x128x32xf32, #tpu.memory_space<vmem>>, vector<16xf32>,
        %parallel_loop3A_288 = vector.extract_strided_slice %parallel_loop3A_157 {offsets = [5], sizes = [1], strides = [1]} : vector<16xf32> to vector<1xf32>
        %parallel_loop3A_289 = vector.extract %parallel_loop3A_288[0] : f32 from vector<1xf32>
        %parallel_loop3A_290 = arith.constant 16 : i32
        %parallel_loop3A_291 = arith.muli %parallel_loop3A_149, %parallel_loop3A_290 : i32
        %parallel_loop3A_292 = arith.constant 5 : i32
        %parallel_loop3A_293 = arith.addi %parallel_loop3A_291, %parallel_loop3A_292 : i32
        %parallel_loop3A_294 = arith.index_cast %rem3A_106 : i32 to index
        %parallel_loop3A_295 = arith.index_cast %parallel_loop3A_293 : i32 to index
        %parallel_loop3A_296 = arith.constant 0 : index
        %parallel_loop3A_297 = tpu.vector_load %arg7[%parallel_loop3A_294, %parallel_loop3A_295, %parallel_loop3A_296] {strides = array<i32>} : memref<2x128x32xf32, #tpu.memory_space<vmem>>, vector<16xf32>,
        %parallel_loop3A_298 = vector.broadcast %parallel_loop3A_289 : f32 to vector<16xf32>
        %parallel_loop3A_299 = arith.mulf %parallel_loop3A_297, %parallel_loop3A_298 : vector<16xf32>
        %parallel_loop3A_300 = arith.index_cast %rem3A_106 : i32 to index
        %parallel_loop3A_301 = arith.index_cast %parallel_loop3A_293 : i32 to index
        %parallel_loop3A_302 = arith.constant 0 : index
        %parallel_loop3A_303 = tpu.vector_load %arg7[%parallel_loop3A_300, %parallel_loop3A_301, %parallel_loop3A_302] {strides = array<i32>} : memref<2x128x32xf32, #tpu.memory_space<vmem>>, vector<16xf32>,
        tpu.vector_store %arg7[%parallel_loop3A_300, %parallel_loop3A_301, %parallel_loop3A_302], %parallel_loop3A_299 {strides = array<i32>} : memref<2x128x32xf32, #tpu.memory_space<vmem>>, vector<16xf32>,
        %parallel_loop3A_304 = arith.index_cast %rem3A_106 : i32 to index
        %parallel_loop3A_305 = arith.index_cast %parallel_loop3A_293 : i32 to index
        %parallel_loop3A_306 = arith.constant 16 : index
        %parallel_loop3A_307 = tpu.vector_load %arg7[%parallel_loop3A_304, %parallel_loop3A_305, %parallel_loop3A_306] {strides = array<i32>} : memref<2x128x32xf32, #tpu.memory_space<vmem>>, vector<16xf32>,
        %parallel_loop3A_308 = vector.broadcast %parallel_loop3A_289 : f32 to vector<16xf32>
        %parallel_loop3A_309 = arith.mulf %parallel_loop3A_307, %parallel_loop3A_308 : vector<16xf32>
        %parallel_loop3A_310 = arith.index_cast %rem3A_106 : i32 to index
        %parallel_loop3A_311 = arith.index_cast %parallel_loop3A_293 : i32 to index
        %parallel_loop3A_312 = arith.constant 16 : index
        %parallel_loop3A_313 = tpu.vector_load %arg7[%parallel_loop3A_310, %parallel_loop3A_311, %parallel_loop3A_312] {strides = array<i32>} : memref<2x128x32xf32, #tpu.memory_space<vmem>>, vector<16xf32>,
        tpu.vector_store %arg7[%parallel_loop3A_310, %parallel_loop3A_311, %parallel_loop3A_312], %parallel_loop3A_309 {strides = array<i32>} : memref<2x128x32xf32, #tpu.memory_space<vmem>>, vector<16xf32>,
        %parallel_loop3A_314 = vector.extract_strided_slice %parallel_loop3A_157 {offsets = [6], sizes = [1], strides = [1]} : vector<16xf32> to vector<1xf32>
        %parallel_loop3A_315 = vector.extract %parallel_loop3A_314[0] : f32 from vector<1xf32>
        %parallel_loop3A_316 = arith.constant 16 : i32
        %parallel_loop3A_317 = arith.muli %parallel_loop3A_149, %parallel_loop3A_316 : i32
        %parallel_loop3A_318 = arith.constant 6 : i32
        %parallel_loop3A_319 = arith.addi %parallel_loop3A_317, %parallel_loop3A_318 : i32
        %parallel_loop3A_320 = arith.index_cast %rem3A_106 : i32 to index
        %parallel_loop3A_321 = arith.index_cast %parallel_loop3A_319 : i32 to index
        %parallel_loop3A_322 = arith.constant 0 : index
        %parallel_loop3A_323 = tpu.vector_load %arg7[%parallel_loop3A_320, %parallel_loop3A_321, %parallel_loop3A_322] {strides = array<i32>} : memref<2x128x32xf32, #tpu.memory_space<vmem>>, vector<16xf32>,
        %parallel_loop3A_324 = vector.broadcast %parallel_loop3A_315 : f32 to vector<16xf32>
        %parallel_loop3A_325 = arith.mulf %parallel_loop3A_323, %parallel_loop3A_324 : vector<16xf32>
        %parallel_loop3A_326 = arith.index_cast %rem3A_106 : i32 to index
        %parallel_loop3A_327 = arith.index_cast %parallel_loop3A_319 : i32 to index
        %parallel_loop3A_328 = arith.constant 0 : index
        %parallel_loop3A_329 = tpu.vector_load %arg7[%parallel_loop3A_326, %parallel_loop3A_327, %parallel_loop3A_328] {strides = array<i32>} : memref<2x128x32xf32, #tpu.memory_space<vmem>>, vector<16xf32>,
        tpu.vector_store %arg7[%parallel_loop3A_326, %parallel_loop3A_327, %parallel_loop3A_328], %parallel_loop3A_325 {strides = array<i32>} : memref<2x128x32xf32, #tpu.memory_space<vmem>>, vector<16xf32>,
        %parallel_loop3A_330 = arith.index_cast %rem3A_106 : i32 to index
        %parallel_loop3A_331 = arith.index_cast %parallel_loop3A_319 : i32 to index
        %parallel_loop3A_332 = arith.constant 16 : index
        %parallel_loop3A_333 = tpu.vector_load %arg7[%parallel_loop3A_330, %parallel_loop3A_331, %parallel_loop3A_332] {strides = array<i32>} : memref<2x128x32xf32, #tpu.memory_space<vmem>>, vector<16xf32>,
        %parallel_loop3A_334 = vector.broadcast %parallel_loop3A_315 : f32 to vector<16xf32>
        %parallel_loop3A_335 = arith.mulf %parallel_loop3A_333, %parallel_loop3A_334 : vector<16xf32>
        %parallel_loop3A_336 = arith.index_cast %rem3A_106 : i32 to index
        %parallel_loop3A_337 = arith.index_cast %parallel_loop3A_319 : i32 to index
        %parallel_loop3A_338 = arith.constant 16 : index
        %parallel_loop3A_339 = tpu.vector_load %arg7[%parallel_loop3A_336, %parallel_loop3A_337, %parallel_loop3A_338] {strides = array<i32>} : memref<2x128x32xf32, #tpu.memory_space<vmem>>, vector<16xf32>,
        tpu.vector_store %arg7[%parallel_loop3A_336, %parallel_loop3A_337, %parallel_loop3A_338], %parallel_loop3A_335 {strides = array<i32>} : memref<2x128x32xf32, #tpu.memory_space<vmem>>, vector<16xf32>,
        %parallel_loop3A_340 = vector.extract_strided_slice %parallel_loop3A_157 {offsets = [7], sizes = [1], strides = [1]} : vector<16xf32> to vector<1xf32>
        %parallel_loop3A_341 = vector.extract %parallel_loop3A_340[0] : f32 from vector<1xf32>
        %parallel_loop3A_342 = arith.constant 16 : i32
        %parallel_loop3A_343 = arith.muli %parallel_loop3A_149, %parallel_loop3A_342 : i32
        %parallel_loop3A_344 = arith.constant 7 : i32
        %parallel_loop3A_345 = arith.addi %parallel_loop3A_343, %parallel_loop3A_344 : i32
        %parallel_loop3A_346 = arith.index_cast %rem3A_106 : i32 to index
        %parallel_loop3A_347 = arith.index_cast %parallel_loop3A_345 : i32 to index
        %parallel_loop3A_348 = arith.constant 0 : index
        %parallel_loop3A_349 = tpu.vector_load %arg7[%parallel_loop3A_346, %parallel_loop3A_347, %parallel_loop3A_348] {strides = array<i32>} : memref<2x128x32xf32, #tpu.memory_space<vmem>>, vector<16xf32>,
        %parallel_loop3A_350 = vector.broadcast %parallel_loop3A_341 : f32 to vector<16xf32>
        %parallel_loop3A_351 = arith.mulf %parallel_loop3A_349, %parallel_loop3A_350 : vector<16xf32>
        %parallel_loop3A_352 = arith.index_cast %rem3A_106 : i32 to index
        %parallel_loop3A_353 = arith.index_cast %parallel_loop3A_345 : i32 to index
        %parallel_loop3A_354 = arith.constant 0 : index
        %parallel_loop3A_355 = tpu.vector_load %arg7[%parallel_loop3A_352, %parallel_loop3A_353, %parallel_loop3A_354] {strides = array<i32>} : memref<2x128x32xf32, #tpu.memory_space<vmem>>, vector<16xf32>,
        tpu.vector_store %arg7[%parallel_loop3A_352, %parallel_loop3A_353, %parallel_loop3A_354], %parallel_loop3A_351 {strides = array<i32>} : memref<2x128x32xf32, #tpu.memory_space<vmem>>, vector<16xf32>,
        %parallel_loop3A_356 = arith.index_cast %rem3A_106 : i32 to index
        %parallel_loop3A_357 = arith.index_cast %parallel_loop3A_345 : i32 to index
        %parallel_loop3A_358 = arith.constant 16 : index
        %parallel_loop3A_359 = tpu.vector_load %arg7[%parallel_loop3A_356, %parallel_loop3A_357, %parallel_loop3A_358] {strides = array<i32>} : memref<2x128x32xf32, #tpu.memory_space<vmem>>, vector<16xf32>,
        %parallel_loop3A_360 = vector.broadcast %parallel_loop3A_341 : f32 to vector<16xf32>
        %parallel_loop3A_361 = arith.mulf %parallel_loop3A_359, %parallel_loop3A_360 : vector<16xf32>
        %parallel_loop3A_362 = arith.index_cast %rem3A_106 : i32 to index
        %parallel_loop3A_363 = arith.index_cast %parallel_loop3A_345 : i32 to index
        %parallel_loop3A_364 = arith.constant 16 : index
        %parallel_loop3A_365 = tpu.vector_load %arg7[%parallel_loop3A_362, %parallel_loop3A_363, %parallel_loop3A_364] {strides = array<i32>} : memref<2x128x32xf32, #tpu.memory_space<vmem>>, vector<16xf32>,
        tpu.vector_store %arg7[%parallel_loop3A_362, %parallel_loop3A_363, %parallel_loop3A_364], %parallel_loop3A_361 {strides = array<i32>} : memref<2x128x32xf32, #tpu.memory_space<vmem>>, vector<16xf32>,
        %parallel_loop3A_366 = vector.extract_strided_slice %parallel_loop3A_157 {offsets = [8], sizes = [1], strides = [1]} : vector<16xf32> to vector<1xf32>
        %parallel_loop3A_367 = vector.extract %parallel_loop3A_366[0] : f32 from vector<1xf32>
        %parallel_loop3A_368 = arith.constant 16 : i32
        %parallel_loop3A_369 = arith.muli %parallel_loop3A_149, %parallel_loop3A_368 : i32
        %parallel_loop3A_370 = arith.constant 8 : i32
        %parallel_loop3A_371 = arith.addi %parallel_loop3A_369, %parallel_loop3A_370 : i32
        %parallel_loop3A_372 = arith.index_cast %rem3A_106 : i32 to index
        %parallel_loop3A_373 = arith.index_cast %parallel_loop3A_371 : i32 to index
        %parallel_loop3A_374 = arith.constant 0 : index
        %parallel_loop3A_375 = tpu.vector_load %arg7[%parallel_loop3A_372, %parallel_loop3A_373, %parallel_loop3A_374] {strides = array<i32>} : memref<2x128x32xf32, #tpu.memory_space<vmem>>, vector<16xf32>,
        %parallel_loop3A_376 = vector.broadcast %parallel_loop3A_367 : f32 to vector<16xf32>
        %parallel_loop3A_377 = arith.mulf %parallel_loop3A_375, %parallel_loop3A_376 : vector<16xf32>
        %parallel_loop3A_378 = arith.index_cast %rem3A_106 : i32 to index
        %parallel_loop3A_379 = arith.index_cast %parallel_loop3A_371 : i32 to index
        %parallel_loop3A_380 = arith.constant 0 : index
        %parallel_loop3A_381 = tpu.vector_load %arg7[%parallel_loop3A_378, %parallel_loop3A_379, %parallel_loop3A_380] {strides = array<i32>} : memref<2x128x32xf32, #tpu.memory_space<vmem>>, vector<16xf32>,
        tpu.vector_store %arg7[%parallel_loop3A_378, %parallel_loop3A_379, %parallel_loop3A_380], %parallel_loop3A_377 {strides = array<i32>} : memref<2x128x32xf32, #tpu.memory_space<vmem>>, vector<16xf32>,
        %parallel_loop3A_382 = arith.index_cast %rem3A_106 : i32 to index
        %parallel_loop3A_383 = arith.index_cast %parallel_loop3A_371 : i32 to index
        %parallel_loop3A_384 = arith.constant 16 : index
        %parallel_loop3A_385 = tpu.vector_load %arg7[%parallel_loop3A_382, %parallel_loop3A_383, %parallel_loop3A_384] {strides = array<i32>} : memref<2x128x32xf32, #tpu.memory_space<vmem>>, vector<16xf32>,
        %parallel_loop3A_386 = vector.broadcast %parallel_loop3A_367 : f32 to vector<16xf32>
        %parallel_loop3A_387 = arith.mulf %parallel_loop3A_385, %parallel_loop3A_386 : vector<16xf32>
        %parallel_loop3A_388 = arith.index_cast %rem3A_106 : i32 to index
        %parallel_loop3A_389 = arith.index_cast %parallel_loop3A_371 : i32 to index
        %parallel_loop3A_390 = arith.constant 16 : index
        %parallel_loop3A_391 = tpu.vector_load %arg7[%parallel_loop3A_388, %parallel_loop3A_389, %parallel_loop3A_390] {strides = array<i32>} : memref<2x128x32xf32, #tpu.memory_space<vmem>>, vector<16xf32>,
        tpu.vector_store %arg7[%parallel_loop3A_388, %parallel_loop3A_389, %parallel_loop3A_390], %parallel_loop3A_387 {strides = array<i32>} : memref<2x128x32xf32, #tpu.memory_space<vmem>>, vector<16xf32>,
        %parallel_loop3A_392 = vector.extract_strided_slice %parallel_loop3A_157 {offsets = [9], sizes = [1], strides = [1]} : vector<16xf32> to vector<1xf32>
        %parallel_loop3A_393 = vector.extract %parallel_loop3A_392[0] : f32 from vector<1xf32>
        %parallel_loop3A_394 = arith.constant 16 : i32
        %parallel_loop3A_395 = arith.muli %parallel_loop3A_149, %parallel_loop3A_394 : i32
        %parallel_loop3A_396 = arith.constant 9 : i32
        %parallel_loop3A_397 = arith.addi %parallel_loop3A_395, %parallel_loop3A_396 : i32
        %parallel_loop3A_398 = arith.index_cast %rem3A_106 : i32 to index
        %parallel_loop3A_399 = arith.index_cast %parallel_loop3A_397 : i32 to index
        %parallel_loop3A_400 = arith.constant 0 : index
        %parallel_loop3A_401 = tpu.vector_load %arg7[%parallel_loop3A_398, %parallel_loop3A_399, %parallel_loop3A_400] {strides = array<i32>} : memref<2x128x32xf32, #tpu.memory_space<vmem>>, vector<16xf32>,
        %parallel_loop3A_402 = vector.broadcast %parallel_loop3A_393 : f32 to vector<16xf32>
        %parallel_loop3A_403 = arith.mulf %parallel_loop3A_401, %parallel_loop3A_402 : vector<16xf32>
        %parallel_loop3A_404 = arith.index_cast %rem3A_106 : i32 to index
        %parallel_loop3A_405 = arith.index_cast %parallel_loop3A_397 : i32 to index
        %parallel_loop3A_406 = arith.constant 0 : index
        %parallel_loop3A_407 = tpu.vector_load %arg7[%parallel_loop3A_404, %parallel_loop3A_405, %parallel_loop3A_406] {strides = array<i32>} : memref<2x128x32xf32, #tpu.memory_space<vmem>>, vector<16xf32>,
        tpu.vector_store %arg7[%parallel_loop3A_404, %parallel_loop3A_405, %parallel_loop3A_406], %parallel_loop3A_403 {strides = array<i32>} : memref<2x128x32xf32, #tpu.memory_space<vmem>>, vector<16xf32>,
        %parallel_loop3A_408 = arith.index_cast %rem3A_106 : i32 to index
        %parallel_loop3A_409 = arith.index_cast %parallel_loop3A_397 : i32 to index
        %parallel_loop3A_410 = arith.constant 16 : index
        %parallel_loop3A_411 = tpu.vector_load %arg7[%parallel_loop3A_408, %parallel_loop3A_409, %parallel_loop3A_410] {strides = array<i32>} : memref<2x128x32xf32, #tpu.memory_space<vmem>>, vector<16xf32>,
        %parallel_loop3A_412 = vector.broadcast %parallel_loop3A_393 : f32 to vector<16xf32>
        %parallel_loop3A_413 = arith.mulf %parallel_loop3A_411, %parallel_loop3A_412 : vector<16xf32>
        %parallel_loop3A_414 = arith.index_cast %rem3A_106 : i32 to index
        %parallel_loop3A_415 = arith.index_cast %parallel_loop3A_397 : i32 to index
        %parallel_loop3A_416 = arith.constant 16 : index
        %parallel_loop3A_417 = tpu.vector_load %arg7[%parallel_loop3A_414, %parallel_loop3A_415, %parallel_loop3A_416] {strides = array<i32>} : memref<2x128x32xf32, #tpu.memory_space<vmem>>, vector<16xf32>,
        tpu.vector_store %arg7[%parallel_loop3A_414, %parallel_loop3A_415, %parallel_loop3A_416], %parallel_loop3A_413 {strides = array<i32>} : memref<2x128x32xf32, #tpu.memory_space<vmem>>, vector<16xf32>,
        %parallel_loop3A_418 = vector.extract_strided_slice %parallel_loop3A_157 {offsets = [10], sizes = [1], strides = [1]} : vector<16xf32> to vector<1xf32>
        %parallel_loop3A_419 = vector.extract %parallel_loop3A_418[0] : f32 from vector<1xf32>
        %parallel_loop3A_420 = arith.constant 16 : i32
        %parallel_loop3A_421 = arith.muli %parallel_loop3A_149, %parallel_loop3A_420 : i32
        %parallel_loop3A_422 = arith.constant 10 : i32
        %parallel_loop3A_423 = arith.addi %parallel_loop3A_421, %parallel_loop3A_422 : i32
        %parallel_loop3A_424 = arith.index_cast %rem3A_106 : i32 to index
        %parallel_loop3A_425 = arith.index_cast %parallel_loop3A_423 : i32 to index
        %parallel_loop3A_426 = arith.constant 0 : index
        %parallel_loop3A_427 = tpu.vector_load %arg7[%parallel_loop3A_424, %parallel_loop3A_425, %parallel_loop3A_426] {strides = array<i32>} : memref<2x128x32xf32, #tpu.memory_space<vmem>>, vector<16xf32>,
        %parallel_loop3A_428 = vector.broadcast %parallel_loop3A_419 : f32 to vector<16xf32>
        %parallel_loop3A_429 = arith.mulf %parallel_loop3A_427, %parallel_loop3A_428 : vector<16xf32>
        %parallel_loop3A_430 = arith.index_cast %rem3A_106 : i32 to index
        %parallel_loop3A_431 = arith.index_cast %parallel_loop3A_423 : i32 to index
        %parallel_loop3A_432 = arith.constant 0 : index
        %parallel_loop3A_433 = tpu.vector_load %arg7[%parallel_loop3A_430, %parallel_loop3A_431, %parallel_loop3A_432] {strides = array<i32>} : memref<2x128x32xf32, #tpu.memory_space<vmem>>, vector<16xf32>,
        tpu.vector_store %arg7[%parallel_loop3A_430, %parallel_loop3A_431, %parallel_loop3A_432], %parallel_loop3A_429 {strides = array<i32>} : memref<2x128x32xf32, #tpu.memory_space<vmem>>, vector<16xf32>,
        %parallel_loop3A_434 = arith.index_cast %rem3A_106 : i32 to index
        %parallel_loop3A_435 = arith.index_cast %parallel_loop3A_423 : i32 to index
        %parallel_loop3A_436 = arith.constant 16 : index
        %parallel_loop3A_437 = tpu.vector_load %arg7[%parallel_loop3A_434, %parallel_loop3A_435, %parallel_loop3A_436] {strides = array<i32>} : memref<2x128x32xf32, #tpu.memory_space<vmem>>, vector<16xf32>,
        %parallel_loop3A_438 = vector.broadcast %parallel_loop3A_419 : f32 to vector<16xf32>
        %parallel_loop3A_439 = arith.mulf %parallel_loop3A_437, %parallel_loop3A_438 : vector<16xf32>
        %parallel_loop3A_440 = arith.index_cast %rem3A_106 : i32 to index
        %parallel_loop3A_441 = arith.index_cast %parallel_loop3A_423 : i32 to index
        %parallel_loop3A_442 = arith.constant 16 : index
        %parallel_loop3A_443 = tpu.vector_load %arg7[%parallel_loop3A_440, %parallel_loop3A_441, %parallel_loop3A_442] {strides = array<i32>} : memref<2x128x32xf32, #tpu.memory_space<vmem>>, vector<16xf32>,
        tpu.vector_store %arg7[%parallel_loop3A_440, %parallel_loop3A_441, %parallel_loop3A_442], %parallel_loop3A_439 {strides = array<i32>} : memref<2x128x32xf32, #tpu.memory_space<vmem>>, vector<16xf32>,
        %parallel_loop3A_444 = vector.extract_strided_slice %parallel_loop3A_157 {offsets = [11], sizes = [1], strides = [1]} : vector<16xf32> to vector<1xf32>
        %parallel_loop3A_445 = vector.extract %parallel_loop3A_444[0] : f32 from vector<1xf32>
        %parallel_loop3A_446 = arith.constant 16 : i32
        %parallel_loop3A_447 = arith.muli %parallel_loop3A_149, %parallel_loop3A_446 : i32
        %parallel_loop3A_448 = arith.constant 11 : i32
        %parallel_loop3A_449 = arith.addi %parallel_loop3A_447, %parallel_loop3A_448 : i32
        %parallel_loop3A_450 = arith.index_cast %rem3A_106 : i32 to index
        %parallel_loop3A_451 = arith.index_cast %parallel_loop3A_449 : i32 to index
        %parallel_loop3A_452 = arith.constant 0 : index
        %parallel_loop3A_453 = tpu.vector_load %arg7[%parallel_loop3A_450, %parallel_loop3A_451, %parallel_loop3A_452] {strides = array<i32>} : memref<2x128x32xf32, #tpu.memory_space<vmem>>, vector<16xf32>,
        %parallel_loop3A_454 = vector.broadcast %parallel_loop3A_445 : f32 to vector<16xf32>
        %parallel_loop3A_455 = arith.mulf %parallel_loop3A_453, %parallel_loop3A_454 : vector<16xf32>
        %parallel_loop3A_456 = arith.index_cast %rem3A_106 : i32 to index
        %parallel_loop3A_457 = arith.index_cast %parallel_loop3A_449 : i32 to index
        %parallel_loop3A_458 = arith.constant 0 : index
        %parallel_loop3A_459 = tpu.vector_load %arg7[%parallel_loop3A_456, %parallel_loop3A_457, %parallel_loop3A_458] {strides = array<i32>} : memref<2x128x32xf32, #tpu.memory_space<vmem>>, vector<16xf32>,
        tpu.vector_store %arg7[%parallel_loop3A_456, %parallel_loop3A_457, %parallel_loop3A_458], %parallel_loop3A_455 {strides = array<i32>} : memref<2x128x32xf32, #tpu.memory_space<vmem>>, vector<16xf32>,
        %parallel_loop3A_460 = arith.index_cast %rem3A_106 : i32 to index
        %parallel_loop3A_461 = arith.index_cast %parallel_loop3A_449 : i32 to index
        %parallel_loop3A_462 = arith.constant 16 : index
        %parallel_loop3A_463 = tpu.vector_load %arg7[%parallel_loop3A_460, %parallel_loop3A_461, %parallel_loop3A_462] {strides = array<i32>} : memref<2x128x32xf32, #tpu.memory_space<vmem>>, vector<16xf32>,
        %parallel_loop3A_464 = vector.broadcast %parallel_loop3A_445 : f32 to vector<16xf32>
        %parallel_loop3A_465 = arith.mulf %parallel_loop3A_463, %parallel_loop3A_464 : vector<16xf32>
        %parallel_loop3A_466 = arith.index_cast %rem3A_106 : i32 to index
        %parallel_loop3A_467 = arith.index_cast %parallel_loop3A_449 : i32 to index
        %parallel_loop3A_468 = arith.constant 16 : index
        %parallel_loop3A_469 = tpu.vector_load %arg7[%parallel_loop3A_466, %parallel_loop3A_467, %parallel_loop3A_468] {strides = array<i32>} : memref<2x128x32xf32, #tpu.memory_space<vmem>>, vector<16xf32>,
        tpu.vector_store %arg7[%parallel_loop3A_466, %parallel_loop3A_467, %parallel_loop3A_468], %parallel_loop3A_465 {strides = array<i32>} : memref<2x128x32xf32, #tpu.memory_space<vmem>>, vector<16xf32>,
        %parallel_loop3A_470 = vector.extract_strided_slice %parallel_loop3A_157 {offsets = [12], sizes = [1], strides = [1]} : vector<16xf32> to vector<1xf32>
        %parallel_loop3A_471 = vector.extract %parallel_loop3A_470[0] : f32 from vector<1xf32>
        %parallel_loop3A_472 = arith.constant 16 : i32
        %parallel_loop3A_473 = arith.muli %parallel_loop3A_149, %parallel_loop3A_472 : i32
        %parallel_loop3A_474 = arith.constant 12 : i32
        %parallel_loop3A_475 = arith.addi %parallel_loop3A_473, %parallel_loop3A_474 : i32
        %parallel_loop3A_476 = arith.index_cast %rem3A_106 : i32 to index
        %parallel_loop3A_477 = arith.index_cast %parallel_loop3A_475 : i32 to index
        %parallel_loop3A_478 = arith.constant 0 : index
        %parallel_loop3A_479 = tpu.vector_load %arg7[%parallel_loop3A_476, %parallel_loop3A_477, %parallel_loop3A_478] {strides = array<i32>} : memref<2x128x32xf32, #tpu.memory_space<vmem>>, vector<16xf32>,
        %parallel_loop3A_480 = vector.broadcast %parallel_loop3A_471 : f32 to vector<16xf32>
        %parallel_loop3A_481 = arith.mulf %parallel_loop3A_479, %parallel_loop3A_480 : vector<16xf32>
        %parallel_loop3A_482 = arith.index_cast %rem3A_106 : i32 to index
        %parallel_loop3A_483 = arith.index_cast %parallel_loop3A_475 : i32 to index
        %parallel_loop3A_484 = arith.constant 0 : index
        %parallel_loop3A_485 = tpu.vector_load %arg7[%parallel_loop3A_482, %parallel_loop3A_483, %parallel_loop3A_484] {strides = array<i32>} : memref<2x128x32xf32, #tpu.memory_space<vmem>>, vector<16xf32>,
        tpu.vector_store %arg7[%parallel_loop3A_482, %parallel_loop3A_483, %parallel_loop3A_484], %parallel_loop3A_481 {strides = array<i32>} : memref<2x128x32xf32, #tpu.memory_space<vmem>>, vector<16xf32>,
        %parallel_loop3A_486 = arith.index_cast %rem3A_106 : i32 to index
        %parallel_loop3A_487 = arith.index_cast %parallel_loop3A_475 : i32 to index
        %parallel_loop3A_488 = arith.constant 16 : index
        %parallel_loop3A_489 = tpu.vector_load %arg7[%parallel_loop3A_486, %parallel_loop3A_487, %parallel_loop3A_488] {strides = array<i32>} : memref<2x128x32xf32, #tpu.memory_space<vmem>>, vector<16xf32>,
        %parallel_loop3A_490 = vector.broadcast %parallel_loop3A_471 : f32 to vector<16xf32>
        %parallel_loop3A_491 = arith.mulf %parallel_loop3A_489, %parallel_loop3A_490 : vector<16xf32>
        %parallel_loop3A_492 = arith.index_cast %rem3A_106 : i32 to index
        %parallel_loop3A_493 = arith.index_cast %parallel_loop3A_475 : i32 to index
        %parallel_loop3A_494 = arith.constant 16 : index
        %parallel_loop3A_495 = tpu.vector_load %arg7[%parallel_loop3A_492, %parallel_loop3A_493, %parallel_loop3A_494] {strides = array<i32>} : memref<2x128x32xf32, #tpu.memory_space<vmem>>, vector<16xf32>,
        tpu.vector_store %arg7[%parallel_loop3A_492, %parallel_loop3A_493, %parallel_loop3A_494], %parallel_loop3A_491 {strides = array<i32>} : memref<2x128x32xf32, #tpu.memory_space<vmem>>, vector<16xf32>,
        %parallel_loop3A_496 = vector.extract_strided_slice %parallel_loop3A_157 {offsets = [13], sizes = [1], strides = [1]} : vector<16xf32> to vector<1xf32>
        %parallel_loop3A_497 = vector.extract %parallel_loop3A_496[0] : f32 from vector<1xf32>
        %parallel_loop3A_498 = arith.constant 16 : i32
        %parallel_loop3A_499 = arith.muli %parallel_loop3A_149, %parallel_loop3A_498 : i32
        %parallel_loop3A_500 = arith.constant 13 : i32
        %parallel_loop3A_501 = arith.addi %parallel_loop3A_499, %parallel_loop3A_500 : i32
        %parallel_loop3A_502 = arith.index_cast %rem3A_106 : i32 to index
        %parallel_loop3A_503 = arith.index_cast %parallel_loop3A_501 : i32 to index
        %parallel_loop3A_504 = arith.constant 0 : index
        %parallel_loop3A_505 = tpu.vector_load %arg7[%parallel_loop3A_502, %parallel_loop3A_503, %parallel_loop3A_504] {strides = array<i32>} : memref<2x128x32xf32, #tpu.memory_space<vmem>>, vector<16xf32>,
        %parallel_loop3A_506 = vector.broadcast %parallel_loop3A_497 : f32 to vector<16xf32>
        %parallel_loop3A_507 = arith.mulf %parallel_loop3A_505, %parallel_loop3A_506 : vector<16xf32>
        %parallel_loop3A_508 = arith.index_cast %rem3A_106 : i32 to index
        %parallel_loop3A_509 = arith.index_cast %parallel_loop3A_501 : i32 to index
        %parallel_loop3A_510 = arith.constant 0 : index
        %parallel_loop3A_511 = tpu.vector_load %arg7[%parallel_loop3A_508, %parallel_loop3A_509, %parallel_loop3A_510] {strides = array<i32>} : memref<2x128x32xf32, #tpu.memory_space<vmem>>, vector<16xf32>,
        tpu.vector_store %arg7[%parallel_loop3A_508, %parallel_loop3A_509, %parallel_loop3A_510], %parallel_loop3A_507 {strides = array<i32>} : memref<2x128x32xf32, #tpu.memory_space<vmem>>, vector<16xf32>,
        %parallel_loop3A_512 = arith.index_cast %rem3A_106 : i32 to index
        %parallel_loop3A_513 = arith.index_cast %parallel_loop3A_501 : i32 to index
        %parallel_loop3A_514 = arith.constant 16 : index
        %parallel_loop3A_515 = tpu.vector_load %arg7[%parallel_loop3A_512, %parallel_loop3A_513, %parallel_loop3A_514] {strides = array<i32>} : memref<2x128x32xf32, #tpu.memory_space<vmem>>, vector<16xf32>,
        %parallel_loop3A_516 = vector.broadcast %parallel_loop3A_497 : f32 to vector<16xf32>
        %parallel_loop3A_517 = arith.mulf %parallel_loop3A_515, %parallel_loop3A_516 : vector<16xf32>
        %parallel_loop3A_518 = arith.index_cast %rem3A_106 : i32 to index
        %parallel_loop3A_519 = arith.index_cast %parallel_loop3A_501 : i32 to index
        %parallel_loop3A_520 = arith.constant 16 : index
        %parallel_loop3A_521 = tpu.vector_load %arg7[%parallel_loop3A_518, %parallel_loop3A_519, %parallel_loop3A_520] {strides = array<i32>} : memref<2x128x32xf32, #tpu.memory_space<vmem>>, vector<16xf32>,
        tpu.vector_store %arg7[%parallel_loop3A_518, %parallel_loop3A_519, %parallel_loop3A_520], %parallel_loop3A_517 {strides = array<i32>} : memref<2x128x32xf32, #tpu.memory_space<vmem>>, vector<16xf32>,
        %parallel_loop3A_522 = vector.extract_strided_slice %parallel_loop3A_157 {offsets = [14], sizes = [1], strides = [1]} : vector<16xf32> to vector<1xf32>
        %parallel_loop3A_523 = vector.extract %parallel_loop3A_522[0] : f32 from vector<1xf32>
        %parallel_loop3A_524 = arith.constant 16 : i32
        %parallel_loop3A_525 = arith.muli %parallel_loop3A_149, %parallel_loop3A_524 : i32
        %parallel_loop3A_526 = arith.constant 14 : i32
        %parallel_loop3A_527 = arith.addi %parallel_loop3A_525, %parallel_loop3A_526 : i32
        %parallel_loop3A_528 = arith.index_cast %rem3A_106 : i32 to index
        %parallel_loop3A_529 = arith.index_cast %parallel_loop3A_527 : i32 to index
        %parallel_loop3A_530 = arith.constant 0 : index
        %parallel_loop3A_531 = tpu.vector_load %arg7[%parallel_loop3A_528, %parallel_loop3A_529, %parallel_loop3A_530] {strides = array<i32>} : memref<2x128x32xf32, #tpu.memory_space<vmem>>, vector<16xf32>,
        %parallel_loop3A_532 = vector.broadcast %parallel_loop3A_523 : f32 to vector<16xf32>
        %parallel_loop3A_533 = arith.mulf %parallel_loop3A_531, %parallel_loop3A_532 : vector<16xf32>
        %parallel_loop3A_534 = arith.index_cast %rem3A_106 : i32 to index
        %parallel_loop3A_535 = arith.index_cast %parallel_loop3A_527 : i32 to index
        %parallel_loop3A_536 = arith.constant 0 : index
        %parallel_loop3A_537 = tpu.vector_load %arg7[%parallel_loop3A_534, %parallel_loop3A_535, %parallel_loop3A_536] {strides = array<i32>} : memref<2x128x32xf32, #tpu.memory_space<vmem>>, vector<16xf32>,
        tpu.vector_store %arg7[%parallel_loop3A_534, %parallel_loop3A_535, %parallel_loop3A_536], %parallel_loop3A_533 {strides = array<i32>} : memref<2x128x32xf32, #tpu.memory_space<vmem>>, vector<16xf32>,
        %parallel_loop3A_538 = arith.index_cast %rem3A_106 : i32 to index
        %parallel_loop3A_539 = arith.index_cast %parallel_loop3A_527 : i32 to index
        %parallel_loop3A_540 = arith.constant 16 : index
        %parallel_loop3A_541 = tpu.vector_load %arg7[%parallel_loop3A_538, %parallel_loop3A_539, %parallel_loop3A_540] {strides = array<i32>} : memref<2x128x32xf32, #tpu.memory_space<vmem>>, vector<16xf32>,
        %parallel_loop3A_542 = vector.broadcast %parallel_loop3A_523 : f32 to vector<16xf32>
        %parallel_loop3A_543 = arith.mulf %parallel_loop3A_541, %parallel_loop3A_542 : vector<16xf32>
        %parallel_loop3A_544 = arith.index_cast %rem3A_106 : i32 to index
        %parallel_loop3A_545 = arith.index_cast %parallel_loop3A_527 : i32 to index
        %parallel_loop3A_546 = arith.constant 16 : index
        %parallel_loop3A_547 = tpu.vector_load %arg7[%parallel_loop3A_544, %parallel_loop3A_545, %parallel_loop3A_546] {strides = array<i32>} : memref<2x128x32xf32, #tpu.memory_space<vmem>>, vector<16xf32>,
        tpu.vector_store %arg7[%parallel_loop3A_544, %parallel_loop3A_545, %parallel_loop3A_546], %parallel_loop3A_543 {strides = array<i32>} : memref<2x128x32xf32, #tpu.memory_space<vmem>>, vector<16xf32>,
        %parallel_loop3A_548 = vector.extract_strided_slice %parallel_loop3A_157 {offsets = [15], sizes = [1], strides = [1]} : vector<16xf32> to vector<1xf32>
        %parallel_loop3A_549 = vector.extract %parallel_loop3A_548[0] : f32 from vector<1xf32>
        %parallel_loop3A_550 = arith.constant 16 : i32
        %parallel_loop3A_551 = arith.muli %parallel_loop3A_149, %parallel_loop3A_550 : i32
        %parallel_loop3A_552 = arith.constant 15 : i32
        %parallel_loop3A_553 = arith.addi %parallel_loop3A_551, %parallel_loop3A_552 : i32
        %parallel_loop3A_554 = arith.index_cast %rem3A_106 : i32 to index
        %parallel_loop3A_555 = arith.index_cast %parallel_loop3A_553 : i32 to index
        %parallel_loop3A_556 = arith.constant 0 : index
        %parallel_loop3A_557 = tpu.vector_load %arg7[%parallel_loop3A_554, %parallel_loop3A_555, %parallel_loop3A_556] {strides = array<i32>} : memref<2x128x32xf32, #tpu.memory_space<vmem>>, vector<16xf32>,
        %parallel_loop3A_558 = vector.broadcast %parallel_loop3A_549 : f32 to vector<16xf32>
        %parallel_loop3A_559 = arith.mulf %parallel_loop3A_557, %parallel_loop3A_558 : vector<16xf32>
        %parallel_loop3A_560 = arith.index_cast %rem3A_106 : i32 to index
        %parallel_loop3A_561 = arith.index_cast %parallel_loop3A_553 : i32 to index
        %parallel_loop3A_562 = arith.constant 0 : index
        %parallel_loop3A_563 = tpu.vector_load %arg7[%parallel_loop3A_560, %parallel_loop3A_561, %parallel_loop3A_562] {strides = array<i32>} : memref<2x128x32xf32, #tpu.memory_space<vmem>>, vector<16xf32>,
        tpu.vector_store %arg7[%parallel_loop3A_560, %parallel_loop3A_561, %parallel_loop3A_562], %parallel_loop3A_559 {strides = array<i32>} : memref<2x128x32xf32, #tpu.memory_space<vmem>>, vector<16xf32>,
        %parallel_loop3A_564 = arith.index_cast %rem3A_106 : i32 to index
        %parallel_loop3A_565 = arith.index_cast %parallel_loop3A_553 : i32 to index
        %parallel_loop3A_566 = arith.constant 16 : index
        %parallel_loop3A_567 = tpu.vector_load %arg7[%parallel_loop3A_564, %parallel_loop3A_565, %parallel_loop3A_566] {strides = array<i32>} : memref<2x128x32xf32, #tpu.memory_space<vmem>>, vector<16xf32>,
        %parallel_loop3A_568 = vector.broadcast %parallel_loop3A_549 : f32 to vector<16xf32>
        %parallel_loop3A_569 = arith.mulf %parallel_loop3A_567, %parallel_loop3A_568 : vector<16xf32>
        %parallel_loop3A_570 = arith.index_cast %rem3A_106 : i32 to index
        %parallel_loop3A_571 = arith.index_cast %parallel_loop3A_553 : i32 to index
        %parallel_loop3A_572 = arith.constant 16 : index
        %parallel_loop3A_573 = tpu.vector_load %arg7[%parallel_loop3A_570, %parallel_loop3A_571, %parallel_loop3A_572] {strides = array<i32>} : memref<2x128x32xf32, #tpu.memory_space<vmem>>, vector<16xf32>,
        tpu.vector_store %arg7[%parallel_loop3A_570, %parallel_loop3A_571, %parallel_loop3A_572], %parallel_loop3A_569 {strides = array<i32>} : memref<2x128x32xf32, #tpu.memory_space<vmem>>, vector<16xf32>,
      } {sc.loop_unroll_factor = 2 : i64, sc.parallel_access}
      %dma_start3A_138 = arith.constant 0 : i32
      %dma_start3A_139 = arith.constant 0 : i32
      %dma_start3A_140 = arith.constant 0 : i32
      %dma_start3A_141 = tpu.memref_slice %arg7[%rem3A_106, %dma_start3A_139, %dma_start3A_140] : memref<2x128x32xf32, #tpu.memory_space<vmem>> -> memref<1x128x32xf32, #tpu.memory_space<vmem>>
      %dma_start3A_142 = tpu.memref_squeeze %dma_start3A_141 : memref<1x128x32xf32, #tpu.memory_space<vmem>> -> memref<128x32xf32, #tpu.memory_space<vmem>>
      %dma_start3A_143 = arith.constant 0 : i32
      %dma_start3A_144 = tpu.memref_slice %arg6[%rem3A_108, %dma_start3A_138, %dma_start3A_143] : memref<3x4x128xi32, #tpu.memory_space<vmem>> -> memref<1x1x128xi32, #tpu.memory_space<vmem>>
      %dma_start3A_145 = tpu.memref_squeeze %dma_start3A_144 : memref<1x1x128xi32, #tpu.memory_space<vmem>> -> memref<128xi32, #tpu.memory_space<vmem>>
      %dma_start3A_146 = arith.constant 0 : i32
      %dma_start3A_147 = arith.constant 0 : i32
      %dma_start3A_148 = tpu.memref_slice %arg8[%dma_start3A_146, %dma_start3A_147] : memref<50048x32xf32, #tpu.memory_space<vmem_shared>> -> memref<50048x32xf32, #tpu.memory_space<vmem_shared>>
      tpu.enqueue_indirect_dma source(%dma_start3A_142 : memref<128x32xf32, #tpu.memory_space<vmem>>) target(%dma_start3A_148 : memref<50048x32xf32, #tpu.memory_space<vmem_shared>>) offsets(%dma_start3A_145 : memref<128xi32, #tpu.memory_space<vmem>>) semaphore(%arg11 : memref<!tpu.dma_semaphore, #tpu.memory_space<semaphore_mem>>) {add = true}
    }
    %scan3A_68 = arith.constant 782 : i32
    %dma_wait3A_69 = arith.constant 0 : i32
    %dma_wait3A_70 = arith.constant 0 : i32
    %dma_wait3A_71 = arith.constant 0 : i32
    %dma_wait3A_72 = arith.constant 0 : i32
    %dma_wait3A_73 = arith.constant 0 : i32
    %dma_wait3A_74 = tpu.memref_slice %arg7[%dma_wait3A_69, %dma_wait3A_72, %dma_wait3A_73] : memref<2x128x32xf32, #tpu.memory_space<vmem>> -> memref<1x128x32xf32, #tpu.memory_space<vmem>>
    %dma_wait3A_75 = tpu.memref_squeeze %dma_wait3A_74 : memref<1x128x32xf32, #tpu.memory_space<vmem>> -> memref<128x32xf32, #tpu.memory_space<vmem>>
    %dma_wait3A_76 = arith.constant 0 : i32
    %dma_wait3A_77 = tpu.memref_slice %arg6[%dma_wait3A_70, %dma_wait3A_71, %dma_wait3A_76] : memref<3x4x128xi32, #tpu.memory_space<vmem>> -> memref<1x1x128xi32, #tpu.memory_space<vmem>>
    %dma_wait3A_78 = tpu.memref_squeeze %dma_wait3A_77 : memref<1x1x128xi32, #tpu.memory_space<vmem>> -> memref<128xi32, #tpu.memory_space<vmem>>
    %dma_wait3A_79 = arith.constant 0 : i32
    %dma_wait3A_80 = arith.constant 0 : i32
    %dma_wait3A_81 = tpu.memref_slice %arg8[%dma_wait3A_79, %dma_wait3A_80] : memref<50048x32xf32, #tpu.memory_space<vmem_shared>> -> memref<50048x32xf32, #tpu.memory_space<vmem_shared>>
    tpu.wait_indirect_dma semaphore(%arg11 : memref<!tpu.dma_semaphore, #tpu.memory_space<semaphore_mem>>) src(%dma_wait3A_75 : memref<128x32xf32, #tpu.memory_space<vmem>>) dst(%dma_wait3A_81 : memref<50048x32xf32, #tpu.memory_space<vmem_shared>>)
    %dma_wait3A_82 = arith.constant 0 : i32
    %dma_wait3A_83 = arith.constant 0 : i32
    %dma_wait3A_84 = arith.constant 0 : i32
    %dma_wait3A_85 = arith.constant 0 : i32
    %dma_wait3A_86 = arith.constant 0 : i32
    %dma_wait3A_87 = tpu.memref_slice %arg7[%dma_wait3A_82, %dma_wait3A_85, %dma_wait3A_86] : memref<2x128x32xf32, #tpu.memory_space<vmem>> -> memref<1x128x32xf32, #tpu.memory_space<vmem>>
    %dma_wait3A_88 = tpu.memref_squeeze %dma_wait3A_87 : memref<1x128x32xf32, #tpu.memory_space<vmem>> -> memref<128x32xf32, #tpu.memory_space<vmem>>
    %dma_wait3A_89 = arith.constant 0 : i32
    %dma_wait3A_90 = tpu.memref_slice %arg6[%dma_wait3A_83, %dma_wait3A_84, %dma_wait3A_89] : memref<3x4x128xi32, #tpu.memory_space<vmem>> -> memref<1x1x128xi32, #tpu.memory_space<vmem>>
    %dma_wait3A_91 = tpu.memref_squeeze %dma_wait3A_90 : memref<1x1x128xi32, #tpu.memory_space<vmem>> -> memref<128xi32, #tpu.memory_space<vmem>>
    %dma_wait3A_92 = arith.constant 0 : i32
    %dma_wait3A_93 = arith.constant 0 : i32
    %dma_wait3A_94 = tpu.memref_slice %arg8[%dma_wait3A_92, %dma_wait3A_93] : memref<50048x32xf32, #tpu.memory_space<vmem_shared>> -> memref<50048x32xf32, #tpu.memory_space<vmem_shared>>
    tpu.wait_indirect_dma semaphore(%arg11 : memref<!tpu.dma_semaphore, #tpu.memory_space<semaphore_mem>>) src(%dma_wait3A_88 : memref<128x32xf32, #tpu.memory_space<vmem>>) dst(%dma_wait3A_94 : memref<50048x32xf32, #tpu.memory_space<vmem_shared>>)
    %barrier3A_95 = arith.constant 0 : index
    tpu.barrier barrier_id(%barrier3A_95)
    %lt3A = arith.constant 15 : i32
    %lt3A_96 = arith.cmpi slt, %arg1, %lt3A : i32
    %convert_element_type3A_97 = arith.extui %lt3A_96 : i1 to i32
    %cond3A_98 = arith.constant 0 : i32
    %cond3A_99 = arith.cmpi ne, %convert_element_type3A_97, %cond3A_98 : i32
    scf.if %cond3A_99 {
      %mul3A_105 = arith.constant 50000 : i32
      %mul3A_106 = arith.muli %arg0, %mul3A_105 : i32
      %add3A_107 = arith.addi %mul3A_106, %multiple_of3A : i32
      "tpu.region"() ({
        %run_scoped3A = tpu.sem_alloc : memref<!tpu.dma_semaphore, #tpu.memory_space<semaphore_mem>>
        %dma_start3A_108 = arith.constant 0 : i32
        %dma_start3A_109 = tpu.memref_slice %arg5[%add3A_107, %dma_start3A_108] : memref<100000x32xf32, #tpu.memory_space<hbm>> -> memref<3128x32xf32, #tpu.memory_space<hbm>>
        %dma_start3A_110 = arith.constant 0 : i32
        %dma_start3A_111 = tpu.memref_slice %arg8[%multiple_of3A, %dma_start3A_110] : memref<50048x32xf32, #tpu.memory_space<vmem_shared>> -> memref<3128x32xf32, #tpu.memory_space<vmem_shared>>
        tpu.enqueue_dma source(%dma_start3A_111 : memref<3128x32xf32, #tpu.memory_space<vmem_shared>>) target(%dma_start3A_109 : memref<3128x32xf32, #tpu.memory_space<hbm>>) target_semaphore(%run_scoped3A : memref<!tpu.dma_semaphore, #tpu.memory_space<semaphore_mem>>)
        %dma_wait3A_112 = arith.constant 0 : i32
        %dma_wait3A_113 = tpu.memref_slice %arg5[%add3A_107, %dma_wait3A_112] : memref<100000x32xf32, #tpu.memory_space<hbm>> -> memref<3128x32xf32, #tpu.memory_space<hbm>>
        %dma_wait3A_114 = arith.constant 0 : i32
        %dma_wait3A_115 = tpu.memref_slice %arg8[%multiple_of3A, %dma_wait3A_114] : memref<50048x32xf32, #tpu.memory_space<vmem_shared>> -> memref<3128x32xf32, #tpu.memory_space<vmem_shared>>
        tpu.wait_dma2 semaphore(%run_scoped3A : memref<!tpu.dma_semaphore, #tpu.memory_space<semaphore_mem>>) src(%dma_wait3A_115 : memref<3128x32xf32, #tpu.memory_space<vmem_shared>>) dst(%dma_wait3A_113 : memref<3128x32xf32, #tpu.memory_space<hbm>>)
        tpu.yield
      }) : () -> ()
    } else {
    }
    %eq3A_100 = arith.constant 15 : i32
    %eq3A_101 = arith.cmpi eq, %arg1, %eq3A_100 : i32
    %convert_element_type3A_102 = arith.extui %eq3A_101 : i1 to i32
    %cond3A_103 = arith.constant 0 : i32
    %cond3A_104 = arith.cmpi ne, %convert_element_type3A_102, %cond3A_103 : i32
    scf.if %cond3A_104 {
      %mul3A_105 = arith.constant 50000 : i32
      %mul3A_106 = arith.muli %arg0, %mul3A_105 : i32
      %add3A_107 = arith.addi %mul3A_106, %multiple_of3A : i32
      "tpu.region"() ({
        %run_scoped3A = tpu.sem_alloc : memref<!tpu.dma_semaphore, #tpu.memory_space<semaphore_mem>>
        %dma_start3A_108 = arith.constant 0 : i32
        %dma_start3A_109 = tpu.memref_slice %arg5[%add3A_107, %dma_start3A_108] : memref<100000x32xf32, #tpu.memory_space<hbm>> -> memref<3080x32xf32, #tpu.memory_space<hbm>>
        %dma_start3A_110 = arith.constant 0 : i32
        %dma_start3A_111 = tpu.memref_slice %arg8[%multiple_of3A, %dma_start3A_110] : memref<50048x32xf32, #tpu.memory_space<vmem_shared>> -> memref<3080x32xf32, #tpu.memory_space<vmem_shared>>
        tpu.enqueue_dma source(%dma_start3A_111 : memref<3080x32xf32, #tpu.memory_space<vmem_shared>>) target(%dma_start3A_109 : memref<3080x32xf32, #tpu.memory_space<hbm>>) target_semaphore(%run_scoped3A : memref<!tpu.dma_semaphore, #tpu.memory_space<semaphore_mem>>)
        %dma_wait3A_112 = arith.constant 0 : i32
        %dma_wait3A_113 = tpu.memref_slice %arg5[%add3A_107, %dma_wait3A_112] : memref<100000x32xf32, #tpu.memory_space<hbm>> -> memref<3080x32xf32, #tpu.memory_space<hbm>>
        %dma_wait3A_114 = arith.constant 0 : i32
        %dma_wait3A_115 = tpu.memref_slice %arg8[%multiple_of3A, %dma_wait3A_114] : memref<50048x32xf32, #tpu.memory_space<vmem_shared>> -> memref<3080x32xf32, #tpu.memory_space<vmem_shared>>
        tpu.wait_dma2 semaphore(%run_scoped3A : memref<!tpu.dma_semaphore, #tpu.memory_space<semaphore_mem>>) src(%dma_wait3A_115 : memref<3080x32xf32, #tpu.memory_space<vmem_shared>>) dst(%dma_wait3A_113 : memref<3080x32xf32, #tpu.memory_space<hbm>>)
        tpu.yield
      }) : () -> ()
    } else {
    }
    return
  }
}

#map = affine_map<(d0, d1) -> (0, 0, 0)>
#map1 = affine_map<(d0, d1) -> (0, 0)>
module attributes {stable_mosaic.version = 14 : i64} {
  func.func @_spmm_body(%arg0: i32, %arg1: i32, %arg2: memref<12512x4x128xi32, #tpu.memory_space<hbm>>, %arg3: memref<200000x32xf32, #tpu.memory_space<hbm>>, %arg4: memref<3128x32xf32, #tpu.memory_space<hbm>>, %arg5: memref<100000x32xf32, #tpu.memory_space<hbm>>, %arg6: memref<3x4x128xi32, #tpu.memory_space<vmem>>, %arg7: memref<2x128x32xf32, #tpu.memory_space<vmem>>, %arg8: memref<50048x32xf32, #tpu.memory_space<vmem_shared>>, %arg9: memref<!tpu.dma_semaphore, #tpu.memory_space<semaphore_mem>>, %arg10: memref<!tpu.dma_semaphore, #tpu.memory_space<semaphore_mem>>, %arg11: memref<!tpu.dma_semaphore, #tpu.memory_space<semaphore_mem>>) attributes {dimension_semantics = [#tpu.dimension_semantics<core_parallel>, #tpu.dimension_semantics<subcore_parallel>], iteration_bounds = array<i64: 2, 16>, scalar_prefetch = 0 : i64, scratch_operands = 6 : i64, tpu.core_type = #tpu.core_type<sc_vector_subcore>, window_params = [{transform_indices = #map}, {transform_indices = #map1}, {transform_indices = #map1}, {transform_indices = #map1}]} {
    %mul3A = arith.constant 100000 : i32
    %mul3A_0 = arith.muli %arg0, %mul3A : i32
    %mul3A_1 = arith.constant 782 : i32
    %mul3A_2 = arith.muli %arg1, %mul3A_1 : i32
    %mul3A_3 = arith.constant 3128 : i32
    %mul3A_4 = arith.muli %arg1, %mul3A_3 : i32
    %multiple_of3A = tpu.assume_multiple %mul3A_4, 8 : i32
    "tpu.region"() ({
      %run_scoped3A = tpu.sem_alloc : memref<!tpu.dma_semaphore, #tpu.memory_space<semaphore_mem>>
      %dma_start3A_105 = arith.constant 0 : i32
      %dma_start3A_106 = tpu.memref_slice %arg8[%multiple_of3A, %dma_start3A_105] : memref<50048x32xf32, #tpu.memory_space<vmem_shared>> -> memref<3128x32xf32, #tpu.memory_space<vmem_shared>>
      tpu.enqueue_dma source(%arg4 : memref<3128x32xf32, #tpu.memory_space<hbm>>) target(%dma_start3A_106 : memref<3128x32xf32, #tpu.memory_space<vmem_shared>>) target_semaphore(%run_scoped3A : memref<!tpu.dma_semaphore, #tpu.memory_space<semaphore_mem>>)
      %dma_wait3A_107 = arith.constant 0 : i32
      %dma_wait3A_108 = tpu.memref_slice %arg8[%multiple_of3A, %dma_wait3A_107] : memref<50048x32xf32, #tpu.memory_space<vmem_shared>> -> memref<3128x32xf32, #tpu.memory_space<vmem_shared>>
      tpu.wait_dma2 semaphore(%run_scoped3A : memref<!tpu.dma_semaphore, #tpu.memory_space<semaphore_mem>>) src(%arg4 : memref<3128x32xf32, #tpu.memory_space<hbm>>) dst(%dma_wait3A_108 : memref<3128x32xf32, #tpu.memory_space<vmem_shared>>)
      tpu.yield
    }) : () -> ()
    %barrier3A = arith.constant 0 : index
    tpu.barrier barrier_id(%barrier3A)
    %add3A = arith.constant 0 : i32
    %add3A_5 = arith.addi %mul3A_2, %add3A : i32
    %dma_start3A = arith.constant 0 : i32
    %dma_start3A_6 = arith.constant 0 : i32
    %dma_start3A_7 = arith.constant 0 : i32
    %dma_start3A_8 = tpu.memref_slice %arg6[%dma_start3A, %dma_start3A_6, %dma_start3A_7] : memref<3x4x128xi32, #tpu.memory_space<vmem>> -> memref<1x4x128xi32, #tpu.memory_space<vmem>>
    %dma_start3A_9 = tpu.memref_squeeze %dma_start3A_8 : memref<1x4x128xi32, #tpu.memory_space<vmem>> -> memref<4x128xi32, #tpu.memory_space<vmem>>
    %dma_start3A_10 = arith.constant 0 : i32
    %dma_start3A_11 = arith.constant 0 : i32
    %dma_start3A_12 = tpu.memref_slice %arg2[%add3A_5, %dma_start3A_10, %dma_start3A_11] : memref<12512x4x128xi32, #tpu.memory_space<hbm>> -> memref<1x4x128xi32, #tpu.memory_space<hbm>>
    %dma_start3A_13 = tpu.memref_squeeze %dma_start3A_12 : memref<1x4x128xi32, #tpu.memory_space<hbm>> -> memref<4x128xi32, #tpu.memory_space<hbm>>
    %dma_start3A_14 = arith.constant 0 : i32
    %dma_start3A_15 = arith.constant 0 : i32
    %dma_start3A_16 = tpu.memref_slice %arg6[%dma_start3A, %dma_start3A_14, %dma_start3A_15] : memref<3x4x128xi32, #tpu.memory_space<vmem>> -> memref<1x4x128xi32, #tpu.memory_space<vmem>>
    %dma_start3A_17 = tpu.memref_squeeze %dma_start3A_16 : memref<1x4x128xi32, #tpu.memory_space<vmem>> -> memref<4x128xi32, #tpu.memory_space<vmem>>
    %dma_start3A_18 = arith.constant 0 : i32
    %dma_start3A_19 = arith.constant 0 : i32
    %dma_start3A_20 = tpu.memref_slice %arg2[%add3A_5, %dma_start3A_18, %dma_start3A_19] : memref<12512x4x128xi32, #tpu.memory_space<hbm>> -> memref<1x4x128xi32, #tpu.memory_space<hbm>>
    %dma_start3A_21 = tpu.memref_squeeze %dma_start3A_20 : memref<1x4x128xi32, #tpu.memory_space<hbm>> -> memref<4x128xi32, #tpu.memory_space<hbm>>
    tpu.enqueue_dma source(%dma_start3A_21 : memref<4x128xi32, #tpu.memory_space<hbm>>) target(%dma_start3A_17 : memref<4x128xi32, #tpu.memory_space<vmem>>) target_semaphore(%arg9 : memref<!tpu.dma_semaphore, #tpu.memory_space<semaphore_mem>>)
    %add3A_22 = arith.constant 1 : i32
    %add3A_23 = arith.addi %mul3A_2, %add3A_22 : i32
    %dma_start3A_24 = arith.constant 1 : i32
    %dma_start3A_25 = arith.constant 0 : i32
    %dma_start3A_26 = arith.constant 0 : i32
    %dma_start3A_27 = tpu.memref_slice %arg6[%dma_start3A_24, %dma_start3A_25, %dma_start3A_26] : memref<3x4x128xi32, #tpu.memory_space<vmem>> -> memref<1x4x128xi32, #tpu.memory_space<vmem>>
    %dma_start3A_28 = tpu.memref_squeeze %dma_start3A_27 : memref<1x4x128xi32, #tpu.memory_space<vmem>> -> memref<4x128xi32, #tpu.memory_space<vmem>>
    %dma_start3A_29 = arith.constant 0 : i32
    %dma_start3A_30 = arith.constant 0 : i32
    %dma_start3A_31 = tpu.memref_slice %arg2[%add3A_23, %dma_start3A_29, %dma_start3A_30] : memref<12512x4x128xi32, #tpu.memory_space<hbm>> -> memref<1x4x128xi32, #tpu.memory_space<hbm>>
    %dma_start3A_32 = tpu.memref_squeeze %dma_start3A_31 : memref<1x4x128xi32, #tpu.memory_space<hbm>> -> memref<4x128xi32, #tpu.memory_space<hbm>>
    %dma_start3A_33 = arith.constant 0 : i32
    %dma_start3A_34 = arith.constant 0 : i32
    %dma_start3A_35 = tpu.memref_slice %arg6[%dma_start3A_24, %dma_start3A_33, %dma_start3A_34] : memref<3x4x128xi32, #tpu.memory_space<vmem>> -> memref<1x4x128xi32, #tpu.memory_space<vmem>>
    %dma_start3A_36 = tpu.memref_squeeze %dma_start3A_35 : memref<1x4x128xi32, #tpu.memory_space<vmem>> -> memref<4x128xi32, #tpu.memory_space<vmem>>
    %dma_start3A_37 = arith.constant 0 : i32
    %dma_start3A_38 = arith.constant 0 : i32
    %dma_start3A_39 = tpu.memref_slice %arg2[%add3A_23, %dma_start3A_37, %dma_start3A_38] : memref<12512x4x128xi32, #tpu.memory_space<hbm>> -> memref<1x4x128xi32, #tpu.memory_space<hbm>>
    %dma_start3A_40 = tpu.memref_squeeze %dma_start3A_39 : memref<1x4x128xi32, #tpu.memory_space<hbm>> -> memref<4x128xi32, #tpu.memory_space<hbm>>
    tpu.enqueue_dma source(%dma_start3A_40 : memref<4x128xi32, #tpu.memory_space<hbm>>) target(%dma_start3A_36 : memref<4x128xi32, #tpu.memory_space<vmem>>) target_semaphore(%arg9 : memref<!tpu.dma_semaphore, #tpu.memory_space<semaphore_mem>>)
    %dma_wait3A = arith.constant 0 : i32
    %dma_wait3A_41 = arith.constant 0 : i32
    %dma_wait3A_42 = arith.constant 0 : i32
    %dma_wait3A_43 = tpu.memref_slice %arg6[%dma_wait3A, %dma_wait3A_41, %dma_wait3A_42] : memref<3x4x128xi32, #tpu.memory_space<vmem>> -> memref<1x4x128xi32, #tpu.memory_space<vmem>>
    %dma_wait3A_44 = tpu.memref_squeeze %dma_wait3A_43 : memref<1x4x128xi32, #tpu.memory_space<vmem>> -> memref<4x128xi32, #tpu.memory_space<vmem>>
    %dma_wait3A_45 = arith.constant 0 : i32
    %dma_wait3A_46 = arith.constant 0 : i32
    %dma_wait3A_47 = tpu.memref_slice %arg2[%mul3A_2, %dma_wait3A_45, %dma_wait3A_46] : memref<12512x4x128xi32, #tpu.memory_space<hbm>> -> memref<1x4x128xi32, #tpu.memory_space<hbm>>
    %dma_wait3A_48 = tpu.memref_squeeze %dma_wait3A_47 : memref<1x4x128xi32, #tpu.memory_space<hbm>> -> memref<4x128xi32, #tpu.memory_space<hbm>>
    %dma_wait3A_49 = arith.constant 0 : i32
    %dma_wait3A_50 = arith.constant 0 : i32
    %dma_wait3A_51 = tpu.memref_slice %arg6[%dma_wait3A, %dma_wait3A_49, %dma_wait3A_50] : memref<3x4x128xi32, #tpu.memory_space<vmem>> -> memref<1x4x128xi32, #tpu.memory_space<vmem>>
    %dma_wait3A_52 = tpu.memref_squeeze %dma_wait3A_51 : memref<1x4x128xi32, #tpu.memory_space<vmem>> -> memref<4x128xi32, #tpu.memory_space<vmem>>
    %dma_wait3A_53 = arith.constant 0 : i32
    %dma_wait3A_54 = arith.constant 0 : i32
    %dma_wait3A_55 = tpu.memref_slice %arg2[%mul3A_2, %dma_wait3A_53, %dma_wait3A_54] : memref<12512x4x128xi32, #tpu.memory_space<hbm>> -> memref<1x4x128xi32, #tpu.memory_space<hbm>>
    %dma_wait3A_56 = tpu.memref_squeeze %dma_wait3A_55 : memref<1x4x128xi32, #tpu.memory_space<hbm>> -> memref<4x128xi32, #tpu.memory_space<hbm>>
    tpu.wait_dma2 semaphore(%arg9 : memref<!tpu.dma_semaphore, #tpu.memory_space<semaphore_mem>>) src(%dma_wait3A_56 : memref<4x128xi32, #tpu.memory_space<hbm>>) dst(%dma_wait3A_52 : memref<4x128xi32, #tpu.memory_space<vmem>>)
    %eq3A = arith.constant 0 : i32
    %eq3A_57 = arith.cmpi eq, %arg0, %eq3A : i32
    %convert_element_type3A = arith.extui %eq3A_57 : i1 to i32
    %cond3A = arith.constant 0 : i32
    %cond3A_58 = arith.cmpi ne, %convert_element_type3A, %cond3A : i32
    scf.if %cond3A_58 {
      %dma_start3A_105 = arith.constant 0 : i32
      %dma_start3A_106 = arith.constant 1 : i32
      %dma_start3A_107 = arith.constant 0 : i32
      %dma_start3A_108 = arith.constant 0 : i32
      %dma_start3A_109 = arith.constant 0 : i32
      %dma_start3A_110 = tpu.memref_slice %arg7[%dma_start3A_107, %dma_start3A_108, %dma_start3A_109] : memref<2x128x32xf32, #tpu.memory_space<vmem>> -> memref<1x128x32xf32, #tpu.memory_space<vmem>>
      %dma_start3A_111 = tpu.memref_squeeze %dma_start3A_110 : memref<1x128x32xf32, #tpu.memory_space<vmem>> -> memref<128x32xf32, #tpu.memory_space<vmem>>
      %dma_start3A_112 = arith.constant 0 : i32
      %dma_start3A_113 = tpu.memref_slice %arg6[%dma_start3A_105, %dma_start3A_106, %dma_start3A_112] : memref<3x4x128xi32, #tpu.memory_space<vmem>> -> memref<1x1x128xi32, #tpu.memory_space<vmem>>
      %dma_start3A_114 = tpu.memref_squeeze %dma_start3A_113 : memref<1x1x128xi32, #tpu.memory_space<vmem>> -> memref<128xi32, #tpu.memory_space<vmem>>
      %dma_start3A_115 = arith.constant 0 : i32
      %dma_start3A_116 = arith.constant 0 : i32
      %dma_start3A_117 = tpu.memref_slice %arg3[%dma_start3A_115, %dma_start3A_116] : memref<200000x32xf32, #tpu.memory_space<hbm>> -> memref<200000x32xf32, #tpu.memory_space<hbm>>
      tpu.enqueue_indirect_dma source(%dma_start3A_117 : memref<200000x32xf32, #tpu.memory_space<hbm>>) target(%dma_start3A_111 : memref<128x32xf32, #tpu.memory_space<vmem>>) offsets(%dma_start3A_114 : memref<128xi32, #tpu.memory_space<vmem>>) semaphore(%arg10 : memref<!tpu.dma_semaphore, #tpu.memory_space<semaphore_mem>>)
    } else {
    }
    %eq3A_59 = arith.constant 1 : i32
    %eq3A_60 = arith.cmpi eq, %arg0, %eq3A_59 : i32
    %convert_element_type3A_61 = arith.extui %eq3A_60 : i1 to i32
    %cond3A_62 = arith.constant 0 : i32
    %cond3A_63 = arith.cmpi ne, %convert_element_type3A_61, %cond3A_62 : i32
    scf.if %cond3A_63 {
      %dma_start3A_105 = arith.constant 0 : i32
      %dma_start3A_106 = arith.constant 2 : i32
      %dma_start3A_107 = arith.constant 0 : i32
      %dma_start3A_108 = arith.constant 0 : i32
      %dma_start3A_109 = arith.constant 0 : i32
      %dma_start3A_110 = tpu.memref_slice %arg7[%dma_start3A_107, %dma_start3A_108, %dma_start3A_109] : memref<2x128x32xf32, #tpu.memory_space<vmem>> -> memref<1x128x32xf32, #tpu.memory_space<vmem>>
      %dma_start3A_111 = tpu.memref_squeeze %dma_start3A_110 : memref<1x128x32xf32, #tpu.memory_space<vmem>> -> memref<128x32xf32, #tpu.memory_space<vmem>>
      %dma_start3A_112 = arith.constant 0 : i32
      %dma_start3A_113 = tpu.memref_slice %arg6[%dma_start3A_105, %dma_start3A_106, %dma_start3A_112] : memref<3x4x128xi32, #tpu.memory_space<vmem>> -> memref<1x1x128xi32, #tpu.memory_space<vmem>>
      %dma_start3A_114 = tpu.memref_squeeze %dma_start3A_113 : memref<1x1x128xi32, #tpu.memory_space<vmem>> -> memref<128xi32, #tpu.memory_space<vmem>>
      %dma_start3A_115 = arith.constant 0 : i32
      %dma_start3A_116 = arith.constant 0 : i32
      %dma_start3A_117 = tpu.memref_slice %arg3[%dma_start3A_115, %dma_start3A_116] : memref<200000x32xf32, #tpu.memory_space<hbm>> -> memref<200000x32xf32, #tpu.memory_space<hbm>>
      tpu.enqueue_indirect_dma source(%dma_start3A_117 : memref<200000x32xf32, #tpu.memory_space<hbm>>) target(%dma_start3A_111 : memref<128x32xf32, #tpu.memory_space<vmem>>) offsets(%dma_start3A_114 : memref<128xi32, #tpu.memory_space<vmem>>) semaphore(%arg10 : memref<!tpu.dma_semaphore, #tpu.memory_space<semaphore_mem>>)
    } else {
    }
    %scan3A = arith.constant 0 : i32
    %scan3A_64 = arith.constant 0 : i32
    %scan3A_65 = arith.constant 782 : i32
    %scan3A_66 = arith.addi %scan3A_64, %scan3A_65 : i32
    %scan3A_67 = arith.constant 1 : i32
    scf.for %scan3A_105 = %scan3A_64 to %scan3A_66 step %scan3A_67  : i32 {
      %rem3A = arith.constant 2 : i32
      %rem3A_106 = arith.remsi %scan3A_105, %rem3A : i32
      %rem3A_107 = arith.constant 3 : i32
      %rem3A_108 = arith.remsi %scan3A_105, %rem3A_107 : i32
      %add3A_109 = arith.constant 1 : i32
      %add3A_110 = arith.addi %scan3A_105, %add3A_109 : i32
      %lt3A_111 = arith.constant 782 : i32
      %lt3A_112 = arith.cmpi slt, %add3A_110, %lt3A_111 : i32
      %convert_element_type3A_113 = arith.extui %lt3A_112 : i1 to i32
      %cond3A_114 = arith.constant 0 : i32
      %cond3A_115 = arith.cmpi ne, %convert_element_type3A_113, %cond3A_114 : i32
      scf.if %cond3A_115 {
        %dma_wait3A_149 = arith.constant 0 : i32
        %dma_wait3A_150 = arith.constant 0 : i32
        %dma_wait3A_151 = arith.constant 0 : i32
        %dma_wait3A_152 = tpu.memref_slice %arg6[%dma_wait3A_149, %dma_wait3A_150, %dma_wait3A_151] : memref<3x4x128xi32, #tpu.memory_space<vmem>> -> memref<1x4x128xi32, #tpu.memory_space<vmem>>
        %dma_wait3A_153 = tpu.memref_squeeze %dma_wait3A_152 : memref<1x4x128xi32, #tpu.memory_space<vmem>> -> memref<4x128xi32, #tpu.memory_space<vmem>>
        %dma_wait3A_154 = arith.constant 0 : i32
        %dma_wait3A_155 = arith.constant 0 : i32
        %dma_wait3A_156 = tpu.memref_slice %arg2[%mul3A_2, %dma_wait3A_154, %dma_wait3A_155] : memref<12512x4x128xi32, #tpu.memory_space<hbm>> -> memref<1x4x128xi32, #tpu.memory_space<hbm>>
        %dma_wait3A_157 = tpu.memref_squeeze %dma_wait3A_156 : memref<1x4x128xi32, #tpu.memory_space<hbm>> -> memref<4x128xi32, #tpu.memory_space<hbm>>
        %dma_wait3A_158 = arith.constant 0 : i32
        %dma_wait3A_159 = arith.constant 0 : i32
        %dma_wait3A_160 = tpu.memref_slice %arg6[%dma_wait3A_149, %dma_wait3A_158, %dma_wait3A_159] : memref<3x4x128xi32, #tpu.memory_space<vmem>> -> memref<1x4x128xi32, #tpu.memory_space<vmem>>
        %dma_wait3A_161 = tpu.memref_squeeze %dma_wait3A_160 : memref<1x4x128xi32, #tpu.memory_space<vmem>> -> memref<4x128xi32, #tpu.memory_space<vmem>>
        %dma_wait3A_162 = arith.constant 0 : i32
        %dma_wait3A_163 = arith.constant 0 : i32
        %dma_wait3A_164 = tpu.memref_slice %arg2[%mul3A_2, %dma_wait3A_162, %dma_wait3A_163] : memref<12512x4x128xi32, #tpu.memory_space<hbm>> -> memref<1x4x128xi32, #tpu.memory_space<hbm>>
        %dma_wait3A_165 = tpu.memref_squeeze %dma_wait3A_164 : memref<1x4x128xi32, #tpu.memory_space<hbm>> -> memref<4x128xi32, #tpu.memory_space<hbm>>
        tpu.wait_dma2 semaphore(%arg9 : memref<!tpu.dma_semaphore, #tpu.memory_space<semaphore_mem>>) src(%dma_wait3A_165 : memref<4x128xi32, #tpu.memory_space<hbm>>) dst(%dma_wait3A_161 : memref<4x128xi32, #tpu.memory_space<vmem>>)
        %ge3A = arith.constant 1 : i32
        %ge3A_166 = arith.cmpi sge, %scan3A_105, %ge3A : i32
        %convert_element_type3A_167 = arith.extui %ge3A_166 : i1 to i32
        %cond3A_168 = arith.constant 0 : i32
        %cond3A_169 = arith.cmpi ne, %convert_element_type3A_167, %cond3A_168 : i32
        scf.if %cond3A_169 {
          %dma_wait3A_188 = arith.constant 0 : i32
          %dma_wait3A_189 = arith.constant 0 : i32
          %dma_wait3A_190 = arith.constant 0 : i32
          %dma_wait3A_191 = arith.constant 0 : i32
          %dma_wait3A_192 = arith.constant 0 : i32
          %dma_wait3A_193 = tpu.memref_slice %arg7[%dma_wait3A_188, %dma_wait3A_191, %dma_wait3A_192] : memref<2x128x32xf32, #tpu.memory_space<vmem>> -> memref<1x128x32xf32, #tpu.memory_space<vmem>>
          %dma_wait3A_194 = tpu.memref_squeeze %dma_wait3A_193 : memref<1x128x32xf32, #tpu.memory_space<vmem>> -> memref<128x32xf32, #tpu.memory_space<vmem>>
          %dma_wait3A_195 = arith.constant 0 : i32
          %dma_wait3A_196 = tpu.memref_slice %arg6[%dma_wait3A_189, %dma_wait3A_190, %dma_wait3A_195] : memref<3x4x128xi32, #tpu.memory_space<vmem>> -> memref<1x1x128xi32, #tpu.memory_space<vmem>>
          %dma_wait3A_197 = tpu.memref_squeeze %dma_wait3A_196 : memref<1x1x128xi32, #tpu.memory_space<vmem>> -> memref<128xi32, #tpu.memory_space<vmem>>
          %dma_wait3A_198 = arith.constant 0 : i32
          %dma_wait3A_199 = arith.constant 0 : i32
          %dma_wait3A_200 = tpu.memref_slice %arg8[%dma_wait3A_198, %dma_wait3A_199] : memref<50048x32xf32, #tpu.memory_space<vmem_shared>> -> memref<50048x32xf32, #tpu.memory_space<vmem_shared>>
          tpu.wait_indirect_dma semaphore(%arg11 : memref<!tpu.dma_semaphore, #tpu.memory_space<semaphore_mem>>) src(%dma_wait3A_194 : memref<128x32xf32, #tpu.memory_space<vmem>>) dst(%dma_wait3A_200 : memref<50048x32xf32, #tpu.memory_space<vmem_shared>>)
        } else {
        }
        %add3A_170 = arith.constant 1 : i32
        %add3A_171 = arith.addi %scan3A_105, %add3A_170 : i32
        %rem3A_172 = arith.constant 2 : i32
        %rem3A_173 = arith.remsi %add3A_171, %rem3A_172 : i32
        %add3A_174 = arith.constant 1 : i32
        %add3A_175 = arith.addi %scan3A_105, %add3A_174 : i32
        %rem3A_176 = arith.constant 3 : i32
        %rem3A_177 = arith.remsi %add3A_175, %rem3A_176 : i32
        %eq3A_178 = arith.constant 0 : i32
        %eq3A_179 = arith.cmpi eq, %arg0, %eq3A_178 : i32
        %convert_element_type3A_180 = arith.extui %eq3A_179 : i1 to i32
        %cond3A_181 = arith.constant 0 : i32
        %cond3A_182 = arith.cmpi ne, %convert_element_type3A_180, %cond3A_181 : i32
        scf.if %cond3A_182 {
          %dma_start3A_188 = arith.constant 1 : i32
          %dma_start3A_189 = arith.constant 0 : i32
          %dma_start3A_190 = arith.constant 0 : i32
          %dma_start3A_191 = tpu.memref_slice %arg7[%rem3A_173, %dma_start3A_189, %dma_start3A_190] : memref<2x128x32xf32, #tpu.memory_space<vmem>> -> memref<1x128x32xf32, #tpu.memory_space<vmem>>
          %dma_start3A_192 = tpu.memref_squeeze %dma_start3A_191 : memref<1x128x32xf32, #tpu.memory_space<vmem>> -> memref<128x32xf32, #tpu.memory_space<vmem>>
          %dma_start3A_193 = arith.constant 0 : i32
          %dma_start3A_194 = tpu.memref_slice %arg6[%rem3A_177, %dma_start3A_188, %dma_start3A_193] : memref<3x4x128xi32, #tpu.memory_space<vmem>> -> memref<1x1x128xi32, #tpu.memory_space<vmem>>
          %dma_start3A_195 = tpu.memref_squeeze %dma_start3A_194 : memref<1x1x128xi32, #tpu.memory_space<vmem>> -> memref<128xi32, #tpu.memory_space<vmem>>
          %dma_start3A_196 = arith.constant 0 : i32
          %dma_start3A_197 = arith.constant 0 : i32
          %dma_start3A_198 = tpu.memref_slice %arg3[%dma_start3A_196, %dma_start3A_197] : memref<200000x32xf32, #tpu.memory_space<hbm>> -> memref<200000x32xf32, #tpu.memory_space<hbm>>
          tpu.enqueue_indirect_dma source(%dma_start3A_198 : memref<200000x32xf32, #tpu.memory_space<hbm>>) target(%dma_start3A_192 : memref<128x32xf32, #tpu.memory_space<vmem>>) offsets(%dma_start3A_195 : memref<128xi32, #tpu.memory_space<vmem>>) semaphore(%arg10 : memref<!tpu.dma_semaphore, #tpu.memory_space<semaphore_mem>>)
        } else {
        }
        %eq3A_183 = arith.constant 1 : i32
        %eq3A_184 = arith.cmpi eq, %arg0, %eq3A_183 : i32
        %convert_element_type3A_185 = arith.extui %eq3A_184 : i1 to i32
        %cond3A_186 = arith.constant 0 : i32
        %cond3A_187 = arith.cmpi ne, %convert_element_type3A_185, %cond3A_186 : i32
        scf.if %cond3A_187 {
          %dma_start3A_188 = arith.constant 2 : i32
          %dma_start3A_189 = arith.constant 0 : i32
          %dma_start3A_190 = arith.constant 0 : i32
          %dma_start3A_191 = tpu.memref_slice %arg7[%rem3A_173, %dma_start3A_189, %dma_start3A_190] : memref<2x128x32xf32, #tpu.memory_space<vmem>> -> memref<1x128x32xf32, #tpu.memory_space<vmem>>
          %dma_start3A_192 = tpu.memref_squeeze %dma_start3A_191 : memref<1x128x32xf32, #tpu.memory_space<vmem>> -> memref<128x32xf32, #tpu.memory_space<vmem>>
          %dma_start3A_193 = arith.constant 0 : i32
          %dma_start3A_194 = tpu.memref_slice %arg6[%rem3A_177, %dma_start3A_188, %dma_start3A_193] : memref<3x4x128xi32, #tpu.memory_space<vmem>> -> memref<1x1x128xi32, #tpu.memory_space<vmem>>
          %dma_start3A_195 = tpu.memref_squeeze %dma_start3A_194 : memref<1x1x128xi32, #tpu.memory_space<vmem>> -> memref<128xi32, #tpu.memory_space<vmem>>
          %dma_start3A_196 = arith.constant 0 : i32
          %dma_start3A_197 = arith.constant 0 : i32
          %dma_start3A_198 = tpu.memref_slice %arg3[%dma_start3A_196, %dma_start3A_197] : memref<200000x32xf32, #tpu.memory_space<hbm>> -> memref<200000x32xf32, #tpu.memory_space<hbm>>
          tpu.enqueue_indirect_dma source(%dma_start3A_198 : memref<200000x32xf32, #tpu.memory_space<hbm>>) target(%dma_start3A_192 : memref<128x32xf32, #tpu.memory_space<vmem>>) offsets(%dma_start3A_195 : memref<128xi32, #tpu.memory_space<vmem>>) semaphore(%arg10 : memref<!tpu.dma_semaphore, #tpu.memory_space<semaphore_mem>>)
        } else {
        }
      } else {
      }
      %add3A_116 = arith.constant 2 : i32
      %add3A_117 = arith.addi %scan3A_105, %add3A_116 : i32
      %lt3A_118 = arith.constant 782 : i32
      %lt3A_119 = arith.cmpi slt, %add3A_117, %lt3A_118 : i32
      %convert_element_type3A_120 = arith.extui %lt3A_119 : i1 to i32
      %cond3A_121 = arith.constant 0 : i32
      %cond3A_122 = arith.cmpi ne, %convert_element_type3A_120, %cond3A_121 : i32
      scf.if %cond3A_122 {
        %add3A_149 = arith.constant 2 : i32
        %add3A_150 = arith.addi %scan3A_105, %add3A_149 : i32
        %add3A_151 = arith.constant 2 : i32
        %add3A_152 = arith.addi %scan3A_105, %add3A_151 : i32
        %rem3A_153 = arith.constant 3 : i32
        %rem3A_154 = arith.remsi %add3A_152, %rem3A_153 : i32
        %add3A_155 = arith.addi %mul3A_2, %add3A_150 : i32
        %dma_start3A_156 = arith.constant 0 : i32
        %dma_start3A_157 = arith.constant 0 : i32
        %dma_start3A_158 = tpu.memref_slice %arg6[%rem3A_154, %dma_start3A_156, %dma_start3A_157] : memref<3x4x128xi32, #tpu.memory_space<vmem>> -> memref<1x4x128xi32, #tpu.memory_space<vmem>>
        %dma_start3A_159 = tpu.memref_squeeze %dma_start3A_158 : memref<1x4x128xi32, #tpu.memory_space<vmem>> -> memref<4x128xi32, #tpu.memory_space<vmem>>
        %dma_start3A_160 = arith.constant 0 : i32
        %dma_start3A_161 = arith.constant 0 : i32
        %dma_start3A_162 = tpu.memref_slice %arg2[%add3A_155, %dma_start3A_160, %dma_start3A_161] : memref<12512x4x128xi32, #tpu.memory_space<hbm>> -> memref<1x4x128xi32, #tpu.memory_space<hbm>>
        %dma_start3A_163 = tpu.memref_squeeze %dma_start3A_162 : memref<1x4x128xi32, #tpu.memory_space<hbm>> -> memref<4x128xi32, #tpu.memory_space<hbm>>
        %dma_start3A_164 = arith.constant 0 : i32
        %dma_start3A_165 = arith.constant 0 : i32
        %dma_start3A_166 = tpu.memref_slice %arg6[%rem3A_154, %dma_start3A_164, %dma_start3A_165] : memref<3x4x128xi32, #tpu.memory_space<vmem>> -> memref<1x4x128xi32, #tpu.memory_space<vmem>>
        %dma_start3A_167 = tpu.memref_squeeze %dma_start3A_166 : memref<1x4x128xi32, #tpu.memory_space<vmem>> -> memref<4x128xi32, #tpu.memory_space<vmem>>
        %dma_start3A_168 = arith.constant 0 : i32
        %dma_start3A_169 = arith.constant 0 : i32
        %dma_start3A_170 = tpu.memref_slice %arg2[%add3A_155, %dma_start3A_168, %dma_start3A_169] : memref<12512x4x128xi32, #tpu.memory_space<hbm>> -> memref<1x4x128xi32, #tpu.memory_space<hbm>>
        %dma_start3A_171 = tpu.memref_squeeze %dma_start3A_170 : memref<1x4x128xi32, #tpu.memory_space<hbm>> -> memref<4x128xi32, #tpu.memory_space<hbm>>
        tpu.enqueue_dma source(%dma_start3A_171 : memref<4x128xi32, #tpu.memory_space<hbm>>) target(%dma_start3A_167 : memref<4x128xi32, #tpu.memory_space<vmem>>) target_semaphore(%arg9 : memref<!tpu.dma_semaphore, #tpu.memory_space<semaphore_mem>>)
      } else {
      }
      %dma_wait3A_123 = arith.constant 0 : i32
      %dma_wait3A_124 = arith.constant 1 : i32
      %dma_wait3A_125 = arith.constant 0 : i32
      %dma_wait3A_126 = arith.constant 0 : i32
      %dma_wait3A_127 = arith.constant 0 : i32
      %dma_wait3A_128 = tpu.memref_slice %arg7[%dma_wait3A_125, %dma_wait3A_126, %dma_wait3A_127] : memref<2x128x32xf32, #tpu.memory_space<vmem>> -> memref<1x128x32xf32, #tpu.memory_space<vmem>>
      %dma_wait3A_129 = tpu.memref_squeeze %dma_wait3A_128 : memref<1x128x32xf32, #tpu.memory_space<vmem>> -> memref<128x32xf32, #tpu.memory_space<vmem>>
      %dma_wait3A_130 = arith.constant 0 : i32
      %dma_wait3A_131 = tpu.memref_slice %arg6[%dma_wait3A_123, %dma_wait3A_124, %dma_wait3A_130] : memref<3x4x128xi32, #tpu.memory_space<vmem>> -> memref<1x1x128xi32, #tpu.memory_space<vmem>>
      %dma_wait3A_132 = tpu.memref_squeeze %dma_wait3A_131 : memref<1x1x128xi32, #tpu.memory_space<vmem>> -> memref<128xi32, #tpu.memory_space<vmem>>
      %dma_wait3A_133 = arith.constant 0 : i32
      %dma_wait3A_134 = arith.constant 0 : i32
      %dma_wait3A_135 = tpu.memref_slice %arg3[%dma_wait3A_133, %dma_wait3A_134] : memref<200000x32xf32, #tpu.memory_space<hbm>> -> memref<200000x32xf32, #tpu.memory_space<hbm>>
      tpu.wait_indirect_dma semaphore(%arg10 : memref<!tpu.dma_semaphore, #tpu.memory_space<semaphore_mem>>) src(%dma_wait3A_135 : memref<200000x32xf32, #tpu.memory_space<hbm>>) dst(%dma_wait3A_129 : memref<128x32xf32, #tpu.memory_space<vmem>>)
      %parallel_loop3A = arith.constant 0 : i32
      %parallel_loop3A_136 = arith.constant 8 : i32
      %parallel_loop3A_137 = arith.constant 1 : i32
      scf.for %parallel_loop3A_149 = %parallel_loop3A to %parallel_loop3A_136 step %parallel_loop3A_137  : i32 {
        %parallel_loop3A_150 = arith.constant 16 : i32
        %parallel_loop3A_151 = arith.muli %parallel_loop3A_149, %parallel_loop3A_150 : i32
        %parallel_loop3A_152 = arith.constant 3 : i32
        %parallel_loop3A_153 = arith.index_cast %rem3A_108 : i32 to index
        %parallel_loop3A_154 = arith.index_cast %parallel_loop3A_152 : i32 to index
        %parallel_loop3A_155 = arith.index_cast %parallel_loop3A_151 : i32 to index
        %parallel_loop3A_156 = tpu.vector_load %arg6[%parallel_loop3A_153, %parallel_loop3A_154, %parallel_loop3A_155] {strides = array<i32>} : memref<3x4x128xi32, #tpu.memory_space<vmem>>, vector<16xi32>,
        %parallel_loop3A_157 = vector.bitcast %parallel_loop3A_156 : vector<16xi32> to vector<16xf32>
        %parallel_loop3A_158 = vector.extract_strided_slice %parallel_loop3A_157 {offsets = [0], sizes = [1], strides = [1]} : vector<16xf32> to vector<1xf32>
        %parallel_loop3A_159 = vector.extract %parallel_loop3A_158[0] : f32 from vector<1xf32>
        %parallel_loop3A_160 = arith.constant 16 : i32
        %parallel_loop3A_161 = arith.muli %parallel_loop3A_149, %parallel_loop3A_160 : i32
        %parallel_loop3A_162 = arith.constant 0 : i32
        %parallel_loop3A_163 = arith.addi %parallel_loop3A_161, %parallel_loop3A_162 : i32
        %parallel_loop3A_164 = arith.index_cast %rem3A_106 : i32 to index
        %parallel_loop3A_165 = arith.index_cast %parallel_loop3A_163 : i32 to index
        %parallel_loop3A_166 = arith.constant 0 : index
        %parallel_loop3A_167 = tpu.vector_load %arg7[%parallel_loop3A_164, %parallel_loop3A_165, %parallel_loop3A_166] {strides = array<i32>} : memref<2x128x32xf32, #tpu.memory_space<vmem>>, vector<16xf32>,
        %parallel_loop3A_168 = vector.broadcast %parallel_loop3A_159 : f32 to vector<16xf32>
        %parallel_loop3A_169 = arith.mulf %parallel_loop3A_167, %parallel_loop3A_168 : vector<16xf32>
        %parallel_loop3A_170 = arith.index_cast %rem3A_106 : i32 to index
        %parallel_loop3A_171 = arith.index_cast %parallel_loop3A_163 : i32 to index
        %parallel_loop3A_172 = arith.constant 0 : index
        %parallel_loop3A_173 = tpu.vector_load %arg7[%parallel_loop3A_170, %parallel_loop3A_171, %parallel_loop3A_172] {strides = array<i32>} : memref<2x128x32xf32, #tpu.memory_space<vmem>>, vector<16xf32>,
        tpu.vector_store %arg7[%parallel_loop3A_170, %parallel_loop3A_171, %parallel_loop3A_172], %parallel_loop3A_169 {strides = array<i32>} : memref<2x128x32xf32, #tpu.memory_space<vmem>>, vector<16xf32>,
        %parallel_loop3A_174 = arith.index_cast %rem3A_106 : i32 to index
        %parallel_loop3A_175 = arith.index_cast %parallel_loop3A_163 : i32 to index
        %parallel_loop3A_176 = arith.constant 16 : index
        %parallel_loop3A_177 = tpu.vector_load %arg7[%parallel_loop3A_174, %parallel_loop3A_175, %parallel_loop3A_176] {strides = array<i32>} : memref<2x128x32xf32, #tpu.memory_space<vmem>>, vector<16xf32>,
        %parallel_loop3A_178 = vector.broadcast %parallel_loop3A_159 : f32 to vector<16xf32>
        %parallel_loop3A_179 = arith.mulf %parallel_loop3A_177, %parallel_loop3A_178 : vector<16xf32>
        %parallel_loop3A_180 = arith.index_cast %rem3A_106 : i32 to index
        %parallel_loop3A_181 = arith.index_cast %parallel_loop3A_163 : i32 to index
        %parallel_loop3A_182 = arith.constant 16 : index
        %parallel_loop3A_183 = tpu.vector_load %arg7[%parallel_loop3A_180, %parallel_loop3A_181, %parallel_loop3A_182] {strides = array<i32>} : memref<2x128x32xf32, #tpu.memory_space<vmem>>, vector<16xf32>,
        tpu.vector_store %arg7[%parallel_loop3A_180, %parallel_loop3A_181, %parallel_loop3A_182], %parallel_loop3A_179 {strides = array<i32>} : memref<2x128x32xf32, #tpu.memory_space<vmem>>, vector<16xf32>,
        %parallel_loop3A_184 = vector.extract_strided_slice %parallel_loop3A_157 {offsets = [1], sizes = [1], strides = [1]} : vector<16xf32> to vector<1xf32>
        %parallel_loop3A_185 = vector.extract %parallel_loop3A_184[0] : f32 from vector<1xf32>
        %parallel_loop3A_186 = arith.constant 16 : i32
        %parallel_loop3A_187 = arith.muli %parallel_loop3A_149, %parallel_loop3A_186 : i32
        %parallel_loop3A_188 = arith.constant 1 : i32
        %parallel_loop3A_189 = arith.addi %parallel_loop3A_187, %parallel_loop3A_188 : i32
        %parallel_loop3A_190 = arith.index_cast %rem3A_106 : i32 to index
        %parallel_loop3A_191 = arith.index_cast %parallel_loop3A_189 : i32 to index
        %parallel_loop3A_192 = arith.constant 0 : index
        %parallel_loop3A_193 = tpu.vector_load %arg7[%parallel_loop3A_190, %parallel_loop3A_191, %parallel_loop3A_192] {strides = array<i32>} : memref<2x128x32xf32, #tpu.memory_space<vmem>>, vector<16xf32>,
        %parallel_loop3A_194 = vector.broadcast %parallel_loop3A_185 : f32 to vector<16xf32>
        %parallel_loop3A_195 = arith.mulf %parallel_loop3A_193, %parallel_loop3A_194 : vector<16xf32>
        %parallel_loop3A_196 = arith.index_cast %rem3A_106 : i32 to index
        %parallel_loop3A_197 = arith.index_cast %parallel_loop3A_189 : i32 to index
        %parallel_loop3A_198 = arith.constant 0 : index
        %parallel_loop3A_199 = tpu.vector_load %arg7[%parallel_loop3A_196, %parallel_loop3A_197, %parallel_loop3A_198] {strides = array<i32>} : memref<2x128x32xf32, #tpu.memory_space<vmem>>, vector<16xf32>,
        tpu.vector_store %arg7[%parallel_loop3A_196, %parallel_loop3A_197, %parallel_loop3A_198], %parallel_loop3A_195 {strides = array<i32>} : memref<2x128x32xf32, #tpu.memory_space<vmem>>, vector<16xf32>,
        %parallel_loop3A_200 = arith.index_cast %rem3A_106 : i32 to index
        %parallel_loop3A_201 = arith.index_cast %parallel_loop3A_189 : i32 to index
        %parallel_loop3A_202 = arith.constant 16 : index
        %parallel_loop3A_203 = tpu.vector_load %arg7[%parallel_loop3A_200, %parallel_loop3A_201, %parallel_loop3A_202] {strides = array<i32>} : memref<2x128x32xf32, #tpu.memory_space<vmem>>, vector<16xf32>,
        %parallel_loop3A_204 = vector.broadcast %parallel_loop3A_185 : f32 to vector<16xf32>
        %parallel_loop3A_205 = arith.mulf %parallel_loop3A_203, %parallel_loop3A_204 : vector<16xf32>
        %parallel_loop3A_206 = arith.index_cast %rem3A_106 : i32 to index
        %parallel_loop3A_207 = arith.index_cast %parallel_loop3A_189 : i32 to index
        %parallel_loop3A_208 = arith.constant 16 : index
        %parallel_loop3A_209 = tpu.vector_load %arg7[%parallel_loop3A_206, %parallel_loop3A_207, %parallel_loop3A_208] {strides = array<i32>} : memref<2x128x32xf32, #tpu.memory_space<vmem>>, vector<16xf32>,
        tpu.vector_store %arg7[%parallel_loop3A_206, %parallel_loop3A_207, %parallel_loop3A_208], %parallel_loop3A_205 {strides = array<i32>} : memref<2x128x32xf32, #tpu.memory_space<vmem>>, vector<16xf32>,
        %parallel_loop3A_210 = vector.extract_strided_slice %parallel_loop3A_157 {offsets = [2], sizes = [1], strides = [1]} : vector<16xf32> to vector<1xf32>
        %parallel_loop3A_211 = vector.extract %parallel_loop3A_210[0] : f32 from vector<1xf32>
        %parallel_loop3A_212 = arith.constant 16 : i32
        %parallel_loop3A_213 = arith.muli %parallel_loop3A_149, %parallel_loop3A_212 : i32
        %parallel_loop3A_214 = arith.constant 2 : i32
        %parallel_loop3A_215 = arith.addi %parallel_loop3A_213, %parallel_loop3A_214 : i32
        %parallel_loop3A_216 = arith.index_cast %rem3A_106 : i32 to index
        %parallel_loop3A_217 = arith.index_cast %parallel_loop3A_215 : i32 to index
        %parallel_loop3A_218 = arith.constant 0 : index
        %parallel_loop3A_219 = tpu.vector_load %arg7[%parallel_loop3A_216, %parallel_loop3A_217, %parallel_loop3A_218] {strides = array<i32>} : memref<2x128x32xf32, #tpu.memory_space<vmem>>, vector<16xf32>,
        %parallel_loop3A_220 = vector.broadcast %parallel_loop3A_211 : f32 to vector<16xf32>
        %parallel_loop3A_221 = arith.mulf %parallel_loop3A_219, %parallel_loop3A_220 : vector<16xf32>
        %parallel_loop3A_222 = arith.index_cast %rem3A_106 : i32 to index
        %parallel_loop3A_223 = arith.index_cast %parallel_loop3A_215 : i32 to index
        %parallel_loop3A_224 = arith.constant 0 : index
        %parallel_loop3A_225 = tpu.vector_load %arg7[%parallel_loop3A_222, %parallel_loop3A_223, %parallel_loop3A_224] {strides = array<i32>} : memref<2x128x32xf32, #tpu.memory_space<vmem>>, vector<16xf32>,
        tpu.vector_store %arg7[%parallel_loop3A_222, %parallel_loop3A_223, %parallel_loop3A_224], %parallel_loop3A_221 {strides = array<i32>} : memref<2x128x32xf32, #tpu.memory_space<vmem>>, vector<16xf32>,
        %parallel_loop3A_226 = arith.index_cast %rem3A_106 : i32 to index
        %parallel_loop3A_227 = arith.index_cast %parallel_loop3A_215 : i32 to index
        %parallel_loop3A_228 = arith.constant 16 : index
        %parallel_loop3A_229 = tpu.vector_load %arg7[%parallel_loop3A_226, %parallel_loop3A_227, %parallel_loop3A_228] {strides = array<i32>} : memref<2x128x32xf32, #tpu.memory_space<vmem>>, vector<16xf32>,
        %parallel_loop3A_230 = vector.broadcast %parallel_loop3A_211 : f32 to vector<16xf32>
        %parallel_loop3A_231 = arith.mulf %parallel_loop3A_229, %parallel_loop3A_230 : vector<16xf32>
        %parallel_loop3A_232 = arith.index_cast %rem3A_106 : i32 to index
        %parallel_loop3A_233 = arith.index_cast %parallel_loop3A_215 : i32 to index
        %parallel_loop3A_234 = arith.constant 16 : index
        %parallel_loop3A_235 = tpu.vector_load %arg7[%parallel_loop3A_232, %parallel_loop3A_233, %parallel_loop3A_234] {strides = array<i32>} : memref<2x128x32xf32, #tpu.memory_space<vmem>>, vector<16xf32>,
        tpu.vector_store %arg7[%parallel_loop3A_232, %parallel_loop3A_233, %parallel_loop3A_234], %parallel_loop3A_231 {strides = array<i32>} : memref<2x128x32xf32, #tpu.memory_space<vmem>>, vector<16xf32>,
        %parallel_loop3A_236 = vector.extract_strided_slice %parallel_loop3A_157 {offsets = [3], sizes = [1], strides = [1]} : vector<16xf32> to vector<1xf32>
        %parallel_loop3A_237 = vector.extract %parallel_loop3A_236[0] : f32 from vector<1xf32>
        %parallel_loop3A_238 = arith.constant 16 : i32
        %parallel_loop3A_239 = arith.muli %parallel_loop3A_149, %parallel_loop3A_238 : i32
        %parallel_loop3A_240 = arith.constant 3 : i32
        %parallel_loop3A_241 = arith.addi %parallel_loop3A_239, %parallel_loop3A_240 : i32
        %parallel_loop3A_242 = arith.index_cast %rem3A_106 : i32 to index
        %parallel_loop3A_243 = arith.index_cast %parallel_loop3A_241 : i32 to index
        %parallel_loop3A_244 = arith.constant 0 : index
        %parallel_loop3A_245 = tpu.vector_load %arg7[%parallel_loop3A_242, %parallel_loop3A_243, %parallel_loop3A_244] {strides = array<i32>} : memref<2x128x32xf32, #tpu.memory_space<vmem>>, vector<16xf32>,
        %parallel_loop3A_246 = vector.broadcast %parallel_loop3A_237 : f32 to vector<16xf32>
        %parallel_loop3A_247 = arith.mulf %parallel_loop3A_245, %parallel_loop3A_246 : vector<16xf32>
        %parallel_loop3A_248 = arith.index_cast %rem3A_106 : i32 to index
        %parallel_loop3A_249 = arith.index_cast %parallel_loop3A_241 : i32 to index
        %parallel_loop3A_250 = arith.constant 0 : index
        %parallel_loop3A_251 = tpu.vector_load %arg7[%parallel_loop3A_248, %parallel_loop3A_249, %parallel_loop3A_250] {strides = array<i32>} : memref<2x128x32xf32, #tpu.memory_space<vmem>>, vector<16xf32>,
        tpu.vector_store %arg7[%parallel_loop3A_248, %parallel_loop3A_249, %parallel_loop3A_250], %parallel_loop3A_247 {strides = array<i32>} : memref<2x128x32xf32, #tpu.memory_space<vmem>>, vector<16xf32>,
        %parallel_loop3A_252 = arith.index_cast %rem3A_106 : i32 to index
        %parallel_loop3A_253 = arith.index_cast %parallel_loop3A_241 : i32 to index
        %parallel_loop3A_254 = arith.constant 16 : index
        %parallel_loop3A_255 = tpu.vector_load %arg7[%parallel_loop3A_252, %parallel_loop3A_253, %parallel_loop3A_254] {strides = array<i32>} : memref<2x128x32xf32, #tpu.memory_space<vmem>>, vector<16xf32>,
        %parallel_loop3A_256 = vector.broadcast %parallel_loop3A_237 : f32 to vector<16xf32>
        %parallel_loop3A_257 = arith.mulf %parallel_loop3A_255, %parallel_loop3A_256 : vector<16xf32>
        %parallel_loop3A_258 = arith.index_cast %rem3A_106 : i32 to index
        %parallel_loop3A_259 = arith.index_cast %parallel_loop3A_241 : i32 to index
        %parallel_loop3A_260 = arith.constant 16 : index
        %parallel_loop3A_261 = tpu.vector_load %arg7[%parallel_loop3A_258, %parallel_loop3A_259, %parallel_loop3A_260] {strides = array<i32>} : memref<2x128x32xf32, #tpu.memory_space<vmem>>, vector<16xf32>,
        tpu.vector_store %arg7[%parallel_loop3A_258, %parallel_loop3A_259, %parallel_loop3A_260], %parallel_loop3A_257 {strides = array<i32>} : memref<2x128x32xf32, #tpu.memory_space<vmem>>, vector<16xf32>,
        %parallel_loop3A_262 = vector.extract_strided_slice %parallel_loop3A_157 {offsets = [4], sizes = [1], strides = [1]} : vector<16xf32> to vector<1xf32>
        %parallel_loop3A_263 = vector.extract %parallel_loop3A_262[0] : f32 from vector<1xf32>
        %parallel_loop3A_264 = arith.constant 16 : i32
        %parallel_loop3A_265 = arith.muli %parallel_loop3A_149, %parallel_loop3A_264 : i32
        %parallel_loop3A_266 = arith.constant 4 : i32
        %parallel_loop3A_267 = arith.addi %parallel_loop3A_265, %parallel_loop3A_266 : i32
        %parallel_loop3A_268 = arith.index_cast %rem3A_106 : i32 to index
        %parallel_loop3A_269 = arith.index_cast %parallel_loop3A_267 : i32 to index
        %parallel_loop3A_270 = arith.constant 0 : index
        %parallel_loop3A_271 = tpu.vector_load %arg7[%parallel_loop3A_268, %parallel_loop3A_269, %parallel_loop3A_270] {strides = array<i32>} : memref<2x128x32xf32, #tpu.memory_space<vmem>>, vector<16xf32>,
        %parallel_loop3A_272 = vector.broadcast %parallel_loop3A_263 : f32 to vector<16xf32>
        %parallel_loop3A_273 = arith.mulf %parallel_loop3A_271, %parallel_loop3A_272 : vector<16xf32>
        %parallel_loop3A_274 = arith.index_cast %rem3A_106 : i32 to index
        %parallel_loop3A_275 = arith.index_cast %parallel_loop3A_267 : i32 to index
        %parallel_loop3A_276 = arith.constant 0 : index
        %parallel_loop3A_277 = tpu.vector_load %arg7[%parallel_loop3A_274, %parallel_loop3A_275, %parallel_loop3A_276] {strides = array<i32>} : memref<2x128x32xf32, #tpu.memory_space<vmem>>, vector<16xf32>,
        tpu.vector_store %arg7[%parallel_loop3A_274, %parallel_loop3A_275, %parallel_loop3A_276], %parallel_loop3A_273 {strides = array<i32>} : memref<2x128x32xf32, #tpu.memory_space<vmem>>, vector<16xf32>,
        %parallel_loop3A_278 = arith.index_cast %rem3A_106 : i32 to index
        %parallel_loop3A_279 = arith.index_cast %parallel_loop3A_267 : i32 to index
        %parallel_loop3A_280 = arith.constant 16 : index
        %parallel_loop3A_281 = tpu.vector_load %arg7[%parallel_loop3A_278, %parallel_loop3A_279, %parallel_loop3A_280] {strides = array<i32>} : memref<2x128x32xf32, #tpu.memory_space<vmem>>, vector<16xf32>,
        %parallel_loop3A_282 = vector.broadcast %parallel_loop3A_263 : f32 to vector<16xf32>
        %parallel_loop3A_283 = arith.mulf %parallel_loop3A_281, %parallel_loop3A_282 : vector<16xf32>
        %parallel_loop3A_284 = arith.index_cast %rem3A_106 : i32 to index
        %parallel_loop3A_285 = arith.index_cast %parallel_loop3A_267 : i32 to index
        %parallel_loop3A_286 = arith.constant 16 : index
        %parallel_loop3A_287 = tpu.vector_load %arg7[%parallel_loop3A_284, %parallel_loop3A_285, %parallel_loop3A_286] {strides = array<i32>} : memref<2x128x32xf32, #tpu.memory_space<vmem>>, vector<16xf32>,
        tpu.vector_store %arg7[%parallel_loop3A_284, %parallel_loop3A_285, %parallel_loop3A_286], %parallel_loop3A_283 {strides = array<i32>} : memref<2x128x32xf32, #tpu.memory_space<vmem>>, vector<16xf32>,
        %parallel_loop3A_288 = vector.extract_strided_slice %parallel_loop3A_157 {offsets = [5], sizes = [1], strides = [1]} : vector<16xf32> to vector<1xf32>
        %parallel_loop3A_289 = vector.extract %parallel_loop3A_288[0] : f32 from vector<1xf32>
        %parallel_loop3A_290 = arith.constant 16 : i32
        %parallel_loop3A_291 = arith.muli %parallel_loop3A_149, %parallel_loop3A_290 : i32
        %parallel_loop3A_292 = arith.constant 5 : i32
        %parallel_loop3A_293 = arith.addi %parallel_loop3A_291, %parallel_loop3A_292 : i32
        %parallel_loop3A_294 = arith.index_cast %rem3A_106 : i32 to index
        %parallel_loop3A_295 = arith.index_cast %parallel_loop3A_293 : i32 to index
        %parallel_loop3A_296 = arith.constant 0 : index
        %parallel_loop3A_297 = tpu.vector_load %arg7[%parallel_loop3A_294, %parallel_loop3A_295, %parallel_loop3A_296] {strides = array<i32>} : memref<2x128x32xf32, #tpu.memory_space<vmem>>, vector<16xf32>,
        %parallel_loop3A_298 = vector.broadcast %parallel_loop3A_289 : f32 to vector<16xf32>
        %parallel_loop3A_299 = arith.mulf %parallel_loop3A_297, %parallel_loop3A_298 : vector<16xf32>
        %parallel_loop3A_300 = arith.index_cast %rem3A_106 : i32 to index
        %parallel_loop3A_301 = arith.index_cast %parallel_loop3A_293 : i32 to index
        %parallel_loop3A_302 = arith.constant 0 : index
        %parallel_loop3A_303 = tpu.vector_load %arg7[%parallel_loop3A_300, %parallel_loop3A_301, %parallel_loop3A_302] {strides = array<i32>} : memref<2x128x32xf32, #tpu.memory_space<vmem>>, vector<16xf32>,
        tpu.vector_store %arg7[%parallel_loop3A_300, %parallel_loop3A_301, %parallel_loop3A_302], %parallel_loop3A_299 {strides = array<i32>} : memref<2x128x32xf32, #tpu.memory_space<vmem>>, vector<16xf32>,
        %parallel_loop3A_304 = arith.index_cast %rem3A_106 : i32 to index
        %parallel_loop3A_305 = arith.index_cast %parallel_loop3A_293 : i32 to index
        %parallel_loop3A_306 = arith.constant 16 : index
        %parallel_loop3A_307 = tpu.vector_load %arg7[%parallel_loop3A_304, %parallel_loop3A_305, %parallel_loop3A_306] {strides = array<i32>} : memref<2x128x32xf32, #tpu.memory_space<vmem>>, vector<16xf32>,
        %parallel_loop3A_308 = vector.broadcast %parallel_loop3A_289 : f32 to vector<16xf32>
        %parallel_loop3A_309 = arith.mulf %parallel_loop3A_307, %parallel_loop3A_308 : vector<16xf32>
        %parallel_loop3A_310 = arith.index_cast %rem3A_106 : i32 to index
        %parallel_loop3A_311 = arith.index_cast %parallel_loop3A_293 : i32 to index
        %parallel_loop3A_312 = arith.constant 16 : index
        %parallel_loop3A_313 = tpu.vector_load %arg7[%parallel_loop3A_310, %parallel_loop3A_311, %parallel_loop3A_312] {strides = array<i32>} : memref<2x128x32xf32, #tpu.memory_space<vmem>>, vector<16xf32>,
        tpu.vector_store %arg7[%parallel_loop3A_310, %parallel_loop3A_311, %parallel_loop3A_312], %parallel_loop3A_309 {strides = array<i32>} : memref<2x128x32xf32, #tpu.memory_space<vmem>>, vector<16xf32>,
        %parallel_loop3A_314 = vector.extract_strided_slice %parallel_loop3A_157 {offsets = [6], sizes = [1], strides = [1]} : vector<16xf32> to vector<1xf32>
        %parallel_loop3A_315 = vector.extract %parallel_loop3A_314[0] : f32 from vector<1xf32>
        %parallel_loop3A_316 = arith.constant 16 : i32
        %parallel_loop3A_317 = arith.muli %parallel_loop3A_149, %parallel_loop3A_316 : i32
        %parallel_loop3A_318 = arith.constant 6 : i32
        %parallel_loop3A_319 = arith.addi %parallel_loop3A_317, %parallel_loop3A_318 : i32
        %parallel_loop3A_320 = arith.index_cast %rem3A_106 : i32 to index
        %parallel_loop3A_321 = arith.index_cast %parallel_loop3A_319 : i32 to index
        %parallel_loop3A_322 = arith.constant 0 : index
        %parallel_loop3A_323 = tpu.vector_load %arg7[%parallel_loop3A_320, %parallel_loop3A_321, %parallel_loop3A_322] {strides = array<i32>} : memref<2x128x32xf32, #tpu.memory_space<vmem>>, vector<16xf32>,
        %parallel_loop3A_324 = vector.broadcast %parallel_loop3A_315 : f32 to vector<16xf32>
        %parallel_loop3A_325 = arith.mulf %parallel_loop3A_323, %parallel_loop3A_324 : vector<16xf32>
        %parallel_loop3A_326 = arith.index_cast %rem3A_106 : i32 to index
        %parallel_loop3A_327 = arith.index_cast %parallel_loop3A_319 : i32 to index
        %parallel_loop3A_328 = arith.constant 0 : index
        %parallel_loop3A_329 = tpu.vector_load %arg7[%parallel_loop3A_326, %parallel_loop3A_327, %parallel_loop3A_328] {strides = array<i32>} : memref<2x128x32xf32, #tpu.memory_space<vmem>>, vector<16xf32>,
        tpu.vector_store %arg7[%parallel_loop3A_326, %parallel_loop3A_327, %parallel_loop3A_328], %parallel_loop3A_325 {strides = array<i32>} : memref<2x128x32xf32, #tpu.memory_space<vmem>>, vector<16xf32>,
        %parallel_loop3A_330 = arith.index_cast %rem3A_106 : i32 to index
        %parallel_loop3A_331 = arith.index_cast %parallel_loop3A_319 : i32 to index
        %parallel_loop3A_332 = arith.constant 16 : index
        %parallel_loop3A_333 = tpu.vector_load %arg7[%parallel_loop3A_330, %parallel_loop3A_331, %parallel_loop3A_332] {strides = array<i32>} : memref<2x128x32xf32, #tpu.memory_space<vmem>>, vector<16xf32>,
        %parallel_loop3A_334 = vector.broadcast %parallel_loop3A_315 : f32 to vector<16xf32>
        %parallel_loop3A_335 = arith.mulf %parallel_loop3A_333, %parallel_loop3A_334 : vector<16xf32>
        %parallel_loop3A_336 = arith.index_cast %rem3A_106 : i32 to index
        %parallel_loop3A_337 = arith.index_cast %parallel_loop3A_319 : i32 to index
        %parallel_loop3A_338 = arith.constant 16 : index
        %parallel_loop3A_339 = tpu.vector_load %arg7[%parallel_loop3A_336, %parallel_loop3A_337, %parallel_loop3A_338] {strides = array<i32>} : memref<2x128x32xf32, #tpu.memory_space<vmem>>, vector<16xf32>,
        tpu.vector_store %arg7[%parallel_loop3A_336, %parallel_loop3A_337, %parallel_loop3A_338], %parallel_loop3A_335 {strides = array<i32>} : memref<2x128x32xf32, #tpu.memory_space<vmem>>, vector<16xf32>,
        %parallel_loop3A_340 = vector.extract_strided_slice %parallel_loop3A_157 {offsets = [7], sizes = [1], strides = [1]} : vector<16xf32> to vector<1xf32>
        %parallel_loop3A_341 = vector.extract %parallel_loop3A_340[0] : f32 from vector<1xf32>
        %parallel_loop3A_342 = arith.constant 16 : i32
        %parallel_loop3A_343 = arith.muli %parallel_loop3A_149, %parallel_loop3A_342 : i32
        %parallel_loop3A_344 = arith.constant 7 : i32
        %parallel_loop3A_345 = arith.addi %parallel_loop3A_343, %parallel_loop3A_344 : i32
        %parallel_loop3A_346 = arith.index_cast %rem3A_106 : i32 to index
        %parallel_loop3A_347 = arith.index_cast %parallel_loop3A_345 : i32 to index
        %parallel_loop3A_348 = arith.constant 0 : index
        %parallel_loop3A_349 = tpu.vector_load %arg7[%parallel_loop3A_346, %parallel_loop3A_347, %parallel_loop3A_348] {strides = array<i32>} : memref<2x128x32xf32, #tpu.memory_space<vmem>>, vector<16xf32>,
        %parallel_loop3A_350 = vector.broadcast %parallel_loop3A_341 : f32 to vector<16xf32>
        %parallel_loop3A_351 = arith.mulf %parallel_loop3A_349, %parallel_loop3A_350 : vector<16xf32>
        %parallel_loop3A_352 = arith.index_cast %rem3A_106 : i32 to index
        %parallel_loop3A_353 = arith.index_cast %parallel_loop3A_345 : i32 to index
        %parallel_loop3A_354 = arith.constant 0 : index
        %parallel_loop3A_355 = tpu.vector_load %arg7[%parallel_loop3A_352, %parallel_loop3A_353, %parallel_loop3A_354] {strides = array<i32>} : memref<2x128x32xf32, #tpu.memory_space<vmem>>, vector<16xf32>,
        tpu.vector_store %arg7[%parallel_loop3A_352, %parallel_loop3A_353, %parallel_loop3A_354], %parallel_loop3A_351 {strides = array<i32>} : memref<2x128x32xf32, #tpu.memory_space<vmem>>, vector<16xf32>,
        %parallel_loop3A_356 = arith.index_cast %rem3A_106 : i32 to index
        %parallel_loop3A_357 = arith.index_cast %parallel_loop3A_345 : i32 to index
        %parallel_loop3A_358 = arith.constant 16 : index
        %parallel_loop3A_359 = tpu.vector_load %arg7[%parallel_loop3A_356, %parallel_loop3A_357, %parallel_loop3A_358] {strides = array<i32>} : memref<2x128x32xf32, #tpu.memory_space<vmem>>, vector<16xf32>,
        %parallel_loop3A_360 = vector.broadcast %parallel_loop3A_341 : f32 to vector<16xf32>
        %parallel_loop3A_361 = arith.mulf %parallel_loop3A_359, %parallel_loop3A_360 : vector<16xf32>
        %parallel_loop3A_362 = arith.index_cast %rem3A_106 : i32 to index
        %parallel_loop3A_363 = arith.index_cast %parallel_loop3A_345 : i32 to index
        %parallel_loop3A_364 = arith.constant 16 : index
        %parallel_loop3A_365 = tpu.vector_load %arg7[%parallel_loop3A_362, %parallel_loop3A_363, %parallel_loop3A_364] {strides = array<i32>} : memref<2x128x32xf32, #tpu.memory_space<vmem>>, vector<16xf32>,
        tpu.vector_store %arg7[%parallel_loop3A_362, %parallel_loop3A_363, %parallel_loop3A_364], %parallel_loop3A_361 {strides = array<i32>} : memref<2x128x32xf32, #tpu.memory_space<vmem>>, vector<16xf32>,
        %parallel_loop3A_366 = vector.extract_strided_slice %parallel_loop3A_157 {offsets = [8], sizes = [1], strides = [1]} : vector<16xf32> to vector<1xf32>
        %parallel_loop3A_367 = vector.extract %parallel_loop3A_366[0] : f32 from vector<1xf32>
        %parallel_loop3A_368 = arith.constant 16 : i32
        %parallel_loop3A_369 = arith.muli %parallel_loop3A_149, %parallel_loop3A_368 : i32
        %parallel_loop3A_370 = arith.constant 8 : i32
        %parallel_loop3A_371 = arith.addi %parallel_loop3A_369, %parallel_loop3A_370 : i32
        %parallel_loop3A_372 = arith.index_cast %rem3A_106 : i32 to index
        %parallel_loop3A_373 = arith.index_cast %parallel_loop3A_371 : i32 to index
        %parallel_loop3A_374 = arith.constant 0 : index
        %parallel_loop3A_375 = tpu.vector_load %arg7[%parallel_loop3A_372, %parallel_loop3A_373, %parallel_loop3A_374] {strides = array<i32>} : memref<2x128x32xf32, #tpu.memory_space<vmem>>, vector<16xf32>,
        %parallel_loop3A_376 = vector.broadcast %parallel_loop3A_367 : f32 to vector<16xf32>
        %parallel_loop3A_377 = arith.mulf %parallel_loop3A_375, %parallel_loop3A_376 : vector<16xf32>
        %parallel_loop3A_378 = arith.index_cast %rem3A_106 : i32 to index
        %parallel_loop3A_379 = arith.index_cast %parallel_loop3A_371 : i32 to index
        %parallel_loop3A_380 = arith.constant 0 : index
        %parallel_loop3A_381 = tpu.vector_load %arg7[%parallel_loop3A_378, %parallel_loop3A_379, %parallel_loop3A_380] {strides = array<i32>} : memref<2x128x32xf32, #tpu.memory_space<vmem>>, vector<16xf32>,
        tpu.vector_store %arg7[%parallel_loop3A_378, %parallel_loop3A_379, %parallel_loop3A_380], %parallel_loop3A_377 {strides = array<i32>} : memref<2x128x32xf32, #tpu.memory_space<vmem>>, vector<16xf32>,
        %parallel_loop3A_382 = arith.index_cast %rem3A_106 : i32 to index
        %parallel_loop3A_383 = arith.index_cast %parallel_loop3A_371 : i32 to index
        %parallel_loop3A_384 = arith.constant 16 : index
        %parallel_loop3A_385 = tpu.vector_load %arg7[%parallel_loop3A_382, %parallel_loop3A_383, %parallel_loop3A_384] {strides = array<i32>} : memref<2x128x32xf32, #tpu.memory_space<vmem>>, vector<16xf32>,
        %parallel_loop3A_386 = vector.broadcast %parallel_loop3A_367 : f32 to vector<16xf32>
        %parallel_loop3A_387 = arith.mulf %parallel_loop3A_385, %parallel_loop3A_386 : vector<16xf32>
        %parallel_loop3A_388 = arith.index_cast %rem3A_106 : i32 to index
        %parallel_loop3A_389 = arith.index_cast %parallel_loop3A_371 : i32 to index
        %parallel_loop3A_390 = arith.constant 16 : index
        %parallel_loop3A_391 = tpu.vector_load %arg7[%parallel_loop3A_388, %parallel_loop3A_389, %parallel_loop3A_390] {strides = array<i32>} : memref<2x128x32xf32, #tpu.memory_space<vmem>>, vector<16xf32>,
        tpu.vector_store %arg7[%parallel_loop3A_388, %parallel_loop3A_389, %parallel_loop3A_390], %parallel_loop3A_387 {strides = array<i32>} : memref<2x128x32xf32, #tpu.memory_space<vmem>>, vector<16xf32>,
        %parallel_loop3A_392 = vector.extract_strided_slice %parallel_loop3A_157 {offsets = [9], sizes = [1], strides = [1]} : vector<16xf32> to vector<1xf32>
        %parallel_loop3A_393 = vector.extract %parallel_loop3A_392[0] : f32 from vector<1xf32>
        %parallel_loop3A_394 = arith.constant 16 : i32
        %parallel_loop3A_395 = arith.muli %parallel_loop3A_149, %parallel_loop3A_394 : i32
        %parallel_loop3A_396 = arith.constant 9 : i32
        %parallel_loop3A_397 = arith.addi %parallel_loop3A_395, %parallel_loop3A_396 : i32
        %parallel_loop3A_398 = arith.index_cast %rem3A_106 : i32 to index
        %parallel_loop3A_399 = arith.index_cast %parallel_loop3A_397 : i32 to index
        %parallel_loop3A_400 = arith.constant 0 : index
        %parallel_loop3A_401 = tpu.vector_load %arg7[%parallel_loop3A_398, %parallel_loop3A_399, %parallel_loop3A_400] {strides = array<i32>} : memref<2x128x32xf32, #tpu.memory_space<vmem>>, vector<16xf32>,
        %parallel_loop3A_402 = vector.broadcast %parallel_loop3A_393 : f32 to vector<16xf32>
        %parallel_loop3A_403 = arith.mulf %parallel_loop3A_401, %parallel_loop3A_402 : vector<16xf32>
        %parallel_loop3A_404 = arith.index_cast %rem3A_106 : i32 to index
        %parallel_loop3A_405 = arith.index_cast %parallel_loop3A_397 : i32 to index
        %parallel_loop3A_406 = arith.constant 0 : index
        %parallel_loop3A_407 = tpu.vector_load %arg7[%parallel_loop3A_404, %parallel_loop3A_405, %parallel_loop3A_406] {strides = array<i32>} : memref<2x128x32xf32, #tpu.memory_space<vmem>>, vector<16xf32>,
        tpu.vector_store %arg7[%parallel_loop3A_404, %parallel_loop3A_405, %parallel_loop3A_406], %parallel_loop3A_403 {strides = array<i32>} : memref<2x128x32xf32, #tpu.memory_space<vmem>>, vector<16xf32>,
        %parallel_loop3A_408 = arith.index_cast %rem3A_106 : i32 to index
        %parallel_loop3A_409 = arith.index_cast %parallel_loop3A_397 : i32 to index
        %parallel_loop3A_410 = arith.constant 16 : index
        %parallel_loop3A_411 = tpu.vector_load %arg7[%parallel_loop3A_408, %parallel_loop3A_409, %parallel_loop3A_410] {strides = array<i32>} : memref<2x128x32xf32, #tpu.memory_space<vmem>>, vector<16xf32>,
        %parallel_loop3A_412 = vector.broadcast %parallel_loop3A_393 : f32 to vector<16xf32>
        %parallel_loop3A_413 = arith.mulf %parallel_loop3A_411, %parallel_loop3A_412 : vector<16xf32>
        %parallel_loop3A_414 = arith.index_cast %rem3A_106 : i32 to index
        %parallel_loop3A_415 = arith.index_cast %parallel_loop3A_397 : i32 to index
        %parallel_loop3A_416 = arith.constant 16 : index
        %parallel_loop3A_417 = tpu.vector_load %arg7[%parallel_loop3A_414, %parallel_loop3A_415, %parallel_loop3A_416] {strides = array<i32>} : memref<2x128x32xf32, #tpu.memory_space<vmem>>, vector<16xf32>,
        tpu.vector_store %arg7[%parallel_loop3A_414, %parallel_loop3A_415, %parallel_loop3A_416], %parallel_loop3A_413 {strides = array<i32>} : memref<2x128x32xf32, #tpu.memory_space<vmem>>, vector<16xf32>,
        %parallel_loop3A_418 = vector.extract_strided_slice %parallel_loop3A_157 {offsets = [10], sizes = [1], strides = [1]} : vector<16xf32> to vector<1xf32>
        %parallel_loop3A_419 = vector.extract %parallel_loop3A_418[0] : f32 from vector<1xf32>
        %parallel_loop3A_420 = arith.constant 16 : i32
        %parallel_loop3A_421 = arith.muli %parallel_loop3A_149, %parallel_loop3A_420 : i32
        %parallel_loop3A_422 = arith.constant 10 : i32
        %parallel_loop3A_423 = arith.addi %parallel_loop3A_421, %parallel_loop3A_422 : i32
        %parallel_loop3A_424 = arith.index_cast %rem3A_106 : i32 to index
        %parallel_loop3A_425 = arith.index_cast %parallel_loop3A_423 : i32 to index
        %parallel_loop3A_426 = arith.constant 0 : index
        %parallel_loop3A_427 = tpu.vector_load %arg7[%parallel_loop3A_424, %parallel_loop3A_425, %parallel_loop3A_426] {strides = array<i32>} : memref<2x128x32xf32, #tpu.memory_space<vmem>>, vector<16xf32>,
        %parallel_loop3A_428 = vector.broadcast %parallel_loop3A_419 : f32 to vector<16xf32>
        %parallel_loop3A_429 = arith.mulf %parallel_loop3A_427, %parallel_loop3A_428 : vector<16xf32>
        %parallel_loop3A_430 = arith.index_cast %rem3A_106 : i32 to index
        %parallel_loop3A_431 = arith.index_cast %parallel_loop3A_423 : i32 to index
        %parallel_loop3A_432 = arith.constant 0 : index
        %parallel_loop3A_433 = tpu.vector_load %arg7[%parallel_loop3A_430, %parallel_loop3A_431, %parallel_loop3A_432] {strides = array<i32>} : memref<2x128x32xf32, #tpu.memory_space<vmem>>, vector<16xf32>,
        tpu.vector_store %arg7[%parallel_loop3A_430, %parallel_loop3A_431, %parallel_loop3A_432], %parallel_loop3A_429 {strides = array<i32>} : memref<2x128x32xf32, #tpu.memory_space<vmem>>, vector<16xf32>,
        %parallel_loop3A_434 = arith.index_cast %rem3A_106 : i32 to index
        %parallel_loop3A_435 = arith.index_cast %parallel_loop3A_423 : i32 to index
        %parallel_loop3A_436 = arith.constant 16 : index
        %parallel_loop3A_437 = tpu.vector_load %arg7[%parallel_loop3A_434, %parallel_loop3A_435, %parallel_loop3A_436] {strides = array<i32>} : memref<2x128x32xf32, #tpu.memory_space<vmem>>, vector<16xf32>,
        %parallel_loop3A_438 = vector.broadcast %parallel_loop3A_419 : f32 to vector<16xf32>
        %parallel_loop3A_439 = arith.mulf %parallel_loop3A_437, %parallel_loop3A_438 : vector<16xf32>
        %parallel_loop3A_440 = arith.index_cast %rem3A_106 : i32 to index
        %parallel_loop3A_441 = arith.index_cast %parallel_loop3A_423 : i32 to index
        %parallel_loop3A_442 = arith.constant 16 : index
        %parallel_loop3A_443 = tpu.vector_load %arg7[%parallel_loop3A_440, %parallel_loop3A_441, %parallel_loop3A_442] {strides = array<i32>} : memref<2x128x32xf32, #tpu.memory_space<vmem>>, vector<16xf32>,
        tpu.vector_store %arg7[%parallel_loop3A_440, %parallel_loop3A_441, %parallel_loop3A_442], %parallel_loop3A_439 {strides = array<i32>} : memref<2x128x32xf32, #tpu.memory_space<vmem>>, vector<16xf32>,
        %parallel_loop3A_444 = vector.extract_strided_slice %parallel_loop3A_157 {offsets = [11], sizes = [1], strides = [1]} : vector<16xf32> to vector<1xf32>
        %parallel_loop3A_445 = vector.extract %parallel_loop3A_444[0] : f32 from vector<1xf32>
        %parallel_loop3A_446 = arith.constant 16 : i32
        %parallel_loop3A_447 = arith.muli %parallel_loop3A_149, %parallel_loop3A_446 : i32
        %parallel_loop3A_448 = arith.constant 11 : i32
        %parallel_loop3A_449 = arith.addi %parallel_loop3A_447, %parallel_loop3A_448 : i32
        %parallel_loop3A_450 = arith.index_cast %rem3A_106 : i32 to index
        %parallel_loop3A_451 = arith.index_cast %parallel_loop3A_449 : i32 to index
        %parallel_loop3A_452 = arith.constant 0 : index
        %parallel_loop3A_453 = tpu.vector_load %arg7[%parallel_loop3A_450, %parallel_loop3A_451, %parallel_loop3A_452] {strides = array<i32>} : memref<2x128x32xf32, #tpu.memory_space<vmem>>, vector<16xf32>,
        %parallel_loop3A_454 = vector.broadcast %parallel_loop3A_445 : f32 to vector<16xf32>
        %parallel_loop3A_455 = arith.mulf %parallel_loop3A_453, %parallel_loop3A_454 : vector<16xf32>
        %parallel_loop3A_456 = arith.index_cast %rem3A_106 : i32 to index
        %parallel_loop3A_457 = arith.index_cast %parallel_loop3A_449 : i32 to index
        %parallel_loop3A_458 = arith.constant 0 : index
        %parallel_loop3A_459 = tpu.vector_load %arg7[%parallel_loop3A_456, %parallel_loop3A_457, %parallel_loop3A_458] {strides = array<i32>} : memref<2x128x32xf32, #tpu.memory_space<vmem>>, vector<16xf32>,
        tpu.vector_store %arg7[%parallel_loop3A_456, %parallel_loop3A_457, %parallel_loop3A_458], %parallel_loop3A_455 {strides = array<i32>} : memref<2x128x32xf32, #tpu.memory_space<vmem>>, vector<16xf32>,
        %parallel_loop3A_460 = arith.index_cast %rem3A_106 : i32 to index
        %parallel_loop3A_461 = arith.index_cast %parallel_loop3A_449 : i32 to index
        %parallel_loop3A_462 = arith.constant 16 : index
        %parallel_loop3A_463 = tpu.vector_load %arg7[%parallel_loop3A_460, %parallel_loop3A_461, %parallel_loop3A_462] {strides = array<i32>} : memref<2x128x32xf32, #tpu.memory_space<vmem>>, vector<16xf32>,
        %parallel_loop3A_464 = vector.broadcast %parallel_loop3A_445 : f32 to vector<16xf32>
        %parallel_loop3A_465 = arith.mulf %parallel_loop3A_463, %parallel_loop3A_464 : vector<16xf32>
        %parallel_loop3A_466 = arith.index_cast %rem3A_106 : i32 to index
        %parallel_loop3A_467 = arith.index_cast %parallel_loop3A_449 : i32 to index
        %parallel_loop3A_468 = arith.constant 16 : index
        %parallel_loop3A_469 = tpu.vector_load %arg7[%parallel_loop3A_466, %parallel_loop3A_467, %parallel_loop3A_468] {strides = array<i32>} : memref<2x128x32xf32, #tpu.memory_space<vmem>>, vector<16xf32>,
        tpu.vector_store %arg7[%parallel_loop3A_466, %parallel_loop3A_467, %parallel_loop3A_468], %parallel_loop3A_465 {strides = array<i32>} : memref<2x128x32xf32, #tpu.memory_space<vmem>>, vector<16xf32>,
        %parallel_loop3A_470 = vector.extract_strided_slice %parallel_loop3A_157 {offsets = [12], sizes = [1], strides = [1]} : vector<16xf32> to vector<1xf32>
        %parallel_loop3A_471 = vector.extract %parallel_loop3A_470[0] : f32 from vector<1xf32>
        %parallel_loop3A_472 = arith.constant 16 : i32
        %parallel_loop3A_473 = arith.muli %parallel_loop3A_149, %parallel_loop3A_472 : i32
        %parallel_loop3A_474 = arith.constant 12 : i32
        %parallel_loop3A_475 = arith.addi %parallel_loop3A_473, %parallel_loop3A_474 : i32
        %parallel_loop3A_476 = arith.index_cast %rem3A_106 : i32 to index
        %parallel_loop3A_477 = arith.index_cast %parallel_loop3A_475 : i32 to index
        %parallel_loop3A_478 = arith.constant 0 : index
        %parallel_loop3A_479 = tpu.vector_load %arg7[%parallel_loop3A_476, %parallel_loop3A_477, %parallel_loop3A_478] {strides = array<i32>} : memref<2x128x32xf32, #tpu.memory_space<vmem>>, vector<16xf32>,
        %parallel_loop3A_480 = vector.broadcast %parallel_loop3A_471 : f32 to vector<16xf32>
        %parallel_loop3A_481 = arith.mulf %parallel_loop3A_479, %parallel_loop3A_480 : vector<16xf32>
        %parallel_loop3A_482 = arith.index_cast %rem3A_106 : i32 to index
        %parallel_loop3A_483 = arith.index_cast %parallel_loop3A_475 : i32 to index
        %parallel_loop3A_484 = arith.constant 0 : index
        %parallel_loop3A_485 = tpu.vector_load %arg7[%parallel_loop3A_482, %parallel_loop3A_483, %parallel_loop3A_484] {strides = array<i32>} : memref<2x128x32xf32, #tpu.memory_space<vmem>>, vector<16xf32>,
        tpu.vector_store %arg7[%parallel_loop3A_482, %parallel_loop3A_483, %parallel_loop3A_484], %parallel_loop3A_481 {strides = array<i32>} : memref<2x128x32xf32, #tpu.memory_space<vmem>>, vector<16xf32>,
        %parallel_loop3A_486 = arith.index_cast %rem3A_106 : i32 to index
        %parallel_loop3A_487 = arith.index_cast %parallel_loop3A_475 : i32 to index
        %parallel_loop3A_488 = arith.constant 16 : index
        %parallel_loop3A_489 = tpu.vector_load %arg7[%parallel_loop3A_486, %parallel_loop3A_487, %parallel_loop3A_488] {strides = array<i32>} : memref<2x128x32xf32, #tpu.memory_space<vmem>>, vector<16xf32>,
        %parallel_loop3A_490 = vector.broadcast %parallel_loop3A_471 : f32 to vector<16xf32>
        %parallel_loop3A_491 = arith.mulf %parallel_loop3A_489, %parallel_loop3A_490 : vector<16xf32>
        %parallel_loop3A_492 = arith.index_cast %rem3A_106 : i32 to index
        %parallel_loop3A_493 = arith.index_cast %parallel_loop3A_475 : i32 to index
        %parallel_loop3A_494 = arith.constant 16 : index
        %parallel_loop3A_495 = tpu.vector_load %arg7[%parallel_loop3A_492, %parallel_loop3A_493, %parallel_loop3A_494] {strides = array<i32>} : memref<2x128x32xf32, #tpu.memory_space<vmem>>, vector<16xf32>,
        tpu.vector_store %arg7[%parallel_loop3A_492, %parallel_loop3A_493, %parallel_loop3A_494], %parallel_loop3A_491 {strides = array<i32>} : memref<2x128x32xf32, #tpu.memory_space<vmem>>, vector<16xf32>,
        %parallel_loop3A_496 = vector.extract_strided_slice %parallel_loop3A_157 {offsets = [13], sizes = [1], strides = [1]} : vector<16xf32> to vector<1xf32>
        %parallel_loop3A_497 = vector.extract %parallel_loop3A_496[0] : f32 from vector<1xf32>
        %parallel_loop3A_498 = arith.constant 16 : i32
        %parallel_loop3A_499 = arith.muli %parallel_loop3A_149, %parallel_loop3A_498 : i32
        %parallel_loop3A_500 = arith.constant 13 : i32
        %parallel_loop3A_501 = arith.addi %parallel_loop3A_499, %parallel_loop3A_500 : i32
        %parallel_loop3A_502 = arith.index_cast %rem3A_106 : i32 to index
        %parallel_loop3A_503 = arith.index_cast %parallel_loop3A_501 : i32 to index
        %parallel_loop3A_504 = arith.constant 0 : index
        %parallel_loop3A_505 = tpu.vector_load %arg7[%parallel_loop3A_502, %parallel_loop3A_503, %parallel_loop3A_504] {strides = array<i32>} : memref<2x128x32xf32, #tpu.memory_space<vmem>>, vector<16xf32>,
        %parallel_loop3A_506 = vector.broadcast %parallel_loop3A_497 : f32 to vector<16xf32>
        %parallel_loop3A_507 = arith.mulf %parallel_loop3A_505, %parallel_loop3A_506 : vector<16xf32>
        %parallel_loop3A_508 = arith.index_cast %rem3A_106 : i32 to index
        %parallel_loop3A_509 = arith.index_cast %parallel_loop3A_501 : i32 to index
        %parallel_loop3A_510 = arith.constant 0 : index
        %parallel_loop3A_511 = tpu.vector_load %arg7[%parallel_loop3A_508, %parallel_loop3A_509, %parallel_loop3A_510] {strides = array<i32>} : memref<2x128x32xf32, #tpu.memory_space<vmem>>, vector<16xf32>,
        tpu.vector_store %arg7[%parallel_loop3A_508, %parallel_loop3A_509, %parallel_loop3A_510], %parallel_loop3A_507 {strides = array<i32>} : memref<2x128x32xf32, #tpu.memory_space<vmem>>, vector<16xf32>,
        %parallel_loop3A_512 = arith.index_cast %rem3A_106 : i32 to index
        %parallel_loop3A_513 = arith.index_cast %parallel_loop3A_501 : i32 to index
        %parallel_loop3A_514 = arith.constant 16 : index
        %parallel_loop3A_515 = tpu.vector_load %arg7[%parallel_loop3A_512, %parallel_loop3A_513, %parallel_loop3A_514] {strides = array<i32>} : memref<2x128x32xf32, #tpu.memory_space<vmem>>, vector<16xf32>,
        %parallel_loop3A_516 = vector.broadcast %parallel_loop3A_497 : f32 to vector<16xf32>
        %parallel_loop3A_517 = arith.mulf %parallel_loop3A_515, %parallel_loop3A_516 : vector<16xf32>
        %parallel_loop3A_518 = arith.index_cast %rem3A_106 : i32 to index
        %parallel_loop3A_519 = arith.index_cast %parallel_loop3A_501 : i32 to index
        %parallel_loop3A_520 = arith.constant 16 : index
        %parallel_loop3A_521 = tpu.vector_load %arg7[%parallel_loop3A_518, %parallel_loop3A_519, %parallel_loop3A_520] {strides = array<i32>} : memref<2x128x32xf32, #tpu.memory_space<vmem>>, vector<16xf32>,
        tpu.vector_store %arg7[%parallel_loop3A_518, %parallel_loop3A_519, %parallel_loop3A_520], %parallel_loop3A_517 {strides = array<i32>} : memref<2x128x32xf32, #tpu.memory_space<vmem>>, vector<16xf32>,
        %parallel_loop3A_522 = vector.extract_strided_slice %parallel_loop3A_157 {offsets = [14], sizes = [1], strides = [1]} : vector<16xf32> to vector<1xf32>
        %parallel_loop3A_523 = vector.extract %parallel_loop3A_522[0] : f32 from vector<1xf32>
        %parallel_loop3A_524 = arith.constant 16 : i32
        %parallel_loop3A_525 = arith.muli %parallel_loop3A_149, %parallel_loop3A_524 : i32
        %parallel_loop3A_526 = arith.constant 14 : i32
        %parallel_loop3A_527 = arith.addi %parallel_loop3A_525, %parallel_loop3A_526 : i32
        %parallel_loop3A_528 = arith.index_cast %rem3A_106 : i32 to index
        %parallel_loop3A_529 = arith.index_cast %parallel_loop3A_527 : i32 to index
        %parallel_loop3A_530 = arith.constant 0 : index
        %parallel_loop3A_531 = tpu.vector_load %arg7[%parallel_loop3A_528, %parallel_loop3A_529, %parallel_loop3A_530] {strides = array<i32>} : memref<2x128x32xf32, #tpu.memory_space<vmem>>, vector<16xf32>,
        %parallel_loop3A_532 = vector.broadcast %parallel_loop3A_523 : f32 to vector<16xf32>
        %parallel_loop3A_533 = arith.mulf %parallel_loop3A_531, %parallel_loop3A_532 : vector<16xf32>
        %parallel_loop3A_534 = arith.index_cast %rem3A_106 : i32 to index
        %parallel_loop3A_535 = arith.index_cast %parallel_loop3A_527 : i32 to index
        %parallel_loop3A_536 = arith.constant 0 : index
        %parallel_loop3A_537 = tpu.vector_load %arg7[%parallel_loop3A_534, %parallel_loop3A_535, %parallel_loop3A_536] {strides = array<i32>} : memref<2x128x32xf32, #tpu.memory_space<vmem>>, vector<16xf32>,
        tpu.vector_store %arg7[%parallel_loop3A_534, %parallel_loop3A_535, %parallel_loop3A_536], %parallel_loop3A_533 {strides = array<i32>} : memref<2x128x32xf32, #tpu.memory_space<vmem>>, vector<16xf32>,
        %parallel_loop3A_538 = arith.index_cast %rem3A_106 : i32 to index
        %parallel_loop3A_539 = arith.index_cast %parallel_loop3A_527 : i32 to index
        %parallel_loop3A_540 = arith.constant 16 : index
        %parallel_loop3A_541 = tpu.vector_load %arg7[%parallel_loop3A_538, %parallel_loop3A_539, %parallel_loop3A_540] {strides = array<i32>} : memref<2x128x32xf32, #tpu.memory_space<vmem>>, vector<16xf32>,
        %parallel_loop3A_542 = vector.broadcast %parallel_loop3A_523 : f32 to vector<16xf32>
        %parallel_loop3A_543 = arith.mulf %parallel_loop3A_541, %parallel_loop3A_542 : vector<16xf32>
        %parallel_loop3A_544 = arith.index_cast %rem3A_106 : i32 to index
        %parallel_loop3A_545 = arith.index_cast %parallel_loop3A_527 : i32 to index
        %parallel_loop3A_546 = arith.constant 16 : index
        %parallel_loop3A_547 = tpu.vector_load %arg7[%parallel_loop3A_544, %parallel_loop3A_545, %parallel_loop3A_546] {strides = array<i32>} : memref<2x128x32xf32, #tpu.memory_space<vmem>>, vector<16xf32>,
        tpu.vector_store %arg7[%parallel_loop3A_544, %parallel_loop3A_545, %parallel_loop3A_546], %parallel_loop3A_543 {strides = array<i32>} : memref<2x128x32xf32, #tpu.memory_space<vmem>>, vector<16xf32>,
        %parallel_loop3A_548 = vector.extract_strided_slice %parallel_loop3A_157 {offsets = [15], sizes = [1], strides = [1]} : vector<16xf32> to vector<1xf32>
        %parallel_loop3A_549 = vector.extract %parallel_loop3A_548[0] : f32 from vector<1xf32>
        %parallel_loop3A_550 = arith.constant 16 : i32
        %parallel_loop3A_551 = arith.muli %parallel_loop3A_149, %parallel_loop3A_550 : i32
        %parallel_loop3A_552 = arith.constant 15 : i32
        %parallel_loop3A_553 = arith.addi %parallel_loop3A_551, %parallel_loop3A_552 : i32
        %parallel_loop3A_554 = arith.index_cast %rem3A_106 : i32 to index
        %parallel_loop3A_555 = arith.index_cast %parallel_loop3A_553 : i32 to index
        %parallel_loop3A_556 = arith.constant 0 : index
        %parallel_loop3A_557 = tpu.vector_load %arg7[%parallel_loop3A_554, %parallel_loop3A_555, %parallel_loop3A_556] {strides = array<i32>} : memref<2x128x32xf32, #tpu.memory_space<vmem>>, vector<16xf32>,
        %parallel_loop3A_558 = vector.broadcast %parallel_loop3A_549 : f32 to vector<16xf32>
        %parallel_loop3A_559 = arith.mulf %parallel_loop3A_557, %parallel_loop3A_558 : vector<16xf32>
        %parallel_loop3A_560 = arith.index_cast %rem3A_106 : i32 to index
        %parallel_loop3A_561 = arith.index_cast %parallel_loop3A_553 : i32 to index
        %parallel_loop3A_562 = arith.constant 0 : index
        %parallel_loop3A_563 = tpu.vector_load %arg7[%parallel_loop3A_560, %parallel_loop3A_561, %parallel_loop3A_562] {strides = array<i32>} : memref<2x128x32xf32, #tpu.memory_space<vmem>>, vector<16xf32>,
        tpu.vector_store %arg7[%parallel_loop3A_560, %parallel_loop3A_561, %parallel_loop3A_562], %parallel_loop3A_559 {strides = array<i32>} : memref<2x128x32xf32, #tpu.memory_space<vmem>>, vector<16xf32>,
        %parallel_loop3A_564 = arith.index_cast %rem3A_106 : i32 to index
        %parallel_loop3A_565 = arith.index_cast %parallel_loop3A_553 : i32 to index
        %parallel_loop3A_566 = arith.constant 16 : index
        %parallel_loop3A_567 = tpu.vector_load %arg7[%parallel_loop3A_564, %parallel_loop3A_565, %parallel_loop3A_566] {strides = array<i32>} : memref<2x128x32xf32, #tpu.memory_space<vmem>>, vector<16xf32>,
        %parallel_loop3A_568 = vector.broadcast %parallel_loop3A_549 : f32 to vector<16xf32>
        %parallel_loop3A_569 = arith.mulf %parallel_loop3A_567, %parallel_loop3A_568 : vector<16xf32>
        %parallel_loop3A_570 = arith.index_cast %rem3A_106 : i32 to index
        %parallel_loop3A_571 = arith.index_cast %parallel_loop3A_553 : i32 to index
        %parallel_loop3A_572 = arith.constant 16 : index
        %parallel_loop3A_573 = tpu.vector_load %arg7[%parallel_loop3A_570, %parallel_loop3A_571, %parallel_loop3A_572] {strides = array<i32>} : memref<2x128x32xf32, #tpu.memory_space<vmem>>, vector<16xf32>,
        tpu.vector_store %arg7[%parallel_loop3A_570, %parallel_loop3A_571, %parallel_loop3A_572], %parallel_loop3A_569 {strides = array<i32>} : memref<2x128x32xf32, #tpu.memory_space<vmem>>, vector<16xf32>,
      } {sc.loop_unroll_factor = 2 : i64, sc.parallel_access}
      %dma_start3A_138 = arith.constant 0 : i32
      %dma_start3A_139 = arith.constant 0 : i32
      %dma_start3A_140 = arith.constant 0 : i32
      %dma_start3A_141 = tpu.memref_slice %arg7[%rem3A_106, %dma_start3A_139, %dma_start3A_140] : memref<2x128x32xf32, #tpu.memory_space<vmem>> -> memref<1x128x32xf32, #tpu.memory_space<vmem>>
      %dma_start3A_142 = tpu.memref_squeeze %dma_start3A_141 : memref<1x128x32xf32, #tpu.memory_space<vmem>> -> memref<128x32xf32, #tpu.memory_space<vmem>>
      %dma_start3A_143 = arith.constant 0 : i32
      %dma_start3A_144 = tpu.memref_slice %arg6[%rem3A_108, %dma_start3A_138, %dma_start3A_143] : memref<3x4x128xi32, #tpu.memory_space<vmem>> -> memref<1x1x128xi32, #tpu.memory_space<vmem>>
      %dma_start3A_145 = tpu.memref_squeeze %dma_start3A_144 : memref<1x1x128xi32, #tpu.memory_space<vmem>> -> memref<128xi32, #tpu.memory_space<vmem>>
      %dma_start3A_146 = arith.constant 0 : i32
      %dma_start3A_147 = arith.constant 0 : i32
      %dma_start3A_148 = tpu.memref_slice %arg8[%dma_start3A_146, %dma_start3A_147] : memref<50048x32xf32, #tpu.memory_space<vmem_shared>> -> memref<50048x32xf32, #tpu.memory_space<vmem_shared>>
      tpu.enqueue_indirect_dma source(%dma_start3A_142 : memref<128x32xf32, #tpu.memory_space<vmem>>) target(%dma_start3A_148 : memref<50048x32xf32, #tpu.memory_space<vmem_shared>>) offsets(%dma_start3A_145 : memref<128xi32, #tpu.memory_space<vmem>>) semaphore(%arg11 : memref<!tpu.dma_semaphore, #tpu.memory_space<semaphore_mem>>) {add = true}
    }
    %scan3A_68 = arith.constant 782 : i32
    %dma_wait3A_69 = arith.constant 0 : i32
    %dma_wait3A_70 = arith.constant 0 : i32
    %dma_wait3A_71 = arith.constant 0 : i32
    %dma_wait3A_72 = arith.constant 0 : i32
    %dma_wait3A_73 = arith.constant 0 : i32
    %dma_wait3A_74 = tpu.memref_slice %arg7[%dma_wait3A_69, %dma_wait3A_72, %dma_wait3A_73] : memref<2x128x32xf32, #tpu.memory_space<vmem>> -> memref<1x128x32xf32, #tpu.memory_space<vmem>>
    %dma_wait3A_75 = tpu.memref_squeeze %dma_wait3A_74 : memref<1x128x32xf32, #tpu.memory_space<vmem>> -> memref<128x32xf32, #tpu.memory_space<vmem>>
    %dma_wait3A_76 = arith.constant 0 : i32
    %dma_wait3A_77 = tpu.memref_slice %arg6[%dma_wait3A_70, %dma_wait3A_71, %dma_wait3A_76] : memref<3x4x128xi32, #tpu.memory_space<vmem>> -> memref<1x1x128xi32, #tpu.memory_space<vmem>>
    %dma_wait3A_78 = tpu.memref_squeeze %dma_wait3A_77 : memref<1x1x128xi32, #tpu.memory_space<vmem>> -> memref<128xi32, #tpu.memory_space<vmem>>
    %dma_wait3A_79 = arith.constant 0 : i32
    %dma_wait3A_80 = arith.constant 0 : i32
    %dma_wait3A_81 = tpu.memref_slice %arg8[%dma_wait3A_79, %dma_wait3A_80] : memref<50048x32xf32, #tpu.memory_space<vmem_shared>> -> memref<50048x32xf32, #tpu.memory_space<vmem_shared>>
    tpu.wait_indirect_dma semaphore(%arg11 : memref<!tpu.dma_semaphore, #tpu.memory_space<semaphore_mem>>) src(%dma_wait3A_75 : memref<128x32xf32, #tpu.memory_space<vmem>>) dst(%dma_wait3A_81 : memref<50048x32xf32, #tpu.memory_space<vmem_shared>>)
    %dma_wait3A_82 = arith.constant 0 : i32
    %dma_wait3A_83 = arith.constant 0 : i32
    %dma_wait3A_84 = arith.constant 0 : i32
    %dma_wait3A_85 = arith.constant 0 : i32
    %dma_wait3A_86 = arith.constant 0 : i32
    %dma_wait3A_87 = tpu.memref_slice %arg7[%dma_wait3A_82, %dma_wait3A_85, %dma_wait3A_86] : memref<2x128x32xf32, #tpu.memory_space<vmem>> -> memref<1x128x32xf32, #tpu.memory_space<vmem>>
    %dma_wait3A_88 = tpu.memref_squeeze %dma_wait3A_87 : memref<1x128x32xf32, #tpu.memory_space<vmem>> -> memref<128x32xf32, #tpu.memory_space<vmem>>
    %dma_wait3A_89 = arith.constant 0 : i32
    %dma_wait3A_90 = tpu.memref_slice %arg6[%dma_wait3A_83, %dma_wait3A_84, %dma_wait3A_89] : memref<3x4x128xi32, #tpu.memory_space<vmem>> -> memref<1x1x128xi32, #tpu.memory_space<vmem>>
    %dma_wait3A_91 = tpu.memref_squeeze %dma_wait3A_90 : memref<1x1x128xi32, #tpu.memory_space<vmem>> -> memref<128xi32, #tpu.memory_space<vmem>>
    %dma_wait3A_92 = arith.constant 0 : i32
    %dma_wait3A_93 = arith.constant 0 : i32
    %dma_wait3A_94 = tpu.memref_slice %arg8[%dma_wait3A_92, %dma_wait3A_93] : memref<50048x32xf32, #tpu.memory_space<vmem_shared>> -> memref<50048x32xf32, #tpu.memory_space<vmem_shared>>
    tpu.wait_indirect_dma semaphore(%arg11 : memref<!tpu.dma_semaphore, #tpu.memory_space<semaphore_mem>>) src(%dma_wait3A_88 : memref<128x32xf32, #tpu.memory_space<vmem>>) dst(%dma_wait3A_94 : memref<50048x32xf32, #tpu.memory_space<vmem_shared>>)
    %barrier3A_95 = arith.constant 0 : index
    tpu.barrier barrier_id(%barrier3A_95)
    %lt3A = arith.constant 15 : i32
    %lt3A_96 = arith.cmpi slt, %arg1, %lt3A : i32
    %convert_element_type3A_97 = arith.extui %lt3A_96 : i1 to i32
    %cond3A_98 = arith.constant 0 : i32
    %cond3A_99 = arith.cmpi ne, %convert_element_type3A_97, %cond3A_98 : i32
    scf.if %cond3A_99 {
      %mul3A_105 = arith.constant 50000 : i32
      %mul3A_106 = arith.muli %arg0, %mul3A_105 : i32
      %add3A_107 = arith.addi %mul3A_106, %multiple_of3A : i32
      "tpu.region"() ({
        %run_scoped3A = tpu.sem_alloc : memref<!tpu.dma_semaphore, #tpu.memory_space<semaphore_mem>>
        %dma_start3A_108 = arith.constant 0 : i32
        %dma_start3A_109 = tpu.memref_slice %arg5[%add3A_107, %dma_start3A_108] : memref<100000x32xf32, #tpu.memory_space<hbm>> -> memref<3128x32xf32, #tpu.memory_space<hbm>>
        %dma_start3A_110 = arith.constant 0 : i32
        %dma_start3A_111 = tpu.memref_slice %arg8[%multiple_of3A, %dma_start3A_110] : memref<50048x32xf32, #tpu.memory_space<vmem_shared>> -> memref<3128x32xf32, #tpu.memory_space<vmem_shared>>
        tpu.enqueue_dma source(%dma_start3A_111 : memref<3128x32xf32, #tpu.memory_space<vmem_shared>>) target(%dma_start3A_109 : memref<3128x32xf32, #tpu.memory_space<hbm>>) target_semaphore(%run_scoped3A : memref<!tpu.dma_semaphore, #tpu.memory_space<semaphore_mem>>)
        %dma_wait3A_112 = arith.constant 0 : i32
        %dma_wait3A_113 = tpu.memref_slice %arg5[%add3A_107, %dma_wait3A_112] : memref<100000x32xf32, #tpu.memory_space<hbm>> -> memref<3128x32xf32, #tpu.memory_space<hbm>>
        %dma_wait3A_114 = arith.constant 0 : i32
        %dma_wait3A_115 = tpu.memref_slice %arg8[%multiple_of3A, %dma_wait3A_114] : memref<50048x32xf32, #tpu.memory_space<vmem_shared>> -> memref<3128x32xf32, #tpu.memory_space<vmem_shared>>
        tpu.wait_dma2 semaphore(%run_scoped3A : memref<!tpu.dma_semaphore, #tpu.memory_space<semaphore_mem>>) src(%dma_wait3A_115 : memref<3128x32xf32, #tpu.memory_space<vmem_shared>>) dst(%dma_wait3A_113 : memref<3128x32xf32, #tpu.memory_space<hbm>>)
        tpu.yield
      }) : () -> ()
    } else {
    }
    %eq3A_100 = arith.constant 15 : i32
    %eq3A_101 = arith.cmpi eq, %arg1, %eq3A_100 : i32
    %convert_element_type3A_102 = arith.extui %eq3A_101 : i1 to i32
    %cond3A_103 = arith.constant 0 : i32
    %cond3A_104 = arith.cmpi ne, %convert_element_type3A_102, %cond3A_103 : i32
    scf.if %cond3A_104 {
      %mul3A_105 = arith.constant 50000 : i32
      %mul3A_106 = arith.muli %arg0, %mul3A_105 : i32
      %add3A_107 = arith.addi %mul3A_106, %multiple_of3A : i32
      "tpu.region"() ({
        %run_scoped3A = tpu.sem_alloc : memref<!tpu.dma_semaphore, #tpu.memory_space<semaphore_mem>>
        %dma_start3A_108 = arith.constant 0 : i32
        %dma_start3A_109 = tpu.memref_slice %arg5[%add3A_107, %dma_start3A_108] : memref<100000x32xf32, #tpu.memory_space<hbm>> -> memref<3080x32xf32, #tpu.memory_space<hbm>>
        %dma_start3A_110 = arith.constant 0 : i32
        %dma_start3A_111 = tpu.memref_slice %arg8[%multiple_of3A, %dma_start3A_110] : memref<50048x32xf32, #tpu.memory_space<vmem_shared>> -> memref<3080x32xf32, #tpu.memory_space<vmem_shared>>
        tpu.enqueue_dma source(%dma_start3A_111 : memref<3080x32xf32, #tpu.memory_space<vmem_shared>>) target(%dma_start3A_109 : memref<3080x32xf32, #tpu.memory_space<hbm>>) target_semaphore(%run_scoped3A : memref<!tpu.dma_semaphore, #tpu.memory_space<semaphore_mem>>)
        %dma_wait3A_112 = arith.constant 0 : i32
        %dma_wait3A_113 = tpu.memref_slice %arg5[%add3A_107, %dma_wait3A_112] : memref<100000x32xf32, #tpu.memory_space<hbm>> -> memref<3080x32xf32, #tpu.memory_space<hbm>>
        %dma_wait3A_114 = arith.constant 0 : i32
        %dma_wait3A_115 = tpu.memref_slice %arg8[%multiple_of3A, %dma_wait3A_114] : memref<50048x32xf32, #tpu.memory_space<vmem_shared>> -> memref<3080x32xf32, #tpu.memory_space<vmem_shared>>
        tpu.wait_dma2 semaphore(%run_scoped3A : memref<!tpu.dma_semaphore, #tpu.memory_space<semaphore_mem>>) src(%dma_wait3A_115 : memref<3080x32xf32, #tpu.memory_space<vmem_shared>>) dst(%dma_wait3A_113 : memref<3080x32xf32, #tpu.memory_space<hbm>>)
        tpu.yield
      }) : () -> ()
    } else {
    }
    return
  }
}

#map = affine_map<(d0, d1) -> (0, 0, 0)>
#map1 = affine_map<(d0, d1) -> (0, 0)>
module attributes {stable_mosaic.version = 14 : i64} {
  func.func @_spmm_body_tbl(%arg0: i32, %arg1: i32, %arg2: memref<6256x4x128xi32, #tpu.memory_space<hbm>>, %arg3: memref<100000x32xf32, #tpu.memory_space<hbm>>, %arg4: memref<100000x32xf32, #tpu.memory_space<hbm>>, %arg5: memref<3128x32xf32, #tpu.memory_space<hbm>>, %arg6: memref<200000x32xf32, #tpu.memory_space<hbm>>, %arg7: memref<3x4x128xi32, #tpu.memory_space<vmem>>, %arg8: memref<2x128x32xf32, #tpu.memory_space<vmem>>, %arg9: memref<50048x32xf32, #tpu.memory_space<vmem_shared>>, %arg10: memref<!tpu.dma_semaphore, #tpu.memory_space<semaphore_mem>>, %arg11: memref<!tpu.dma_semaphore, #tpu.memory_space<semaphore_mem>>, %arg12: memref<!tpu.dma_semaphore, #tpu.memory_space<semaphore_mem>>) attributes {dimension_semantics = [#tpu.dimension_semantics<core_parallel>, #tpu.dimension_semantics<subcore_parallel>], iteration_bounds = array<i64: 2, 16>, scalar_prefetch = 0 : i64, scratch_operands = 6 : i64, tpu.core_type = #tpu.core_type<sc_vector_subcore>, window_params = [{transform_indices = #map}, {transform_indices = #map1}, {transform_indices = #map1}, {transform_indices = #map1}, {transform_indices = #map1}]} {
    %mul3A = arith.constant 50000 : i32
    %mul3A_0 = arith.muli %arg0, %mul3A : i32
    %mul3A_1 = arith.constant 391 : i32
    %mul3A_2 = arith.muli %arg1, %mul3A_1 : i32
    %mul3A_3 = arith.constant 3128 : i32
    %mul3A_4 = arith.muli %arg1, %mul3A_3 : i32
    %multiple_of3A = tpu.assume_multiple %mul3A_4, 8 : i32
    "tpu.region"() ({
      %run_scoped3A = tpu.sem_alloc : memref<!tpu.dma_semaphore, #tpu.memory_space<semaphore_mem>>
      %dma_start3A_105 = arith.constant 0 : i32
      %dma_start3A_106 = tpu.memref_slice %arg9[%multiple_of3A, %dma_start3A_105] : memref<50048x32xf32, #tpu.memory_space<vmem_shared>> -> memref<3128x32xf32, #tpu.memory_space<vmem_shared>>
      tpu.enqueue_dma source(%arg5 : memref<3128x32xf32, #tpu.memory_space<hbm>>) target(%dma_start3A_106 : memref<3128x32xf32, #tpu.memory_space<vmem_shared>>) target_semaphore(%run_scoped3A : memref<!tpu.dma_semaphore, #tpu.memory_space<semaphore_mem>>)
      %dma_wait3A_107 = arith.constant 0 : i32
      %dma_wait3A_108 = tpu.memref_slice %arg9[%multiple_of3A, %dma_wait3A_107] : memref<50048x32xf32, #tpu.memory_space<vmem_shared>> -> memref<3128x32xf32, #tpu.memory_space<vmem_shared>>
      tpu.wait_dma2 semaphore(%run_scoped3A : memref<!tpu.dma_semaphore, #tpu.memory_space<semaphore_mem>>) src(%arg5 : memref<3128x32xf32, #tpu.memory_space<hbm>>) dst(%dma_wait3A_108 : memref<3128x32xf32, #tpu.memory_space<vmem_shared>>)
      tpu.yield
    }) : () -> ()
    %barrier3A = arith.constant 0 : index
    tpu.barrier barrier_id(%barrier3A)
    %add3A = arith.constant 0 : i32
    %add3A_5 = arith.addi %mul3A_2, %add3A : i32
    %dma_start3A = arith.constant 0 : i32
    %dma_start3A_6 = arith.constant 0 : i32
    %dma_start3A_7 = arith.constant 0 : i32
    %dma_start3A_8 = tpu.memref_slice %arg7[%dma_start3A, %dma_start3A_6, %dma_start3A_7] : memref<3x4x128xi32, #tpu.memory_space<vmem>> -> memref<1x4x128xi32, #tpu.memory_space<vmem>>
    %dma_start3A_9 = tpu.memref_squeeze %dma_start3A_8 : memref<1x4x128xi32, #tpu.memory_space<vmem>> -> memref<4x128xi32, #tpu.memory_space<vmem>>
    %dma_start3A_10 = arith.constant 0 : i32
    %dma_start3A_11 = arith.constant 0 : i32
    %dma_start3A_12 = tpu.memref_slice %arg2[%add3A_5, %dma_start3A_10, %dma_start3A_11] : memref<6256x4x128xi32, #tpu.memory_space<hbm>> -> memref<1x4x128xi32, #tpu.memory_space<hbm>>
    %dma_start3A_13 = tpu.memref_squeeze %dma_start3A_12 : memref<1x4x128xi32, #tpu.memory_space<hbm>> -> memref<4x128xi32, #tpu.memory_space<hbm>>
    %dma_start3A_14 = arith.constant 0 : i32
    %dma_start3A_15 = arith.constant 0 : i32
    %dma_start3A_16 = tpu.memref_slice %arg7[%dma_start3A, %dma_start3A_14, %dma_start3A_15] : memref<3x4x128xi32, #tpu.memory_space<vmem>> -> memref<1x4x128xi32, #tpu.memory_space<vmem>>
    %dma_start3A_17 = tpu.memref_squeeze %dma_start3A_16 : memref<1x4x128xi32, #tpu.memory_space<vmem>> -> memref<4x128xi32, #tpu.memory_space<vmem>>
    %dma_start3A_18 = arith.constant 0 : i32
    %dma_start3A_19 = arith.constant 0 : i32
    %dma_start3A_20 = tpu.memref_slice %arg2[%add3A_5, %dma_start3A_18, %dma_start3A_19] : memref<6256x4x128xi32, #tpu.memory_space<hbm>> -> memref<1x4x128xi32, #tpu.memory_space<hbm>>
    %dma_start3A_21 = tpu.memref_squeeze %dma_start3A_20 : memref<1x4x128xi32, #tpu.memory_space<hbm>> -> memref<4x128xi32, #tpu.memory_space<hbm>>
    tpu.enqueue_dma source(%dma_start3A_21 : memref<4x128xi32, #tpu.memory_space<hbm>>) target(%dma_start3A_17 : memref<4x128xi32, #tpu.memory_space<vmem>>) target_semaphore(%arg10 : memref<!tpu.dma_semaphore, #tpu.memory_space<semaphore_mem>>)
    %add3A_22 = arith.constant 1 : i32
    %add3A_23 = arith.addi %mul3A_2, %add3A_22 : i32
    %dma_start3A_24 = arith.constant 1 : i32
    %dma_start3A_25 = arith.constant 0 : i32
    %dma_start3A_26 = arith.constant 0 : i32
    %dma_start3A_27 = tpu.memref_slice %arg7[%dma_start3A_24, %dma_start3A_25, %dma_start3A_26] : memref<3x4x128xi32, #tpu.memory_space<vmem>> -> memref<1x4x128xi32, #tpu.memory_space<vmem>>
    %dma_start3A_28 = tpu.memref_squeeze %dma_start3A_27 : memref<1x4x128xi32, #tpu.memory_space<vmem>> -> memref<4x128xi32, #tpu.memory_space<vmem>>
    %dma_start3A_29 = arith.constant 0 : i32
    %dma_start3A_30 = arith.constant 0 : i32
    %dma_start3A_31 = tpu.memref_slice %arg2[%add3A_23, %dma_start3A_29, %dma_start3A_30] : memref<6256x4x128xi32, #tpu.memory_space<hbm>> -> memref<1x4x128xi32, #tpu.memory_space<hbm>>
    %dma_start3A_32 = tpu.memref_squeeze %dma_start3A_31 : memref<1x4x128xi32, #tpu.memory_space<hbm>> -> memref<4x128xi32, #tpu.memory_space<hbm>>
    %dma_start3A_33 = arith.constant 0 : i32
    %dma_start3A_34 = arith.constant 0 : i32
    %dma_start3A_35 = tpu.memref_slice %arg7[%dma_start3A_24, %dma_start3A_33, %dma_start3A_34] : memref<3x4x128xi32, #tpu.memory_space<vmem>> -> memref<1x4x128xi32, #tpu.memory_space<vmem>>
    %dma_start3A_36 = tpu.memref_squeeze %dma_start3A_35 : memref<1x4x128xi32, #tpu.memory_space<vmem>> -> memref<4x128xi32, #tpu.memory_space<vmem>>
    %dma_start3A_37 = arith.constant 0 : i32
    %dma_start3A_38 = arith.constant 0 : i32
    %dma_start3A_39 = tpu.memref_slice %arg2[%add3A_23, %dma_start3A_37, %dma_start3A_38] : memref<6256x4x128xi32, #tpu.memory_space<hbm>> -> memref<1x4x128xi32, #tpu.memory_space<hbm>>
    %dma_start3A_40 = tpu.memref_squeeze %dma_start3A_39 : memref<1x4x128xi32, #tpu.memory_space<hbm>> -> memref<4x128xi32, #tpu.memory_space<hbm>>
    tpu.enqueue_dma source(%dma_start3A_40 : memref<4x128xi32, #tpu.memory_space<hbm>>) target(%dma_start3A_36 : memref<4x128xi32, #tpu.memory_space<vmem>>) target_semaphore(%arg10 : memref<!tpu.dma_semaphore, #tpu.memory_space<semaphore_mem>>)
    %dma_wait3A = arith.constant 0 : i32
    %dma_wait3A_41 = arith.constant 0 : i32
    %dma_wait3A_42 = arith.constant 0 : i32
    %dma_wait3A_43 = tpu.memref_slice %arg7[%dma_wait3A, %dma_wait3A_41, %dma_wait3A_42] : memref<3x4x128xi32, #tpu.memory_space<vmem>> -> memref<1x4x128xi32, #tpu.memory_space<vmem>>
    %dma_wait3A_44 = tpu.memref_squeeze %dma_wait3A_43 : memref<1x4x128xi32, #tpu.memory_space<vmem>> -> memref<4x128xi32, #tpu.memory_space<vmem>>
    %dma_wait3A_45 = arith.constant 0 : i32
    %dma_wait3A_46 = arith.constant 0 : i32
    %dma_wait3A_47 = tpu.memref_slice %arg2[%mul3A_2, %dma_wait3A_45, %dma_wait3A_46] : memref<6256x4x128xi32, #tpu.memory_space<hbm>> -> memref<1x4x128xi32, #tpu.memory_space<hbm>>
    %dma_wait3A_48 = tpu.memref_squeeze %dma_wait3A_47 : memref<1x4x128xi32, #tpu.memory_space<hbm>> -> memref<4x128xi32, #tpu.memory_space<hbm>>
    %dma_wait3A_49 = arith.constant 0 : i32
    %dma_wait3A_50 = arith.constant 0 : i32
    %dma_wait3A_51 = tpu.memref_slice %arg7[%dma_wait3A, %dma_wait3A_49, %dma_wait3A_50] : memref<3x4x128xi32, #tpu.memory_space<vmem>> -> memref<1x4x128xi32, #tpu.memory_space<vmem>>
    %dma_wait3A_52 = tpu.memref_squeeze %dma_wait3A_51 : memref<1x4x128xi32, #tpu.memory_space<vmem>> -> memref<4x128xi32, #tpu.memory_space<vmem>>
    %dma_wait3A_53 = arith.constant 0 : i32
    %dma_wait3A_54 = arith.constant 0 : i32
    %dma_wait3A_55 = tpu.memref_slice %arg2[%mul3A_2, %dma_wait3A_53, %dma_wait3A_54] : memref<6256x4x128xi32, #tpu.memory_space<hbm>> -> memref<1x4x128xi32, #tpu.memory_space<hbm>>
    %dma_wait3A_56 = tpu.memref_squeeze %dma_wait3A_55 : memref<1x4x128xi32, #tpu.memory_space<hbm>> -> memref<4x128xi32, #tpu.memory_space<hbm>>
    tpu.wait_dma2 semaphore(%arg10 : memref<!tpu.dma_semaphore, #tpu.memory_space<semaphore_mem>>) src(%dma_wait3A_56 : memref<4x128xi32, #tpu.memory_space<hbm>>) dst(%dma_wait3A_52 : memref<4x128xi32, #tpu.memory_space<vmem>>)
    %eq3A = arith.constant 0 : i32
    %eq3A_57 = arith.cmpi eq, %arg0, %eq3A : i32
    %convert_element_type3A = arith.extui %eq3A_57 : i1 to i32
    %cond3A = arith.constant 0 : i32
    %cond3A_58 = arith.cmpi ne, %convert_element_type3A, %cond3A : i32
    scf.if %cond3A_58 {
      %dma_start3A_105 = arith.constant 0 : i32
      %dma_start3A_106 = arith.constant 1 : i32
      %dma_start3A_107 = arith.constant 0 : i32
      %dma_start3A_108 = arith.constant 0 : i32
      %dma_start3A_109 = arith.constant 0 : i32
      %dma_start3A_110 = tpu.memref_slice %arg8[%dma_start3A_107, %dma_start3A_108, %dma_start3A_109] : memref<2x128x32xf32, #tpu.memory_space<vmem>> -> memref<1x128x32xf32, #tpu.memory_space<vmem>>
      %dma_start3A_111 = tpu.memref_squeeze %dma_start3A_110 : memref<1x128x32xf32, #tpu.memory_space<vmem>> -> memref<128x32xf32, #tpu.memory_space<vmem>>
      %dma_start3A_112 = arith.constant 0 : i32
      %dma_start3A_113 = tpu.memref_slice %arg7[%dma_start3A_105, %dma_start3A_106, %dma_start3A_112] : memref<3x4x128xi32, #tpu.memory_space<vmem>> -> memref<1x1x128xi32, #tpu.memory_space<vmem>>
      %dma_start3A_114 = tpu.memref_squeeze %dma_start3A_113 : memref<1x1x128xi32, #tpu.memory_space<vmem>> -> memref<128xi32, #tpu.memory_space<vmem>>
      %dma_start3A_115 = arith.constant 0 : i32
      %dma_start3A_116 = arith.constant 0 : i32
      %dma_start3A_117 = tpu.memref_slice %arg3[%dma_start3A_115, %dma_start3A_116] : memref<100000x32xf32, #tpu.memory_space<hbm>> -> memref<100000x32xf32, #tpu.memory_space<hbm>>
      tpu.enqueue_indirect_dma source(%dma_start3A_117 : memref<100000x32xf32, #tpu.memory_space<hbm>>) target(%dma_start3A_111 : memref<128x32xf32, #tpu.memory_space<vmem>>) offsets(%dma_start3A_114 : memref<128xi32, #tpu.memory_space<vmem>>) semaphore(%arg11 : memref<!tpu.dma_semaphore, #tpu.memory_space<semaphore_mem>>)
    } else {
    }
    %eq3A_59 = arith.constant 1 : i32
    %eq3A_60 = arith.cmpi eq, %arg0, %eq3A_59 : i32
    %convert_element_type3A_61 = arith.extui %eq3A_60 : i1 to i32
    %cond3A_62 = arith.constant 0 : i32
    %cond3A_63 = arith.cmpi ne, %convert_element_type3A_61, %cond3A_62 : i32
    scf.if %cond3A_63 {
      %dma_start3A_105 = arith.constant 0 : i32
      %dma_start3A_106 = arith.constant 2 : i32
      %dma_start3A_107 = arith.constant 0 : i32
      %dma_start3A_108 = arith.constant 0 : i32
      %dma_start3A_109 = arith.constant 0 : i32
      %dma_start3A_110 = tpu.memref_slice %arg8[%dma_start3A_107, %dma_start3A_108, %dma_start3A_109] : memref<2x128x32xf32, #tpu.memory_space<vmem>> -> memref<1x128x32xf32, #tpu.memory_space<vmem>>
      %dma_start3A_111 = tpu.memref_squeeze %dma_start3A_110 : memref<1x128x32xf32, #tpu.memory_space<vmem>> -> memref<128x32xf32, #tpu.memory_space<vmem>>
      %dma_start3A_112 = arith.constant 0 : i32
      %dma_start3A_113 = tpu.memref_slice %arg7[%dma_start3A_105, %dma_start3A_106, %dma_start3A_112] : memref<3x4x128xi32, #tpu.memory_space<vmem>> -> memref<1x1x128xi32, #tpu.memory_space<vmem>>
      %dma_start3A_114 = tpu.memref_squeeze %dma_start3A_113 : memref<1x1x128xi32, #tpu.memory_space<vmem>> -> memref<128xi32, #tpu.memory_space<vmem>>
      %dma_start3A_115 = arith.constant 0 : i32
      %dma_start3A_116 = arith.constant 0 : i32
      %dma_start3A_117 = tpu.memref_slice %arg3[%dma_start3A_115, %dma_start3A_116] : memref<100000x32xf32, #tpu.memory_space<hbm>> -> memref<100000x32xf32, #tpu.memory_space<hbm>>
      tpu.enqueue_indirect_dma source(%dma_start3A_117 : memref<100000x32xf32, #tpu.memory_space<hbm>>) target(%dma_start3A_111 : memref<128x32xf32, #tpu.memory_space<vmem>>) offsets(%dma_start3A_114 : memref<128xi32, #tpu.memory_space<vmem>>) semaphore(%arg11 : memref<!tpu.dma_semaphore, #tpu.memory_space<semaphore_mem>>)
    } else {
    }
    %scan3A = arith.constant 0 : i32
    %scan3A_64 = arith.constant 0 : i32
    %scan3A_65 = arith.constant 391 : i32
    %scan3A_66 = arith.addi %scan3A_64, %scan3A_65 : i32
    %scan3A_67 = arith.constant 1 : i32
    scf.for %scan3A_105 = %scan3A_64 to %scan3A_66 step %scan3A_67  : i32 {
      %rem3A = arith.constant 2 : i32
      %rem3A_106 = arith.remsi %scan3A_105, %rem3A : i32
      %rem3A_107 = arith.constant 3 : i32
      %rem3A_108 = arith.remsi %scan3A_105, %rem3A_107 : i32
      %add3A_109 = arith.constant 1 : i32
      %add3A_110 = arith.addi %scan3A_105, %add3A_109 : i32
      %lt3A_111 = arith.constant 391 : i32
      %lt3A_112 = arith.cmpi slt, %add3A_110, %lt3A_111 : i32
      %convert_element_type3A_113 = arith.extui %lt3A_112 : i1 to i32
      %cond3A_114 = arith.constant 0 : i32
      %cond3A_115 = arith.cmpi ne, %convert_element_type3A_113, %cond3A_114 : i32
      scf.if %cond3A_115 {
        %dma_wait3A_149 = arith.constant 0 : i32
        %dma_wait3A_150 = arith.constant 0 : i32
        %dma_wait3A_151 = arith.constant 0 : i32
        %dma_wait3A_152 = tpu.memref_slice %arg7[%dma_wait3A_149, %dma_wait3A_150, %dma_wait3A_151] : memref<3x4x128xi32, #tpu.memory_space<vmem>> -> memref<1x4x128xi32, #tpu.memory_space<vmem>>
        %dma_wait3A_153 = tpu.memref_squeeze %dma_wait3A_152 : memref<1x4x128xi32, #tpu.memory_space<vmem>> -> memref<4x128xi32, #tpu.memory_space<vmem>>
        %dma_wait3A_154 = arith.constant 0 : i32
        %dma_wait3A_155 = arith.constant 0 : i32
        %dma_wait3A_156 = tpu.memref_slice %arg2[%mul3A_2, %dma_wait3A_154, %dma_wait3A_155] : memref<6256x4x128xi32, #tpu.memory_space<hbm>> -> memref<1x4x128xi32, #tpu.memory_space<hbm>>
        %dma_wait3A_157 = tpu.memref_squeeze %dma_wait3A_156 : memref<1x4x128xi32, #tpu.memory_space<hbm>> -> memref<4x128xi32, #tpu.memory_space<hbm>>
        %dma_wait3A_158 = arith.constant 0 : i32
        %dma_wait3A_159 = arith.constant 0 : i32
        %dma_wait3A_160 = tpu.memref_slice %arg7[%dma_wait3A_149, %dma_wait3A_158, %dma_wait3A_159] : memref<3x4x128xi32, #tpu.memory_space<vmem>> -> memref<1x4x128xi32, #tpu.memory_space<vmem>>
        %dma_wait3A_161 = tpu.memref_squeeze %dma_wait3A_160 : memref<1x4x128xi32, #tpu.memory_space<vmem>> -> memref<4x128xi32, #tpu.memory_space<vmem>>
        %dma_wait3A_162 = arith.constant 0 : i32
        %dma_wait3A_163 = arith.constant 0 : i32
        %dma_wait3A_164 = tpu.memref_slice %arg2[%mul3A_2, %dma_wait3A_162, %dma_wait3A_163] : memref<6256x4x128xi32, #tpu.memory_space<hbm>> -> memref<1x4x128xi32, #tpu.memory_space<hbm>>
        %dma_wait3A_165 = tpu.memref_squeeze %dma_wait3A_164 : memref<1x4x128xi32, #tpu.memory_space<hbm>> -> memref<4x128xi32, #tpu.memory_space<hbm>>
        tpu.wait_dma2 semaphore(%arg10 : memref<!tpu.dma_semaphore, #tpu.memory_space<semaphore_mem>>) src(%dma_wait3A_165 : memref<4x128xi32, #tpu.memory_space<hbm>>) dst(%dma_wait3A_161 : memref<4x128xi32, #tpu.memory_space<vmem>>)
        %ge3A = arith.constant 1 : i32
        %ge3A_166 = arith.cmpi sge, %scan3A_105, %ge3A : i32
        %convert_element_type3A_167 = arith.extui %ge3A_166 : i1 to i32
        %cond3A_168 = arith.constant 0 : i32
        %cond3A_169 = arith.cmpi ne, %convert_element_type3A_167, %cond3A_168 : i32
        scf.if %cond3A_169 {
          %dma_wait3A_188 = arith.constant 0 : i32
          %dma_wait3A_189 = arith.constant 0 : i32
          %dma_wait3A_190 = arith.constant 0 : i32
          %dma_wait3A_191 = arith.constant 0 : i32
          %dma_wait3A_192 = arith.constant 0 : i32
          %dma_wait3A_193 = tpu.memref_slice %arg8[%dma_wait3A_188, %dma_wait3A_191, %dma_wait3A_192] : memref<2x128x32xf32, #tpu.memory_space<vmem>> -> memref<1x128x32xf32, #tpu.memory_space<vmem>>
          %dma_wait3A_194 = tpu.memref_squeeze %dma_wait3A_193 : memref<1x128x32xf32, #tpu.memory_space<vmem>> -> memref<128x32xf32, #tpu.memory_space<vmem>>
          %dma_wait3A_195 = arith.constant 0 : i32
          %dma_wait3A_196 = tpu.memref_slice %arg7[%dma_wait3A_189, %dma_wait3A_190, %dma_wait3A_195] : memref<3x4x128xi32, #tpu.memory_space<vmem>> -> memref<1x1x128xi32, #tpu.memory_space<vmem>>
          %dma_wait3A_197 = tpu.memref_squeeze %dma_wait3A_196 : memref<1x1x128xi32, #tpu.memory_space<vmem>> -> memref<128xi32, #tpu.memory_space<vmem>>
          %dma_wait3A_198 = arith.constant 0 : i32
          %dma_wait3A_199 = arith.constant 0 : i32
          %dma_wait3A_200 = tpu.memref_slice %arg9[%dma_wait3A_198, %dma_wait3A_199] : memref<50048x32xf32, #tpu.memory_space<vmem_shared>> -> memref<50048x32xf32, #tpu.memory_space<vmem_shared>>
          tpu.wait_indirect_dma semaphore(%arg12 : memref<!tpu.dma_semaphore, #tpu.memory_space<semaphore_mem>>) src(%dma_wait3A_194 : memref<128x32xf32, #tpu.memory_space<vmem>>) dst(%dma_wait3A_200 : memref<50048x32xf32, #tpu.memory_space<vmem_shared>>)
        } else {
        }
        %add3A_170 = arith.constant 1 : i32
        %add3A_171 = arith.addi %scan3A_105, %add3A_170 : i32
        %rem3A_172 = arith.constant 2 : i32
        %rem3A_173 = arith.remsi %add3A_171, %rem3A_172 : i32
        %add3A_174 = arith.constant 1 : i32
        %add3A_175 = arith.addi %scan3A_105, %add3A_174 : i32
        %rem3A_176 = arith.constant 3 : i32
        %rem3A_177 = arith.remsi %add3A_175, %rem3A_176 : i32
        %eq3A_178 = arith.constant 0 : i32
        %eq3A_179 = arith.cmpi eq, %arg0, %eq3A_178 : i32
        %convert_element_type3A_180 = arith.extui %eq3A_179 : i1 to i32
        %cond3A_181 = arith.constant 0 : i32
        %cond3A_182 = arith.cmpi ne, %convert_element_type3A_180, %cond3A_181 : i32
        scf.if %cond3A_182 {
          %dma_start3A_188 = arith.constant 1 : i32
          %dma_start3A_189 = arith.constant 0 : i32
          %dma_start3A_190 = arith.constant 0 : i32
          %dma_start3A_191 = tpu.memref_slice %arg8[%rem3A_173, %dma_start3A_189, %dma_start3A_190] : memref<2x128x32xf32, #tpu.memory_space<vmem>> -> memref<1x128x32xf32, #tpu.memory_space<vmem>>
          %dma_start3A_192 = tpu.memref_squeeze %dma_start3A_191 : memref<1x128x32xf32, #tpu.memory_space<vmem>> -> memref<128x32xf32, #tpu.memory_space<vmem>>
          %dma_start3A_193 = arith.constant 0 : i32
          %dma_start3A_194 = tpu.memref_slice %arg7[%rem3A_177, %dma_start3A_188, %dma_start3A_193] : memref<3x4x128xi32, #tpu.memory_space<vmem>> -> memref<1x1x128xi32, #tpu.memory_space<vmem>>
          %dma_start3A_195 = tpu.memref_squeeze %dma_start3A_194 : memref<1x1x128xi32, #tpu.memory_space<vmem>> -> memref<128xi32, #tpu.memory_space<vmem>>
          %dma_start3A_196 = arith.constant 0 : i32
          %dma_start3A_197 = arith.constant 0 : i32
          %dma_start3A_198 = tpu.memref_slice %arg3[%dma_start3A_196, %dma_start3A_197] : memref<100000x32xf32, #tpu.memory_space<hbm>> -> memref<100000x32xf32, #tpu.memory_space<hbm>>
          tpu.enqueue_indirect_dma source(%dma_start3A_198 : memref<100000x32xf32, #tpu.memory_space<hbm>>) target(%dma_start3A_192 : memref<128x32xf32, #tpu.memory_space<vmem>>) offsets(%dma_start3A_195 : memref<128xi32, #tpu.memory_space<vmem>>) semaphore(%arg11 : memref<!tpu.dma_semaphore, #tpu.memory_space<semaphore_mem>>)
        } else {
        }
        %eq3A_183 = arith.constant 1 : i32
        %eq3A_184 = arith.cmpi eq, %arg0, %eq3A_183 : i32
        %convert_element_type3A_185 = arith.extui %eq3A_184 : i1 to i32
        %cond3A_186 = arith.constant 0 : i32
        %cond3A_187 = arith.cmpi ne, %convert_element_type3A_185, %cond3A_186 : i32
        scf.if %cond3A_187 {
          %dma_start3A_188 = arith.constant 2 : i32
          %dma_start3A_189 = arith.constant 0 : i32
          %dma_start3A_190 = arith.constant 0 : i32
          %dma_start3A_191 = tpu.memref_slice %arg8[%rem3A_173, %dma_start3A_189, %dma_start3A_190] : memref<2x128x32xf32, #tpu.memory_space<vmem>> -> memref<1x128x32xf32, #tpu.memory_space<vmem>>
          %dma_start3A_192 = tpu.memref_squeeze %dma_start3A_191 : memref<1x128x32xf32, #tpu.memory_space<vmem>> -> memref<128x32xf32, #tpu.memory_space<vmem>>
          %dma_start3A_193 = arith.constant 0 : i32
          %dma_start3A_194 = tpu.memref_slice %arg7[%rem3A_177, %dma_start3A_188, %dma_start3A_193] : memref<3x4x128xi32, #tpu.memory_space<vmem>> -> memref<1x1x128xi32, #tpu.memory_space<vmem>>
          %dma_start3A_195 = tpu.memref_squeeze %dma_start3A_194 : memref<1x1x128xi32, #tpu.memory_space<vmem>> -> memref<128xi32, #tpu.memory_space<vmem>>
          %dma_start3A_196 = arith.constant 0 : i32
          %dma_start3A_197 = arith.constant 0 : i32
          %dma_start3A_198 = tpu.memref_slice %arg3[%dma_start3A_196, %dma_start3A_197] : memref<100000x32xf32, #tpu.memory_space<hbm>> -> memref<100000x32xf32, #tpu.memory_space<hbm>>
          tpu.enqueue_indirect_dma source(%dma_start3A_198 : memref<100000x32xf32, #tpu.memory_space<hbm>>) target(%dma_start3A_192 : memref<128x32xf32, #tpu.memory_space<vmem>>) offsets(%dma_start3A_195 : memref<128xi32, #tpu.memory_space<vmem>>) semaphore(%arg11 : memref<!tpu.dma_semaphore, #tpu.memory_space<semaphore_mem>>)
        } else {
        }
      } else {
      }
      %add3A_116 = arith.constant 2 : i32
      %add3A_117 = arith.addi %scan3A_105, %add3A_116 : i32
      %lt3A_118 = arith.constant 391 : i32
      %lt3A_119 = arith.cmpi slt, %add3A_117, %lt3A_118 : i32
      %convert_element_type3A_120 = arith.extui %lt3A_119 : i1 to i32
      %cond3A_121 = arith.constant 0 : i32
      %cond3A_122 = arith.cmpi ne, %convert_element_type3A_120, %cond3A_121 : i32
      scf.if %cond3A_122 {
        %add3A_149 = arith.constant 2 : i32
        %add3A_150 = arith.addi %scan3A_105, %add3A_149 : i32
        %add3A_151 = arith.constant 2 : i32
        %add3A_152 = arith.addi %scan3A_105, %add3A_151 : i32
        %rem3A_153 = arith.constant 3 : i32
        %rem3A_154 = arith.remsi %add3A_152, %rem3A_153 : i32
        %add3A_155 = arith.addi %mul3A_2, %add3A_150 : i32
        %dma_start3A_156 = arith.constant 0 : i32
        %dma_start3A_157 = arith.constant 0 : i32
        %dma_start3A_158 = tpu.memref_slice %arg7[%rem3A_154, %dma_start3A_156, %dma_start3A_157] : memref<3x4x128xi32, #tpu.memory_space<vmem>> -> memref<1x4x128xi32, #tpu.memory_space<vmem>>
        %dma_start3A_159 = tpu.memref_squeeze %dma_start3A_158 : memref<1x4x128xi32, #tpu.memory_space<vmem>> -> memref<4x128xi32, #tpu.memory_space<vmem>>
        %dma_start3A_160 = arith.constant 0 : i32
        %dma_start3A_161 = arith.constant 0 : i32
        %dma_start3A_162 = tpu.memref_slice %arg2[%add3A_155, %dma_start3A_160, %dma_start3A_161] : memref<6256x4x128xi32, #tpu.memory_space<hbm>> -> memref<1x4x128xi32, #tpu.memory_space<hbm>>
        %dma_start3A_163 = tpu.memref_squeeze %dma_start3A_162 : memref<1x4x128xi32, #tpu.memory_space<hbm>> -> memref<4x128xi32, #tpu.memory_space<hbm>>
        %dma_start3A_164 = arith.constant 0 : i32
        %dma_start3A_165 = arith.constant 0 : i32
        %dma_start3A_166 = tpu.memref_slice %arg7[%rem3A_154, %dma_start3A_164, %dma_start3A_165] : memref<3x4x128xi32, #tpu.memory_space<vmem>> -> memref<1x4x128xi32, #tpu.memory_space<vmem>>
        %dma_start3A_167 = tpu.memref_squeeze %dma_start3A_166 : memref<1x4x128xi32, #tpu.memory_space<vmem>> -> memref<4x128xi32, #tpu.memory_space<vmem>>
        %dma_start3A_168 = arith.constant 0 : i32
        %dma_start3A_169 = arith.constant 0 : i32
        %dma_start3A_170 = tpu.memref_slice %arg2[%add3A_155, %dma_start3A_168, %dma_start3A_169] : memref<6256x4x128xi32, #tpu.memory_space<hbm>> -> memref<1x4x128xi32, #tpu.memory_space<hbm>>
        %dma_start3A_171 = tpu.memref_squeeze %dma_start3A_170 : memref<1x4x128xi32, #tpu.memory_space<hbm>> -> memref<4x128xi32, #tpu.memory_space<hbm>>
        tpu.enqueue_dma source(%dma_start3A_171 : memref<4x128xi32, #tpu.memory_space<hbm>>) target(%dma_start3A_167 : memref<4x128xi32, #tpu.memory_space<vmem>>) target_semaphore(%arg10 : memref<!tpu.dma_semaphore, #tpu.memory_space<semaphore_mem>>)
      } else {
      }
      %dma_wait3A_123 = arith.constant 0 : i32
      %dma_wait3A_124 = arith.constant 1 : i32
      %dma_wait3A_125 = arith.constant 0 : i32
      %dma_wait3A_126 = arith.constant 0 : i32
      %dma_wait3A_127 = arith.constant 0 : i32
      %dma_wait3A_128 = tpu.memref_slice %arg8[%dma_wait3A_125, %dma_wait3A_126, %dma_wait3A_127] : memref<2x128x32xf32, #tpu.memory_space<vmem>> -> memref<1x128x32xf32, #tpu.memory_space<vmem>>
      %dma_wait3A_129 = tpu.memref_squeeze %dma_wait3A_128 : memref<1x128x32xf32, #tpu.memory_space<vmem>> -> memref<128x32xf32, #tpu.memory_space<vmem>>
      %dma_wait3A_130 = arith.constant 0 : i32
      %dma_wait3A_131 = tpu.memref_slice %arg7[%dma_wait3A_123, %dma_wait3A_124, %dma_wait3A_130] : memref<3x4x128xi32, #tpu.memory_space<vmem>> -> memref<1x1x128xi32, #tpu.memory_space<vmem>>
      %dma_wait3A_132 = tpu.memref_squeeze %dma_wait3A_131 : memref<1x1x128xi32, #tpu.memory_space<vmem>> -> memref<128xi32, #tpu.memory_space<vmem>>
      %dma_wait3A_133 = arith.constant 0 : i32
      %dma_wait3A_134 = arith.constant 0 : i32
      %dma_wait3A_135 = tpu.memref_slice %arg3[%dma_wait3A_133, %dma_wait3A_134] : memref<100000x32xf32, #tpu.memory_space<hbm>> -> memref<100000x32xf32, #tpu.memory_space<hbm>>
      tpu.wait_indirect_dma semaphore(%arg11 : memref<!tpu.dma_semaphore, #tpu.memory_space<semaphore_mem>>) src(%dma_wait3A_135 : memref<100000x32xf32, #tpu.memory_space<hbm>>) dst(%dma_wait3A_129 : memref<128x32xf32, #tpu.memory_space<vmem>>)
      %parallel_loop3A = arith.constant 0 : i32
      %parallel_loop3A_136 = arith.constant 8 : i32
      %parallel_loop3A_137 = arith.constant 1 : i32
      scf.for %parallel_loop3A_149 = %parallel_loop3A to %parallel_loop3A_136 step %parallel_loop3A_137  : i32 {
        %parallel_loop3A_150 = arith.constant 16 : i32
        %parallel_loop3A_151 = arith.muli %parallel_loop3A_149, %parallel_loop3A_150 : i32
        %parallel_loop3A_152 = arith.constant 3 : i32
        %parallel_loop3A_153 = arith.index_cast %rem3A_108 : i32 to index
        %parallel_loop3A_154 = arith.index_cast %parallel_loop3A_152 : i32 to index
        %parallel_loop3A_155 = arith.index_cast %parallel_loop3A_151 : i32 to index
        %parallel_loop3A_156 = tpu.vector_load %arg7[%parallel_loop3A_153, %parallel_loop3A_154, %parallel_loop3A_155] {strides = array<i32>} : memref<3x4x128xi32, #tpu.memory_space<vmem>>, vector<16xi32>,
        %parallel_loop3A_157 = vector.bitcast %parallel_loop3A_156 : vector<16xi32> to vector<16xf32>
        %parallel_loop3A_158 = vector.extract_strided_slice %parallel_loop3A_157 {offsets = [0], sizes = [1], strides = [1]} : vector<16xf32> to vector<1xf32>
        %parallel_loop3A_159 = vector.extract %parallel_loop3A_158[0] : f32 from vector<1xf32>
        %parallel_loop3A_160 = arith.constant 16 : i32
        %parallel_loop3A_161 = arith.muli %parallel_loop3A_149, %parallel_loop3A_160 : i32
        %parallel_loop3A_162 = arith.constant 0 : i32
        %parallel_loop3A_163 = arith.addi %parallel_loop3A_161, %parallel_loop3A_162 : i32
        %parallel_loop3A_164 = arith.index_cast %rem3A_106 : i32 to index
        %parallel_loop3A_165 = arith.index_cast %parallel_loop3A_163 : i32 to index
        %parallel_loop3A_166 = arith.constant 0 : index
        %parallel_loop3A_167 = tpu.vector_load %arg8[%parallel_loop3A_164, %parallel_loop3A_165, %parallel_loop3A_166] {strides = array<i32>} : memref<2x128x32xf32, #tpu.memory_space<vmem>>, vector<16xf32>,
        %parallel_loop3A_168 = vector.broadcast %parallel_loop3A_159 : f32 to vector<16xf32>
        %parallel_loop3A_169 = arith.mulf %parallel_loop3A_167, %parallel_loop3A_168 : vector<16xf32>
        %parallel_loop3A_170 = arith.index_cast %rem3A_106 : i32 to index
        %parallel_loop3A_171 = arith.index_cast %parallel_loop3A_163 : i32 to index
        %parallel_loop3A_172 = arith.constant 0 : index
        %parallel_loop3A_173 = tpu.vector_load %arg8[%parallel_loop3A_170, %parallel_loop3A_171, %parallel_loop3A_172] {strides = array<i32>} : memref<2x128x32xf32, #tpu.memory_space<vmem>>, vector<16xf32>,
        tpu.vector_store %arg8[%parallel_loop3A_170, %parallel_loop3A_171, %parallel_loop3A_172], %parallel_loop3A_169 {strides = array<i32>} : memref<2x128x32xf32, #tpu.memory_space<vmem>>, vector<16xf32>,
        %parallel_loop3A_174 = arith.index_cast %rem3A_106 : i32 to index
        %parallel_loop3A_175 = arith.index_cast %parallel_loop3A_163 : i32 to index
        %parallel_loop3A_176 = arith.constant 16 : index
        %parallel_loop3A_177 = tpu.vector_load %arg8[%parallel_loop3A_174, %parallel_loop3A_175, %parallel_loop3A_176] {strides = array<i32>} : memref<2x128x32xf32, #tpu.memory_space<vmem>>, vector<16xf32>,
        %parallel_loop3A_178 = vector.broadcast %parallel_loop3A_159 : f32 to vector<16xf32>
        %parallel_loop3A_179 = arith.mulf %parallel_loop3A_177, %parallel_loop3A_178 : vector<16xf32>
        %parallel_loop3A_180 = arith.index_cast %rem3A_106 : i32 to index
        %parallel_loop3A_181 = arith.index_cast %parallel_loop3A_163 : i32 to index
        %parallel_loop3A_182 = arith.constant 16 : index
        %parallel_loop3A_183 = tpu.vector_load %arg8[%parallel_loop3A_180, %parallel_loop3A_181, %parallel_loop3A_182] {strides = array<i32>} : memref<2x128x32xf32, #tpu.memory_space<vmem>>, vector<16xf32>,
        tpu.vector_store %arg8[%parallel_loop3A_180, %parallel_loop3A_181, %parallel_loop3A_182], %parallel_loop3A_179 {strides = array<i32>} : memref<2x128x32xf32, #tpu.memory_space<vmem>>, vector<16xf32>,
        %parallel_loop3A_184 = vector.extract_strided_slice %parallel_loop3A_157 {offsets = [1], sizes = [1], strides = [1]} : vector<16xf32> to vector<1xf32>
        %parallel_loop3A_185 = vector.extract %parallel_loop3A_184[0] : f32 from vector<1xf32>
        %parallel_loop3A_186 = arith.constant 16 : i32
        %parallel_loop3A_187 = arith.muli %parallel_loop3A_149, %parallel_loop3A_186 : i32
        %parallel_loop3A_188 = arith.constant 1 : i32
        %parallel_loop3A_189 = arith.addi %parallel_loop3A_187, %parallel_loop3A_188 : i32
        %parallel_loop3A_190 = arith.index_cast %rem3A_106 : i32 to index
        %parallel_loop3A_191 = arith.index_cast %parallel_loop3A_189 : i32 to index
        %parallel_loop3A_192 = arith.constant 0 : index
        %parallel_loop3A_193 = tpu.vector_load %arg8[%parallel_loop3A_190, %parallel_loop3A_191, %parallel_loop3A_192] {strides = array<i32>} : memref<2x128x32xf32, #tpu.memory_space<vmem>>, vector<16xf32>,
        %parallel_loop3A_194 = vector.broadcast %parallel_loop3A_185 : f32 to vector<16xf32>
        %parallel_loop3A_195 = arith.mulf %parallel_loop3A_193, %parallel_loop3A_194 : vector<16xf32>
        %parallel_loop3A_196 = arith.index_cast %rem3A_106 : i32 to index
        %parallel_loop3A_197 = arith.index_cast %parallel_loop3A_189 : i32 to index
        %parallel_loop3A_198 = arith.constant 0 : index
        %parallel_loop3A_199 = tpu.vector_load %arg8[%parallel_loop3A_196, %parallel_loop3A_197, %parallel_loop3A_198] {strides = array<i32>} : memref<2x128x32xf32, #tpu.memory_space<vmem>>, vector<16xf32>,
        tpu.vector_store %arg8[%parallel_loop3A_196, %parallel_loop3A_197, %parallel_loop3A_198], %parallel_loop3A_195 {strides = array<i32>} : memref<2x128x32xf32, #tpu.memory_space<vmem>>, vector<16xf32>,
        %parallel_loop3A_200 = arith.index_cast %rem3A_106 : i32 to index
        %parallel_loop3A_201 = arith.index_cast %parallel_loop3A_189 : i32 to index
        %parallel_loop3A_202 = arith.constant 16 : index
        %parallel_loop3A_203 = tpu.vector_load %arg8[%parallel_loop3A_200, %parallel_loop3A_201, %parallel_loop3A_202] {strides = array<i32>} : memref<2x128x32xf32, #tpu.memory_space<vmem>>, vector<16xf32>,
        %parallel_loop3A_204 = vector.broadcast %parallel_loop3A_185 : f32 to vector<16xf32>
        %parallel_loop3A_205 = arith.mulf %parallel_loop3A_203, %parallel_loop3A_204 : vector<16xf32>
        %parallel_loop3A_206 = arith.index_cast %rem3A_106 : i32 to index
        %parallel_loop3A_207 = arith.index_cast %parallel_loop3A_189 : i32 to index
        %parallel_loop3A_208 = arith.constant 16 : index
        %parallel_loop3A_209 = tpu.vector_load %arg8[%parallel_loop3A_206, %parallel_loop3A_207, %parallel_loop3A_208] {strides = array<i32>} : memref<2x128x32xf32, #tpu.memory_space<vmem>>, vector<16xf32>,
        tpu.vector_store %arg8[%parallel_loop3A_206, %parallel_loop3A_207, %parallel_loop3A_208], %parallel_loop3A_205 {strides = array<i32>} : memref<2x128x32xf32, #tpu.memory_space<vmem>>, vector<16xf32>,
        %parallel_loop3A_210 = vector.extract_strided_slice %parallel_loop3A_157 {offsets = [2], sizes = [1], strides = [1]} : vector<16xf32> to vector<1xf32>
        %parallel_loop3A_211 = vector.extract %parallel_loop3A_210[0] : f32 from vector<1xf32>
        %parallel_loop3A_212 = arith.constant 16 : i32
        %parallel_loop3A_213 = arith.muli %parallel_loop3A_149, %parallel_loop3A_212 : i32
        %parallel_loop3A_214 = arith.constant 2 : i32
        %parallel_loop3A_215 = arith.addi %parallel_loop3A_213, %parallel_loop3A_214 : i32
        %parallel_loop3A_216 = arith.index_cast %rem3A_106 : i32 to index
        %parallel_loop3A_217 = arith.index_cast %parallel_loop3A_215 : i32 to index
        %parallel_loop3A_218 = arith.constant 0 : index
        %parallel_loop3A_219 = tpu.vector_load %arg8[%parallel_loop3A_216, %parallel_loop3A_217, %parallel_loop3A_218] {strides = array<i32>} : memref<2x128x32xf32, #tpu.memory_space<vmem>>, vector<16xf32>,
        %parallel_loop3A_220 = vector.broadcast %parallel_loop3A_211 : f32 to vector<16xf32>
        %parallel_loop3A_221 = arith.mulf %parallel_loop3A_219, %parallel_loop3A_220 : vector<16xf32>
        %parallel_loop3A_222 = arith.index_cast %rem3A_106 : i32 to index
        %parallel_loop3A_223 = arith.index_cast %parallel_loop3A_215 : i32 to index
        %parallel_loop3A_224 = arith.constant 0 : index
        %parallel_loop3A_225 = tpu.vector_load %arg8[%parallel_loop3A_222, %parallel_loop3A_223, %parallel_loop3A_224] {strides = array<i32>} : memref<2x128x32xf32, #tpu.memory_space<vmem>>, vector<16xf32>,
        tpu.vector_store %arg8[%parallel_loop3A_222, %parallel_loop3A_223, %parallel_loop3A_224], %parallel_loop3A_221 {strides = array<i32>} : memref<2x128x32xf32, #tpu.memory_space<vmem>>, vector<16xf32>,
        %parallel_loop3A_226 = arith.index_cast %rem3A_106 : i32 to index
        %parallel_loop3A_227 = arith.index_cast %parallel_loop3A_215 : i32 to index
        %parallel_loop3A_228 = arith.constant 16 : index
        %parallel_loop3A_229 = tpu.vector_load %arg8[%parallel_loop3A_226, %parallel_loop3A_227, %parallel_loop3A_228] {strides = array<i32>} : memref<2x128x32xf32, #tpu.memory_space<vmem>>, vector<16xf32>,
        %parallel_loop3A_230 = vector.broadcast %parallel_loop3A_211 : f32 to vector<16xf32>
        %parallel_loop3A_231 = arith.mulf %parallel_loop3A_229, %parallel_loop3A_230 : vector<16xf32>
        %parallel_loop3A_232 = arith.index_cast %rem3A_106 : i32 to index
        %parallel_loop3A_233 = arith.index_cast %parallel_loop3A_215 : i32 to index
        %parallel_loop3A_234 = arith.constant 16 : index
        %parallel_loop3A_235 = tpu.vector_load %arg8[%parallel_loop3A_232, %parallel_loop3A_233, %parallel_loop3A_234] {strides = array<i32>} : memref<2x128x32xf32, #tpu.memory_space<vmem>>, vector<16xf32>,
        tpu.vector_store %arg8[%parallel_loop3A_232, %parallel_loop3A_233, %parallel_loop3A_234], %parallel_loop3A_231 {strides = array<i32>} : memref<2x128x32xf32, #tpu.memory_space<vmem>>, vector<16xf32>,
        %parallel_loop3A_236 = vector.extract_strided_slice %parallel_loop3A_157 {offsets = [3], sizes = [1], strides = [1]} : vector<16xf32> to vector<1xf32>
        %parallel_loop3A_237 = vector.extract %parallel_loop3A_236[0] : f32 from vector<1xf32>
        %parallel_loop3A_238 = arith.constant 16 : i32
        %parallel_loop3A_239 = arith.muli %parallel_loop3A_149, %parallel_loop3A_238 : i32
        %parallel_loop3A_240 = arith.constant 3 : i32
        %parallel_loop3A_241 = arith.addi %parallel_loop3A_239, %parallel_loop3A_240 : i32
        %parallel_loop3A_242 = arith.index_cast %rem3A_106 : i32 to index
        %parallel_loop3A_243 = arith.index_cast %parallel_loop3A_241 : i32 to index
        %parallel_loop3A_244 = arith.constant 0 : index
        %parallel_loop3A_245 = tpu.vector_load %arg8[%parallel_loop3A_242, %parallel_loop3A_243, %parallel_loop3A_244] {strides = array<i32>} : memref<2x128x32xf32, #tpu.memory_space<vmem>>, vector<16xf32>,
        %parallel_loop3A_246 = vector.broadcast %parallel_loop3A_237 : f32 to vector<16xf32>
        %parallel_loop3A_247 = arith.mulf %parallel_loop3A_245, %parallel_loop3A_246 : vector<16xf32>
        %parallel_loop3A_248 = arith.index_cast %rem3A_106 : i32 to index
        %parallel_loop3A_249 = arith.index_cast %parallel_loop3A_241 : i32 to index
        %parallel_loop3A_250 = arith.constant 0 : index
        %parallel_loop3A_251 = tpu.vector_load %arg8[%parallel_loop3A_248, %parallel_loop3A_249, %parallel_loop3A_250] {strides = array<i32>} : memref<2x128x32xf32, #tpu.memory_space<vmem>>, vector<16xf32>,
        tpu.vector_store %arg8[%parallel_loop3A_248, %parallel_loop3A_249, %parallel_loop3A_250], %parallel_loop3A_247 {strides = array<i32>} : memref<2x128x32xf32, #tpu.memory_space<vmem>>, vector<16xf32>,
        %parallel_loop3A_252 = arith.index_cast %rem3A_106 : i32 to index
        %parallel_loop3A_253 = arith.index_cast %parallel_loop3A_241 : i32 to index
        %parallel_loop3A_254 = arith.constant 16 : index
        %parallel_loop3A_255 = tpu.vector_load %arg8[%parallel_loop3A_252, %parallel_loop3A_253, %parallel_loop3A_254] {strides = array<i32>} : memref<2x128x32xf32, #tpu.memory_space<vmem>>, vector<16xf32>,
        %parallel_loop3A_256 = vector.broadcast %parallel_loop3A_237 : f32 to vector<16xf32>
        %parallel_loop3A_257 = arith.mulf %parallel_loop3A_255, %parallel_loop3A_256 : vector<16xf32>
        %parallel_loop3A_258 = arith.index_cast %rem3A_106 : i32 to index
        %parallel_loop3A_259 = arith.index_cast %parallel_loop3A_241 : i32 to index
        %parallel_loop3A_260 = arith.constant 16 : index
        %parallel_loop3A_261 = tpu.vector_load %arg8[%parallel_loop3A_258, %parallel_loop3A_259, %parallel_loop3A_260] {strides = array<i32>} : memref<2x128x32xf32, #tpu.memory_space<vmem>>, vector<16xf32>,
        tpu.vector_store %arg8[%parallel_loop3A_258, %parallel_loop3A_259, %parallel_loop3A_260], %parallel_loop3A_257 {strides = array<i32>} : memref<2x128x32xf32, #tpu.memory_space<vmem>>, vector<16xf32>,
        %parallel_loop3A_262 = vector.extract_strided_slice %parallel_loop3A_157 {offsets = [4], sizes = [1], strides = [1]} : vector<16xf32> to vector<1xf32>
        %parallel_loop3A_263 = vector.extract %parallel_loop3A_262[0] : f32 from vector<1xf32>
        %parallel_loop3A_264 = arith.constant 16 : i32
        %parallel_loop3A_265 = arith.muli %parallel_loop3A_149, %parallel_loop3A_264 : i32
        %parallel_loop3A_266 = arith.constant 4 : i32
        %parallel_loop3A_267 = arith.addi %parallel_loop3A_265, %parallel_loop3A_266 : i32
        %parallel_loop3A_268 = arith.index_cast %rem3A_106 : i32 to index
        %parallel_loop3A_269 = arith.index_cast %parallel_loop3A_267 : i32 to index
        %parallel_loop3A_270 = arith.constant 0 : index
        %parallel_loop3A_271 = tpu.vector_load %arg8[%parallel_loop3A_268, %parallel_loop3A_269, %parallel_loop3A_270] {strides = array<i32>} : memref<2x128x32xf32, #tpu.memory_space<vmem>>, vector<16xf32>,
        %parallel_loop3A_272 = vector.broadcast %parallel_loop3A_263 : f32 to vector<16xf32>
        %parallel_loop3A_273 = arith.mulf %parallel_loop3A_271, %parallel_loop3A_272 : vector<16xf32>
        %parallel_loop3A_274 = arith.index_cast %rem3A_106 : i32 to index
        %parallel_loop3A_275 = arith.index_cast %parallel_loop3A_267 : i32 to index
        %parallel_loop3A_276 = arith.constant 0 : index
        %parallel_loop3A_277 = tpu.vector_load %arg8[%parallel_loop3A_274, %parallel_loop3A_275, %parallel_loop3A_276] {strides = array<i32>} : memref<2x128x32xf32, #tpu.memory_space<vmem>>, vector<16xf32>,
        tpu.vector_store %arg8[%parallel_loop3A_274, %parallel_loop3A_275, %parallel_loop3A_276], %parallel_loop3A_273 {strides = array<i32>} : memref<2x128x32xf32, #tpu.memory_space<vmem>>, vector<16xf32>,
        %parallel_loop3A_278 = arith.index_cast %rem3A_106 : i32 to index
        %parallel_loop3A_279 = arith.index_cast %parallel_loop3A_267 : i32 to index
        %parallel_loop3A_280 = arith.constant 16 : index
        %parallel_loop3A_281 = tpu.vector_load %arg8[%parallel_loop3A_278, %parallel_loop3A_279, %parallel_loop3A_280] {strides = array<i32>} : memref<2x128x32xf32, #tpu.memory_space<vmem>>, vector<16xf32>,
        %parallel_loop3A_282 = vector.broadcast %parallel_loop3A_263 : f32 to vector<16xf32>
        %parallel_loop3A_283 = arith.mulf %parallel_loop3A_281, %parallel_loop3A_282 : vector<16xf32>
        %parallel_loop3A_284 = arith.index_cast %rem3A_106 : i32 to index
        %parallel_loop3A_285 = arith.index_cast %parallel_loop3A_267 : i32 to index
        %parallel_loop3A_286 = arith.constant 16 : index
        %parallel_loop3A_287 = tpu.vector_load %arg8[%parallel_loop3A_284, %parallel_loop3A_285, %parallel_loop3A_286] {strides = array<i32>} : memref<2x128x32xf32, #tpu.memory_space<vmem>>, vector<16xf32>,
        tpu.vector_store %arg8[%parallel_loop3A_284, %parallel_loop3A_285, %parallel_loop3A_286], %parallel_loop3A_283 {strides = array<i32>} : memref<2x128x32xf32, #tpu.memory_space<vmem>>, vector<16xf32>,
        %parallel_loop3A_288 = vector.extract_strided_slice %parallel_loop3A_157 {offsets = [5], sizes = [1], strides = [1]} : vector<16xf32> to vector<1xf32>
        %parallel_loop3A_289 = vector.extract %parallel_loop3A_288[0] : f32 from vector<1xf32>
        %parallel_loop3A_290 = arith.constant 16 : i32
        %parallel_loop3A_291 = arith.muli %parallel_loop3A_149, %parallel_loop3A_290 : i32
        %parallel_loop3A_292 = arith.constant 5 : i32
        %parallel_loop3A_293 = arith.addi %parallel_loop3A_291, %parallel_loop3A_292 : i32
        %parallel_loop3A_294 = arith.index_cast %rem3A_106 : i32 to index
        %parallel_loop3A_295 = arith.index_cast %parallel_loop3A_293 : i32 to index
        %parallel_loop3A_296 = arith.constant 0 : index
        %parallel_loop3A_297 = tpu.vector_load %arg8[%parallel_loop3A_294, %parallel_loop3A_295, %parallel_loop3A_296] {strides = array<i32>} : memref<2x128x32xf32, #tpu.memory_space<vmem>>, vector<16xf32>,
        %parallel_loop3A_298 = vector.broadcast %parallel_loop3A_289 : f32 to vector<16xf32>
        %parallel_loop3A_299 = arith.mulf %parallel_loop3A_297, %parallel_loop3A_298 : vector<16xf32>
        %parallel_loop3A_300 = arith.index_cast %rem3A_106 : i32 to index
        %parallel_loop3A_301 = arith.index_cast %parallel_loop3A_293 : i32 to index
        %parallel_loop3A_302 = arith.constant 0 : index
        %parallel_loop3A_303 = tpu.vector_load %arg8[%parallel_loop3A_300, %parallel_loop3A_301, %parallel_loop3A_302] {strides = array<i32>} : memref<2x128x32xf32, #tpu.memory_space<vmem>>, vector<16xf32>,
        tpu.vector_store %arg8[%parallel_loop3A_300, %parallel_loop3A_301, %parallel_loop3A_302], %parallel_loop3A_299 {strides = array<i32>} : memref<2x128x32xf32, #tpu.memory_space<vmem>>, vector<16xf32>,
        %parallel_loop3A_304 = arith.index_cast %rem3A_106 : i32 to index
        %parallel_loop3A_305 = arith.index_cast %parallel_loop3A_293 : i32 to index
        %parallel_loop3A_306 = arith.constant 16 : index
        %parallel_loop3A_307 = tpu.vector_load %arg8[%parallel_loop3A_304, %parallel_loop3A_305, %parallel_loop3A_306] {strides = array<i32>} : memref<2x128x32xf32, #tpu.memory_space<vmem>>, vector<16xf32>,
        %parallel_loop3A_308 = vector.broadcast %parallel_loop3A_289 : f32 to vector<16xf32>
        %parallel_loop3A_309 = arith.mulf %parallel_loop3A_307, %parallel_loop3A_308 : vector<16xf32>
        %parallel_loop3A_310 = arith.index_cast %rem3A_106 : i32 to index
        %parallel_loop3A_311 = arith.index_cast %parallel_loop3A_293 : i32 to index
        %parallel_loop3A_312 = arith.constant 16 : index
        %parallel_loop3A_313 = tpu.vector_load %arg8[%parallel_loop3A_310, %parallel_loop3A_311, %parallel_loop3A_312] {strides = array<i32>} : memref<2x128x32xf32, #tpu.memory_space<vmem>>, vector<16xf32>,
        tpu.vector_store %arg8[%parallel_loop3A_310, %parallel_loop3A_311, %parallel_loop3A_312], %parallel_loop3A_309 {strides = array<i32>} : memref<2x128x32xf32, #tpu.memory_space<vmem>>, vector<16xf32>,
        %parallel_loop3A_314 = vector.extract_strided_slice %parallel_loop3A_157 {offsets = [6], sizes = [1], strides = [1]} : vector<16xf32> to vector<1xf32>
        %parallel_loop3A_315 = vector.extract %parallel_loop3A_314[0] : f32 from vector<1xf32>
        %parallel_loop3A_316 = arith.constant 16 : i32
        %parallel_loop3A_317 = arith.muli %parallel_loop3A_149, %parallel_loop3A_316 : i32
        %parallel_loop3A_318 = arith.constant 6 : i32
        %parallel_loop3A_319 = arith.addi %parallel_loop3A_317, %parallel_loop3A_318 : i32
        %parallel_loop3A_320 = arith.index_cast %rem3A_106 : i32 to index
        %parallel_loop3A_321 = arith.index_cast %parallel_loop3A_319 : i32 to index
        %parallel_loop3A_322 = arith.constant 0 : index
        %parallel_loop3A_323 = tpu.vector_load %arg8[%parallel_loop3A_320, %parallel_loop3A_321, %parallel_loop3A_322] {strides = array<i32>} : memref<2x128x32xf32, #tpu.memory_space<vmem>>, vector<16xf32>,
        %parallel_loop3A_324 = vector.broadcast %parallel_loop3A_315 : f32 to vector<16xf32>
        %parallel_loop3A_325 = arith.mulf %parallel_loop3A_323, %parallel_loop3A_324 : vector<16xf32>
        %parallel_loop3A_326 = arith.index_cast %rem3A_106 : i32 to index
        %parallel_loop3A_327 = arith.index_cast %parallel_loop3A_319 : i32 to index
        %parallel_loop3A_328 = arith.constant 0 : index
        %parallel_loop3A_329 = tpu.vector_load %arg8[%parallel_loop3A_326, %parallel_loop3A_327, %parallel_loop3A_328] {strides = array<i32>} : memref<2x128x32xf32, #tpu.memory_space<vmem>>, vector<16xf32>,
        tpu.vector_store %arg8[%parallel_loop3A_326, %parallel_loop3A_327, %parallel_loop3A_328], %parallel_loop3A_325 {strides = array<i32>} : memref<2x128x32xf32, #tpu.memory_space<vmem>>, vector<16xf32>,
        %parallel_loop3A_330 = arith.index_cast %rem3A_106 : i32 to index
        %parallel_loop3A_331 = arith.index_cast %parallel_loop3A_319 : i32 to index
        %parallel_loop3A_332 = arith.constant 16 : index
        %parallel_loop3A_333 = tpu.vector_load %arg8[%parallel_loop3A_330, %parallel_loop3A_331, %parallel_loop3A_332] {strides = array<i32>} : memref<2x128x32xf32, #tpu.memory_space<vmem>>, vector<16xf32>,
        %parallel_loop3A_334 = vector.broadcast %parallel_loop3A_315 : f32 to vector<16xf32>
        %parallel_loop3A_335 = arith.mulf %parallel_loop3A_333, %parallel_loop3A_334 : vector<16xf32>
        %parallel_loop3A_336 = arith.index_cast %rem3A_106 : i32 to index
        %parallel_loop3A_337 = arith.index_cast %parallel_loop3A_319 : i32 to index
        %parallel_loop3A_338 = arith.constant 16 : index
        %parallel_loop3A_339 = tpu.vector_load %arg8[%parallel_loop3A_336, %parallel_loop3A_337, %parallel_loop3A_338] {strides = array<i32>} : memref<2x128x32xf32, #tpu.memory_space<vmem>>, vector<16xf32>,
        tpu.vector_store %arg8[%parallel_loop3A_336, %parallel_loop3A_337, %parallel_loop3A_338], %parallel_loop3A_335 {strides = array<i32>} : memref<2x128x32xf32, #tpu.memory_space<vmem>>, vector<16xf32>,
        %parallel_loop3A_340 = vector.extract_strided_slice %parallel_loop3A_157 {offsets = [7], sizes = [1], strides = [1]} : vector<16xf32> to vector<1xf32>
        %parallel_loop3A_341 = vector.extract %parallel_loop3A_340[0] : f32 from vector<1xf32>
        %parallel_loop3A_342 = arith.constant 16 : i32
        %parallel_loop3A_343 = arith.muli %parallel_loop3A_149, %parallel_loop3A_342 : i32
        %parallel_loop3A_344 = arith.constant 7 : i32
        %parallel_loop3A_345 = arith.addi %parallel_loop3A_343, %parallel_loop3A_344 : i32
        %parallel_loop3A_346 = arith.index_cast %rem3A_106 : i32 to index
        %parallel_loop3A_347 = arith.index_cast %parallel_loop3A_345 : i32 to index
        %parallel_loop3A_348 = arith.constant 0 : index
        %parallel_loop3A_349 = tpu.vector_load %arg8[%parallel_loop3A_346, %parallel_loop3A_347, %parallel_loop3A_348] {strides = array<i32>} : memref<2x128x32xf32, #tpu.memory_space<vmem>>, vector<16xf32>,
        %parallel_loop3A_350 = vector.broadcast %parallel_loop3A_341 : f32 to vector<16xf32>
        %parallel_loop3A_351 = arith.mulf %parallel_loop3A_349, %parallel_loop3A_350 : vector<16xf32>
        %parallel_loop3A_352 = arith.index_cast %rem3A_106 : i32 to index
        %parallel_loop3A_353 = arith.index_cast %parallel_loop3A_345 : i32 to index
        %parallel_loop3A_354 = arith.constant 0 : index
        %parallel_loop3A_355 = tpu.vector_load %arg8[%parallel_loop3A_352, %parallel_loop3A_353, %parallel_loop3A_354] {strides = array<i32>} : memref<2x128x32xf32, #tpu.memory_space<vmem>>, vector<16xf32>,
        tpu.vector_store %arg8[%parallel_loop3A_352, %parallel_loop3A_353, %parallel_loop3A_354], %parallel_loop3A_351 {strides = array<i32>} : memref<2x128x32xf32, #tpu.memory_space<vmem>>, vector<16xf32>,
        %parallel_loop3A_356 = arith.index_cast %rem3A_106 : i32 to index
        %parallel_loop3A_357 = arith.index_cast %parallel_loop3A_345 : i32 to index
        %parallel_loop3A_358 = arith.constant 16 : index
        %parallel_loop3A_359 = tpu.vector_load %arg8[%parallel_loop3A_356, %parallel_loop3A_357, %parallel_loop3A_358] {strides = array<i32>} : memref<2x128x32xf32, #tpu.memory_space<vmem>>, vector<16xf32>,
        %parallel_loop3A_360 = vector.broadcast %parallel_loop3A_341 : f32 to vector<16xf32>
        %parallel_loop3A_361 = arith.mulf %parallel_loop3A_359, %parallel_loop3A_360 : vector<16xf32>
        %parallel_loop3A_362 = arith.index_cast %rem3A_106 : i32 to index
        %parallel_loop3A_363 = arith.index_cast %parallel_loop3A_345 : i32 to index
        %parallel_loop3A_364 = arith.constant 16 : index
        %parallel_loop3A_365 = tpu.vector_load %arg8[%parallel_loop3A_362, %parallel_loop3A_363, %parallel_loop3A_364] {strides = array<i32>} : memref<2x128x32xf32, #tpu.memory_space<vmem>>, vector<16xf32>,
        tpu.vector_store %arg8[%parallel_loop3A_362, %parallel_loop3A_363, %parallel_loop3A_364], %parallel_loop3A_361 {strides = array<i32>} : memref<2x128x32xf32, #tpu.memory_space<vmem>>, vector<16xf32>,
        %parallel_loop3A_366 = vector.extract_strided_slice %parallel_loop3A_157 {offsets = [8], sizes = [1], strides = [1]} : vector<16xf32> to vector<1xf32>
        %parallel_loop3A_367 = vector.extract %parallel_loop3A_366[0] : f32 from vector<1xf32>
        %parallel_loop3A_368 = arith.constant 16 : i32
        %parallel_loop3A_369 = arith.muli %parallel_loop3A_149, %parallel_loop3A_368 : i32
        %parallel_loop3A_370 = arith.constant 8 : i32
        %parallel_loop3A_371 = arith.addi %parallel_loop3A_369, %parallel_loop3A_370 : i32
        %parallel_loop3A_372 = arith.index_cast %rem3A_106 : i32 to index
        %parallel_loop3A_373 = arith.index_cast %parallel_loop3A_371 : i32 to index
        %parallel_loop3A_374 = arith.constant 0 : index
        %parallel_loop3A_375 = tpu.vector_load %arg8[%parallel_loop3A_372, %parallel_loop3A_373, %parallel_loop3A_374] {strides = array<i32>} : memref<2x128x32xf32, #tpu.memory_space<vmem>>, vector<16xf32>,
        %parallel_loop3A_376 = vector.broadcast %parallel_loop3A_367 : f32 to vector<16xf32>
        %parallel_loop3A_377 = arith.mulf %parallel_loop3A_375, %parallel_loop3A_376 : vector<16xf32>
        %parallel_loop3A_378 = arith.index_cast %rem3A_106 : i32 to index
        %parallel_loop3A_379 = arith.index_cast %parallel_loop3A_371 : i32 to index
        %parallel_loop3A_380 = arith.constant 0 : index
        %parallel_loop3A_381 = tpu.vector_load %arg8[%parallel_loop3A_378, %parallel_loop3A_379, %parallel_loop3A_380] {strides = array<i32>} : memref<2x128x32xf32, #tpu.memory_space<vmem>>, vector<16xf32>,
        tpu.vector_store %arg8[%parallel_loop3A_378, %parallel_loop3A_379, %parallel_loop3A_380], %parallel_loop3A_377 {strides = array<i32>} : memref<2x128x32xf32, #tpu.memory_space<vmem>>, vector<16xf32>,
        %parallel_loop3A_382 = arith.index_cast %rem3A_106 : i32 to index
        %parallel_loop3A_383 = arith.index_cast %parallel_loop3A_371 : i32 to index
        %parallel_loop3A_384 = arith.constant 16 : index
        %parallel_loop3A_385 = tpu.vector_load %arg8[%parallel_loop3A_382, %parallel_loop3A_383, %parallel_loop3A_384] {strides = array<i32>} : memref<2x128x32xf32, #tpu.memory_space<vmem>>, vector<16xf32>,
        %parallel_loop3A_386 = vector.broadcast %parallel_loop3A_367 : f32 to vector<16xf32>
        %parallel_loop3A_387 = arith.mulf %parallel_loop3A_385, %parallel_loop3A_386 : vector<16xf32>
        %parallel_loop3A_388 = arith.index_cast %rem3A_106 : i32 to index
        %parallel_loop3A_389 = arith.index_cast %parallel_loop3A_371 : i32 to index
        %parallel_loop3A_390 = arith.constant 16 : index
        %parallel_loop3A_391 = tpu.vector_load %arg8[%parallel_loop3A_388, %parallel_loop3A_389, %parallel_loop3A_390] {strides = array<i32>} : memref<2x128x32xf32, #tpu.memory_space<vmem>>, vector<16xf32>,
        tpu.vector_store %arg8[%parallel_loop3A_388, %parallel_loop3A_389, %parallel_loop3A_390], %parallel_loop3A_387 {strides = array<i32>} : memref<2x128x32xf32, #tpu.memory_space<vmem>>, vector<16xf32>,
        %parallel_loop3A_392 = vector.extract_strided_slice %parallel_loop3A_157 {offsets = [9], sizes = [1], strides = [1]} : vector<16xf32> to vector<1xf32>
        %parallel_loop3A_393 = vector.extract %parallel_loop3A_392[0] : f32 from vector<1xf32>
        %parallel_loop3A_394 = arith.constant 16 : i32
        %parallel_loop3A_395 = arith.muli %parallel_loop3A_149, %parallel_loop3A_394 : i32
        %parallel_loop3A_396 = arith.constant 9 : i32
        %parallel_loop3A_397 = arith.addi %parallel_loop3A_395, %parallel_loop3A_396 : i32
        %parallel_loop3A_398 = arith.index_cast %rem3A_106 : i32 to index
        %parallel_loop3A_399 = arith.index_cast %parallel_loop3A_397 : i32 to index
        %parallel_loop3A_400 = arith.constant 0 : index
        %parallel_loop3A_401 = tpu.vector_load %arg8[%parallel_loop3A_398, %parallel_loop3A_399, %parallel_loop3A_400] {strides = array<i32>} : memref<2x128x32xf32, #tpu.memory_space<vmem>>, vector<16xf32>,
        %parallel_loop3A_402 = vector.broadcast %parallel_loop3A_393 : f32 to vector<16xf32>
        %parallel_loop3A_403 = arith.mulf %parallel_loop3A_401, %parallel_loop3A_402 : vector<16xf32>
        %parallel_loop3A_404 = arith.index_cast %rem3A_106 : i32 to index
        %parallel_loop3A_405 = arith.index_cast %parallel_loop3A_397 : i32 to index
        %parallel_loop3A_406 = arith.constant 0 : index
        %parallel_loop3A_407 = tpu.vector_load %arg8[%parallel_loop3A_404, %parallel_loop3A_405, %parallel_loop3A_406] {strides = array<i32>} : memref<2x128x32xf32, #tpu.memory_space<vmem>>, vector<16xf32>,
        tpu.vector_store %arg8[%parallel_loop3A_404, %parallel_loop3A_405, %parallel_loop3A_406], %parallel_loop3A_403 {strides = array<i32>} : memref<2x128x32xf32, #tpu.memory_space<vmem>>, vector<16xf32>,
        %parallel_loop3A_408 = arith.index_cast %rem3A_106 : i32 to index
        %parallel_loop3A_409 = arith.index_cast %parallel_loop3A_397 : i32 to index
        %parallel_loop3A_410 = arith.constant 16 : index
        %parallel_loop3A_411 = tpu.vector_load %arg8[%parallel_loop3A_408, %parallel_loop3A_409, %parallel_loop3A_410] {strides = array<i32>} : memref<2x128x32xf32, #tpu.memory_space<vmem>>, vector<16xf32>,
        %parallel_loop3A_412 = vector.broadcast %parallel_loop3A_393 : f32 to vector<16xf32>
        %parallel_loop3A_413 = arith.mulf %parallel_loop3A_411, %parallel_loop3A_412 : vector<16xf32>
        %parallel_loop3A_414 = arith.index_cast %rem3A_106 : i32 to index
        %parallel_loop3A_415 = arith.index_cast %parallel_loop3A_397 : i32 to index
        %parallel_loop3A_416 = arith.constant 16 : index
        %parallel_loop3A_417 = tpu.vector_load %arg8[%parallel_loop3A_414, %parallel_loop3A_415, %parallel_loop3A_416] {strides = array<i32>} : memref<2x128x32xf32, #tpu.memory_space<vmem>>, vector<16xf32>,
        tpu.vector_store %arg8[%parallel_loop3A_414, %parallel_loop3A_415, %parallel_loop3A_416], %parallel_loop3A_413 {strides = array<i32>} : memref<2x128x32xf32, #tpu.memory_space<vmem>>, vector<16xf32>,
        %parallel_loop3A_418 = vector.extract_strided_slice %parallel_loop3A_157 {offsets = [10], sizes = [1], strides = [1]} : vector<16xf32> to vector<1xf32>
        %parallel_loop3A_419 = vector.extract %parallel_loop3A_418[0] : f32 from vector<1xf32>
        %parallel_loop3A_420 = arith.constant 16 : i32
        %parallel_loop3A_421 = arith.muli %parallel_loop3A_149, %parallel_loop3A_420 : i32
        %parallel_loop3A_422 = arith.constant 10 : i32
        %parallel_loop3A_423 = arith.addi %parallel_loop3A_421, %parallel_loop3A_422 : i32
        %parallel_loop3A_424 = arith.index_cast %rem3A_106 : i32 to index
        %parallel_loop3A_425 = arith.index_cast %parallel_loop3A_423 : i32 to index
        %parallel_loop3A_426 = arith.constant 0 : index
        %parallel_loop3A_427 = tpu.vector_load %arg8[%parallel_loop3A_424, %parallel_loop3A_425, %parallel_loop3A_426] {strides = array<i32>} : memref<2x128x32xf32, #tpu.memory_space<vmem>>, vector<16xf32>,
        %parallel_loop3A_428 = vector.broadcast %parallel_loop3A_419 : f32 to vector<16xf32>
        %parallel_loop3A_429 = arith.mulf %parallel_loop3A_427, %parallel_loop3A_428 : vector<16xf32>
        %parallel_loop3A_430 = arith.index_cast %rem3A_106 : i32 to index
        %parallel_loop3A_431 = arith.index_cast %parallel_loop3A_423 : i32 to index
        %parallel_loop3A_432 = arith.constant 0 : index
        %parallel_loop3A_433 = tpu.vector_load %arg8[%parallel_loop3A_430, %parallel_loop3A_431, %parallel_loop3A_432] {strides = array<i32>} : memref<2x128x32xf32, #tpu.memory_space<vmem>>, vector<16xf32>,
        tpu.vector_store %arg8[%parallel_loop3A_430, %parallel_loop3A_431, %parallel_loop3A_432], %parallel_loop3A_429 {strides = array<i32>} : memref<2x128x32xf32, #tpu.memory_space<vmem>>, vector<16xf32>,
        %parallel_loop3A_434 = arith.index_cast %rem3A_106 : i32 to index
        %parallel_loop3A_435 = arith.index_cast %parallel_loop3A_423 : i32 to index
        %parallel_loop3A_436 = arith.constant 16 : index
        %parallel_loop3A_437 = tpu.vector_load %arg8[%parallel_loop3A_434, %parallel_loop3A_435, %parallel_loop3A_436] {strides = array<i32>} : memref<2x128x32xf32, #tpu.memory_space<vmem>>, vector<16xf32>,
        %parallel_loop3A_438 = vector.broadcast %parallel_loop3A_419 : f32 to vector<16xf32>
        %parallel_loop3A_439 = arith.mulf %parallel_loop3A_437, %parallel_loop3A_438 : vector<16xf32>
        %parallel_loop3A_440 = arith.index_cast %rem3A_106 : i32 to index
        %parallel_loop3A_441 = arith.index_cast %parallel_loop3A_423 : i32 to index
        %parallel_loop3A_442 = arith.constant 16 : index
        %parallel_loop3A_443 = tpu.vector_load %arg8[%parallel_loop3A_440, %parallel_loop3A_441, %parallel_loop3A_442] {strides = array<i32>} : memref<2x128x32xf32, #tpu.memory_space<vmem>>, vector<16xf32>,
        tpu.vector_store %arg8[%parallel_loop3A_440, %parallel_loop3A_441, %parallel_loop3A_442], %parallel_loop3A_439 {strides = array<i32>} : memref<2x128x32xf32, #tpu.memory_space<vmem>>, vector<16xf32>,
        %parallel_loop3A_444 = vector.extract_strided_slice %parallel_loop3A_157 {offsets = [11], sizes = [1], strides = [1]} : vector<16xf32> to vector<1xf32>
        %parallel_loop3A_445 = vector.extract %parallel_loop3A_444[0] : f32 from vector<1xf32>
        %parallel_loop3A_446 = arith.constant 16 : i32
        %parallel_loop3A_447 = arith.muli %parallel_loop3A_149, %parallel_loop3A_446 : i32
        %parallel_loop3A_448 = arith.constant 11 : i32
        %parallel_loop3A_449 = arith.addi %parallel_loop3A_447, %parallel_loop3A_448 : i32
        %parallel_loop3A_450 = arith.index_cast %rem3A_106 : i32 to index
        %parallel_loop3A_451 = arith.index_cast %parallel_loop3A_449 : i32 to index
        %parallel_loop3A_452 = arith.constant 0 : index
        %parallel_loop3A_453 = tpu.vector_load %arg8[%parallel_loop3A_450, %parallel_loop3A_451, %parallel_loop3A_452] {strides = array<i32>} : memref<2x128x32xf32, #tpu.memory_space<vmem>>, vector<16xf32>,
        %parallel_loop3A_454 = vector.broadcast %parallel_loop3A_445 : f32 to vector<16xf32>
        %parallel_loop3A_455 = arith.mulf %parallel_loop3A_453, %parallel_loop3A_454 : vector<16xf32>
        %parallel_loop3A_456 = arith.index_cast %rem3A_106 : i32 to index
        %parallel_loop3A_457 = arith.index_cast %parallel_loop3A_449 : i32 to index
        %parallel_loop3A_458 = arith.constant 0 : index
        %parallel_loop3A_459 = tpu.vector_load %arg8[%parallel_loop3A_456, %parallel_loop3A_457, %parallel_loop3A_458] {strides = array<i32>} : memref<2x128x32xf32, #tpu.memory_space<vmem>>, vector<16xf32>,
        tpu.vector_store %arg8[%parallel_loop3A_456, %parallel_loop3A_457, %parallel_loop3A_458], %parallel_loop3A_455 {strides = array<i32>} : memref<2x128x32xf32, #tpu.memory_space<vmem>>, vector<16xf32>,
        %parallel_loop3A_460 = arith.index_cast %rem3A_106 : i32 to index
        %parallel_loop3A_461 = arith.index_cast %parallel_loop3A_449 : i32 to index
        %parallel_loop3A_462 = arith.constant 16 : index
        %parallel_loop3A_463 = tpu.vector_load %arg8[%parallel_loop3A_460, %parallel_loop3A_461, %parallel_loop3A_462] {strides = array<i32>} : memref<2x128x32xf32, #tpu.memory_space<vmem>>, vector<16xf32>,
        %parallel_loop3A_464 = vector.broadcast %parallel_loop3A_445 : f32 to vector<16xf32>
        %parallel_loop3A_465 = arith.mulf %parallel_loop3A_463, %parallel_loop3A_464 : vector<16xf32>
        %parallel_loop3A_466 = arith.index_cast %rem3A_106 : i32 to index
        %parallel_loop3A_467 = arith.index_cast %parallel_loop3A_449 : i32 to index
        %parallel_loop3A_468 = arith.constant 16 : index
        %parallel_loop3A_469 = tpu.vector_load %arg8[%parallel_loop3A_466, %parallel_loop3A_467, %parallel_loop3A_468] {strides = array<i32>} : memref<2x128x32xf32, #tpu.memory_space<vmem>>, vector<16xf32>,
        tpu.vector_store %arg8[%parallel_loop3A_466, %parallel_loop3A_467, %parallel_loop3A_468], %parallel_loop3A_465 {strides = array<i32>} : memref<2x128x32xf32, #tpu.memory_space<vmem>>, vector<16xf32>,
        %parallel_loop3A_470 = vector.extract_strided_slice %parallel_loop3A_157 {offsets = [12], sizes = [1], strides = [1]} : vector<16xf32> to vector<1xf32>
        %parallel_loop3A_471 = vector.extract %parallel_loop3A_470[0] : f32 from vector<1xf32>
        %parallel_loop3A_472 = arith.constant 16 : i32
        %parallel_loop3A_473 = arith.muli %parallel_loop3A_149, %parallel_loop3A_472 : i32
        %parallel_loop3A_474 = arith.constant 12 : i32
        %parallel_loop3A_475 = arith.addi %parallel_loop3A_473, %parallel_loop3A_474 : i32
        %parallel_loop3A_476 = arith.index_cast %rem3A_106 : i32 to index
        %parallel_loop3A_477 = arith.index_cast %parallel_loop3A_475 : i32 to index
        %parallel_loop3A_478 = arith.constant 0 : index
        %parallel_loop3A_479 = tpu.vector_load %arg8[%parallel_loop3A_476, %parallel_loop3A_477, %parallel_loop3A_478] {strides = array<i32>} : memref<2x128x32xf32, #tpu.memory_space<vmem>>, vector<16xf32>,
        %parallel_loop3A_480 = vector.broadcast %parallel_loop3A_471 : f32 to vector<16xf32>
        %parallel_loop3A_481 = arith.mulf %parallel_loop3A_479, %parallel_loop3A_480 : vector<16xf32>
        %parallel_loop3A_482 = arith.index_cast %rem3A_106 : i32 to index
        %parallel_loop3A_483 = arith.index_cast %parallel_loop3A_475 : i32 to index
        %parallel_loop3A_484 = arith.constant 0 : index
        %parallel_loop3A_485 = tpu.vector_load %arg8[%parallel_loop3A_482, %parallel_loop3A_483, %parallel_loop3A_484] {strides = array<i32>} : memref<2x128x32xf32, #tpu.memory_space<vmem>>, vector<16xf32>,
        tpu.vector_store %arg8[%parallel_loop3A_482, %parallel_loop3A_483, %parallel_loop3A_484], %parallel_loop3A_481 {strides = array<i32>} : memref<2x128x32xf32, #tpu.memory_space<vmem>>, vector<16xf32>,
        %parallel_loop3A_486 = arith.index_cast %rem3A_106 : i32 to index
        %parallel_loop3A_487 = arith.index_cast %parallel_loop3A_475 : i32 to index
        %parallel_loop3A_488 = arith.constant 16 : index
        %parallel_loop3A_489 = tpu.vector_load %arg8[%parallel_loop3A_486, %parallel_loop3A_487, %parallel_loop3A_488] {strides = array<i32>} : memref<2x128x32xf32, #tpu.memory_space<vmem>>, vector<16xf32>,
        %parallel_loop3A_490 = vector.broadcast %parallel_loop3A_471 : f32 to vector<16xf32>
        %parallel_loop3A_491 = arith.mulf %parallel_loop3A_489, %parallel_loop3A_490 : vector<16xf32>
        %parallel_loop3A_492 = arith.index_cast %rem3A_106 : i32 to index
        %parallel_loop3A_493 = arith.index_cast %parallel_loop3A_475 : i32 to index
        %parallel_loop3A_494 = arith.constant 16 : index
        %parallel_loop3A_495 = tpu.vector_load %arg8[%parallel_loop3A_492, %parallel_loop3A_493, %parallel_loop3A_494] {strides = array<i32>} : memref<2x128x32xf32, #tpu.memory_space<vmem>>, vector<16xf32>,
        tpu.vector_store %arg8[%parallel_loop3A_492, %parallel_loop3A_493, %parallel_loop3A_494], %parallel_loop3A_491 {strides = array<i32>} : memref<2x128x32xf32, #tpu.memory_space<vmem>>, vector<16xf32>,
        %parallel_loop3A_496 = vector.extract_strided_slice %parallel_loop3A_157 {offsets = [13], sizes = [1], strides = [1]} : vector<16xf32> to vector<1xf32>
        %parallel_loop3A_497 = vector.extract %parallel_loop3A_496[0] : f32 from vector<1xf32>
        %parallel_loop3A_498 = arith.constant 16 : i32
        %parallel_loop3A_499 = arith.muli %parallel_loop3A_149, %parallel_loop3A_498 : i32
        %parallel_loop3A_500 = arith.constant 13 : i32
        %parallel_loop3A_501 = arith.addi %parallel_loop3A_499, %parallel_loop3A_500 : i32
        %parallel_loop3A_502 = arith.index_cast %rem3A_106 : i32 to index
        %parallel_loop3A_503 = arith.index_cast %parallel_loop3A_501 : i32 to index
        %parallel_loop3A_504 = arith.constant 0 : index
        %parallel_loop3A_505 = tpu.vector_load %arg8[%parallel_loop3A_502, %parallel_loop3A_503, %parallel_loop3A_504] {strides = array<i32>} : memref<2x128x32xf32, #tpu.memory_space<vmem>>, vector<16xf32>,
        %parallel_loop3A_506 = vector.broadcast %parallel_loop3A_497 : f32 to vector<16xf32>
        %parallel_loop3A_507 = arith.mulf %parallel_loop3A_505, %parallel_loop3A_506 : vector<16xf32>
        %parallel_loop3A_508 = arith.index_cast %rem3A_106 : i32 to index
        %parallel_loop3A_509 = arith.index_cast %parallel_loop3A_501 : i32 to index
        %parallel_loop3A_510 = arith.constant 0 : index
        %parallel_loop3A_511 = tpu.vector_load %arg8[%parallel_loop3A_508, %parallel_loop3A_509, %parallel_loop3A_510] {strides = array<i32>} : memref<2x128x32xf32, #tpu.memory_space<vmem>>, vector<16xf32>,
        tpu.vector_store %arg8[%parallel_loop3A_508, %parallel_loop3A_509, %parallel_loop3A_510], %parallel_loop3A_507 {strides = array<i32>} : memref<2x128x32xf32, #tpu.memory_space<vmem>>, vector<16xf32>,
        %parallel_loop3A_512 = arith.index_cast %rem3A_106 : i32 to index
        %parallel_loop3A_513 = arith.index_cast %parallel_loop3A_501 : i32 to index
        %parallel_loop3A_514 = arith.constant 16 : index
        %parallel_loop3A_515 = tpu.vector_load %arg8[%parallel_loop3A_512, %parallel_loop3A_513, %parallel_loop3A_514] {strides = array<i32>} : memref<2x128x32xf32, #tpu.memory_space<vmem>>, vector<16xf32>,
        %parallel_loop3A_516 = vector.broadcast %parallel_loop3A_497 : f32 to vector<16xf32>
        %parallel_loop3A_517 = arith.mulf %parallel_loop3A_515, %parallel_loop3A_516 : vector<16xf32>
        %parallel_loop3A_518 = arith.index_cast %rem3A_106 : i32 to index
        %parallel_loop3A_519 = arith.index_cast %parallel_loop3A_501 : i32 to index
        %parallel_loop3A_520 = arith.constant 16 : index
        %parallel_loop3A_521 = tpu.vector_load %arg8[%parallel_loop3A_518, %parallel_loop3A_519, %parallel_loop3A_520] {strides = array<i32>} : memref<2x128x32xf32, #tpu.memory_space<vmem>>, vector<16xf32>,
        tpu.vector_store %arg8[%parallel_loop3A_518, %parallel_loop3A_519, %parallel_loop3A_520], %parallel_loop3A_517 {strides = array<i32>} : memref<2x128x32xf32, #tpu.memory_space<vmem>>, vector<16xf32>,
        %parallel_loop3A_522 = vector.extract_strided_slice %parallel_loop3A_157 {offsets = [14], sizes = [1], strides = [1]} : vector<16xf32> to vector<1xf32>
        %parallel_loop3A_523 = vector.extract %parallel_loop3A_522[0] : f32 from vector<1xf32>
        %parallel_loop3A_524 = arith.constant 16 : i32
        %parallel_loop3A_525 = arith.muli %parallel_loop3A_149, %parallel_loop3A_524 : i32
        %parallel_loop3A_526 = arith.constant 14 : i32
        %parallel_loop3A_527 = arith.addi %parallel_loop3A_525, %parallel_loop3A_526 : i32
        %parallel_loop3A_528 = arith.index_cast %rem3A_106 : i32 to index
        %parallel_loop3A_529 = arith.index_cast %parallel_loop3A_527 : i32 to index
        %parallel_loop3A_530 = arith.constant 0 : index
        %parallel_loop3A_531 = tpu.vector_load %arg8[%parallel_loop3A_528, %parallel_loop3A_529, %parallel_loop3A_530] {strides = array<i32>} : memref<2x128x32xf32, #tpu.memory_space<vmem>>, vector<16xf32>,
        %parallel_loop3A_532 = vector.broadcast %parallel_loop3A_523 : f32 to vector<16xf32>
        %parallel_loop3A_533 = arith.mulf %parallel_loop3A_531, %parallel_loop3A_532 : vector<16xf32>
        %parallel_loop3A_534 = arith.index_cast %rem3A_106 : i32 to index
        %parallel_loop3A_535 = arith.index_cast %parallel_loop3A_527 : i32 to index
        %parallel_loop3A_536 = arith.constant 0 : index
        %parallel_loop3A_537 = tpu.vector_load %arg8[%parallel_loop3A_534, %parallel_loop3A_535, %parallel_loop3A_536] {strides = array<i32>} : memref<2x128x32xf32, #tpu.memory_space<vmem>>, vector<16xf32>,
        tpu.vector_store %arg8[%parallel_loop3A_534, %parallel_loop3A_535, %parallel_loop3A_536], %parallel_loop3A_533 {strides = array<i32>} : memref<2x128x32xf32, #tpu.memory_space<vmem>>, vector<16xf32>,
        %parallel_loop3A_538 = arith.index_cast %rem3A_106 : i32 to index
        %parallel_loop3A_539 = arith.index_cast %parallel_loop3A_527 : i32 to index
        %parallel_loop3A_540 = arith.constant 16 : index
        %parallel_loop3A_541 = tpu.vector_load %arg8[%parallel_loop3A_538, %parallel_loop3A_539, %parallel_loop3A_540] {strides = array<i32>} : memref<2x128x32xf32, #tpu.memory_space<vmem>>, vector<16xf32>,
        %parallel_loop3A_542 = vector.broadcast %parallel_loop3A_523 : f32 to vector<16xf32>
        %parallel_loop3A_543 = arith.mulf %parallel_loop3A_541, %parallel_loop3A_542 : vector<16xf32>
        %parallel_loop3A_544 = arith.index_cast %rem3A_106 : i32 to index
        %parallel_loop3A_545 = arith.index_cast %parallel_loop3A_527 : i32 to index
        %parallel_loop3A_546 = arith.constant 16 : index
        %parallel_loop3A_547 = tpu.vector_load %arg8[%parallel_loop3A_544, %parallel_loop3A_545, %parallel_loop3A_546] {strides = array<i32>} : memref<2x128x32xf32, #tpu.memory_space<vmem>>, vector<16xf32>,
        tpu.vector_store %arg8[%parallel_loop3A_544, %parallel_loop3A_545, %parallel_loop3A_546], %parallel_loop3A_543 {strides = array<i32>} : memref<2x128x32xf32, #tpu.memory_space<vmem>>, vector<16xf32>,
        %parallel_loop3A_548 = vector.extract_strided_slice %parallel_loop3A_157 {offsets = [15], sizes = [1], strides = [1]} : vector<16xf32> to vector<1xf32>
        %parallel_loop3A_549 = vector.extract %parallel_loop3A_548[0] : f32 from vector<1xf32>
        %parallel_loop3A_550 = arith.constant 16 : i32
        %parallel_loop3A_551 = arith.muli %parallel_loop3A_149, %parallel_loop3A_550 : i32
        %parallel_loop3A_552 = arith.constant 15 : i32
        %parallel_loop3A_553 = arith.addi %parallel_loop3A_551, %parallel_loop3A_552 : i32
        %parallel_loop3A_554 = arith.index_cast %rem3A_106 : i32 to index
        %parallel_loop3A_555 = arith.index_cast %parallel_loop3A_553 : i32 to index
        %parallel_loop3A_556 = arith.constant 0 : index
        %parallel_loop3A_557 = tpu.vector_load %arg8[%parallel_loop3A_554, %parallel_loop3A_555, %parallel_loop3A_556] {strides = array<i32>} : memref<2x128x32xf32, #tpu.memory_space<vmem>>, vector<16xf32>,
        %parallel_loop3A_558 = vector.broadcast %parallel_loop3A_549 : f32 to vector<16xf32>
        %parallel_loop3A_559 = arith.mulf %parallel_loop3A_557, %parallel_loop3A_558 : vector<16xf32>
        %parallel_loop3A_560 = arith.index_cast %rem3A_106 : i32 to index
        %parallel_loop3A_561 = arith.index_cast %parallel_loop3A_553 : i32 to index
        %parallel_loop3A_562 = arith.constant 0 : index
        %parallel_loop3A_563 = tpu.vector_load %arg8[%parallel_loop3A_560, %parallel_loop3A_561, %parallel_loop3A_562] {strides = array<i32>} : memref<2x128x32xf32, #tpu.memory_space<vmem>>, vector<16xf32>,
        tpu.vector_store %arg8[%parallel_loop3A_560, %parallel_loop3A_561, %parallel_loop3A_562], %parallel_loop3A_559 {strides = array<i32>} : memref<2x128x32xf32, #tpu.memory_space<vmem>>, vector<16xf32>,
        %parallel_loop3A_564 = arith.index_cast %rem3A_106 : i32 to index
        %parallel_loop3A_565 = arith.index_cast %parallel_loop3A_553 : i32 to index
        %parallel_loop3A_566 = arith.constant 16 : index
        %parallel_loop3A_567 = tpu.vector_load %arg8[%parallel_loop3A_564, %parallel_loop3A_565, %parallel_loop3A_566] {strides = array<i32>} : memref<2x128x32xf32, #tpu.memory_space<vmem>>, vector<16xf32>,
        %parallel_loop3A_568 = vector.broadcast %parallel_loop3A_549 : f32 to vector<16xf32>
        %parallel_loop3A_569 = arith.mulf %parallel_loop3A_567, %parallel_loop3A_568 : vector<16xf32>
        %parallel_loop3A_570 = arith.index_cast %rem3A_106 : i32 to index
        %parallel_loop3A_571 = arith.index_cast %parallel_loop3A_553 : i32 to index
        %parallel_loop3A_572 = arith.constant 16 : index
        %parallel_loop3A_573 = tpu.vector_load %arg8[%parallel_loop3A_570, %parallel_loop3A_571, %parallel_loop3A_572] {strides = array<i32>} : memref<2x128x32xf32, #tpu.memory_space<vmem>>, vector<16xf32>,
        tpu.vector_store %arg8[%parallel_loop3A_570, %parallel_loop3A_571, %parallel_loop3A_572], %parallel_loop3A_569 {strides = array<i32>} : memref<2x128x32xf32, #tpu.memory_space<vmem>>, vector<16xf32>,
      } {sc.loop_unroll_factor = 2 : i64, sc.parallel_access}
      %dma_start3A_138 = arith.constant 0 : i32
      %dma_start3A_139 = arith.constant 0 : i32
      %dma_start3A_140 = arith.constant 0 : i32
      %dma_start3A_141 = tpu.memref_slice %arg8[%rem3A_106, %dma_start3A_139, %dma_start3A_140] : memref<2x128x32xf32, #tpu.memory_space<vmem>> -> memref<1x128x32xf32, #tpu.memory_space<vmem>>
      %dma_start3A_142 = tpu.memref_squeeze %dma_start3A_141 : memref<1x128x32xf32, #tpu.memory_space<vmem>> -> memref<128x32xf32, #tpu.memory_space<vmem>>
      %dma_start3A_143 = arith.constant 0 : i32
      %dma_start3A_144 = tpu.memref_slice %arg7[%rem3A_108, %dma_start3A_138, %dma_start3A_143] : memref<3x4x128xi32, #tpu.memory_space<vmem>> -> memref<1x1x128xi32, #tpu.memory_space<vmem>>
      %dma_start3A_145 = tpu.memref_squeeze %dma_start3A_144 : memref<1x1x128xi32, #tpu.memory_space<vmem>> -> memref<128xi32, #tpu.memory_space<vmem>>
      %dma_start3A_146 = arith.constant 0 : i32
      %dma_start3A_147 = arith.constant 0 : i32
      %dma_start3A_148 = tpu.memref_slice %arg9[%dma_start3A_146, %dma_start3A_147] : memref<50048x32xf32, #tpu.memory_space<vmem_shared>> -> memref<50048x32xf32, #tpu.memory_space<vmem_shared>>
      tpu.enqueue_indirect_dma source(%dma_start3A_142 : memref<128x32xf32, #tpu.memory_space<vmem>>) target(%dma_start3A_148 : memref<50048x32xf32, #tpu.memory_space<vmem_shared>>) offsets(%dma_start3A_145 : memref<128xi32, #tpu.memory_space<vmem>>) semaphore(%arg12 : memref<!tpu.dma_semaphore, #tpu.memory_space<semaphore_mem>>) {add = true}
    }
    %scan3A_68 = arith.constant 391 : i32
    %dma_wait3A_69 = arith.constant 0 : i32
    %dma_wait3A_70 = arith.constant 0 : i32
    %dma_wait3A_71 = arith.constant 0 : i32
    %dma_wait3A_72 = arith.constant 0 : i32
    %dma_wait3A_73 = arith.constant 0 : i32
    %dma_wait3A_74 = tpu.memref_slice %arg8[%dma_wait3A_69, %dma_wait3A_72, %dma_wait3A_73] : memref<2x128x32xf32, #tpu.memory_space<vmem>> -> memref<1x128x32xf32, #tpu.memory_space<vmem>>
    %dma_wait3A_75 = tpu.memref_squeeze %dma_wait3A_74 : memref<1x128x32xf32, #tpu.memory_space<vmem>> -> memref<128x32xf32, #tpu.memory_space<vmem>>
    %dma_wait3A_76 = arith.constant 0 : i32
    %dma_wait3A_77 = tpu.memref_slice %arg7[%dma_wait3A_70, %dma_wait3A_71, %dma_wait3A_76] : memref<3x4x128xi32, #tpu.memory_space<vmem>> -> memref<1x1x128xi32, #tpu.memory_space<vmem>>
    %dma_wait3A_78 = tpu.memref_squeeze %dma_wait3A_77 : memref<1x1x128xi32, #tpu.memory_space<vmem>> -> memref<128xi32, #tpu.memory_space<vmem>>
    %dma_wait3A_79 = arith.constant 0 : i32
    %dma_wait3A_80 = arith.constant 0 : i32
    %dma_wait3A_81 = tpu.memref_slice %arg9[%dma_wait3A_79, %dma_wait3A_80] : memref<50048x32xf32, #tpu.memory_space<vmem_shared>> -> memref<50048x32xf32, #tpu.memory_space<vmem_shared>>
    tpu.wait_indirect_dma semaphore(%arg12 : memref<!tpu.dma_semaphore, #tpu.memory_space<semaphore_mem>>) src(%dma_wait3A_75 : memref<128x32xf32, #tpu.memory_space<vmem>>) dst(%dma_wait3A_81 : memref<50048x32xf32, #tpu.memory_space<vmem_shared>>)
    %dma_wait3A_82 = arith.constant 0 : i32
    %dma_wait3A_83 = arith.constant 0 : i32
    %dma_wait3A_84 = arith.constant 0 : i32
    %dma_wait3A_85 = arith.constant 0 : i32
    %dma_wait3A_86 = arith.constant 0 : i32
    %dma_wait3A_87 = tpu.memref_slice %arg8[%dma_wait3A_82, %dma_wait3A_85, %dma_wait3A_86] : memref<2x128x32xf32, #tpu.memory_space<vmem>> -> memref<1x128x32xf32, #tpu.memory_space<vmem>>
    %dma_wait3A_88 = tpu.memref_squeeze %dma_wait3A_87 : memref<1x128x32xf32, #tpu.memory_space<vmem>> -> memref<128x32xf32, #tpu.memory_space<vmem>>
    %dma_wait3A_89 = arith.constant 0 : i32
    %dma_wait3A_90 = tpu.memref_slice %arg7[%dma_wait3A_83, %dma_wait3A_84, %dma_wait3A_89] : memref<3x4x128xi32, #tpu.memory_space<vmem>> -> memref<1x1x128xi32, #tpu.memory_space<vmem>>
    %dma_wait3A_91 = tpu.memref_squeeze %dma_wait3A_90 : memref<1x1x128xi32, #tpu.memory_space<vmem>> -> memref<128xi32, #tpu.memory_space<vmem>>
    %dma_wait3A_92 = arith.constant 0 : i32
    %dma_wait3A_93 = arith.constant 0 : i32
    %dma_wait3A_94 = tpu.memref_slice %arg9[%dma_wait3A_92, %dma_wait3A_93] : memref<50048x32xf32, #tpu.memory_space<vmem_shared>> -> memref<50048x32xf32, #tpu.memory_space<vmem_shared>>
    tpu.wait_indirect_dma semaphore(%arg12 : memref<!tpu.dma_semaphore, #tpu.memory_space<semaphore_mem>>) src(%dma_wait3A_88 : memref<128x32xf32, #tpu.memory_space<vmem>>) dst(%dma_wait3A_94 : memref<50048x32xf32, #tpu.memory_space<vmem_shared>>)
    %barrier3A_95 = arith.constant 0 : index
    tpu.barrier barrier_id(%barrier3A_95)
    %lt3A = arith.constant 15 : i32
    %lt3A_96 = arith.cmpi slt, %arg1, %lt3A : i32
    %convert_element_type3A_97 = arith.extui %lt3A_96 : i1 to i32
    %cond3A_98 = arith.constant 0 : i32
    %cond3A_99 = arith.cmpi ne, %convert_element_type3A_97, %cond3A_98 : i32
    scf.if %cond3A_99 {
      %mul3A_105 = arith.constant 100000 : i32
      %mul3A_106 = arith.muli %arg0, %mul3A_105 : i32
      %add3A_107 = arith.addi %mul3A_106, %multiple_of3A : i32
      "tpu.region"() ({
        %run_scoped3A = tpu.sem_alloc : memref<!tpu.dma_semaphore, #tpu.memory_space<semaphore_mem>>
        %dma_start3A_116 = arith.constant 0 : i32
        %dma_start3A_117 = tpu.memref_slice %arg6[%add3A_107, %dma_start3A_116] : memref<200000x32xf32, #tpu.memory_space<hbm>> -> memref<3128x32xf32, #tpu.memory_space<hbm>>
        %dma_start3A_118 = arith.constant 0 : i32
        %dma_start3A_119 = tpu.memref_slice %arg9[%multiple_of3A, %dma_start3A_118] : memref<50048x32xf32, #tpu.memory_space<vmem_shared>> -> memref<3128x32xf32, #tpu.memory_space<vmem_shared>>
        tpu.enqueue_dma source(%dma_start3A_119 : memref<3128x32xf32, #tpu.memory_space<vmem_shared>>) target(%dma_start3A_117 : memref<3128x32xf32, #tpu.memory_space<hbm>>) target_semaphore(%run_scoped3A : memref<!tpu.dma_semaphore, #tpu.memory_space<semaphore_mem>>)
        %dma_wait3A_120 = arith.constant 0 : i32
        %dma_wait3A_121 = tpu.memref_slice %arg6[%add3A_107, %dma_wait3A_120] : memref<200000x32xf32, #tpu.memory_space<hbm>> -> memref<3128x32xf32, #tpu.memory_space<hbm>>
        %dma_wait3A_122 = arith.constant 0 : i32
        %dma_wait3A_123 = tpu.memref_slice %arg9[%multiple_of3A, %dma_wait3A_122] : memref<50048x32xf32, #tpu.memory_space<vmem_shared>> -> memref<3128x32xf32, #tpu.memory_space<vmem_shared>>
        tpu.wait_dma2 semaphore(%run_scoped3A : memref<!tpu.dma_semaphore, #tpu.memory_space<semaphore_mem>>) src(%dma_wait3A_123 : memref<3128x32xf32, #tpu.memory_space<vmem_shared>>) dst(%dma_wait3A_121 : memref<3128x32xf32, #tpu.memory_space<hbm>>)
        tpu.yield
      }) : () -> ()
      %mul3A_108 = arith.constant 50000 : i32
      %mul3A_109 = arith.muli %arg0, %mul3A_108 : i32
      %add3A_110 = arith.addi %mul3A_109, %multiple_of3A : i32
      %mul3A_111 = arith.constant 100000 : i32
      %mul3A_112 = arith.muli %arg0, %mul3A_111 : i32
      %add3A_113 = arith.constant 50000 : i32
      %add3A_114 = arith.addi %mul3A_112, %add3A_113 : i32
      %add3A_115 = arith.addi %add3A_114, %multiple_of3A : i32
      "tpu.region"() ({
        %run_scoped3A = tpu.sem_alloc : memref<!tpu.dma_semaphore, #tpu.memory_space<semaphore_mem>>
        %dma_start3A_116 = arith.constant 0 : i32
        %dma_start3A_117 = tpu.memref_slice %arg6[%add3A_115, %dma_start3A_116] : memref<200000x32xf32, #tpu.memory_space<hbm>> -> memref<3128x32xf32, #tpu.memory_space<hbm>>
        %dma_start3A_118 = arith.constant 0 : i32
        %dma_start3A_119 = tpu.memref_slice %arg4[%add3A_110, %dma_start3A_118] : memref<100000x32xf32, #tpu.memory_space<hbm>> -> memref<3128x32xf32, #tpu.memory_space<hbm>>
        tpu.enqueue_dma source(%dma_start3A_119 : memref<3128x32xf32, #tpu.memory_space<hbm>>) target(%dma_start3A_117 : memref<3128x32xf32, #tpu.memory_space<hbm>>) target_semaphore(%run_scoped3A : memref<!tpu.dma_semaphore, #tpu.memory_space<semaphore_mem>>)
        %dma_wait3A_120 = arith.constant 0 : i32
        %dma_wait3A_121 = tpu.memref_slice %arg6[%add3A_115, %dma_wait3A_120] : memref<200000x32xf32, #tpu.memory_space<hbm>> -> memref<3128x32xf32, #tpu.memory_space<hbm>>
        %dma_wait3A_122 = arith.constant 0 : i32
        %dma_wait3A_123 = tpu.memref_slice %arg4[%add3A_110, %dma_wait3A_122] : memref<100000x32xf32, #tpu.memory_space<hbm>> -> memref<3128x32xf32, #tpu.memory_space<hbm>>
        tpu.wait_dma2 semaphore(%run_scoped3A : memref<!tpu.dma_semaphore, #tpu.memory_space<semaphore_mem>>) src(%dma_wait3A_123 : memref<3128x32xf32, #tpu.memory_space<hbm>>) dst(%dma_wait3A_121 : memref<3128x32xf32, #tpu.memory_space<hbm>>)
        tpu.yield
      }) : () -> ()
    } else {
    }
    %eq3A_100 = arith.constant 15 : i32
    %eq3A_101 = arith.cmpi eq, %arg1, %eq3A_100 : i32
    %convert_element_type3A_102 = arith.extui %eq3A_101 : i1 to i32
    %cond3A_103 = arith.constant 0 : i32
    %cond3A_104 = arith.cmpi ne, %convert_element_type3A_102, %cond3A_103 : i32
    scf.if %cond3A_104 {
      %mul3A_105 = arith.constant 100000 : i32
      %mul3A_106 = arith.muli %arg0, %mul3A_105 : i32
      %add3A_107 = arith.addi %mul3A_106, %multiple_of3A : i32
      "tpu.region"() ({
        %run_scoped3A = tpu.sem_alloc : memref<!tpu.dma_semaphore, #tpu.memory_space<semaphore_mem>>
        %dma_start3A_116 = arith.constant 0 : i32
        %dma_start3A_117 = tpu.memref_slice %arg6[%add3A_107, %dma_start3A_116] : memref<200000x32xf32, #tpu.memory_space<hbm>> -> memref<3080x32xf32, #tpu.memory_space<hbm>>
        %dma_start3A_118 = arith.constant 0 : i32
        %dma_start3A_119 = tpu.memref_slice %arg9[%multiple_of3A, %dma_start3A_118] : memref<50048x32xf32, #tpu.memory_space<vmem_shared>> -> memref<3080x32xf32, #tpu.memory_space<vmem_shared>>
        tpu.enqueue_dma source(%dma_start3A_119 : memref<3080x32xf32, #tpu.memory_space<vmem_shared>>) target(%dma_start3A_117 : memref<3080x32xf32, #tpu.memory_space<hbm>>) target_semaphore(%run_scoped3A : memref<!tpu.dma_semaphore, #tpu.memory_space<semaphore_mem>>)
        %dma_wait3A_120 = arith.constant 0 : i32
        %dma_wait3A_121 = tpu.memref_slice %arg6[%add3A_107, %dma_wait3A_120] : memref<200000x32xf32, #tpu.memory_space<hbm>> -> memref<3080x32xf32, #tpu.memory_space<hbm>>
        %dma_wait3A_122 = arith.constant 0 : i32
        %dma_wait3A_123 = tpu.memref_slice %arg9[%multiple_of3A, %dma_wait3A_122] : memref<50048x32xf32, #tpu.memory_space<vmem_shared>> -> memref<3080x32xf32, #tpu.memory_space<vmem_shared>>
        tpu.wait_dma2 semaphore(%run_scoped3A : memref<!tpu.dma_semaphore, #tpu.memory_space<semaphore_mem>>) src(%dma_wait3A_123 : memref<3080x32xf32, #tpu.memory_space<vmem_shared>>) dst(%dma_wait3A_121 : memref<3080x32xf32, #tpu.memory_space<hbm>>)
        tpu.yield
      }) : () -> ()
      %mul3A_108 = arith.constant 50000 : i32
      %mul3A_109 = arith.muli %arg0, %mul3A_108 : i32
      %add3A_110 = arith.addi %mul3A_109, %multiple_of3A : i32
      %mul3A_111 = arith.constant 100000 : i32
      %mul3A_112 = arith.muli %arg0, %mul3A_111 : i32
      %add3A_113 = arith.constant 50000 : i32
      %add3A_114 = arith.addi %mul3A_112, %add3A_113 : i32
      %add3A_115 = arith.addi %add3A_114, %multiple_of3A : i32
      "tpu.region"() ({
        %run_scoped3A = tpu.sem_alloc : memref<!tpu.dma_semaphore, #tpu.memory_space<semaphore_mem>>
        %dma_start3A_116 = arith.constant 0 : i32
        %dma_start3A_117 = tpu.memref_slice %arg6[%add3A_115, %dma_start3A_116] : memref<200000x32xf32, #tpu.memory_space<hbm>> -> memref<3080x32xf32, #tpu.memory_space<hbm>>
        %dma_start3A_118 = arith.constant 0 : i32
        %dma_start3A_119 = tpu.memref_slice %arg4[%add3A_110, %dma_start3A_118] : memref<100000x32xf32, #tpu.memory_space<hbm>> -> memref<3080x32xf32, #tpu.memory_space<hbm>>
        tpu.enqueue_dma source(%dma_start3A_119 : memref<3080x32xf32, #tpu.memory_space<hbm>>) target(%dma_start3A_117 : memref<3080x32xf32, #tpu.memory_space<hbm>>) target_semaphore(%run_scoped3A : memref<!tpu.dma_semaphore, #tpu.memory_space<semaphore_mem>>)
        %dma_wait3A_120 = arith.constant 0 : i32
        %dma_wait3A_121 = tpu.memref_slice %arg6[%add3A_115, %dma_wait3A_120] : memref<200000x32xf32, #tpu.memory_space<hbm>> -> memref<3080x32xf32, #tpu.memory_space<hbm>>
        %dma_wait3A_122 = arith.constant 0 : i32
        %dma_wait3A_123 = tpu.memref_slice %arg4[%add3A_110, %dma_wait3A_122] : memref<100000x32xf32, #tpu.memory_space<hbm>> -> memref<3080x32xf32, #tpu.memory_space<hbm>>
        tpu.wait_dma2 semaphore(%run_scoped3A : memref<!tpu.dma_semaphore, #tpu.memory_space<semaphore_mem>>) src(%dma_wait3A_123 : memref<3080x32xf32, #tpu.memory_space<hbm>>) dst(%dma_wait3A_121 : memref<3080x32xf32, #tpu.memory_space<hbm>>)
        tpu.yield
      }) : () -> ()
    } else {
    }
    return
  }
}

#map = affine_map<(d0, d1) -> (0, 0, 0)>
#map1 = affine_map<(d0, d1) -> (0, 0)>
module attributes {stable_mosaic.version = 14 : i64} {
  func.func @_spmm_body_tbl(%arg0: i32, %arg1: i32, %arg2: memref<6256x4x128xi32, #tpu.memory_space<hbm>>, %arg3: memref<100000x32xf32, #tpu.memory_space<hbm>>, %arg4: memref<100000x32xf32, #tpu.memory_space<hbm>>, %arg5: memref<3128x32xf32, #tpu.memory_space<hbm>>, %arg6: memref<200000x32xf32, #tpu.memory_space<hbm>>, %arg7: memref<3x4x128xi32, #tpu.memory_space<vmem>>, %arg8: memref<2x128x32xf32, #tpu.memory_space<vmem>>, %arg9: memref<50048x32xf32, #tpu.memory_space<vmem_shared>>, %arg10: memref<!tpu.dma_semaphore, #tpu.memory_space<semaphore_mem>>, %arg11: memref<!tpu.dma_semaphore, #tpu.memory_space<semaphore_mem>>, %arg12: memref<!tpu.dma_semaphore, #tpu.memory_space<semaphore_mem>>) attributes {dimension_semantics = [#tpu.dimension_semantics<core_parallel>, #tpu.dimension_semantics<subcore_parallel>], iteration_bounds = array<i64: 2, 16>, scalar_prefetch = 0 : i64, scratch_operands = 6 : i64, tpu.core_type = #tpu.core_type<sc_vector_subcore>, window_params = [{transform_indices = #map}, {transform_indices = #map1}, {transform_indices = #map1}, {transform_indices = #map1}, {transform_indices = #map1}]} {
    %mul3A = arith.constant 50000 : i32
    %mul3A_0 = arith.muli %arg0, %mul3A : i32
    %mul3A_1 = arith.constant 391 : i32
    %mul3A_2 = arith.muli %arg1, %mul3A_1 : i32
    %mul3A_3 = arith.constant 3128 : i32
    %mul3A_4 = arith.muli %arg1, %mul3A_3 : i32
    %multiple_of3A = tpu.assume_multiple %mul3A_4, 8 : i32
    "tpu.region"() ({
      %run_scoped3A = tpu.sem_alloc : memref<!tpu.dma_semaphore, #tpu.memory_space<semaphore_mem>>
      %dma_start3A_105 = arith.constant 0 : i32
      %dma_start3A_106 = tpu.memref_slice %arg9[%multiple_of3A, %dma_start3A_105] : memref<50048x32xf32, #tpu.memory_space<vmem_shared>> -> memref<3128x32xf32, #tpu.memory_space<vmem_shared>>
      tpu.enqueue_dma source(%arg5 : memref<3128x32xf32, #tpu.memory_space<hbm>>) target(%dma_start3A_106 : memref<3128x32xf32, #tpu.memory_space<vmem_shared>>) target_semaphore(%run_scoped3A : memref<!tpu.dma_semaphore, #tpu.memory_space<semaphore_mem>>)
      %dma_wait3A_107 = arith.constant 0 : i32
      %dma_wait3A_108 = tpu.memref_slice %arg9[%multiple_of3A, %dma_wait3A_107] : memref<50048x32xf32, #tpu.memory_space<vmem_shared>> -> memref<3128x32xf32, #tpu.memory_space<vmem_shared>>
      tpu.wait_dma2 semaphore(%run_scoped3A : memref<!tpu.dma_semaphore, #tpu.memory_space<semaphore_mem>>) src(%arg5 : memref<3128x32xf32, #tpu.memory_space<hbm>>) dst(%dma_wait3A_108 : memref<3128x32xf32, #tpu.memory_space<vmem_shared>>)
      tpu.yield
    }) : () -> ()
    %barrier3A = arith.constant 0 : index
    tpu.barrier barrier_id(%barrier3A)
    %add3A = arith.constant 0 : i32
    %add3A_5 = arith.addi %mul3A_2, %add3A : i32
    %dma_start3A = arith.constant 0 : i32
    %dma_start3A_6 = arith.constant 0 : i32
    %dma_start3A_7 = arith.constant 0 : i32
    %dma_start3A_8 = tpu.memref_slice %arg7[%dma_start3A, %dma_start3A_6, %dma_start3A_7] : memref<3x4x128xi32, #tpu.memory_space<vmem>> -> memref<1x4x128xi32, #tpu.memory_space<vmem>>
    %dma_start3A_9 = tpu.memref_squeeze %dma_start3A_8 : memref<1x4x128xi32, #tpu.memory_space<vmem>> -> memref<4x128xi32, #tpu.memory_space<vmem>>
    %dma_start3A_10 = arith.constant 0 : i32
    %dma_start3A_11 = arith.constant 0 : i32
    %dma_start3A_12 = tpu.memref_slice %arg2[%add3A_5, %dma_start3A_10, %dma_start3A_11] : memref<6256x4x128xi32, #tpu.memory_space<hbm>> -> memref<1x4x128xi32, #tpu.memory_space<hbm>>
    %dma_start3A_13 = tpu.memref_squeeze %dma_start3A_12 : memref<1x4x128xi32, #tpu.memory_space<hbm>> -> memref<4x128xi32, #tpu.memory_space<hbm>>
    %dma_start3A_14 = arith.constant 0 : i32
    %dma_start3A_15 = arith.constant 0 : i32
    %dma_start3A_16 = tpu.memref_slice %arg7[%dma_start3A, %dma_start3A_14, %dma_start3A_15] : memref<3x4x128xi32, #tpu.memory_space<vmem>> -> memref<1x4x128xi32, #tpu.memory_space<vmem>>
    %dma_start3A_17 = tpu.memref_squeeze %dma_start3A_16 : memref<1x4x128xi32, #tpu.memory_space<vmem>> -> memref<4x128xi32, #tpu.memory_space<vmem>>
    %dma_start3A_18 = arith.constant 0 : i32
    %dma_start3A_19 = arith.constant 0 : i32
    %dma_start3A_20 = tpu.memref_slice %arg2[%add3A_5, %dma_start3A_18, %dma_start3A_19] : memref<6256x4x128xi32, #tpu.memory_space<hbm>> -> memref<1x4x128xi32, #tpu.memory_space<hbm>>
    %dma_start3A_21 = tpu.memref_squeeze %dma_start3A_20 : memref<1x4x128xi32, #tpu.memory_space<hbm>> -> memref<4x128xi32, #tpu.memory_space<hbm>>
    tpu.enqueue_dma source(%dma_start3A_21 : memref<4x128xi32, #tpu.memory_space<hbm>>) target(%dma_start3A_17 : memref<4x128xi32, #tpu.memory_space<vmem>>) target_semaphore(%arg10 : memref<!tpu.dma_semaphore, #tpu.memory_space<semaphore_mem>>)
    %add3A_22 = arith.constant 1 : i32
    %add3A_23 = arith.addi %mul3A_2, %add3A_22 : i32
    %dma_start3A_24 = arith.constant 1 : i32
    %dma_start3A_25 = arith.constant 0 : i32
    %dma_start3A_26 = arith.constant 0 : i32
    %dma_start3A_27 = tpu.memref_slice %arg7[%dma_start3A_24, %dma_start3A_25, %dma_start3A_26] : memref<3x4x128xi32, #tpu.memory_space<vmem>> -> memref<1x4x128xi32, #tpu.memory_space<vmem>>
    %dma_start3A_28 = tpu.memref_squeeze %dma_start3A_27 : memref<1x4x128xi32, #tpu.memory_space<vmem>> -> memref<4x128xi32, #tpu.memory_space<vmem>>
    %dma_start3A_29 = arith.constant 0 : i32
    %dma_start3A_30 = arith.constant 0 : i32
    %dma_start3A_31 = tpu.memref_slice %arg2[%add3A_23, %dma_start3A_29, %dma_start3A_30] : memref<6256x4x128xi32, #tpu.memory_space<hbm>> -> memref<1x4x128xi32, #tpu.memory_space<hbm>>
    %dma_start3A_32 = tpu.memref_squeeze %dma_start3A_31 : memref<1x4x128xi32, #tpu.memory_space<hbm>> -> memref<4x128xi32, #tpu.memory_space<hbm>>
    %dma_start3A_33 = arith.constant 0 : i32
    %dma_start3A_34 = arith.constant 0 : i32
    %dma_start3A_35 = tpu.memref_slice %arg7[%dma_start3A_24, %dma_start3A_33, %dma_start3A_34] : memref<3x4x128xi32, #tpu.memory_space<vmem>> -> memref<1x4x128xi32, #tpu.memory_space<vmem>>
    %dma_start3A_36 = tpu.memref_squeeze %dma_start3A_35 : memref<1x4x128xi32, #tpu.memory_space<vmem>> -> memref<4x128xi32, #tpu.memory_space<vmem>>
    %dma_start3A_37 = arith.constant 0 : i32
    %dma_start3A_38 = arith.constant 0 : i32
    %dma_start3A_39 = tpu.memref_slice %arg2[%add3A_23, %dma_start3A_37, %dma_start3A_38] : memref<6256x4x128xi32, #tpu.memory_space<hbm>> -> memref<1x4x128xi32, #tpu.memory_space<hbm>>
    %dma_start3A_40 = tpu.memref_squeeze %dma_start3A_39 : memref<1x4x128xi32, #tpu.memory_space<hbm>> -> memref<4x128xi32, #tpu.memory_space<hbm>>
    tpu.enqueue_dma source(%dma_start3A_40 : memref<4x128xi32, #tpu.memory_space<hbm>>) target(%dma_start3A_36 : memref<4x128xi32, #tpu.memory_space<vmem>>) target_semaphore(%arg10 : memref<!tpu.dma_semaphore, #tpu.memory_space<semaphore_mem>>)
    %dma_wait3A = arith.constant 0 : i32
    %dma_wait3A_41 = arith.constant 0 : i32
    %dma_wait3A_42 = arith.constant 0 : i32
    %dma_wait3A_43 = tpu.memref_slice %arg7[%dma_wait3A, %dma_wait3A_41, %dma_wait3A_42] : memref<3x4x128xi32, #tpu.memory_space<vmem>> -> memref<1x4x128xi32, #tpu.memory_space<vmem>>
    %dma_wait3A_44 = tpu.memref_squeeze %dma_wait3A_43 : memref<1x4x128xi32, #tpu.memory_space<vmem>> -> memref<4x128xi32, #tpu.memory_space<vmem>>
    %dma_wait3A_45 = arith.constant 0 : i32
    %dma_wait3A_46 = arith.constant 0 : i32
    %dma_wait3A_47 = tpu.memref_slice %arg2[%mul3A_2, %dma_wait3A_45, %dma_wait3A_46] : memref<6256x4x128xi32, #tpu.memory_space<hbm>> -> memref<1x4x128xi32, #tpu.memory_space<hbm>>
    %dma_wait3A_48 = tpu.memref_squeeze %dma_wait3A_47 : memref<1x4x128xi32, #tpu.memory_space<hbm>> -> memref<4x128xi32, #tpu.memory_space<hbm>>
    %dma_wait3A_49 = arith.constant 0 : i32
    %dma_wait3A_50 = arith.constant 0 : i32
    %dma_wait3A_51 = tpu.memref_slice %arg7[%dma_wait3A, %dma_wait3A_49, %dma_wait3A_50] : memref<3x4x128xi32, #tpu.memory_space<vmem>> -> memref<1x4x128xi32, #tpu.memory_space<vmem>>
    %dma_wait3A_52 = tpu.memref_squeeze %dma_wait3A_51 : memref<1x4x128xi32, #tpu.memory_space<vmem>> -> memref<4x128xi32, #tpu.memory_space<vmem>>
    %dma_wait3A_53 = arith.constant 0 : i32
    %dma_wait3A_54 = arith.constant 0 : i32
    %dma_wait3A_55 = tpu.memref_slice %arg2[%mul3A_2, %dma_wait3A_53, %dma_wait3A_54] : memref<6256x4x128xi32, #tpu.memory_space<hbm>> -> memref<1x4x128xi32, #tpu.memory_space<hbm>>
    %dma_wait3A_56 = tpu.memref_squeeze %dma_wait3A_55 : memref<1x4x128xi32, #tpu.memory_space<hbm>> -> memref<4x128xi32, #tpu.memory_space<hbm>>
    tpu.wait_dma2 semaphore(%arg10 : memref<!tpu.dma_semaphore, #tpu.memory_space<semaphore_mem>>) src(%dma_wait3A_56 : memref<4x128xi32, #tpu.memory_space<hbm>>) dst(%dma_wait3A_52 : memref<4x128xi32, #tpu.memory_space<vmem>>)
    %eq3A = arith.constant 0 : i32
    %eq3A_57 = arith.cmpi eq, %arg0, %eq3A : i32
    %convert_element_type3A = arith.extui %eq3A_57 : i1 to i32
    %cond3A = arith.constant 0 : i32
    %cond3A_58 = arith.cmpi ne, %convert_element_type3A, %cond3A : i32
    scf.if %cond3A_58 {
      %dma_start3A_105 = arith.constant 0 : i32
      %dma_start3A_106 = arith.constant 1 : i32
      %dma_start3A_107 = arith.constant 0 : i32
      %dma_start3A_108 = arith.constant 0 : i32
      %dma_start3A_109 = arith.constant 0 : i32
      %dma_start3A_110 = tpu.memref_slice %arg8[%dma_start3A_107, %dma_start3A_108, %dma_start3A_109] : memref<2x128x32xf32, #tpu.memory_space<vmem>> -> memref<1x128x32xf32, #tpu.memory_space<vmem>>
      %dma_start3A_111 = tpu.memref_squeeze %dma_start3A_110 : memref<1x128x32xf32, #tpu.memory_space<vmem>> -> memref<128x32xf32, #tpu.memory_space<vmem>>
      %dma_start3A_112 = arith.constant 0 : i32
      %dma_start3A_113 = tpu.memref_slice %arg7[%dma_start3A_105, %dma_start3A_106, %dma_start3A_112] : memref<3x4x128xi32, #tpu.memory_space<vmem>> -> memref<1x1x128xi32, #tpu.memory_space<vmem>>
      %dma_start3A_114 = tpu.memref_squeeze %dma_start3A_113 : memref<1x1x128xi32, #tpu.memory_space<vmem>> -> memref<128xi32, #tpu.memory_space<vmem>>
      %dma_start3A_115 = arith.constant 0 : i32
      %dma_start3A_116 = arith.constant 0 : i32
      %dma_start3A_117 = tpu.memref_slice %arg3[%dma_start3A_115, %dma_start3A_116] : memref<100000x32xf32, #tpu.memory_space<hbm>> -> memref<100000x32xf32, #tpu.memory_space<hbm>>
      tpu.enqueue_indirect_dma source(%dma_start3A_117 : memref<100000x32xf32, #tpu.memory_space<hbm>>) target(%dma_start3A_111 : memref<128x32xf32, #tpu.memory_space<vmem>>) offsets(%dma_start3A_114 : memref<128xi32, #tpu.memory_space<vmem>>) semaphore(%arg11 : memref<!tpu.dma_semaphore, #tpu.memory_space<semaphore_mem>>)
    } else {
    }
    %eq3A_59 = arith.constant 1 : i32
    %eq3A_60 = arith.cmpi eq, %arg0, %eq3A_59 : i32
    %convert_element_type3A_61 = arith.extui %eq3A_60 : i1 to i32
    %cond3A_62 = arith.constant 0 : i32
    %cond3A_63 = arith.cmpi ne, %convert_element_type3A_61, %cond3A_62 : i32
    scf.if %cond3A_63 {
      %dma_start3A_105 = arith.constant 0 : i32
      %dma_start3A_106 = arith.constant 2 : i32
      %dma_start3A_107 = arith.constant 0 : i32
      %dma_start3A_108 = arith.constant 0 : i32
      %dma_start3A_109 = arith.constant 0 : i32
      %dma_start3A_110 = tpu.memref_slice %arg8[%dma_start3A_107, %dma_start3A_108, %dma_start3A_109] : memref<2x128x32xf32, #tpu.memory_space<vmem>> -> memref<1x128x32xf32, #tpu.memory_space<vmem>>
      %dma_start3A_111 = tpu.memref_squeeze %dma_start3A_110 : memref<1x128x32xf32, #tpu.memory_space<vmem>> -> memref<128x32xf32, #tpu.memory_space<vmem>>
      %dma_start3A_112 = arith.constant 0 : i32
      %dma_start3A_113 = tpu.memref_slice %arg7[%dma_start3A_105, %dma_start3A_106, %dma_start3A_112] : memref<3x4x128xi32, #tpu.memory_space<vmem>> -> memref<1x1x128xi32, #tpu.memory_space<vmem>>
      %dma_start3A_114 = tpu.memref_squeeze %dma_start3A_113 : memref<1x1x128xi32, #tpu.memory_space<vmem>> -> memref<128xi32, #tpu.memory_space<vmem>>
      %dma_start3A_115 = arith.constant 0 : i32
      %dma_start3A_116 = arith.constant 0 : i32
      %dma_start3A_117 = tpu.memref_slice %arg3[%dma_start3A_115, %dma_start3A_116] : memref<100000x32xf32, #tpu.memory_space<hbm>> -> memref<100000x32xf32, #tpu.memory_space<hbm>>
      tpu.enqueue_indirect_dma source(%dma_start3A_117 : memref<100000x32xf32, #tpu.memory_space<hbm>>) target(%dma_start3A_111 : memref<128x32xf32, #tpu.memory_space<vmem>>) offsets(%dma_start3A_114 : memref<128xi32, #tpu.memory_space<vmem>>) semaphore(%arg11 : memref<!tpu.dma_semaphore, #tpu.memory_space<semaphore_mem>>)
    } else {
    }
    %scan3A = arith.constant 0 : i32
    %scan3A_64 = arith.constant 0 : i32
    %scan3A_65 = arith.constant 391 : i32
    %scan3A_66 = arith.addi %scan3A_64, %scan3A_65 : i32
    %scan3A_67 = arith.constant 1 : i32
    scf.for %scan3A_105 = %scan3A_64 to %scan3A_66 step %scan3A_67  : i32 {
      %rem3A = arith.constant 2 : i32
      %rem3A_106 = arith.remsi %scan3A_105, %rem3A : i32
      %rem3A_107 = arith.constant 3 : i32
      %rem3A_108 = arith.remsi %scan3A_105, %rem3A_107 : i32
      %add3A_109 = arith.constant 1 : i32
      %add3A_110 = arith.addi %scan3A_105, %add3A_109 : i32
      %lt3A_111 = arith.constant 391 : i32
      %lt3A_112 = arith.cmpi slt, %add3A_110, %lt3A_111 : i32
      %convert_element_type3A_113 = arith.extui %lt3A_112 : i1 to i32
      %cond3A_114 = arith.constant 0 : i32
      %cond3A_115 = arith.cmpi ne, %convert_element_type3A_113, %cond3A_114 : i32
      scf.if %cond3A_115 {
        %dma_wait3A_149 = arith.constant 0 : i32
        %dma_wait3A_150 = arith.constant 0 : i32
        %dma_wait3A_151 = arith.constant 0 : i32
        %dma_wait3A_152 = tpu.memref_slice %arg7[%dma_wait3A_149, %dma_wait3A_150, %dma_wait3A_151] : memref<3x4x128xi32, #tpu.memory_space<vmem>> -> memref<1x4x128xi32, #tpu.memory_space<vmem>>
        %dma_wait3A_153 = tpu.memref_squeeze %dma_wait3A_152 : memref<1x4x128xi32, #tpu.memory_space<vmem>> -> memref<4x128xi32, #tpu.memory_space<vmem>>
        %dma_wait3A_154 = arith.constant 0 : i32
        %dma_wait3A_155 = arith.constant 0 : i32
        %dma_wait3A_156 = tpu.memref_slice %arg2[%mul3A_2, %dma_wait3A_154, %dma_wait3A_155] : memref<6256x4x128xi32, #tpu.memory_space<hbm>> -> memref<1x4x128xi32, #tpu.memory_space<hbm>>
        %dma_wait3A_157 = tpu.memref_squeeze %dma_wait3A_156 : memref<1x4x128xi32, #tpu.memory_space<hbm>> -> memref<4x128xi32, #tpu.memory_space<hbm>>
        %dma_wait3A_158 = arith.constant 0 : i32
        %dma_wait3A_159 = arith.constant 0 : i32
        %dma_wait3A_160 = tpu.memref_slice %arg7[%dma_wait3A_149, %dma_wait3A_158, %dma_wait3A_159] : memref<3x4x128xi32, #tpu.memory_space<vmem>> -> memref<1x4x128xi32, #tpu.memory_space<vmem>>
        %dma_wait3A_161 = tpu.memref_squeeze %dma_wait3A_160 : memref<1x4x128xi32, #tpu.memory_space<vmem>> -> memref<4x128xi32, #tpu.memory_space<vmem>>
        %dma_wait3A_162 = arith.constant 0 : i32
        %dma_wait3A_163 = arith.constant 0 : i32
        %dma_wait3A_164 = tpu.memref_slice %arg2[%mul3A_2, %dma_wait3A_162, %dma_wait3A_163] : memref<6256x4x128xi32, #tpu.memory_space<hbm>> -> memref<1x4x128xi32, #tpu.memory_space<hbm>>
        %dma_wait3A_165 = tpu.memref_squeeze %dma_wait3A_164 : memref<1x4x128xi32, #tpu.memory_space<hbm>> -> memref<4x128xi32, #tpu.memory_space<hbm>>
        tpu.wait_dma2 semaphore(%arg10 : memref<!tpu.dma_semaphore, #tpu.memory_space<semaphore_mem>>) src(%dma_wait3A_165 : memref<4x128xi32, #tpu.memory_space<hbm>>) dst(%dma_wait3A_161 : memref<4x128xi32, #tpu.memory_space<vmem>>)
        %ge3A = arith.constant 1 : i32
        %ge3A_166 = arith.cmpi sge, %scan3A_105, %ge3A : i32
        %convert_element_type3A_167 = arith.extui %ge3A_166 : i1 to i32
        %cond3A_168 = arith.constant 0 : i32
        %cond3A_169 = arith.cmpi ne, %convert_element_type3A_167, %cond3A_168 : i32
        scf.if %cond3A_169 {
          %dma_wait3A_188 = arith.constant 0 : i32
          %dma_wait3A_189 = arith.constant 0 : i32
          %dma_wait3A_190 = arith.constant 0 : i32
          %dma_wait3A_191 = arith.constant 0 : i32
          %dma_wait3A_192 = arith.constant 0 : i32
          %dma_wait3A_193 = tpu.memref_slice %arg8[%dma_wait3A_188, %dma_wait3A_191, %dma_wait3A_192] : memref<2x128x32xf32, #tpu.memory_space<vmem>> -> memref<1x128x32xf32, #tpu.memory_space<vmem>>
          %dma_wait3A_194 = tpu.memref_squeeze %dma_wait3A_193 : memref<1x128x32xf32, #tpu.memory_space<vmem>> -> memref<128x32xf32, #tpu.memory_space<vmem>>
          %dma_wait3A_195 = arith.constant 0 : i32
          %dma_wait3A_196 = tpu.memref_slice %arg7[%dma_wait3A_189, %dma_wait3A_190, %dma_wait3A_195] : memref<3x4x128xi32, #tpu.memory_space<vmem>> -> memref<1x1x128xi32, #tpu.memory_space<vmem>>
          %dma_wait3A_197 = tpu.memref_squeeze %dma_wait3A_196 : memref<1x1x128xi32, #tpu.memory_space<vmem>> -> memref<128xi32, #tpu.memory_space<vmem>>
          %dma_wait3A_198 = arith.constant 0 : i32
          %dma_wait3A_199 = arith.constant 0 : i32
          %dma_wait3A_200 = tpu.memref_slice %arg9[%dma_wait3A_198, %dma_wait3A_199] : memref<50048x32xf32, #tpu.memory_space<vmem_shared>> -> memref<50048x32xf32, #tpu.memory_space<vmem_shared>>
          tpu.wait_indirect_dma semaphore(%arg12 : memref<!tpu.dma_semaphore, #tpu.memory_space<semaphore_mem>>) src(%dma_wait3A_194 : memref<128x32xf32, #tpu.memory_space<vmem>>) dst(%dma_wait3A_200 : memref<50048x32xf32, #tpu.memory_space<vmem_shared>>)
        } else {
        }
        %add3A_170 = arith.constant 1 : i32
        %add3A_171 = arith.addi %scan3A_105, %add3A_170 : i32
        %rem3A_172 = arith.constant 2 : i32
        %rem3A_173 = arith.remsi %add3A_171, %rem3A_172 : i32
        %add3A_174 = arith.constant 1 : i32
        %add3A_175 = arith.addi %scan3A_105, %add3A_174 : i32
        %rem3A_176 = arith.constant 3 : i32
        %rem3A_177 = arith.remsi %add3A_175, %rem3A_176 : i32
        %eq3A_178 = arith.constant 0 : i32
        %eq3A_179 = arith.cmpi eq, %arg0, %eq3A_178 : i32
        %convert_element_type3A_180 = arith.extui %eq3A_179 : i1 to i32
        %cond3A_181 = arith.constant 0 : i32
        %cond3A_182 = arith.cmpi ne, %convert_element_type3A_180, %cond3A_181 : i32
        scf.if %cond3A_182 {
          %dma_start3A_188 = arith.constant 1 : i32
          %dma_start3A_189 = arith.constant 0 : i32
          %dma_start3A_190 = arith.constant 0 : i32
          %dma_start3A_191 = tpu.memref_slice %arg8[%rem3A_173, %dma_start3A_189, %dma_start3A_190] : memref<2x128x32xf32, #tpu.memory_space<vmem>> -> memref<1x128x32xf32, #tpu.memory_space<vmem>>
          %dma_start3A_192 = tpu.memref_squeeze %dma_start3A_191 : memref<1x128x32xf32, #tpu.memory_space<vmem>> -> memref<128x32xf32, #tpu.memory_space<vmem>>
          %dma_start3A_193 = arith.constant 0 : i32
          %dma_start3A_194 = tpu.memref_slice %arg7[%rem3A_177, %dma_start3A_188, %dma_start3A_193] : memref<3x4x128xi32, #tpu.memory_space<vmem>> -> memref<1x1x128xi32, #tpu.memory_space<vmem>>
          %dma_start3A_195 = tpu.memref_squeeze %dma_start3A_194 : memref<1x1x128xi32, #tpu.memory_space<vmem>> -> memref<128xi32, #tpu.memory_space<vmem>>
          %dma_start3A_196 = arith.constant 0 : i32
          %dma_start3A_197 = arith.constant 0 : i32
          %dma_start3A_198 = tpu.memref_slice %arg3[%dma_start3A_196, %dma_start3A_197] : memref<100000x32xf32, #tpu.memory_space<hbm>> -> memref<100000x32xf32, #tpu.memory_space<hbm>>
          tpu.enqueue_indirect_dma source(%dma_start3A_198 : memref<100000x32xf32, #tpu.memory_space<hbm>>) target(%dma_start3A_192 : memref<128x32xf32, #tpu.memory_space<vmem>>) offsets(%dma_start3A_195 : memref<128xi32, #tpu.memory_space<vmem>>) semaphore(%arg11 : memref<!tpu.dma_semaphore, #tpu.memory_space<semaphore_mem>>)
        } else {
        }
        %eq3A_183 = arith.constant 1 : i32
        %eq3A_184 = arith.cmpi eq, %arg0, %eq3A_183 : i32
        %convert_element_type3A_185 = arith.extui %eq3A_184 : i1 to i32
        %cond3A_186 = arith.constant 0 : i32
        %cond3A_187 = arith.cmpi ne, %convert_element_type3A_185, %cond3A_186 : i32
        scf.if %cond3A_187 {
          %dma_start3A_188 = arith.constant 2 : i32
          %dma_start3A_189 = arith.constant 0 : i32
          %dma_start3A_190 = arith.constant 0 : i32
          %dma_start3A_191 = tpu.memref_slice %arg8[%rem3A_173, %dma_start3A_189, %dma_start3A_190] : memref<2x128x32xf32, #tpu.memory_space<vmem>> -> memref<1x128x32xf32, #tpu.memory_space<vmem>>
          %dma_start3A_192 = tpu.memref_squeeze %dma_start3A_191 : memref<1x128x32xf32, #tpu.memory_space<vmem>> -> memref<128x32xf32, #tpu.memory_space<vmem>>
          %dma_start3A_193 = arith.constant 0 : i32
          %dma_start3A_194 = tpu.memref_slice %arg7[%rem3A_177, %dma_start3A_188, %dma_start3A_193] : memref<3x4x128xi32, #tpu.memory_space<vmem>> -> memref<1x1x128xi32, #tpu.memory_space<vmem>>
          %dma_start3A_195 = tpu.memref_squeeze %dma_start3A_194 : memref<1x1x128xi32, #tpu.memory_space<vmem>> -> memref<128xi32, #tpu.memory_space<vmem>>
          %dma_start3A_196 = arith.constant 0 : i32
          %dma_start3A_197 = arith.constant 0 : i32
          %dma_start3A_198 = tpu.memref_slice %arg3[%dma_start3A_196, %dma_start3A_197] : memref<100000x32xf32, #tpu.memory_space<hbm>> -> memref<100000x32xf32, #tpu.memory_space<hbm>>
          tpu.enqueue_indirect_dma source(%dma_start3A_198 : memref<100000x32xf32, #tpu.memory_space<hbm>>) target(%dma_start3A_192 : memref<128x32xf32, #tpu.memory_space<vmem>>) offsets(%dma_start3A_195 : memref<128xi32, #tpu.memory_space<vmem>>) semaphore(%arg11 : memref<!tpu.dma_semaphore, #tpu.memory_space<semaphore_mem>>)
        } else {
        }
      } else {
      }
      %add3A_116 = arith.constant 2 : i32
      %add3A_117 = arith.addi %scan3A_105, %add3A_116 : i32
      %lt3A_118 = arith.constant 391 : i32
      %lt3A_119 = arith.cmpi slt, %add3A_117, %lt3A_118 : i32
      %convert_element_type3A_120 = arith.extui %lt3A_119 : i1 to i32
      %cond3A_121 = arith.constant 0 : i32
      %cond3A_122 = arith.cmpi ne, %convert_element_type3A_120, %cond3A_121 : i32
      scf.if %cond3A_122 {
        %add3A_149 = arith.constant 2 : i32
        %add3A_150 = arith.addi %scan3A_105, %add3A_149 : i32
        %add3A_151 = arith.constant 2 : i32
        %add3A_152 = arith.addi %scan3A_105, %add3A_151 : i32
        %rem3A_153 = arith.constant 3 : i32
        %rem3A_154 = arith.remsi %add3A_152, %rem3A_153 : i32
        %add3A_155 = arith.addi %mul3A_2, %add3A_150 : i32
        %dma_start3A_156 = arith.constant 0 : i32
        %dma_start3A_157 = arith.constant 0 : i32
        %dma_start3A_158 = tpu.memref_slice %arg7[%rem3A_154, %dma_start3A_156, %dma_start3A_157] : memref<3x4x128xi32, #tpu.memory_space<vmem>> -> memref<1x4x128xi32, #tpu.memory_space<vmem>>
        %dma_start3A_159 = tpu.memref_squeeze %dma_start3A_158 : memref<1x4x128xi32, #tpu.memory_space<vmem>> -> memref<4x128xi32, #tpu.memory_space<vmem>>
        %dma_start3A_160 = arith.constant 0 : i32
        %dma_start3A_161 = arith.constant 0 : i32
        %dma_start3A_162 = tpu.memref_slice %arg2[%add3A_155, %dma_start3A_160, %dma_start3A_161] : memref<6256x4x128xi32, #tpu.memory_space<hbm>> -> memref<1x4x128xi32, #tpu.memory_space<hbm>>
        %dma_start3A_163 = tpu.memref_squeeze %dma_start3A_162 : memref<1x4x128xi32, #tpu.memory_space<hbm>> -> memref<4x128xi32, #tpu.memory_space<hbm>>
        %dma_start3A_164 = arith.constant 0 : i32
        %dma_start3A_165 = arith.constant 0 : i32
        %dma_start3A_166 = tpu.memref_slice %arg7[%rem3A_154, %dma_start3A_164, %dma_start3A_165] : memref<3x4x128xi32, #tpu.memory_space<vmem>> -> memref<1x4x128xi32, #tpu.memory_space<vmem>>
        %dma_start3A_167 = tpu.memref_squeeze %dma_start3A_166 : memref<1x4x128xi32, #tpu.memory_space<vmem>> -> memref<4x128xi32, #tpu.memory_space<vmem>>
        %dma_start3A_168 = arith.constant 0 : i32
        %dma_start3A_169 = arith.constant 0 : i32
        %dma_start3A_170 = tpu.memref_slice %arg2[%add3A_155, %dma_start3A_168, %dma_start3A_169] : memref<6256x4x128xi32, #tpu.memory_space<hbm>> -> memref<1x4x128xi32, #tpu.memory_space<hbm>>
        %dma_start3A_171 = tpu.memref_squeeze %dma_start3A_170 : memref<1x4x128xi32, #tpu.memory_space<hbm>> -> memref<4x128xi32, #tpu.memory_space<hbm>>
        tpu.enqueue_dma source(%dma_start3A_171 : memref<4x128xi32, #tpu.memory_space<hbm>>) target(%dma_start3A_167 : memref<4x128xi32, #tpu.memory_space<vmem>>) target_semaphore(%arg10 : memref<!tpu.dma_semaphore, #tpu.memory_space<semaphore_mem>>)
      } else {
      }
      %dma_wait3A_123 = arith.constant 0 : i32
      %dma_wait3A_124 = arith.constant 1 : i32
      %dma_wait3A_125 = arith.constant 0 : i32
      %dma_wait3A_126 = arith.constant 0 : i32
      %dma_wait3A_127 = arith.constant 0 : i32
      %dma_wait3A_128 = tpu.memref_slice %arg8[%dma_wait3A_125, %dma_wait3A_126, %dma_wait3A_127] : memref<2x128x32xf32, #tpu.memory_space<vmem>> -> memref<1x128x32xf32, #tpu.memory_space<vmem>>
      %dma_wait3A_129 = tpu.memref_squeeze %dma_wait3A_128 : memref<1x128x32xf32, #tpu.memory_space<vmem>> -> memref<128x32xf32, #tpu.memory_space<vmem>>
      %dma_wait3A_130 = arith.constant 0 : i32
      %dma_wait3A_131 = tpu.memref_slice %arg7[%dma_wait3A_123, %dma_wait3A_124, %dma_wait3A_130] : memref<3x4x128xi32, #tpu.memory_space<vmem>> -> memref<1x1x128xi32, #tpu.memory_space<vmem>>
      %dma_wait3A_132 = tpu.memref_squeeze %dma_wait3A_131 : memref<1x1x128xi32, #tpu.memory_space<vmem>> -> memref<128xi32, #tpu.memory_space<vmem>>
      %dma_wait3A_133 = arith.constant 0 : i32
      %dma_wait3A_134 = arith.constant 0 : i32
      %dma_wait3A_135 = tpu.memref_slice %arg3[%dma_wait3A_133, %dma_wait3A_134] : memref<100000x32xf32, #tpu.memory_space<hbm>> -> memref<100000x32xf32, #tpu.memory_space<hbm>>
      tpu.wait_indirect_dma semaphore(%arg11 : memref<!tpu.dma_semaphore, #tpu.memory_space<semaphore_mem>>) src(%dma_wait3A_135 : memref<100000x32xf32, #tpu.memory_space<hbm>>) dst(%dma_wait3A_129 : memref<128x32xf32, #tpu.memory_space<vmem>>)
      %parallel_loop3A = arith.constant 0 : i32
      %parallel_loop3A_136 = arith.constant 8 : i32
      %parallel_loop3A_137 = arith.constant 1 : i32
      scf.for %parallel_loop3A_149 = %parallel_loop3A to %parallel_loop3A_136 step %parallel_loop3A_137  : i32 {
        %parallel_loop3A_150 = arith.constant 16 : i32
        %parallel_loop3A_151 = arith.muli %parallel_loop3A_149, %parallel_loop3A_150 : i32
        %parallel_loop3A_152 = arith.constant 3 : i32
        %parallel_loop3A_153 = arith.index_cast %rem3A_108 : i32 to index
        %parallel_loop3A_154 = arith.index_cast %parallel_loop3A_152 : i32 to index
        %parallel_loop3A_155 = arith.index_cast %parallel_loop3A_151 : i32 to index
        %parallel_loop3A_156 = tpu.vector_load %arg7[%parallel_loop3A_153, %parallel_loop3A_154, %parallel_loop3A_155] {strides = array<i32>} : memref<3x4x128xi32, #tpu.memory_space<vmem>>, vector<16xi32>,
        %parallel_loop3A_157 = vector.bitcast %parallel_loop3A_156 : vector<16xi32> to vector<16xf32>
        %parallel_loop3A_158 = vector.extract_strided_slice %parallel_loop3A_157 {offsets = [0], sizes = [1], strides = [1]} : vector<16xf32> to vector<1xf32>
        %parallel_loop3A_159 = vector.extract %parallel_loop3A_158[0] : f32 from vector<1xf32>
        %parallel_loop3A_160 = arith.constant 16 : i32
        %parallel_loop3A_161 = arith.muli %parallel_loop3A_149, %parallel_loop3A_160 : i32
        %parallel_loop3A_162 = arith.constant 0 : i32
        %parallel_loop3A_163 = arith.addi %parallel_loop3A_161, %parallel_loop3A_162 : i32
        %parallel_loop3A_164 = arith.index_cast %rem3A_106 : i32 to index
        %parallel_loop3A_165 = arith.index_cast %parallel_loop3A_163 : i32 to index
        %parallel_loop3A_166 = arith.constant 0 : index
        %parallel_loop3A_167 = tpu.vector_load %arg8[%parallel_loop3A_164, %parallel_loop3A_165, %parallel_loop3A_166] {strides = array<i32>} : memref<2x128x32xf32, #tpu.memory_space<vmem>>, vector<16xf32>,
        %parallel_loop3A_168 = vector.broadcast %parallel_loop3A_159 : f32 to vector<16xf32>
        %parallel_loop3A_169 = arith.mulf %parallel_loop3A_167, %parallel_loop3A_168 : vector<16xf32>
        %parallel_loop3A_170 = arith.index_cast %rem3A_106 : i32 to index
        %parallel_loop3A_171 = arith.index_cast %parallel_loop3A_163 : i32 to index
        %parallel_loop3A_172 = arith.constant 0 : index
        %parallel_loop3A_173 = tpu.vector_load %arg8[%parallel_loop3A_170, %parallel_loop3A_171, %parallel_loop3A_172] {strides = array<i32>} : memref<2x128x32xf32, #tpu.memory_space<vmem>>, vector<16xf32>,
        tpu.vector_store %arg8[%parallel_loop3A_170, %parallel_loop3A_171, %parallel_loop3A_172], %parallel_loop3A_169 {strides = array<i32>} : memref<2x128x32xf32, #tpu.memory_space<vmem>>, vector<16xf32>,
        %parallel_loop3A_174 = arith.index_cast %rem3A_106 : i32 to index
        %parallel_loop3A_175 = arith.index_cast %parallel_loop3A_163 : i32 to index
        %parallel_loop3A_176 = arith.constant 16 : index
        %parallel_loop3A_177 = tpu.vector_load %arg8[%parallel_loop3A_174, %parallel_loop3A_175, %parallel_loop3A_176] {strides = array<i32>} : memref<2x128x32xf32, #tpu.memory_space<vmem>>, vector<16xf32>,
        %parallel_loop3A_178 = vector.broadcast %parallel_loop3A_159 : f32 to vector<16xf32>
        %parallel_loop3A_179 = arith.mulf %parallel_loop3A_177, %parallel_loop3A_178 : vector<16xf32>
        %parallel_loop3A_180 = arith.index_cast %rem3A_106 : i32 to index
        %parallel_loop3A_181 = arith.index_cast %parallel_loop3A_163 : i32 to index
        %parallel_loop3A_182 = arith.constant 16 : index
        %parallel_loop3A_183 = tpu.vector_load %arg8[%parallel_loop3A_180, %parallel_loop3A_181, %parallel_loop3A_182] {strides = array<i32>} : memref<2x128x32xf32, #tpu.memory_space<vmem>>, vector<16xf32>,
        tpu.vector_store %arg8[%parallel_loop3A_180, %parallel_loop3A_181, %parallel_loop3A_182], %parallel_loop3A_179 {strides = array<i32>} : memref<2x128x32xf32, #tpu.memory_space<vmem>>, vector<16xf32>,
        %parallel_loop3A_184 = vector.extract_strided_slice %parallel_loop3A_157 {offsets = [1], sizes = [1], strides = [1]} : vector<16xf32> to vector<1xf32>
        %parallel_loop3A_185 = vector.extract %parallel_loop3A_184[0] : f32 from vector<1xf32>
        %parallel_loop3A_186 = arith.constant 16 : i32
        %parallel_loop3A_187 = arith.muli %parallel_loop3A_149, %parallel_loop3A_186 : i32
        %parallel_loop3A_188 = arith.constant 1 : i32
        %parallel_loop3A_189 = arith.addi %parallel_loop3A_187, %parallel_loop3A_188 : i32
        %parallel_loop3A_190 = arith.index_cast %rem3A_106 : i32 to index
        %parallel_loop3A_191 = arith.index_cast %parallel_loop3A_189 : i32 to index
        %parallel_loop3A_192 = arith.constant 0 : index
        %parallel_loop3A_193 = tpu.vector_load %arg8[%parallel_loop3A_190, %parallel_loop3A_191, %parallel_loop3A_192] {strides = array<i32>} : memref<2x128x32xf32, #tpu.memory_space<vmem>>, vector<16xf32>,
        %parallel_loop3A_194 = vector.broadcast %parallel_loop3A_185 : f32 to vector<16xf32>
        %parallel_loop3A_195 = arith.mulf %parallel_loop3A_193, %parallel_loop3A_194 : vector<16xf32>
        %parallel_loop3A_196 = arith.index_cast %rem3A_106 : i32 to index
        %parallel_loop3A_197 = arith.index_cast %parallel_loop3A_189 : i32 to index
        %parallel_loop3A_198 = arith.constant 0 : index
        %parallel_loop3A_199 = tpu.vector_load %arg8[%parallel_loop3A_196, %parallel_loop3A_197, %parallel_loop3A_198] {strides = array<i32>} : memref<2x128x32xf32, #tpu.memory_space<vmem>>, vector<16xf32>,
        tpu.vector_store %arg8[%parallel_loop3A_196, %parallel_loop3A_197, %parallel_loop3A_198], %parallel_loop3A_195 {strides = array<i32>} : memref<2x128x32xf32, #tpu.memory_space<vmem>>, vector<16xf32>,
        %parallel_loop3A_200 = arith.index_cast %rem3A_106 : i32 to index
        %parallel_loop3A_201 = arith.index_cast %parallel_loop3A_189 : i32 to index
        %parallel_loop3A_202 = arith.constant 16 : index
        %parallel_loop3A_203 = tpu.vector_load %arg8[%parallel_loop3A_200, %parallel_loop3A_201, %parallel_loop3A_202] {strides = array<i32>} : memref<2x128x32xf32, #tpu.memory_space<vmem>>, vector<16xf32>,
        %parallel_loop3A_204 = vector.broadcast %parallel_loop3A_185 : f32 to vector<16xf32>
        %parallel_loop3A_205 = arith.mulf %parallel_loop3A_203, %parallel_loop3A_204 : vector<16xf32>
        %parallel_loop3A_206 = arith.index_cast %rem3A_106 : i32 to index
        %parallel_loop3A_207 = arith.index_cast %parallel_loop3A_189 : i32 to index
        %parallel_loop3A_208 = arith.constant 16 : index
        %parallel_loop3A_209 = tpu.vector_load %arg8[%parallel_loop3A_206, %parallel_loop3A_207, %parallel_loop3A_208] {strides = array<i32>} : memref<2x128x32xf32, #tpu.memory_space<vmem>>, vector<16xf32>,
        tpu.vector_store %arg8[%parallel_loop3A_206, %parallel_loop3A_207, %parallel_loop3A_208], %parallel_loop3A_205 {strides = array<i32>} : memref<2x128x32xf32, #tpu.memory_space<vmem>>, vector<16xf32>,
        %parallel_loop3A_210 = vector.extract_strided_slice %parallel_loop3A_157 {offsets = [2], sizes = [1], strides = [1]} : vector<16xf32> to vector<1xf32>
        %parallel_loop3A_211 = vector.extract %parallel_loop3A_210[0] : f32 from vector<1xf32>
        %parallel_loop3A_212 = arith.constant 16 : i32
        %parallel_loop3A_213 = arith.muli %parallel_loop3A_149, %parallel_loop3A_212 : i32
        %parallel_loop3A_214 = arith.constant 2 : i32
        %parallel_loop3A_215 = arith.addi %parallel_loop3A_213, %parallel_loop3A_214 : i32
        %parallel_loop3A_216 = arith.index_cast %rem3A_106 : i32 to index
        %parallel_loop3A_217 = arith.index_cast %parallel_loop3A_215 : i32 to index
        %parallel_loop3A_218 = arith.constant 0 : index
        %parallel_loop3A_219 = tpu.vector_load %arg8[%parallel_loop3A_216, %parallel_loop3A_217, %parallel_loop3A_218] {strides = array<i32>} : memref<2x128x32xf32, #tpu.memory_space<vmem>>, vector<16xf32>,
        %parallel_loop3A_220 = vector.broadcast %parallel_loop3A_211 : f32 to vector<16xf32>
        %parallel_loop3A_221 = arith.mulf %parallel_loop3A_219, %parallel_loop3A_220 : vector<16xf32>
        %parallel_loop3A_222 = arith.index_cast %rem3A_106 : i32 to index
        %parallel_loop3A_223 = arith.index_cast %parallel_loop3A_215 : i32 to index
        %parallel_loop3A_224 = arith.constant 0 : index
        %parallel_loop3A_225 = tpu.vector_load %arg8[%parallel_loop3A_222, %parallel_loop3A_223, %parallel_loop3A_224] {strides = array<i32>} : memref<2x128x32xf32, #tpu.memory_space<vmem>>, vector<16xf32>,
        tpu.vector_store %arg8[%parallel_loop3A_222, %parallel_loop3A_223, %parallel_loop3A_224], %parallel_loop3A_221 {strides = array<i32>} : memref<2x128x32xf32, #tpu.memory_space<vmem>>, vector<16xf32>,
        %parallel_loop3A_226 = arith.index_cast %rem3A_106 : i32 to index
        %parallel_loop3A_227 = arith.index_cast %parallel_loop3A_215 : i32 to index
        %parallel_loop3A_228 = arith.constant 16 : index
        %parallel_loop3A_229 = tpu.vector_load %arg8[%parallel_loop3A_226, %parallel_loop3A_227, %parallel_loop3A_228] {strides = array<i32>} : memref<2x128x32xf32, #tpu.memory_space<vmem>>, vector<16xf32>,
        %parallel_loop3A_230 = vector.broadcast %parallel_loop3A_211 : f32 to vector<16xf32>
        %parallel_loop3A_231 = arith.mulf %parallel_loop3A_229, %parallel_loop3A_230 : vector<16xf32>
        %parallel_loop3A_232 = arith.index_cast %rem3A_106 : i32 to index
        %parallel_loop3A_233 = arith.index_cast %parallel_loop3A_215 : i32 to index
        %parallel_loop3A_234 = arith.constant 16 : index
        %parallel_loop3A_235 = tpu.vector_load %arg8[%parallel_loop3A_232, %parallel_loop3A_233, %parallel_loop3A_234] {strides = array<i32>} : memref<2x128x32xf32, #tpu.memory_space<vmem>>, vector<16xf32>,
        tpu.vector_store %arg8[%parallel_loop3A_232, %parallel_loop3A_233, %parallel_loop3A_234], %parallel_loop3A_231 {strides = array<i32>} : memref<2x128x32xf32, #tpu.memory_space<vmem>>, vector<16xf32>,
        %parallel_loop3A_236 = vector.extract_strided_slice %parallel_loop3A_157 {offsets = [3], sizes = [1], strides = [1]} : vector<16xf32> to vector<1xf32>
        %parallel_loop3A_237 = vector.extract %parallel_loop3A_236[0] : f32 from vector<1xf32>
        %parallel_loop3A_238 = arith.constant 16 : i32
        %parallel_loop3A_239 = arith.muli %parallel_loop3A_149, %parallel_loop3A_238 : i32
        %parallel_loop3A_240 = arith.constant 3 : i32
        %parallel_loop3A_241 = arith.addi %parallel_loop3A_239, %parallel_loop3A_240 : i32
        %parallel_loop3A_242 = arith.index_cast %rem3A_106 : i32 to index
        %parallel_loop3A_243 = arith.index_cast %parallel_loop3A_241 : i32 to index
        %parallel_loop3A_244 = arith.constant 0 : index
        %parallel_loop3A_245 = tpu.vector_load %arg8[%parallel_loop3A_242, %parallel_loop3A_243, %parallel_loop3A_244] {strides = array<i32>} : memref<2x128x32xf32, #tpu.memory_space<vmem>>, vector<16xf32>,
        %parallel_loop3A_246 = vector.broadcast %parallel_loop3A_237 : f32 to vector<16xf32>
        %parallel_loop3A_247 = arith.mulf %parallel_loop3A_245, %parallel_loop3A_246 : vector<16xf32>
        %parallel_loop3A_248 = arith.index_cast %rem3A_106 : i32 to index
        %parallel_loop3A_249 = arith.index_cast %parallel_loop3A_241 : i32 to index
        %parallel_loop3A_250 = arith.constant 0 : index
        %parallel_loop3A_251 = tpu.vector_load %arg8[%parallel_loop3A_248, %parallel_loop3A_249, %parallel_loop3A_250] {strides = array<i32>} : memref<2x128x32xf32, #tpu.memory_space<vmem>>, vector<16xf32>,
        tpu.vector_store %arg8[%parallel_loop3A_248, %parallel_loop3A_249, %parallel_loop3A_250], %parallel_loop3A_247 {strides = array<i32>} : memref<2x128x32xf32, #tpu.memory_space<vmem>>, vector<16xf32>,
        %parallel_loop3A_252 = arith.index_cast %rem3A_106 : i32 to index
        %parallel_loop3A_253 = arith.index_cast %parallel_loop3A_241 : i32 to index
        %parallel_loop3A_254 = arith.constant 16 : index
        %parallel_loop3A_255 = tpu.vector_load %arg8[%parallel_loop3A_252, %parallel_loop3A_253, %parallel_loop3A_254] {strides = array<i32>} : memref<2x128x32xf32, #tpu.memory_space<vmem>>, vector<16xf32>,
        %parallel_loop3A_256 = vector.broadcast %parallel_loop3A_237 : f32 to vector<16xf32>
        %parallel_loop3A_257 = arith.mulf %parallel_loop3A_255, %parallel_loop3A_256 : vector<16xf32>
        %parallel_loop3A_258 = arith.index_cast %rem3A_106 : i32 to index
        %parallel_loop3A_259 = arith.index_cast %parallel_loop3A_241 : i32 to index
        %parallel_loop3A_260 = arith.constant 16 : index
        %parallel_loop3A_261 = tpu.vector_load %arg8[%parallel_loop3A_258, %parallel_loop3A_259, %parallel_loop3A_260] {strides = array<i32>} : memref<2x128x32xf32, #tpu.memory_space<vmem>>, vector<16xf32>,
        tpu.vector_store %arg8[%parallel_loop3A_258, %parallel_loop3A_259, %parallel_loop3A_260], %parallel_loop3A_257 {strides = array<i32>} : memref<2x128x32xf32, #tpu.memory_space<vmem>>, vector<16xf32>,
        %parallel_loop3A_262 = vector.extract_strided_slice %parallel_loop3A_157 {offsets = [4], sizes = [1], strides = [1]} : vector<16xf32> to vector<1xf32>
        %parallel_loop3A_263 = vector.extract %parallel_loop3A_262[0] : f32 from vector<1xf32>
        %parallel_loop3A_264 = arith.constant 16 : i32
        %parallel_loop3A_265 = arith.muli %parallel_loop3A_149, %parallel_loop3A_264 : i32
        %parallel_loop3A_266 = arith.constant 4 : i32
        %parallel_loop3A_267 = arith.addi %parallel_loop3A_265, %parallel_loop3A_266 : i32
        %parallel_loop3A_268 = arith.index_cast %rem3A_106 : i32 to index
        %parallel_loop3A_269 = arith.index_cast %parallel_loop3A_267 : i32 to index
        %parallel_loop3A_270 = arith.constant 0 : index
        %parallel_loop3A_271 = tpu.vector_load %arg8[%parallel_loop3A_268, %parallel_loop3A_269, %parallel_loop3A_270] {strides = array<i32>} : memref<2x128x32xf32, #tpu.memory_space<vmem>>, vector<16xf32>,
        %parallel_loop3A_272 = vector.broadcast %parallel_loop3A_263 : f32 to vector<16xf32>
        %parallel_loop3A_273 = arith.mulf %parallel_loop3A_271, %parallel_loop3A_272 : vector<16xf32>
        %parallel_loop3A_274 = arith.index_cast %rem3A_106 : i32 to index
        %parallel_loop3A_275 = arith.index_cast %parallel_loop3A_267 : i32 to index
        %parallel_loop3A_276 = arith.constant 0 : index
        %parallel_loop3A_277 = tpu.vector_load %arg8[%parallel_loop3A_274, %parallel_loop3A_275, %parallel_loop3A_276] {strides = array<i32>} : memref<2x128x32xf32, #tpu.memory_space<vmem>>, vector<16xf32>,
        tpu.vector_store %arg8[%parallel_loop3A_274, %parallel_loop3A_275, %parallel_loop3A_276], %parallel_loop3A_273 {strides = array<i32>} : memref<2x128x32xf32, #tpu.memory_space<vmem>>, vector<16xf32>,
        %parallel_loop3A_278 = arith.index_cast %rem3A_106 : i32 to index
        %parallel_loop3A_279 = arith.index_cast %parallel_loop3A_267 : i32 to index
        %parallel_loop3A_280 = arith.constant 16 : index
        %parallel_loop3A_281 = tpu.vector_load %arg8[%parallel_loop3A_278, %parallel_loop3A_279, %parallel_loop3A_280] {strides = array<i32>} : memref<2x128x32xf32, #tpu.memory_space<vmem>>, vector<16xf32>,
        %parallel_loop3A_282 = vector.broadcast %parallel_loop3A_263 : f32 to vector<16xf32>
        %parallel_loop3A_283 = arith.mulf %parallel_loop3A_281, %parallel_loop3A_282 : vector<16xf32>
        %parallel_loop3A_284 = arith.index_cast %rem3A_106 : i32 to index
        %parallel_loop3A_285 = arith.index_cast %parallel_loop3A_267 : i32 to index
        %parallel_loop3A_286 = arith.constant 16 : index
        %parallel_loop3A_287 = tpu.vector_load %arg8[%parallel_loop3A_284, %parallel_loop3A_285, %parallel_loop3A_286] {strides = array<i32>} : memref<2x128x32xf32, #tpu.memory_space<vmem>>, vector<16xf32>,
        tpu.vector_store %arg8[%parallel_loop3A_284, %parallel_loop3A_285, %parallel_loop3A_286], %parallel_loop3A_283 {strides = array<i32>} : memref<2x128x32xf32, #tpu.memory_space<vmem>>, vector<16xf32>,
        %parallel_loop3A_288 = vector.extract_strided_slice %parallel_loop3A_157 {offsets = [5], sizes = [1], strides = [1]} : vector<16xf32> to vector<1xf32>
        %parallel_loop3A_289 = vector.extract %parallel_loop3A_288[0] : f32 from vector<1xf32>
        %parallel_loop3A_290 = arith.constant 16 : i32
        %parallel_loop3A_291 = arith.muli %parallel_loop3A_149, %parallel_loop3A_290 : i32
        %parallel_loop3A_292 = arith.constant 5 : i32
        %parallel_loop3A_293 = arith.addi %parallel_loop3A_291, %parallel_loop3A_292 : i32
        %parallel_loop3A_294 = arith.index_cast %rem3A_106 : i32 to index
        %parallel_loop3A_295 = arith.index_cast %parallel_loop3A_293 : i32 to index
        %parallel_loop3A_296 = arith.constant 0 : index
        %parallel_loop3A_297 = tpu.vector_load %arg8[%parallel_loop3A_294, %parallel_loop3A_295, %parallel_loop3A_296] {strides = array<i32>} : memref<2x128x32xf32, #tpu.memory_space<vmem>>, vector<16xf32>,
        %parallel_loop3A_298 = vector.broadcast %parallel_loop3A_289 : f32 to vector<16xf32>
        %parallel_loop3A_299 = arith.mulf %parallel_loop3A_297, %parallel_loop3A_298 : vector<16xf32>
        %parallel_loop3A_300 = arith.index_cast %rem3A_106 : i32 to index
        %parallel_loop3A_301 = arith.index_cast %parallel_loop3A_293 : i32 to index
        %parallel_loop3A_302 = arith.constant 0 : index
        %parallel_loop3A_303 = tpu.vector_load %arg8[%parallel_loop3A_300, %parallel_loop3A_301, %parallel_loop3A_302] {strides = array<i32>} : memref<2x128x32xf32, #tpu.memory_space<vmem>>, vector<16xf32>,
        tpu.vector_store %arg8[%parallel_loop3A_300, %parallel_loop3A_301, %parallel_loop3A_302], %parallel_loop3A_299 {strides = array<i32>} : memref<2x128x32xf32, #tpu.memory_space<vmem>>, vector<16xf32>,
        %parallel_loop3A_304 = arith.index_cast %rem3A_106 : i32 to index
        %parallel_loop3A_305 = arith.index_cast %parallel_loop3A_293 : i32 to index
        %parallel_loop3A_306 = arith.constant 16 : index
        %parallel_loop3A_307 = tpu.vector_load %arg8[%parallel_loop3A_304, %parallel_loop3A_305, %parallel_loop3A_306] {strides = array<i32>} : memref<2x128x32xf32, #tpu.memory_space<vmem>>, vector<16xf32>,
        %parallel_loop3A_308 = vector.broadcast %parallel_loop3A_289 : f32 to vector<16xf32>
        %parallel_loop3A_309 = arith.mulf %parallel_loop3A_307, %parallel_loop3A_308 : vector<16xf32>
        %parallel_loop3A_310 = arith.index_cast %rem3A_106 : i32 to index
        %parallel_loop3A_311 = arith.index_cast %parallel_loop3A_293 : i32 to index
        %parallel_loop3A_312 = arith.constant 16 : index
        %parallel_loop3A_313 = tpu.vector_load %arg8[%parallel_loop3A_310, %parallel_loop3A_311, %parallel_loop3A_312] {strides = array<i32>} : memref<2x128x32xf32, #tpu.memory_space<vmem>>, vector<16xf32>,
        tpu.vector_store %arg8[%parallel_loop3A_310, %parallel_loop3A_311, %parallel_loop3A_312], %parallel_loop3A_309 {strides = array<i32>} : memref<2x128x32xf32, #tpu.memory_space<vmem>>, vector<16xf32>,
        %parallel_loop3A_314 = vector.extract_strided_slice %parallel_loop3A_157 {offsets = [6], sizes = [1], strides = [1]} : vector<16xf32> to vector<1xf32>
        %parallel_loop3A_315 = vector.extract %parallel_loop3A_314[0] : f32 from vector<1xf32>
        %parallel_loop3A_316 = arith.constant 16 : i32
        %parallel_loop3A_317 = arith.muli %parallel_loop3A_149, %parallel_loop3A_316 : i32
        %parallel_loop3A_318 = arith.constant 6 : i32
        %parallel_loop3A_319 = arith.addi %parallel_loop3A_317, %parallel_loop3A_318 : i32
        %parallel_loop3A_320 = arith.index_cast %rem3A_106 : i32 to index
        %parallel_loop3A_321 = arith.index_cast %parallel_loop3A_319 : i32 to index
        %parallel_loop3A_322 = arith.constant 0 : index
        %parallel_loop3A_323 = tpu.vector_load %arg8[%parallel_loop3A_320, %parallel_loop3A_321, %parallel_loop3A_322] {strides = array<i32>} : memref<2x128x32xf32, #tpu.memory_space<vmem>>, vector<16xf32>,
        %parallel_loop3A_324 = vector.broadcast %parallel_loop3A_315 : f32 to vector<16xf32>
        %parallel_loop3A_325 = arith.mulf %parallel_loop3A_323, %parallel_loop3A_324 : vector<16xf32>
        %parallel_loop3A_326 = arith.index_cast %rem3A_106 : i32 to index
        %parallel_loop3A_327 = arith.index_cast %parallel_loop3A_319 : i32 to index
        %parallel_loop3A_328 = arith.constant 0 : index
        %parallel_loop3A_329 = tpu.vector_load %arg8[%parallel_loop3A_326, %parallel_loop3A_327, %parallel_loop3A_328] {strides = array<i32>} : memref<2x128x32xf32, #tpu.memory_space<vmem>>, vector<16xf32>,
        tpu.vector_store %arg8[%parallel_loop3A_326, %parallel_loop3A_327, %parallel_loop3A_328], %parallel_loop3A_325 {strides = array<i32>} : memref<2x128x32xf32, #tpu.memory_space<vmem>>, vector<16xf32>,
        %parallel_loop3A_330 = arith.index_cast %rem3A_106 : i32 to index
        %parallel_loop3A_331 = arith.index_cast %parallel_loop3A_319 : i32 to index
        %parallel_loop3A_332 = arith.constant 16 : index
        %parallel_loop3A_333 = tpu.vector_load %arg8[%parallel_loop3A_330, %parallel_loop3A_331, %parallel_loop3A_332] {strides = array<i32>} : memref<2x128x32xf32, #tpu.memory_space<vmem>>, vector<16xf32>,
        %parallel_loop3A_334 = vector.broadcast %parallel_loop3A_315 : f32 to vector<16xf32>
        %parallel_loop3A_335 = arith.mulf %parallel_loop3A_333, %parallel_loop3A_334 : vector<16xf32>
        %parallel_loop3A_336 = arith.index_cast %rem3A_106 : i32 to index
        %parallel_loop3A_337 = arith.index_cast %parallel_loop3A_319 : i32 to index
        %parallel_loop3A_338 = arith.constant 16 : index
        %parallel_loop3A_339 = tpu.vector_load %arg8[%parallel_loop3A_336, %parallel_loop3A_337, %parallel_loop3A_338] {strides = array<i32>} : memref<2x128x32xf32, #tpu.memory_space<vmem>>, vector<16xf32>,
        tpu.vector_store %arg8[%parallel_loop3A_336, %parallel_loop3A_337, %parallel_loop3A_338], %parallel_loop3A_335 {strides = array<i32>} : memref<2x128x32xf32, #tpu.memory_space<vmem>>, vector<16xf32>,
        %parallel_loop3A_340 = vector.extract_strided_slice %parallel_loop3A_157 {offsets = [7], sizes = [1], strides = [1]} : vector<16xf32> to vector<1xf32>
        %parallel_loop3A_341 = vector.extract %parallel_loop3A_340[0] : f32 from vector<1xf32>
        %parallel_loop3A_342 = arith.constant 16 : i32
        %parallel_loop3A_343 = arith.muli %parallel_loop3A_149, %parallel_loop3A_342 : i32
        %parallel_loop3A_344 = arith.constant 7 : i32
        %parallel_loop3A_345 = arith.addi %parallel_loop3A_343, %parallel_loop3A_344 : i32
        %parallel_loop3A_346 = arith.index_cast %rem3A_106 : i32 to index
        %parallel_loop3A_347 = arith.index_cast %parallel_loop3A_345 : i32 to index
        %parallel_loop3A_348 = arith.constant 0 : index
        %parallel_loop3A_349 = tpu.vector_load %arg8[%parallel_loop3A_346, %parallel_loop3A_347, %parallel_loop3A_348] {strides = array<i32>} : memref<2x128x32xf32, #tpu.memory_space<vmem>>, vector<16xf32>,
        %parallel_loop3A_350 = vector.broadcast %parallel_loop3A_341 : f32 to vector<16xf32>
        %parallel_loop3A_351 = arith.mulf %parallel_loop3A_349, %parallel_loop3A_350 : vector<16xf32>
        %parallel_loop3A_352 = arith.index_cast %rem3A_106 : i32 to index
        %parallel_loop3A_353 = arith.index_cast %parallel_loop3A_345 : i32 to index
        %parallel_loop3A_354 = arith.constant 0 : index
        %parallel_loop3A_355 = tpu.vector_load %arg8[%parallel_loop3A_352, %parallel_loop3A_353, %parallel_loop3A_354] {strides = array<i32>} : memref<2x128x32xf32, #tpu.memory_space<vmem>>, vector<16xf32>,
        tpu.vector_store %arg8[%parallel_loop3A_352, %parallel_loop3A_353, %parallel_loop3A_354], %parallel_loop3A_351 {strides = array<i32>} : memref<2x128x32xf32, #tpu.memory_space<vmem>>, vector<16xf32>,
        %parallel_loop3A_356 = arith.index_cast %rem3A_106 : i32 to index
        %parallel_loop3A_357 = arith.index_cast %parallel_loop3A_345 : i32 to index
        %parallel_loop3A_358 = arith.constant 16 : index
        %parallel_loop3A_359 = tpu.vector_load %arg8[%parallel_loop3A_356, %parallel_loop3A_357, %parallel_loop3A_358] {strides = array<i32>} : memref<2x128x32xf32, #tpu.memory_space<vmem>>, vector<16xf32>,
        %parallel_loop3A_360 = vector.broadcast %parallel_loop3A_341 : f32 to vector<16xf32>
        %parallel_loop3A_361 = arith.mulf %parallel_loop3A_359, %parallel_loop3A_360 : vector<16xf32>
        %parallel_loop3A_362 = arith.index_cast %rem3A_106 : i32 to index
        %parallel_loop3A_363 = arith.index_cast %parallel_loop3A_345 : i32 to index
        %parallel_loop3A_364 = arith.constant 16 : index
        %parallel_loop3A_365 = tpu.vector_load %arg8[%parallel_loop3A_362, %parallel_loop3A_363, %parallel_loop3A_364] {strides = array<i32>} : memref<2x128x32xf32, #tpu.memory_space<vmem>>, vector<16xf32>,
        tpu.vector_store %arg8[%parallel_loop3A_362, %parallel_loop3A_363, %parallel_loop3A_364], %parallel_loop3A_361 {strides = array<i32>} : memref<2x128x32xf32, #tpu.memory_space<vmem>>, vector<16xf32>,
        %parallel_loop3A_366 = vector.extract_strided_slice %parallel_loop3A_157 {offsets = [8], sizes = [1], strides = [1]} : vector<16xf32> to vector<1xf32>
        %parallel_loop3A_367 = vector.extract %parallel_loop3A_366[0] : f32 from vector<1xf32>
        %parallel_loop3A_368 = arith.constant 16 : i32
        %parallel_loop3A_369 = arith.muli %parallel_loop3A_149, %parallel_loop3A_368 : i32
        %parallel_loop3A_370 = arith.constant 8 : i32
        %parallel_loop3A_371 = arith.addi %parallel_loop3A_369, %parallel_loop3A_370 : i32
        %parallel_loop3A_372 = arith.index_cast %rem3A_106 : i32 to index
        %parallel_loop3A_373 = arith.index_cast %parallel_loop3A_371 : i32 to index
        %parallel_loop3A_374 = arith.constant 0 : index
        %parallel_loop3A_375 = tpu.vector_load %arg8[%parallel_loop3A_372, %parallel_loop3A_373, %parallel_loop3A_374] {strides = array<i32>} : memref<2x128x32xf32, #tpu.memory_space<vmem>>, vector<16xf32>,
        %parallel_loop3A_376 = vector.broadcast %parallel_loop3A_367 : f32 to vector<16xf32>
        %parallel_loop3A_377 = arith.mulf %parallel_loop3A_375, %parallel_loop3A_376 : vector<16xf32>
        %parallel_loop3A_378 = arith.index_cast %rem3A_106 : i32 to index
        %parallel_loop3A_379 = arith.index_cast %parallel_loop3A_371 : i32 to index
        %parallel_loop3A_380 = arith.constant 0 : index
        %parallel_loop3A_381 = tpu.vector_load %arg8[%parallel_loop3A_378, %parallel_loop3A_379, %parallel_loop3A_380] {strides = array<i32>} : memref<2x128x32xf32, #tpu.memory_space<vmem>>, vector<16xf32>,
        tpu.vector_store %arg8[%parallel_loop3A_378, %parallel_loop3A_379, %parallel_loop3A_380], %parallel_loop3A_377 {strides = array<i32>} : memref<2x128x32xf32, #tpu.memory_space<vmem>>, vector<16xf32>,
        %parallel_loop3A_382 = arith.index_cast %rem3A_106 : i32 to index
        %parallel_loop3A_383 = arith.index_cast %parallel_loop3A_371 : i32 to index
        %parallel_loop3A_384 = arith.constant 16 : index
        %parallel_loop3A_385 = tpu.vector_load %arg8[%parallel_loop3A_382, %parallel_loop3A_383, %parallel_loop3A_384] {strides = array<i32>} : memref<2x128x32xf32, #tpu.memory_space<vmem>>, vector<16xf32>,
        %parallel_loop3A_386 = vector.broadcast %parallel_loop3A_367 : f32 to vector<16xf32>
        %parallel_loop3A_387 = arith.mulf %parallel_loop3A_385, %parallel_loop3A_386 : vector<16xf32>
        %parallel_loop3A_388 = arith.index_cast %rem3A_106 : i32 to index
        %parallel_loop3A_389 = arith.index_cast %parallel_loop3A_371 : i32 to index
        %parallel_loop3A_390 = arith.constant 16 : index
        %parallel_loop3A_391 = tpu.vector_load %arg8[%parallel_loop3A_388, %parallel_loop3A_389, %parallel_loop3A_390] {strides = array<i32>} : memref<2x128x32xf32, #tpu.memory_space<vmem>>, vector<16xf32>,
        tpu.vector_store %arg8[%parallel_loop3A_388, %parallel_loop3A_389, %parallel_loop3A_390], %parallel_loop3A_387 {strides = array<i32>} : memref<2x128x32xf32, #tpu.memory_space<vmem>>, vector<16xf32>,
        %parallel_loop3A_392 = vector.extract_strided_slice %parallel_loop3A_157 {offsets = [9], sizes = [1], strides = [1]} : vector<16xf32> to vector<1xf32>
        %parallel_loop3A_393 = vector.extract %parallel_loop3A_392[0] : f32 from vector<1xf32>
        %parallel_loop3A_394 = arith.constant 16 : i32
        %parallel_loop3A_395 = arith.muli %parallel_loop3A_149, %parallel_loop3A_394 : i32
        %parallel_loop3A_396 = arith.constant 9 : i32
        %parallel_loop3A_397 = arith.addi %parallel_loop3A_395, %parallel_loop3A_396 : i32
        %parallel_loop3A_398 = arith.index_cast %rem3A_106 : i32 to index
        %parallel_loop3A_399 = arith.index_cast %parallel_loop3A_397 : i32 to index
        %parallel_loop3A_400 = arith.constant 0 : index
        %parallel_loop3A_401 = tpu.vector_load %arg8[%parallel_loop3A_398, %parallel_loop3A_399, %parallel_loop3A_400] {strides = array<i32>} : memref<2x128x32xf32, #tpu.memory_space<vmem>>, vector<16xf32>,
        %parallel_loop3A_402 = vector.broadcast %parallel_loop3A_393 : f32 to vector<16xf32>
        %parallel_loop3A_403 = arith.mulf %parallel_loop3A_401, %parallel_loop3A_402 : vector<16xf32>
        %parallel_loop3A_404 = arith.index_cast %rem3A_106 : i32 to index
        %parallel_loop3A_405 = arith.index_cast %parallel_loop3A_397 : i32 to index
        %parallel_loop3A_406 = arith.constant 0 : index
        %parallel_loop3A_407 = tpu.vector_load %arg8[%parallel_loop3A_404, %parallel_loop3A_405, %parallel_loop3A_406] {strides = array<i32>} : memref<2x128x32xf32, #tpu.memory_space<vmem>>, vector<16xf32>,
        tpu.vector_store %arg8[%parallel_loop3A_404, %parallel_loop3A_405, %parallel_loop3A_406], %parallel_loop3A_403 {strides = array<i32>} : memref<2x128x32xf32, #tpu.memory_space<vmem>>, vector<16xf32>,
        %parallel_loop3A_408 = arith.index_cast %rem3A_106 : i32 to index
        %parallel_loop3A_409 = arith.index_cast %parallel_loop3A_397 : i32 to index
        %parallel_loop3A_410 = arith.constant 16 : index
        %parallel_loop3A_411 = tpu.vector_load %arg8[%parallel_loop3A_408, %parallel_loop3A_409, %parallel_loop3A_410] {strides = array<i32>} : memref<2x128x32xf32, #tpu.memory_space<vmem>>, vector<16xf32>,
        %parallel_loop3A_412 = vector.broadcast %parallel_loop3A_393 : f32 to vector<16xf32>
        %parallel_loop3A_413 = arith.mulf %parallel_loop3A_411, %parallel_loop3A_412 : vector<16xf32>
        %parallel_loop3A_414 = arith.index_cast %rem3A_106 : i32 to index
        %parallel_loop3A_415 = arith.index_cast %parallel_loop3A_397 : i32 to index
        %parallel_loop3A_416 = arith.constant 16 : index
        %parallel_loop3A_417 = tpu.vector_load %arg8[%parallel_loop3A_414, %parallel_loop3A_415, %parallel_loop3A_416] {strides = array<i32>} : memref<2x128x32xf32, #tpu.memory_space<vmem>>, vector<16xf32>,
        tpu.vector_store %arg8[%parallel_loop3A_414, %parallel_loop3A_415, %parallel_loop3A_416], %parallel_loop3A_413 {strides = array<i32>} : memref<2x128x32xf32, #tpu.memory_space<vmem>>, vector<16xf32>,
        %parallel_loop3A_418 = vector.extract_strided_slice %parallel_loop3A_157 {offsets = [10], sizes = [1], strides = [1]} : vector<16xf32> to vector<1xf32>
        %parallel_loop3A_419 = vector.extract %parallel_loop3A_418[0] : f32 from vector<1xf32>
        %parallel_loop3A_420 = arith.constant 16 : i32
        %parallel_loop3A_421 = arith.muli %parallel_loop3A_149, %parallel_loop3A_420 : i32
        %parallel_loop3A_422 = arith.constant 10 : i32
        %parallel_loop3A_423 = arith.addi %parallel_loop3A_421, %parallel_loop3A_422 : i32
        %parallel_loop3A_424 = arith.index_cast %rem3A_106 : i32 to index
        %parallel_loop3A_425 = arith.index_cast %parallel_loop3A_423 : i32 to index
        %parallel_loop3A_426 = arith.constant 0 : index
        %parallel_loop3A_427 = tpu.vector_load %arg8[%parallel_loop3A_424, %parallel_loop3A_425, %parallel_loop3A_426] {strides = array<i32>} : memref<2x128x32xf32, #tpu.memory_space<vmem>>, vector<16xf32>,
        %parallel_loop3A_428 = vector.broadcast %parallel_loop3A_419 : f32 to vector<16xf32>
        %parallel_loop3A_429 = arith.mulf %parallel_loop3A_427, %parallel_loop3A_428 : vector<16xf32>
        %parallel_loop3A_430 = arith.index_cast %rem3A_106 : i32 to index
        %parallel_loop3A_431 = arith.index_cast %parallel_loop3A_423 : i32 to index
        %parallel_loop3A_432 = arith.constant 0 : index
        %parallel_loop3A_433 = tpu.vector_load %arg8[%parallel_loop3A_430, %parallel_loop3A_431, %parallel_loop3A_432] {strides = array<i32>} : memref<2x128x32xf32, #tpu.memory_space<vmem>>, vector<16xf32>,
        tpu.vector_store %arg8[%parallel_loop3A_430, %parallel_loop3A_431, %parallel_loop3A_432], %parallel_loop3A_429 {strides = array<i32>} : memref<2x128x32xf32, #tpu.memory_space<vmem>>, vector<16xf32>,
        %parallel_loop3A_434 = arith.index_cast %rem3A_106 : i32 to index
        %parallel_loop3A_435 = arith.index_cast %parallel_loop3A_423 : i32 to index
        %parallel_loop3A_436 = arith.constant 16 : index
        %parallel_loop3A_437 = tpu.vector_load %arg8[%parallel_loop3A_434, %parallel_loop3A_435, %parallel_loop3A_436] {strides = array<i32>} : memref<2x128x32xf32, #tpu.memory_space<vmem>>, vector<16xf32>,
        %parallel_loop3A_438 = vector.broadcast %parallel_loop3A_419 : f32 to vector<16xf32>
        %parallel_loop3A_439 = arith.mulf %parallel_loop3A_437, %parallel_loop3A_438 : vector<16xf32>
        %parallel_loop3A_440 = arith.index_cast %rem3A_106 : i32 to index
        %parallel_loop3A_441 = arith.index_cast %parallel_loop3A_423 : i32 to index
        %parallel_loop3A_442 = arith.constant 16 : index
        %parallel_loop3A_443 = tpu.vector_load %arg8[%parallel_loop3A_440, %parallel_loop3A_441, %parallel_loop3A_442] {strides = array<i32>} : memref<2x128x32xf32, #tpu.memory_space<vmem>>, vector<16xf32>,
        tpu.vector_store %arg8[%parallel_loop3A_440, %parallel_loop3A_441, %parallel_loop3A_442], %parallel_loop3A_439 {strides = array<i32>} : memref<2x128x32xf32, #tpu.memory_space<vmem>>, vector<16xf32>,
        %parallel_loop3A_444 = vector.extract_strided_slice %parallel_loop3A_157 {offsets = [11], sizes = [1], strides = [1]} : vector<16xf32> to vector<1xf32>
        %parallel_loop3A_445 = vector.extract %parallel_loop3A_444[0] : f32 from vector<1xf32>
        %parallel_loop3A_446 = arith.constant 16 : i32
        %parallel_loop3A_447 = arith.muli %parallel_loop3A_149, %parallel_loop3A_446 : i32
        %parallel_loop3A_448 = arith.constant 11 : i32
        %parallel_loop3A_449 = arith.addi %parallel_loop3A_447, %parallel_loop3A_448 : i32
        %parallel_loop3A_450 = arith.index_cast %rem3A_106 : i32 to index
        %parallel_loop3A_451 = arith.index_cast %parallel_loop3A_449 : i32 to index
        %parallel_loop3A_452 = arith.constant 0 : index
        %parallel_loop3A_453 = tpu.vector_load %arg8[%parallel_loop3A_450, %parallel_loop3A_451, %parallel_loop3A_452] {strides = array<i32>} : memref<2x128x32xf32, #tpu.memory_space<vmem>>, vector<16xf32>,
        %parallel_loop3A_454 = vector.broadcast %parallel_loop3A_445 : f32 to vector<16xf32>
        %parallel_loop3A_455 = arith.mulf %parallel_loop3A_453, %parallel_loop3A_454 : vector<16xf32>
        %parallel_loop3A_456 = arith.index_cast %rem3A_106 : i32 to index
        %parallel_loop3A_457 = arith.index_cast %parallel_loop3A_449 : i32 to index
        %parallel_loop3A_458 = arith.constant 0 : index
        %parallel_loop3A_459 = tpu.vector_load %arg8[%parallel_loop3A_456, %parallel_loop3A_457, %parallel_loop3A_458] {strides = array<i32>} : memref<2x128x32xf32, #tpu.memory_space<vmem>>, vector<16xf32>,
        tpu.vector_store %arg8[%parallel_loop3A_456, %parallel_loop3A_457, %parallel_loop3A_458], %parallel_loop3A_455 {strides = array<i32>} : memref<2x128x32xf32, #tpu.memory_space<vmem>>, vector<16xf32>,
        %parallel_loop3A_460 = arith.index_cast %rem3A_106 : i32 to index
        %parallel_loop3A_461 = arith.index_cast %parallel_loop3A_449 : i32 to index
        %parallel_loop3A_462 = arith.constant 16 : index
        %parallel_loop3A_463 = tpu.vector_load %arg8[%parallel_loop3A_460, %parallel_loop3A_461, %parallel_loop3A_462] {strides = array<i32>} : memref<2x128x32xf32, #tpu.memory_space<vmem>>, vector<16xf32>,
        %parallel_loop3A_464 = vector.broadcast %parallel_loop3A_445 : f32 to vector<16xf32>
        %parallel_loop3A_465 = arith.mulf %parallel_loop3A_463, %parallel_loop3A_464 : vector<16xf32>
        %parallel_loop3A_466 = arith.index_cast %rem3A_106 : i32 to index
        %parallel_loop3A_467 = arith.index_cast %parallel_loop3A_449 : i32 to index
        %parallel_loop3A_468 = arith.constant 16 : index
        %parallel_loop3A_469 = tpu.vector_load %arg8[%parallel_loop3A_466, %parallel_loop3A_467, %parallel_loop3A_468] {strides = array<i32>} : memref<2x128x32xf32, #tpu.memory_space<vmem>>, vector<16xf32>,
        tpu.vector_store %arg8[%parallel_loop3A_466, %parallel_loop3A_467, %parallel_loop3A_468], %parallel_loop3A_465 {strides = array<i32>} : memref<2x128x32xf32, #tpu.memory_space<vmem>>, vector<16xf32>,
        %parallel_loop3A_470 = vector.extract_strided_slice %parallel_loop3A_157 {offsets = [12], sizes = [1], strides = [1]} : vector<16xf32> to vector<1xf32>
        %parallel_loop3A_471 = vector.extract %parallel_loop3A_470[0] : f32 from vector<1xf32>
        %parallel_loop3A_472 = arith.constant 16 : i32
        %parallel_loop3A_473 = arith.muli %parallel_loop3A_149, %parallel_loop3A_472 : i32
        %parallel_loop3A_474 = arith.constant 12 : i32
        %parallel_loop3A_475 = arith.addi %parallel_loop3A_473, %parallel_loop3A_474 : i32
        %parallel_loop3A_476 = arith.index_cast %rem3A_106 : i32 to index
        %parallel_loop3A_477 = arith.index_cast %parallel_loop3A_475 : i32 to index
        %parallel_loop3A_478 = arith.constant 0 : index
        %parallel_loop3A_479 = tpu.vector_load %arg8[%parallel_loop3A_476, %parallel_loop3A_477, %parallel_loop3A_478] {strides = array<i32>} : memref<2x128x32xf32, #tpu.memory_space<vmem>>, vector<16xf32>,
        %parallel_loop3A_480 = vector.broadcast %parallel_loop3A_471 : f32 to vector<16xf32>
        %parallel_loop3A_481 = arith.mulf %parallel_loop3A_479, %parallel_loop3A_480 : vector<16xf32>
        %parallel_loop3A_482 = arith.index_cast %rem3A_106 : i32 to index
        %parallel_loop3A_483 = arith.index_cast %parallel_loop3A_475 : i32 to index
        %parallel_loop3A_484 = arith.constant 0 : index
        %parallel_loop3A_485 = tpu.vector_load %arg8[%parallel_loop3A_482, %parallel_loop3A_483, %parallel_loop3A_484] {strides = array<i32>} : memref<2x128x32xf32, #tpu.memory_space<vmem>>, vector<16xf32>,
        tpu.vector_store %arg8[%parallel_loop3A_482, %parallel_loop3A_483, %parallel_loop3A_484], %parallel_loop3A_481 {strides = array<i32>} : memref<2x128x32xf32, #tpu.memory_space<vmem>>, vector<16xf32>,
        %parallel_loop3A_486 = arith.index_cast %rem3A_106 : i32 to index
        %parallel_loop3A_487 = arith.index_cast %parallel_loop3A_475 : i32 to index
        %parallel_loop3A_488 = arith.constant 16 : index
        %parallel_loop3A_489 = tpu.vector_load %arg8[%parallel_loop3A_486, %parallel_loop3A_487, %parallel_loop3A_488] {strides = array<i32>} : memref<2x128x32xf32, #tpu.memory_space<vmem>>, vector<16xf32>,
        %parallel_loop3A_490 = vector.broadcast %parallel_loop3A_471 : f32 to vector<16xf32>
        %parallel_loop3A_491 = arith.mulf %parallel_loop3A_489, %parallel_loop3A_490 : vector<16xf32>
        %parallel_loop3A_492 = arith.index_cast %rem3A_106 : i32 to index
        %parallel_loop3A_493 = arith.index_cast %parallel_loop3A_475 : i32 to index
        %parallel_loop3A_494 = arith.constant 16 : index
        %parallel_loop3A_495 = tpu.vector_load %arg8[%parallel_loop3A_492, %parallel_loop3A_493, %parallel_loop3A_494] {strides = array<i32>} : memref<2x128x32xf32, #tpu.memory_space<vmem>>, vector<16xf32>,
        tpu.vector_store %arg8[%parallel_loop3A_492, %parallel_loop3A_493, %parallel_loop3A_494], %parallel_loop3A_491 {strides = array<i32>} : memref<2x128x32xf32, #tpu.memory_space<vmem>>, vector<16xf32>,
        %parallel_loop3A_496 = vector.extract_strided_slice %parallel_loop3A_157 {offsets = [13], sizes = [1], strides = [1]} : vector<16xf32> to vector<1xf32>
        %parallel_loop3A_497 = vector.extract %parallel_loop3A_496[0] : f32 from vector<1xf32>
        %parallel_loop3A_498 = arith.constant 16 : i32
        %parallel_loop3A_499 = arith.muli %parallel_loop3A_149, %parallel_loop3A_498 : i32
        %parallel_loop3A_500 = arith.constant 13 : i32
        %parallel_loop3A_501 = arith.addi %parallel_loop3A_499, %parallel_loop3A_500 : i32
        %parallel_loop3A_502 = arith.index_cast %rem3A_106 : i32 to index
        %parallel_loop3A_503 = arith.index_cast %parallel_loop3A_501 : i32 to index
        %parallel_loop3A_504 = arith.constant 0 : index
        %parallel_loop3A_505 = tpu.vector_load %arg8[%parallel_loop3A_502, %parallel_loop3A_503, %parallel_loop3A_504] {strides = array<i32>} : memref<2x128x32xf32, #tpu.memory_space<vmem>>, vector<16xf32>,
        %parallel_loop3A_506 = vector.broadcast %parallel_loop3A_497 : f32 to vector<16xf32>
        %parallel_loop3A_507 = arith.mulf %parallel_loop3A_505, %parallel_loop3A_506 : vector<16xf32>
        %parallel_loop3A_508 = arith.index_cast %rem3A_106 : i32 to index
        %parallel_loop3A_509 = arith.index_cast %parallel_loop3A_501 : i32 to index
        %parallel_loop3A_510 = arith.constant 0 : index
        %parallel_loop3A_511 = tpu.vector_load %arg8[%parallel_loop3A_508, %parallel_loop3A_509, %parallel_loop3A_510] {strides = array<i32>} : memref<2x128x32xf32, #tpu.memory_space<vmem>>, vector<16xf32>,
        tpu.vector_store %arg8[%parallel_loop3A_508, %parallel_loop3A_509, %parallel_loop3A_510], %parallel_loop3A_507 {strides = array<i32>} : memref<2x128x32xf32, #tpu.memory_space<vmem>>, vector<16xf32>,
        %parallel_loop3A_512 = arith.index_cast %rem3A_106 : i32 to index
        %parallel_loop3A_513 = arith.index_cast %parallel_loop3A_501 : i32 to index
        %parallel_loop3A_514 = arith.constant 16 : index
        %parallel_loop3A_515 = tpu.vector_load %arg8[%parallel_loop3A_512, %parallel_loop3A_513, %parallel_loop3A_514] {strides = array<i32>} : memref<2x128x32xf32, #tpu.memory_space<vmem>>, vector<16xf32>,
        %parallel_loop3A_516 = vector.broadcast %parallel_loop3A_497 : f32 to vector<16xf32>
        %parallel_loop3A_517 = arith.mulf %parallel_loop3A_515, %parallel_loop3A_516 : vector<16xf32>
        %parallel_loop3A_518 = arith.index_cast %rem3A_106 : i32 to index
        %parallel_loop3A_519 = arith.index_cast %parallel_loop3A_501 : i32 to index
        %parallel_loop3A_520 = arith.constant 16 : index
        %parallel_loop3A_521 = tpu.vector_load %arg8[%parallel_loop3A_518, %parallel_loop3A_519, %parallel_loop3A_520] {strides = array<i32>} : memref<2x128x32xf32, #tpu.memory_space<vmem>>, vector<16xf32>,
        tpu.vector_store %arg8[%parallel_loop3A_518, %parallel_loop3A_519, %parallel_loop3A_520], %parallel_loop3A_517 {strides = array<i32>} : memref<2x128x32xf32, #tpu.memory_space<vmem>>, vector<16xf32>,
        %parallel_loop3A_522 = vector.extract_strided_slice %parallel_loop3A_157 {offsets = [14], sizes = [1], strides = [1]} : vector<16xf32> to vector<1xf32>
        %parallel_loop3A_523 = vector.extract %parallel_loop3A_522[0] : f32 from vector<1xf32>
        %parallel_loop3A_524 = arith.constant 16 : i32
        %parallel_loop3A_525 = arith.muli %parallel_loop3A_149, %parallel_loop3A_524 : i32
        %parallel_loop3A_526 = arith.constant 14 : i32
        %parallel_loop3A_527 = arith.addi %parallel_loop3A_525, %parallel_loop3A_526 : i32
        %parallel_loop3A_528 = arith.index_cast %rem3A_106 : i32 to index
        %parallel_loop3A_529 = arith.index_cast %parallel_loop3A_527 : i32 to index
        %parallel_loop3A_530 = arith.constant 0 : index
        %parallel_loop3A_531 = tpu.vector_load %arg8[%parallel_loop3A_528, %parallel_loop3A_529, %parallel_loop3A_530] {strides = array<i32>} : memref<2x128x32xf32, #tpu.memory_space<vmem>>, vector<16xf32>,
        %parallel_loop3A_532 = vector.broadcast %parallel_loop3A_523 : f32 to vector<16xf32>
        %parallel_loop3A_533 = arith.mulf %parallel_loop3A_531, %parallel_loop3A_532 : vector<16xf32>
        %parallel_loop3A_534 = arith.index_cast %rem3A_106 : i32 to index
        %parallel_loop3A_535 = arith.index_cast %parallel_loop3A_527 : i32 to index
        %parallel_loop3A_536 = arith.constant 0 : index
        %parallel_loop3A_537 = tpu.vector_load %arg8[%parallel_loop3A_534, %parallel_loop3A_535, %parallel_loop3A_536] {strides = array<i32>} : memref<2x128x32xf32, #tpu.memory_space<vmem>>, vector<16xf32>,
        tpu.vector_store %arg8[%parallel_loop3A_534, %parallel_loop3A_535, %parallel_loop3A_536], %parallel_loop3A_533 {strides = array<i32>} : memref<2x128x32xf32, #tpu.memory_space<vmem>>, vector<16xf32>,
        %parallel_loop3A_538 = arith.index_cast %rem3A_106 : i32 to index
        %parallel_loop3A_539 = arith.index_cast %parallel_loop3A_527 : i32 to index
        %parallel_loop3A_540 = arith.constant 16 : index
        %parallel_loop3A_541 = tpu.vector_load %arg8[%parallel_loop3A_538, %parallel_loop3A_539, %parallel_loop3A_540] {strides = array<i32>} : memref<2x128x32xf32, #tpu.memory_space<vmem>>, vector<16xf32>,
        %parallel_loop3A_542 = vector.broadcast %parallel_loop3A_523 : f32 to vector<16xf32>
        %parallel_loop3A_543 = arith.mulf %parallel_loop3A_541, %parallel_loop3A_542 : vector<16xf32>
        %parallel_loop3A_544 = arith.index_cast %rem3A_106 : i32 to index
        %parallel_loop3A_545 = arith.index_cast %parallel_loop3A_527 : i32 to index
        %parallel_loop3A_546 = arith.constant 16 : index
        %parallel_loop3A_547 = tpu.vector_load %arg8[%parallel_loop3A_544, %parallel_loop3A_545, %parallel_loop3A_546] {strides = array<i32>} : memref<2x128x32xf32, #tpu.memory_space<vmem>>, vector<16xf32>,
        tpu.vector_store %arg8[%parallel_loop3A_544, %parallel_loop3A_545, %parallel_loop3A_546], %parallel_loop3A_543 {strides = array<i32>} : memref<2x128x32xf32, #tpu.memory_space<vmem>>, vector<16xf32>,
        %parallel_loop3A_548 = vector.extract_strided_slice %parallel_loop3A_157 {offsets = [15], sizes = [1], strides = [1]} : vector<16xf32> to vector<1xf32>
        %parallel_loop3A_549 = vector.extract %parallel_loop3A_548[0] : f32 from vector<1xf32>
        %parallel_loop3A_550 = arith.constant 16 : i32
        %parallel_loop3A_551 = arith.muli %parallel_loop3A_149, %parallel_loop3A_550 : i32
        %parallel_loop3A_552 = arith.constant 15 : i32
        %parallel_loop3A_553 = arith.addi %parallel_loop3A_551, %parallel_loop3A_552 : i32
        %parallel_loop3A_554 = arith.index_cast %rem3A_106 : i32 to index
        %parallel_loop3A_555 = arith.index_cast %parallel_loop3A_553 : i32 to index
        %parallel_loop3A_556 = arith.constant 0 : index
        %parallel_loop3A_557 = tpu.vector_load %arg8[%parallel_loop3A_554, %parallel_loop3A_555, %parallel_loop3A_556] {strides = array<i32>} : memref<2x128x32xf32, #tpu.memory_space<vmem>>, vector<16xf32>,
        %parallel_loop3A_558 = vector.broadcast %parallel_loop3A_549 : f32 to vector<16xf32>
        %parallel_loop3A_559 = arith.mulf %parallel_loop3A_557, %parallel_loop3A_558 : vector<16xf32>
        %parallel_loop3A_560 = arith.index_cast %rem3A_106 : i32 to index
        %parallel_loop3A_561 = arith.index_cast %parallel_loop3A_553 : i32 to index
        %parallel_loop3A_562 = arith.constant 0 : index
        %parallel_loop3A_563 = tpu.vector_load %arg8[%parallel_loop3A_560, %parallel_loop3A_561, %parallel_loop3A_562] {strides = array<i32>} : memref<2x128x32xf32, #tpu.memory_space<vmem>>, vector<16xf32>,
        tpu.vector_store %arg8[%parallel_loop3A_560, %parallel_loop3A_561, %parallel_loop3A_562], %parallel_loop3A_559 {strides = array<i32>} : memref<2x128x32xf32, #tpu.memory_space<vmem>>, vector<16xf32>,
        %parallel_loop3A_564 = arith.index_cast %rem3A_106 : i32 to index
        %parallel_loop3A_565 = arith.index_cast %parallel_loop3A_553 : i32 to index
        %parallel_loop3A_566 = arith.constant 16 : index
        %parallel_loop3A_567 = tpu.vector_load %arg8[%parallel_loop3A_564, %parallel_loop3A_565, %parallel_loop3A_566] {strides = array<i32>} : memref<2x128x32xf32, #tpu.memory_space<vmem>>, vector<16xf32>,
        %parallel_loop3A_568 = vector.broadcast %parallel_loop3A_549 : f32 to vector<16xf32>
        %parallel_loop3A_569 = arith.mulf %parallel_loop3A_567, %parallel_loop3A_568 : vector<16xf32>
        %parallel_loop3A_570 = arith.index_cast %rem3A_106 : i32 to index
        %parallel_loop3A_571 = arith.index_cast %parallel_loop3A_553 : i32 to index
        %parallel_loop3A_572 = arith.constant 16 : index
        %parallel_loop3A_573 = tpu.vector_load %arg8[%parallel_loop3A_570, %parallel_loop3A_571, %parallel_loop3A_572] {strides = array<i32>} : memref<2x128x32xf32, #tpu.memory_space<vmem>>, vector<16xf32>,
        tpu.vector_store %arg8[%parallel_loop3A_570, %parallel_loop3A_571, %parallel_loop3A_572], %parallel_loop3A_569 {strides = array<i32>} : memref<2x128x32xf32, #tpu.memory_space<vmem>>, vector<16xf32>,
      } {sc.loop_unroll_factor = 2 : i64, sc.parallel_access}
      %dma_start3A_138 = arith.constant 0 : i32
      %dma_start3A_139 = arith.constant 0 : i32
      %dma_start3A_140 = arith.constant 0 : i32
      %dma_start3A_141 = tpu.memref_slice %arg8[%rem3A_106, %dma_start3A_139, %dma_start3A_140] : memref<2x128x32xf32, #tpu.memory_space<vmem>> -> memref<1x128x32xf32, #tpu.memory_space<vmem>>
      %dma_start3A_142 = tpu.memref_squeeze %dma_start3A_141 : memref<1x128x32xf32, #tpu.memory_space<vmem>> -> memref<128x32xf32, #tpu.memory_space<vmem>>
      %dma_start3A_143 = arith.constant 0 : i32
      %dma_start3A_144 = tpu.memref_slice %arg7[%rem3A_108, %dma_start3A_138, %dma_start3A_143] : memref<3x4x128xi32, #tpu.memory_space<vmem>> -> memref<1x1x128xi32, #tpu.memory_space<vmem>>
      %dma_start3A_145 = tpu.memref_squeeze %dma_start3A_144 : memref<1x1x128xi32, #tpu.memory_space<vmem>> -> memref<128xi32, #tpu.memory_space<vmem>>
      %dma_start3A_146 = arith.constant 0 : i32
      %dma_start3A_147 = arith.constant 0 : i32
      %dma_start3A_148 = tpu.memref_slice %arg9[%dma_start3A_146, %dma_start3A_147] : memref<50048x32xf32, #tpu.memory_space<vmem_shared>> -> memref<50048x32xf32, #tpu.memory_space<vmem_shared>>
      tpu.enqueue_indirect_dma source(%dma_start3A_142 : memref<128x32xf32, #tpu.memory_space<vmem>>) target(%dma_start3A_148 : memref<50048x32xf32, #tpu.memory_space<vmem_shared>>) offsets(%dma_start3A_145 : memref<128xi32, #tpu.memory_space<vmem>>) semaphore(%arg12 : memref<!tpu.dma_semaphore, #tpu.memory_space<semaphore_mem>>) {add = true}
    }
    %scan3A_68 = arith.constant 391 : i32
    %dma_wait3A_69 = arith.constant 0 : i32
    %dma_wait3A_70 = arith.constant 0 : i32
    %dma_wait3A_71 = arith.constant 0 : i32
    %dma_wait3A_72 = arith.constant 0 : i32
    %dma_wait3A_73 = arith.constant 0 : i32
    %dma_wait3A_74 = tpu.memref_slice %arg8[%dma_wait3A_69, %dma_wait3A_72, %dma_wait3A_73] : memref<2x128x32xf32, #tpu.memory_space<vmem>> -> memref<1x128x32xf32, #tpu.memory_space<vmem>>
    %dma_wait3A_75 = tpu.memref_squeeze %dma_wait3A_74 : memref<1x128x32xf32, #tpu.memory_space<vmem>> -> memref<128x32xf32, #tpu.memory_space<vmem>>
    %dma_wait3A_76 = arith.constant 0 : i32
    %dma_wait3A_77 = tpu.memref_slice %arg7[%dma_wait3A_70, %dma_wait3A_71, %dma_wait3A_76] : memref<3x4x128xi32, #tpu.memory_space<vmem>> -> memref<1x1x128xi32, #tpu.memory_space<vmem>>
    %dma_wait3A_78 = tpu.memref_squeeze %dma_wait3A_77 : memref<1x1x128xi32, #tpu.memory_space<vmem>> -> memref<128xi32, #tpu.memory_space<vmem>>
    %dma_wait3A_79 = arith.constant 0 : i32
    %dma_wait3A_80 = arith.constant 0 : i32
    %dma_wait3A_81 = tpu.memref_slice %arg9[%dma_wait3A_79, %dma_wait3A_80] : memref<50048x32xf32, #tpu.memory_space<vmem_shared>> -> memref<50048x32xf32, #tpu.memory_space<vmem_shared>>
    tpu.wait_indirect_dma semaphore(%arg12 : memref<!tpu.dma_semaphore, #tpu.memory_space<semaphore_mem>>) src(%dma_wait3A_75 : memref<128x32xf32, #tpu.memory_space<vmem>>) dst(%dma_wait3A_81 : memref<50048x32xf32, #tpu.memory_space<vmem_shared>>)
    %dma_wait3A_82 = arith.constant 0 : i32
    %dma_wait3A_83 = arith.constant 0 : i32
    %dma_wait3A_84 = arith.constant 0 : i32
    %dma_wait3A_85 = arith.constant 0 : i32
    %dma_wait3A_86 = arith.constant 0 : i32
    %dma_wait3A_87 = tpu.memref_slice %arg8[%dma_wait3A_82, %dma_wait3A_85, %dma_wait3A_86] : memref<2x128x32xf32, #tpu.memory_space<vmem>> -> memref<1x128x32xf32, #tpu.memory_space<vmem>>
    %dma_wait3A_88 = tpu.memref_squeeze %dma_wait3A_87 : memref<1x128x32xf32, #tpu.memory_space<vmem>> -> memref<128x32xf32, #tpu.memory_space<vmem>>
    %dma_wait3A_89 = arith.constant 0 : i32
    %dma_wait3A_90 = tpu.memref_slice %arg7[%dma_wait3A_83, %dma_wait3A_84, %dma_wait3A_89] : memref<3x4x128xi32, #tpu.memory_space<vmem>> -> memref<1x1x128xi32, #tpu.memory_space<vmem>>
    %dma_wait3A_91 = tpu.memref_squeeze %dma_wait3A_90 : memref<1x1x128xi32, #tpu.memory_space<vmem>> -> memref<128xi32, #tpu.memory_space<vmem>>
    %dma_wait3A_92 = arith.constant 0 : i32
    %dma_wait3A_93 = arith.constant 0 : i32
    %dma_wait3A_94 = tpu.memref_slice %arg9[%dma_wait3A_92, %dma_wait3A_93] : memref<50048x32xf32, #tpu.memory_space<vmem_shared>> -> memref<50048x32xf32, #tpu.memory_space<vmem_shared>>
    tpu.wait_indirect_dma semaphore(%arg12 : memref<!tpu.dma_semaphore, #tpu.memory_space<semaphore_mem>>) src(%dma_wait3A_88 : memref<128x32xf32, #tpu.memory_space<vmem>>) dst(%dma_wait3A_94 : memref<50048x32xf32, #tpu.memory_space<vmem_shared>>)
    %barrier3A_95 = arith.constant 0 : index
    tpu.barrier barrier_id(%barrier3A_95)
    %lt3A = arith.constant 15 : i32
    %lt3A_96 = arith.cmpi slt, %arg1, %lt3A : i32
    %convert_element_type3A_97 = arith.extui %lt3A_96 : i1 to i32
    %cond3A_98 = arith.constant 0 : i32
    %cond3A_99 = arith.cmpi ne, %convert_element_type3A_97, %cond3A_98 : i32
    scf.if %cond3A_99 {
      %mul3A_105 = arith.constant 100000 : i32
      %mul3A_106 = arith.muli %arg0, %mul3A_105 : i32
      %add3A_107 = arith.addi %mul3A_106, %multiple_of3A : i32
      "tpu.region"() ({
        %run_scoped3A = tpu.sem_alloc : memref<!tpu.dma_semaphore, #tpu.memory_space<semaphore_mem>>
        %dma_start3A_116 = arith.constant 0 : i32
        %dma_start3A_117 = tpu.memref_slice %arg6[%add3A_107, %dma_start3A_116] : memref<200000x32xf32, #tpu.memory_space<hbm>> -> memref<3128x32xf32, #tpu.memory_space<hbm>>
        %dma_start3A_118 = arith.constant 0 : i32
        %dma_start3A_119 = tpu.memref_slice %arg9[%multiple_of3A, %dma_start3A_118] : memref<50048x32xf32, #tpu.memory_space<vmem_shared>> -> memref<3128x32xf32, #tpu.memory_space<vmem_shared>>
        tpu.enqueue_dma source(%dma_start3A_119 : memref<3128x32xf32, #tpu.memory_space<vmem_shared>>) target(%dma_start3A_117 : memref<3128x32xf32, #tpu.memory_space<hbm>>) target_semaphore(%run_scoped3A : memref<!tpu.dma_semaphore, #tpu.memory_space<semaphore_mem>>)
        %dma_wait3A_120 = arith.constant 0 : i32
        %dma_wait3A_121 = tpu.memref_slice %arg6[%add3A_107, %dma_wait3A_120] : memref<200000x32xf32, #tpu.memory_space<hbm>> -> memref<3128x32xf32, #tpu.memory_space<hbm>>
        %dma_wait3A_122 = arith.constant 0 : i32
        %dma_wait3A_123 = tpu.memref_slice %arg9[%multiple_of3A, %dma_wait3A_122] : memref<50048x32xf32, #tpu.memory_space<vmem_shared>> -> memref<3128x32xf32, #tpu.memory_space<vmem_shared>>
        tpu.wait_dma2 semaphore(%run_scoped3A : memref<!tpu.dma_semaphore, #tpu.memory_space<semaphore_mem>>) src(%dma_wait3A_123 : memref<3128x32xf32, #tpu.memory_space<vmem_shared>>) dst(%dma_wait3A_121 : memref<3128x32xf32, #tpu.memory_space<hbm>>)
        tpu.yield
      }) : () -> ()
      %mul3A_108 = arith.constant 50000 : i32
      %mul3A_109 = arith.muli %arg0, %mul3A_108 : i32
      %add3A_110 = arith.addi %mul3A_109, %multiple_of3A : i32
      %mul3A_111 = arith.constant 100000 : i32
      %mul3A_112 = arith.muli %arg0, %mul3A_111 : i32
      %add3A_113 = arith.constant 50000 : i32
      %add3A_114 = arith.addi %mul3A_112, %add3A_113 : i32
      %add3A_115 = arith.addi %add3A_114, %multiple_of3A : i32
      "tpu.region"() ({
        %run_scoped3A = tpu.sem_alloc : memref<!tpu.dma_semaphore, #tpu.memory_space<semaphore_mem>>
        %dma_start3A_116 = arith.constant 0 : i32
        %dma_start3A_117 = tpu.memref_slice %arg6[%add3A_115, %dma_start3A_116] : memref<200000x32xf32, #tpu.memory_space<hbm>> -> memref<3128x32xf32, #tpu.memory_space<hbm>>
        %dma_start3A_118 = arith.constant 0 : i32
        %dma_start3A_119 = tpu.memref_slice %arg4[%add3A_110, %dma_start3A_118] : memref<100000x32xf32, #tpu.memory_space<hbm>> -> memref<3128x32xf32, #tpu.memory_space<hbm>>
        tpu.enqueue_dma source(%dma_start3A_119 : memref<3128x32xf32, #tpu.memory_space<hbm>>) target(%dma_start3A_117 : memref<3128x32xf32, #tpu.memory_space<hbm>>) target_semaphore(%run_scoped3A : memref<!tpu.dma_semaphore, #tpu.memory_space<semaphore_mem>>)
        %dma_wait3A_120 = arith.constant 0 : i32
        %dma_wait3A_121 = tpu.memref_slice %arg6[%add3A_115, %dma_wait3A_120] : memref<200000x32xf32, #tpu.memory_space<hbm>> -> memref<3128x32xf32, #tpu.memory_space<hbm>>
        %dma_wait3A_122 = arith.constant 0 : i32
        %dma_wait3A_123 = tpu.memref_slice %arg4[%add3A_110, %dma_wait3A_122] : memref<100000x32xf32, #tpu.memory_space<hbm>> -> memref<3128x32xf32, #tpu.memory_space<hbm>>
        tpu.wait_dma2 semaphore(%run_scoped3A : memref<!tpu.dma_semaphore, #tpu.memory_space<semaphore_mem>>) src(%dma_wait3A_123 : memref<3128x32xf32, #tpu.memory_space<hbm>>) dst(%dma_wait3A_121 : memref<3128x32xf32, #tpu.memory_space<hbm>>)
        tpu.yield
      }) : () -> ()
    } else {
    }
    %eq3A_100 = arith.constant 15 : i32
    %eq3A_101 = arith.cmpi eq, %arg1, %eq3A_100 : i32
    %convert_element_type3A_102 = arith.extui %eq3A_101 : i1 to i32
    %cond3A_103 = arith.constant 0 : i32
    %cond3A_104 = arith.cmpi ne, %convert_element_type3A_102, %cond3A_103 : i32
    scf.if %cond3A_104 {
      %mul3A_105 = arith.constant 100000 : i32
      %mul3A_106 = arith.muli %arg0, %mul3A_105 : i32
      %add3A_107 = arith.addi %mul3A_106, %multiple_of3A : i32
      "tpu.region"() ({
        %run_scoped3A = tpu.sem_alloc : memref<!tpu.dma_semaphore, #tpu.memory_space<semaphore_mem>>
        %dma_start3A_116 = arith.constant 0 : i32
        %dma_start3A_117 = tpu.memref_slice %arg6[%add3A_107, %dma_start3A_116] : memref<200000x32xf32, #tpu.memory_space<hbm>> -> memref<3080x32xf32, #tpu.memory_space<hbm>>
        %dma_start3A_118 = arith.constant 0 : i32
        %dma_start3A_119 = tpu.memref_slice %arg9[%multiple_of3A, %dma_start3A_118] : memref<50048x32xf32, #tpu.memory_space<vmem_shared>> -> memref<3080x32xf32, #tpu.memory_space<vmem_shared>>
        tpu.enqueue_dma source(%dma_start3A_119 : memref<3080x32xf32, #tpu.memory_space<vmem_shared>>) target(%dma_start3A_117 : memref<3080x32xf32, #tpu.memory_space<hbm>>) target_semaphore(%run_scoped3A : memref<!tpu.dma_semaphore, #tpu.memory_space<semaphore_mem>>)
        %dma_wait3A_120 = arith.constant 0 : i32
        %dma_wait3A_121 = tpu.memref_slice %arg6[%add3A_107, %dma_wait3A_120] : memref<200000x32xf32, #tpu.memory_space<hbm>> -> memref<3080x32xf32, #tpu.memory_space<hbm>>
        %dma_wait3A_122 = arith.constant 0 : i32
        %dma_wait3A_123 = tpu.memref_slice %arg9[%multiple_of3A, %dma_wait3A_122] : memref<50048x32xf32, #tpu.memory_space<vmem_shared>> -> memref<3080x32xf32, #tpu.memory_space<vmem_shared>>
        tpu.wait_dma2 semaphore(%run_scoped3A : memref<!tpu.dma_semaphore, #tpu.memory_space<semaphore_mem>>) src(%dma_wait3A_123 : memref<3080x32xf32, #tpu.memory_space<vmem_shared>>) dst(%dma_wait3A_121 : memref<3080x32xf32, #tpu.memory_space<hbm>>)
        tpu.yield
      }) : () -> ()
      %mul3A_108 = arith.constant 50000 : i32
      %mul3A_109 = arith.muli %arg0, %mul3A_108 : i32
      %add3A_110 = arith.addi %mul3A_109, %multiple_of3A : i32
      %mul3A_111 = arith.constant 100000 : i32
      %mul3A_112 = arith.muli %arg0, %mul3A_111 : i32
      %add3A_113 = arith.constant 50000 : i32
      %add3A_114 = arith.addi %mul3A_112, %add3A_113 : i32
      %add3A_115 = arith.addi %add3A_114, %multiple_of3A : i32
      "tpu.region"() ({
        %run_scoped3A = tpu.sem_alloc : memref<!tpu.dma_semaphore, #tpu.memory_space<semaphore_mem>>
        %dma_start3A_116 = arith.constant 0 : i32
        %dma_start3A_117 = tpu.memref_slice %arg6[%add3A_115, %dma_start3A_116] : memref<200000x32xf32, #tpu.memory_space<hbm>> -> memref<3080x32xf32, #tpu.memory_space<hbm>>
        %dma_start3A_118 = arith.constant 0 : i32
        %dma_start3A_119 = tpu.memref_slice %arg4[%add3A_110, %dma_start3A_118] : memref<100000x32xf32, #tpu.memory_space<hbm>> -> memref<3080x32xf32, #tpu.memory_space<hbm>>
        tpu.enqueue_dma source(%dma_start3A_119 : memref<3080x32xf32, #tpu.memory_space<hbm>>) target(%dma_start3A_117 : memref<3080x32xf32, #tpu.memory_space<hbm>>) target_semaphore(%run_scoped3A : memref<!tpu.dma_semaphore, #tpu.memory_space<semaphore_mem>>)
        %dma_wait3A_120 = arith.constant 0 : i32
        %dma_wait3A_121 = tpu.memref_slice %arg6[%add3A_115, %dma_wait3A_120] : memref<200000x32xf32, #tpu.memory_space<hbm>> -> memref<3080x32xf32, #tpu.memory_space<hbm>>
        %dma_wait3A_122 = arith.constant 0 : i32
        %dma_wait3A_123 = tpu.memref_slice %arg4[%add3A_110, %dma_wait3A_122] : memref<100000x32xf32, #tpu.memory_space<hbm>> -> memref<3080x32xf32, #tpu.memory_space<hbm>>
        tpu.wait_dma2 semaphore(%run_scoped3A : memref<!tpu.dma_semaphore, #tpu.memory_space<semaphore_mem>>) src(%dma_wait3A_123 : memref<3080x32xf32, #tpu.memory_space<hbm>>) dst(%dma_wait3A_121 : memref<3080x32xf32, #tpu.memory_space<hbm>>)
        tpu.yield
      }) : () -> ()
    } else {
    }
    return
  }
}

module attributes {stable_mosaic.version = 14 : i64} {
  func.func @_prologue_body(%arg0: i32, %arg1: memref<2000x128xf32, #tpu.memory_space<vmem>>, %arg2: memref<2000x1xi32, #tpu.memory_space<vmem>>, %arg3: memref<128x64xf32, #tpu.memory_space<vmem>>, %arg4: memref<1x64xf32, #tpu.memory_space<vmem>>, %arg5: memref<64x64xf32, #tpu.memory_space<vmem>>, %arg6: memref<1x64xf32, #tpu.memory_space<vmem>>, %arg7: memref<64x64xf32, #tpu.memory_space<vmem>>, %arg8: memref<1x64xf32, #tpu.memory_space<vmem>>, %arg9: memref<2x2000x32xf32, #tpu.memory_space<vmem>>, %arg10: memref<2x2000x32xf32, #tpu.memory_space<vmem>>) attributes {dimension_semantics = [#tpu.dimension_semantics<arbitrary>], iteration_bounds = array<i64: 25>, scalar_prefetch = 0 : i64, scratch_operands = 0 : i64, tpu.core_type = #tpu.core_type<tc>, window_params = [{transform_indices = @transform_0, window_bounds = array<i64: 2000, 128>}, {transform_indices = @transform_1, window_bounds = array<i64: 2000, 1>}, {pipeline_mode = #tpu.pipeline_mode<synchronous>, transform_indices = @transform_2, window_bounds = array<i64: 128, 64>}, {pipeline_mode = #tpu.pipeline_mode<synchronous>, transform_indices = @transform_3, window_bounds = array<i64: 1, 64>}, {pipeline_mode = #tpu.pipeline_mode<synchronous>, transform_indices = @transform_4, window_bounds = array<i64: 64, 64>}, {pipeline_mode = #tpu.pipeline_mode<synchronous>, transform_indices = @transform_5, window_bounds = array<i64: 1, 64>}, {pipeline_mode = #tpu.pipeline_mode<synchronous>, transform_indices = @transform_6, window_bounds = array<i64: 64, 64>}, {pipeline_mode = #tpu.pipeline_mode<synchronous>, transform_indices = @transform_7, window_bounds = array<i64: 1, 64>}, {transform_indices = @transform_8, window_bounds = array<i64: 2, 2000, 32>}, {transform_indices = @transform_9, window_bounds = array<i64: 2, 2000, 32>}]} {
    %get3A = arith.constant 0 : index
    %get3A_0 = arith.constant 0 : index
    %get3A_1 = vector.load %arg1[%get3A, %get3A_0] : memref<2000x128xf32, #tpu.memory_space<vmem>>, vector<2000x128xf32>
    %get3A_2 = arith.constant 0 : index
    %get3A_3 = arith.constant 0 : index
    %get3A_4 = vector.load %arg3[%get3A_2, %get3A_3] : memref<128x64xf32, #tpu.memory_space<vmem>>, vector<128x64xf32>
    %dot_general3A = arith.constant dense<0.000000e+00> : vector<2000x64xf32>
    %dot_general3A_5 = tpu.matmul %get3A_1, %get3A_4, %dot_general3A {dimension_numbers = #tpu.dot_dimension_numbers<[1], [0], [0], [1], [0, 0, 1, 1], [], []>, transpose_lhs_hint = false} : vector<2000x128xf32>, vector<128x64xf32>, vector<2000x64xf32> -> vector<2000x64xf32>
    %get3A_6 = arith.constant 0 : index
    %get3A_7 = arith.constant 0 : index
    %get3A_8 = vector.load %arg4[%get3A_6, %get3A_7] : memref<1x64xf32, #tpu.memory_space<vmem>>, vector<1x64xf32>
    %add3A = vector.broadcast %get3A_8 : vector<1x64xf32> to vector<2000x64xf32>
    %add3A_9 = arith.addf %dot_general3A_5, %add3A : vector<2000x64xf32>
    %get3A_10 = arith.constant 0 : index
    %get3A_11 = arith.constant 0 : index
    %get3A_12 = vector.load %arg2[%get3A_10, %get3A_11] : memref<2000x1xi32, #tpu.memory_space<vmem>>, vector<2000x1xi32>
    %eq3A = arith.constant 0 : i32
    %eq3A_13 = vector.broadcast %eq3A : i32 to vector<2000x1xi32>
    %eq3A_14 = arith.cmpi eq, %get3A_12, %eq3A_13 : vector<2000x1xi32>
    %jit3A = arith.constant 0.000000e+00 : f32
    %broadcast_in_dim3A = vector.shape_cast %eq3A_14 : vector<2000x1xi1> to vector<2000x1xi1>
    %broadcast_in_dim3A_15 = vector.broadcast %broadcast_in_dim3A : vector<2000x1xi1> to vector<2000x64xi1>
    %broadcast_in_dim3A_16 = vector.broadcast %jit3A : f32 to vector<2000x64xf32>
    %select_n3A = arith.select %broadcast_in_dim3A_15, %add3A_9, %broadcast_in_dim3A_16 : vector<2000x64xi1>, vector<2000x64xf32>
    %get3A_17 = arith.constant 0 : index
    %get3A_18 = arith.constant 0 : index
    %get3A_19 = vector.load %arg5[%get3A_17, %get3A_18] : memref<64x64xf32, #tpu.memory_space<vmem>>, vector<64x64xf32>
    %dot_general3A_20 = arith.constant dense<0.000000e+00> : vector<2000x64xf32>
    %dot_general3A_21 = tpu.matmul %select_n3A, %get3A_19, %dot_general3A_20 {dimension_numbers = #tpu.dot_dimension_numbers<[1], [0], [0], [1], [0, 0, 1, 1], [], []>, transpose_lhs_hint = false} : vector<2000x64xf32>, vector<64x64xf32>, vector<2000x64xf32> -> vector<2000x64xf32>
    %get3A_22 = arith.constant 0 : index
    %get3A_23 = arith.constant 0 : index
    %get3A_24 = vector.load %arg6[%get3A_22, %get3A_23] : memref<1x64xf32, #tpu.memory_space<vmem>>, vector<1x64xf32>
    %add3A_25 = vector.broadcast %get3A_24 : vector<1x64xf32> to vector<2000x64xf32>
    %add3A_26 = arith.addf %dot_general3A_21, %add3A_25 : vector<2000x64xf32>
    %get3A_27 = arith.constant 0 : index
    %get3A_28 = arith.constant 0 : index
    %get3A_29 = vector.load %arg7[%get3A_27, %get3A_28] : memref<64x64xf32, #tpu.memory_space<vmem>>, vector<64x64xf32>
    %dot_general3A_30 = arith.constant dense<0.000000e+00> : vector<2000x64xf32>
    %dot_general3A_31 = tpu.matmul %select_n3A, %get3A_29, %dot_general3A_30 {dimension_numbers = #tpu.dot_dimension_numbers<[1], [0], [0], [1], [0, 0, 1, 1], [], []>, transpose_lhs_hint = false} : vector<2000x64xf32>, vector<64x64xf32>, vector<2000x64xf32> -> vector<2000x64xf32>
    %get3A_32 = arith.constant 0 : index
    %get3A_33 = arith.constant 0 : index
    %get3A_34 = vector.load %arg8[%get3A_32, %get3A_33] : memref<1x64xf32, #tpu.memory_space<vmem>>, vector<1x64xf32>
    %add3A_35 = vector.broadcast %get3A_34 : vector<1x64xf32> to vector<2000x64xf32>
    %add3A_36 = arith.addf %dot_general3A_31, %add3A_35 : vector<2000x64xf32>
    %slice3A = vector.extract_strided_slice %add3A_26 {offsets = [0, 0], sizes = [2000, 32], strides = [1, 1]} : vector<2000x64xf32> to vector<2000x32xf32>
    %swap3A = arith.constant 0 : index
    %swap3A_37 = arith.constant 0 : index
    %swap3A_38 = arith.constant 0 : index
    %swap3A_39 = vector.load %arg9[%swap3A, %swap3A_37, %swap3A_38] : memref<2x2000x32xf32, #tpu.memory_space<vmem>>, vector<1x2000x32xf32>
    %swap3A_40 = vector.shape_cast %swap3A_39 : vector<1x2000x32xf32> to vector<2000x32xf32>
    %swap3A_41 = vector.shape_cast %slice3A : vector<2000x32xf32> to vector<1x2000x32xf32>
    tpu.vector_store %arg9[%swap3A, %swap3A_37, %swap3A_38], %swap3A_41 {strides = array<i32>} : memref<2x2000x32xf32, #tpu.memory_space<vmem>>, vector<1x2000x32xf32>,
    %slice3A_42 = vector.extract_strided_slice %add3A_26 {offsets = [0, 32], sizes = [2000, 32], strides = [1, 1]} : vector<2000x64xf32> to vector<2000x32xf32>
    %swap3A_43 = arith.constant 1 : index
    %swap3A_44 = arith.constant 0 : index
    %swap3A_45 = arith.constant 0 : index
    %swap3A_46 = vector.load %arg9[%swap3A_43, %swap3A_44, %swap3A_45] : memref<2x2000x32xf32, #tpu.memory_space<vmem>>, vector<1x2000x32xf32>
    %swap3A_47 = vector.shape_cast %swap3A_46 : vector<1x2000x32xf32> to vector<2000x32xf32>
    %swap3A_48 = vector.shape_cast %slice3A_42 : vector<2000x32xf32> to vector<1x2000x32xf32>
    tpu.vector_store %arg9[%swap3A_43, %swap3A_44, %swap3A_45], %swap3A_48 {strides = array<i32>} : memref<2x2000x32xf32, #tpu.memory_space<vmem>>, vector<1x2000x32xf32>,
    %slice3A_49 = vector.extract_strided_slice %add3A_36 {offsets = [0, 0], sizes = [2000, 32], strides = [1, 1]} : vector<2000x64xf32> to vector<2000x32xf32>
    %swap3A_50 = arith.constant 0 : index
    %swap3A_51 = arith.constant 0 : index
    %swap3A_52 = arith.constant 0 : index
    %swap3A_53 = vector.load %arg10[%swap3A_50, %swap3A_51, %swap3A_52] : memref<2x2000x32xf32, #tpu.memory_space<vmem>>, vector<1x2000x32xf32>
    %swap3A_54 = vector.shape_cast %swap3A_53 : vector<1x2000x32xf32> to vector<2000x32xf32>
    %swap3A_55 = vector.shape_cast %slice3A_49 : vector<2000x32xf32> to vector<1x2000x32xf32>
    tpu.vector_store %arg10[%swap3A_50, %swap3A_51, %swap3A_52], %swap3A_55 {strides = array<i32>} : memref<2x2000x32xf32, #tpu.memory_space<vmem>>, vector<1x2000x32xf32>,
    %slice3A_56 = vector.extract_strided_slice %add3A_36 {offsets = [0, 32], sizes = [2000, 32], strides = [1, 1]} : vector<2000x64xf32> to vector<2000x32xf32>
    %swap3A_57 = arith.constant 1 : index
    %swap3A_58 = arith.constant 0 : index
    %swap3A_59 = arith.constant 0 : index
    %swap3A_60 = vector.load %arg10[%swap3A_57, %swap3A_58, %swap3A_59] : memref<2x2000x32xf32, #tpu.memory_space<vmem>>, vector<1x2000x32xf32>
    %swap3A_61 = vector.shape_cast %swap3A_60 : vector<1x2000x32xf32> to vector<2000x32xf32>
    %swap3A_62 = vector.shape_cast %slice3A_56 : vector<2000x32xf32> to vector<1x2000x32xf32>
    tpu.vector_store %arg10[%swap3A_57, %swap3A_58, %swap3A_59], %swap3A_62 {strides = array<i32>} : memref<2x2000x32xf32, #tpu.memory_space<vmem>>, vector<1x2000x32xf32>,
    return
  }
  func.func @transform_0(%arg0: i32) -> (i32, i32) {
    %c0_i32 = arith.constant 0 : i32
    %c0_i32_0 = arith.constant 0 : i32
    return %arg0, %c0_i32 : i32, i32
  }
  func.func @transform_1(%arg0: i32) -> (i32, i32) {
    %c0_i32 = arith.constant 0 : i32
    %c0_i32_0 = arith.constant 0 : i32
    return %arg0, %c0_i32 : i32, i32
  }
  func.func @transform_2(%arg0: i32) -> (i32, i32) {
    %c0_i32 = arith.constant 0 : i32
    %c0_i32_0 = arith.constant 0 : i32
    %c0_i32_1 = arith.constant 0 : i32
    return %c0_i32, %c0_i32_0 : i32, i32
  }
  func.func @transform_3(%arg0: i32) -> (i32, i32) {
    %c0_i32 = arith.constant 0 : i32
    %c0_i32_0 = arith.constant 0 : i32
    %c0_i32_1 = arith.constant 0 : i32
    return %c0_i32, %c0_i32_0 : i32, i32
  }
  func.func @transform_4(%arg0: i32) -> (i32, i32) {
    %c0_i32 = arith.constant 0 : i32
    %c0_i32_0 = arith.constant 0 : i32
    %c0_i32_1 = arith.constant 0 : i32
    return %c0_i32, %c0_i32_0 : i32, i32
  }
  func.func @transform_5(%arg0: i32) -> (i32, i32) {
    %c0_i32 = arith.constant 0 : i32
    %c0_i32_0 = arith.constant 0 : i32
    %c0_i32_1 = arith.constant 0 : i32
    return %c0_i32, %c0_i32_0 : i32, i32
  }
  func.func @transform_6(%arg0: i32) -> (i32, i32) {
    %c0_i32 = arith.constant 0 : i32
    %c0_i32_0 = arith.constant 0 : i32
    %c0_i32_1 = arith.constant 0 : i32
    return %c0_i32, %c0_i32_0 : i32, i32
  }
  func.func @transform_7(%arg0: i32) -> (i32, i32) {
    %c0_i32 = arith.constant 0 : i32
    %c0_i32_0 = arith.constant 0 : i32
    %c0_i32_1 = arith.constant 0 : i32
    return %c0_i32, %c0_i32_0 : i32, i32
  }
  func.func @transform_8(%arg0: i32) -> (i32, i32, i32) {
    %c0_i32 = arith.constant 0 : i32
    %c0_i32_0 = arith.constant 0 : i32
    %c0_i32_1 = arith.constant 0 : i32
    return %c0_i32, %arg0, %c0_i32_0 : i32, i32, i32
  }
  func.func @transform_9(%arg0: i32) -> (i32, i32, i32) {
    %c0_i32 = arith.constant 0 : i32
    %c0_i32_0 = arith.constant 0 : i32
    %c0_i32_1 = arith.constant 0 : i32
    return %c0_i32, %arg0, %c0_i32_0 : i32, i32, i32
  }
}

module attributes {stable_mosaic.version = 14 : i64} {
  func.func @_epilogue_body(%arg0: i32, %arg1: memref<2x2000x32xf32, #tpu.memory_space<vmem>>, %arg2: memref<2x2000x32xf32, #tpu.memory_space<vmem>>, %arg3: memref<1x64xf32, #tpu.memory_space<vmem>>, %arg4: memref<1x64xf32, #tpu.memory_space<vmem>>, %arg5: memref<1x64xf32, #tpu.memory_space<vmem>>, %arg6: memref<1x64xf32, #tpu.memory_space<vmem>>, %arg7: memref<64x64xf32, #tpu.memory_space<vmem>>, %arg8: memref<1x64xf32, #tpu.memory_space<vmem>>, %arg9: memref<64x1xf32, #tpu.memory_space<vmem>>, %arg10: memref<1x1xf32, #tpu.memory_space<vmem>>, %arg11: memref<2000x64xf32, #tpu.memory_space<vmem>>) attributes {dimension_semantics = [#tpu.dimension_semantics<arbitrary>], iteration_bounds = array<i64: 25>, scalar_prefetch = 0 : i64, scratch_operands = 0 : i64, tpu.core_type = #tpu.core_type<tc>, window_params = [{transform_indices = @transform_0, window_bounds = array<i64: 2, 2000, 32>}, {transform_indices = @transform_1, window_bounds = array<i64: 2, 2000, 32>}, {pipeline_mode = #tpu.pipeline_mode<synchronous>, transform_indices = @transform_2, window_bounds = array<i64: 1, 64>}, {pipeline_mode = #tpu.pipeline_mode<synchronous>, transform_indices = @transform_3, window_bounds = array<i64: 1, 64>}, {pipeline_mode = #tpu.pipeline_mode<synchronous>, transform_indices = @transform_4, window_bounds = array<i64: 1, 64>}, {pipeline_mode = #tpu.pipeline_mode<synchronous>, transform_indices = @transform_5, window_bounds = array<i64: 1, 64>}, {pipeline_mode = #tpu.pipeline_mode<synchronous>, transform_indices = @transform_6, window_bounds = array<i64: 64, 64>}, {pipeline_mode = #tpu.pipeline_mode<synchronous>, transform_indices = @transform_7, window_bounds = array<i64: 1, 64>}, {pipeline_mode = #tpu.pipeline_mode<synchronous>, transform_indices = @transform_8, window_bounds = array<i64: 64, 1>}, {pipeline_mode = #tpu.pipeline_mode<synchronous>, transform_indices = @transform_9, window_bounds = array<i64: 1, 1>}, {transform_indices = @transform_10, window_bounds = array<i64: 2000, 64>}]} {
    %get3A = arith.constant 0 : index
    %get3A_0 = arith.constant 0 : index
    %get3A_1 = arith.constant 0 : index
    %get3A_2 = vector.load %arg1[%get3A, %get3A_0, %get3A_1] : memref<2x2000x32xf32, #tpu.memory_space<vmem>>, vector<1x2000x32xf32>
    %get3A_3 = vector.shape_cast %get3A_2 : vector<1x2000x32xf32> to vector<2000x32xf32>
    %get3A_4 = arith.constant 1 : index
    %get3A_5 = arith.constant 0 : index
    %get3A_6 = arith.constant 0 : index
    %get3A_7 = vector.load %arg1[%get3A_4, %get3A_5, %get3A_6] : memref<2x2000x32xf32, #tpu.memory_space<vmem>>, vector<1x2000x32xf32>
    %get3A_8 = vector.shape_cast %get3A_7 : vector<1x2000x32xf32> to vector<2000x32xf32>
    %concatenate3A = tpu.concatenate %get3A_3, %get3A_8 in 1 : vector<2000x32xf32>, vector<2000x32xf32> -> vector<2000x64xf32>
    %get3A_9 = arith.constant 0 : index
    %get3A_10 = arith.constant 0 : index
    %get3A_11 = arith.constant 0 : index
    %get3A_12 = vector.load %arg2[%get3A_9, %get3A_10, %get3A_11] : memref<2x2000x32xf32, #tpu.memory_space<vmem>>, vector<1x2000x32xf32>
    %get3A_13 = vector.shape_cast %get3A_12 : vector<1x2000x32xf32> to vector<2000x32xf32>
    %get3A_14 = arith.constant 1 : index
    %get3A_15 = arith.constant 0 : index
    %get3A_16 = arith.constant 0 : index
    %get3A_17 = vector.load %arg2[%get3A_14, %get3A_15, %get3A_16] : memref<2x2000x32xf32, #tpu.memory_space<vmem>>, vector<1x2000x32xf32>
    %get3A_18 = vector.shape_cast %get3A_17 : vector<1x2000x32xf32> to vector<2000x32xf32>
    %concatenate3A_19 = tpu.concatenate %get3A_13, %get3A_18 in 1 : vector<2000x32xf32>, vector<2000x32xf32> -> vector<2000x64xf32>
    %get3A_20 = arith.constant 0 : index
    %get3A_21 = arith.constant 0 : index
    %get3A_22 = vector.load %arg3[%get3A_20, %get3A_21] : memref<1x64xf32, #tpu.memory_space<vmem>>, vector<1x64xf32>
    %get3A_23 = arith.constant 0 : index
    %get3A_24 = arith.constant 0 : index
    %get3A_25 = vector.load %arg4[%get3A_23, %get3A_24] : memref<1x64xf32, #tpu.memory_space<vmem>>, vector<1x64xf32>
    %reduce_sum3A = arith.constant dense<0.000000e+00> : vector<2000xf32>
    %reduce_sum3A_26 = vector.multi_reduction <add>, %concatenate3A, %reduce_sum3A [1] : vector<2000x64xf32> to vector<2000xf32>
    %broadcast_in_dim3A = vector.shape_cast %reduce_sum3A_26 : vector<2000xf32> to vector<2000x1xf32>
    %div3A = arith.constant 6.400000e+01 : f32
    %div3A_27 = vector.broadcast %div3A : f32 to vector<2000x1xf32>
    %div3A_28 = arith.divf %broadcast_in_dim3A, %div3A_27 : vector<2000x1xf32>
    %sub3A = vector.broadcast %div3A_28 : vector<2000x1xf32> to vector<2000x64xf32>
    %sub3A_29 = arith.subf %concatenate3A, %sub3A : vector<2000x64xf32>
    %integer_pow3A = arith.mulf %sub3A_29, %sub3A_29 : vector<2000x64xf32>
    %reduce_sum3A_30 = arith.constant dense<0.000000e+00> : vector<2000xf32>
    %reduce_sum3A_31 = vector.multi_reduction <add>, %integer_pow3A, %reduce_sum3A_30 [1] : vector<2000x64xf32> to vector<2000xf32>
    %broadcast_in_dim3A_32 = vector.shape_cast %reduce_sum3A_31 : vector<2000xf32> to vector<2000x1xf32>
    %div3A_33 = arith.constant 6.400000e+01 : f32
    %div3A_34 = vector.broadcast %div3A_33 : f32 to vector<2000x1xf32>
    %div3A_35 = arith.divf %broadcast_in_dim3A_32, %div3A_34 : vector<2000x1xf32>
    %sub3A_36 = vector.broadcast %div3A_28 : vector<2000x1xf32> to vector<2000x64xf32>
    %sub3A_37 = arith.subf %concatenate3A, %sub3A_36 : vector<2000x64xf32>
    %add3A = arith.constant 9.99999974E-6 : f32
    %add3A_38 = vector.broadcast %add3A : f32 to vector<2000x1xf32>
    %add3A_39 = arith.addf %div3A_35, %add3A_38 : vector<2000x1xf32>
    %rsqrt3A = math.rsqrt %add3A_39 : vector<2000x1xf32>
    %mul3A = vector.broadcast %rsqrt3A : vector<2000x1xf32> to vector<2000x64xf32>
    %mul3A_40 = arith.mulf %sub3A_37, %mul3A : vector<2000x64xf32>
    %mul3A_41 = vector.broadcast %get3A_22 : vector<1x64xf32> to vector<2000x64xf32>
    %mul3A_42 = arith.mulf %mul3A_40, %mul3A_41 : vector<2000x64xf32>
    %add3A_43 = vector.broadcast %get3A_25 : vector<1x64xf32> to vector<2000x64xf32>
    %add3A_44 = arith.addf %mul3A_42, %add3A_43 : vector<2000x64xf32>
    %get3A_45 = arith.constant 0 : index
    %get3A_46 = arith.constant 0 : index
    %get3A_47 = vector.load %arg5[%get3A_45, %get3A_46] : memref<1x64xf32, #tpu.memory_space<vmem>>, vector<1x64xf32>
    %get3A_48 = arith.constant 0 : index
    %get3A_49 = arith.constant 0 : index
    %get3A_50 = vector.load %arg6[%get3A_48, %get3A_49] : memref<1x64xf32, #tpu.memory_space<vmem>>, vector<1x64xf32>
    %reduce_sum3A_51 = arith.constant dense<0.000000e+00> : vector<2000xf32>
    %reduce_sum3A_52 = vector.multi_reduction <add>, %concatenate3A_19, %reduce_sum3A_51 [1] : vector<2000x64xf32> to vector<2000xf32>
    %broadcast_in_dim3A_53 = vector.shape_cast %reduce_sum3A_52 : vector<2000xf32> to vector<2000x1xf32>
    %div3A_54 = arith.constant 6.400000e+01 : f32
    %div3A_55 = vector.broadcast %div3A_54 : f32 to vector<2000x1xf32>
    %div3A_56 = arith.divf %broadcast_in_dim3A_53, %div3A_55 : vector<2000x1xf32>
    %sub3A_57 = vector.broadcast %div3A_56 : vector<2000x1xf32> to vector<2000x64xf32>
    %sub3A_58 = arith.subf %concatenate3A_19, %sub3A_57 : vector<2000x64xf32>
    %integer_pow3A_59 = arith.mulf %sub3A_58, %sub3A_58 : vector<2000x64xf32>
    %reduce_sum3A_60 = arith.constant dense<0.000000e+00> : vector<2000xf32>
    %reduce_sum3A_61 = vector.multi_reduction <add>, %integer_pow3A_59, %reduce_sum3A_60 [1] : vector<2000x64xf32> to vector<2000xf32>
    %broadcast_in_dim3A_62 = vector.shape_cast %reduce_sum3A_61 : vector<2000xf32> to vector<2000x1xf32>
    %div3A_63 = arith.constant 6.400000e+01 : f32
    %div3A_64 = vector.broadcast %div3A_63 : f32 to vector<2000x1xf32>
    %div3A_65 = arith.divf %broadcast_in_dim3A_62, %div3A_64 : vector<2000x1xf32>
    %sub3A_66 = vector.broadcast %div3A_56 : vector<2000x1xf32> to vector<2000x64xf32>
    %sub3A_67 = arith.subf %concatenate3A_19, %sub3A_66 : vector<2000x64xf32>
    %add3A_68 = arith.constant 9.99999974E-6 : f32
    %add3A_69 = vector.broadcast %add3A_68 : f32 to vector<2000x1xf32>
    %add3A_70 = arith.addf %div3A_65, %add3A_69 : vector<2000x1xf32>
    %rsqrt3A_71 = math.rsqrt %add3A_70 : vector<2000x1xf32>
    %mul3A_72 = vector.broadcast %rsqrt3A_71 : vector<2000x1xf32> to vector<2000x64xf32>
    %mul3A_73 = arith.mulf %sub3A_67, %mul3A_72 : vector<2000x64xf32>
    %mul3A_74 = vector.broadcast %get3A_47 : vector<1x64xf32> to vector<2000x64xf32>
    %mul3A_75 = arith.mulf %mul3A_73, %mul3A_74 : vector<2000x64xf32>
    %add3A_76 = vector.broadcast %get3A_50 : vector<1x64xf32> to vector<2000x64xf32>
    %add3A_77 = arith.addf %mul3A_75, %add3A_76 : vector<2000x64xf32>
    %get3A_78 = arith.constant 0 : index
    %get3A_79 = arith.constant 0 : index
    %get3A_80 = vector.load %arg7[%get3A_78, %get3A_79] : memref<64x64xf32, #tpu.memory_space<vmem>>, vector<64x64xf32>
    %dot_general3A = arith.constant dense<0.000000e+00> : vector<2000x64xf32>
    %dot_general3A_81 = tpu.matmul %add3A_44, %get3A_80, %dot_general3A {dimension_numbers = #tpu.dot_dimension_numbers<[1], [0], [0], [1], [0, 0, 1, 1], [], []>, transpose_lhs_hint = false} : vector<2000x64xf32>, vector<64x64xf32>, vector<2000x64xf32> -> vector<2000x64xf32>
    %get3A_82 = arith.constant 0 : index
    %get3A_83 = arith.constant 0 : index
    %get3A_84 = vector.load %arg8[%get3A_82, %get3A_83] : memref<1x64xf32, #tpu.memory_space<vmem>>, vector<1x64xf32>
    %add3A_85 = vector.broadcast %get3A_84 : vector<1x64xf32> to vector<2000x64xf32>
    %add3A_86 = arith.addf %dot_general3A_81, %add3A_85 : vector<2000x64xf32>
    %tanh3A = math.tanh %add3A_86 : vector<2000x64xf32>
    %get3A_87 = arith.constant 0 : index
    %get3A_88 = arith.constant 0 : index
    %get3A_89 = vector.load %arg7[%get3A_87, %get3A_88] : memref<64x64xf32, #tpu.memory_space<vmem>>, vector<64x64xf32>
    %dot_general3A_90 = arith.constant dense<0.000000e+00> : vector<2000x64xf32>
    %dot_general3A_91 = tpu.matmul %add3A_77, %get3A_89, %dot_general3A_90 {dimension_numbers = #tpu.dot_dimension_numbers<[1], [0], [0], [1], [0, 0, 1, 1], [], []>, transpose_lhs_hint = false} : vector<2000x64xf32>, vector<64x64xf32>, vector<2000x64xf32> -> vector<2000x64xf32>
    %get3A_92 = arith.constant 0 : index
    %get3A_93 = arith.constant 0 : index
    %get3A_94 = vector.load %arg8[%get3A_92, %get3A_93] : memref<1x64xf32, #tpu.memory_space<vmem>>, vector<1x64xf32>
    %add3A_95 = vector.broadcast %get3A_94 : vector<1x64xf32> to vector<2000x64xf32>
    %add3A_96 = arith.addf %dot_general3A_91, %add3A_95 : vector<2000x64xf32>
    %tanh3A_97 = math.tanh %add3A_96 : vector<2000x64xf32>
    %get3A_98 = arith.constant 0 : index
    %get3A_99 = arith.constant 0 : index
    %get3A_100 = vector.load %arg9[%get3A_98, %get3A_99] : memref<64x1xf32, #tpu.memory_space<vmem>>, vector<64x1xf32>
    %dot_general3A_101 = arith.constant dense<0.000000e+00> : vector<2000x1xf32>
    %dot_general3A_102 = tpu.matmul %tanh3A, %get3A_100, %dot_general3A_101 {dimension_numbers = #tpu.dot_dimension_numbers<[1], [0], [0], [1], [0, 0, 1, 1], [], []>, transpose_lhs_hint = false} : vector<2000x64xf32>, vector<64x1xf32>, vector<2000x1xf32> -> vector<2000x1xf32>
    %get3A_103 = arith.constant 0 : index
    %get3A_104 = arith.constant 0 : index
    %get3A_105 = vector.load %arg10[%get3A_103, %get3A_104] : memref<1x1xf32, #tpu.memory_space<vmem>>, vector<1x1xf32>
    %add3A_106 = vector.broadcast %get3A_105 : vector<1x1xf32> to vector<2000x1xf32>
    %add3A_107 = arith.addf %dot_general3A_102, %add3A_106 : vector<2000x1xf32>
    %get3A_108 = arith.constant 0 : index
    %get3A_109 = arith.constant 0 : index
    %get3A_110 = vector.load %arg9[%get3A_108, %get3A_109] : memref<64x1xf32, #tpu.memory_space<vmem>>, vector<64x1xf32>
    %dot_general3A_111 = arith.constant dense<0.000000e+00> : vector<2000x1xf32>
    %dot_general3A_112 = tpu.matmul %tanh3A_97, %get3A_110, %dot_general3A_111 {dimension_numbers = #tpu.dot_dimension_numbers<[1], [0], [0], [1], [0, 0, 1, 1], [], []>, transpose_lhs_hint = false} : vector<2000x64xf32>, vector<64x1xf32>, vector<2000x1xf32> -> vector<2000x1xf32>
    %get3A_113 = arith.constant 0 : index
    %get3A_114 = arith.constant 0 : index
    %get3A_115 = vector.load %arg10[%get3A_113, %get3A_114] : memref<1x1xf32, #tpu.memory_space<vmem>>, vector<1x1xf32>
    %add3A_116 = vector.broadcast %get3A_115 : vector<1x1xf32> to vector<2000x1xf32>
    %add3A_117 = arith.addf %dot_general3A_112, %add3A_116 : vector<2000x1xf32>
    %max3A = arith.maximumf %add3A_107, %add3A_117 : vector<2000x1xf32>
    %sub3A_118 = arith.subf %add3A_107, %max3A : vector<2000x1xf32>
    %exp3A = math.exp %sub3A_118 : vector<2000x1xf32>
    %sub3A_119 = arith.subf %add3A_117, %max3A : vector<2000x1xf32>
    %exp3A_120 = math.exp %sub3A_119 : vector<2000x1xf32>
    %add3A_121 = arith.addf %exp3A, %exp3A_120 : vector<2000x1xf32>
    %mul3A_122 = vector.broadcast %exp3A : vector<2000x1xf32> to vector<2000x64xf32>
    %mul3A_123 = arith.mulf %mul3A_122, %add3A_44 : vector<2000x64xf32>
    %mul3A_124 = vector.broadcast %exp3A_120 : vector<2000x1xf32> to vector<2000x64xf32>
    %mul3A_125 = arith.mulf %mul3A_124, %add3A_77 : vector<2000x64xf32>
    %add3A_126 = arith.addf %mul3A_123, %mul3A_125 : vector<2000x64xf32>
    %div3A_127 = vector.broadcast %add3A_121 : vector<2000x1xf32> to vector<2000x64xf32>
    %div3A_128 = arith.divf %add3A_126, %div3A_127 : vector<2000x64xf32>
    %swap3A = arith.constant 0 : index
    %swap3A_129 = arith.constant 0 : index
    %swap3A_130 = vector.load %arg11[%swap3A, %swap3A_129] : memref<2000x64xf32, #tpu.memory_space<vmem>>, vector<2000x64xf32>
    tpu.vector_store %arg11[%swap3A, %swap3A_129], %div3A_128 {strides = array<i32>} : memref<2000x64xf32, #tpu.memory_space<vmem>>, vector<2000x64xf32>,
    return
  }
  func.func @transform_0(%arg0: i32) -> (i32, i32, i32) {
    %c0_i32 = arith.constant 0 : i32
    %c0_i32_0 = arith.constant 0 : i32
    %c0_i32_1 = arith.constant 0 : i32
    return %c0_i32, %arg0, %c0_i32_0 : i32, i32, i32
  }
  func.func @transform_1(%arg0: i32) -> (i32, i32, i32) {
    %c0_i32 = arith.constant 0 : i32
    %c0_i32_0 = arith.constant 0 : i32
    %c0_i32_1 = arith.constant 0 : i32
    return %c0_i32, %arg0, %c0_i32_0 : i32, i32, i32
  }
  func.func @transform_2(%arg0: i32) -> (i32, i32) {
    %c0_i32 = arith.constant 0 : i32
    %c0_i32_0 = arith.constant 0 : i32
    %c0_i32_1 = arith.constant 0 : i32
    return %c0_i32, %c0_i32_0 : i32, i32
  }
  func.func @transform_3(%arg0: i32) -> (i32, i32) {
    %c0_i32 = arith.constant 0 : i32
    %c0_i32_0 = arith.constant 0 : i32
    %c0_i32_1 = arith.constant 0 : i32
    return %c0_i32, %c0_i32_0 : i32, i32
  }
  func.func @transform_4(%arg0: i32) -> (i32, i32) {
    %c0_i32 = arith.constant 0 : i32
    %c0_i32_0 = arith.constant 0 : i32
    %c0_i32_1 = arith.constant 0 : i32
    return %c0_i32, %c0_i32_0 : i32, i32
  }
  func.func @transform_5(%arg0: i32) -> (i32, i32) {
    %c0_i32 = arith.constant 0 : i32
    %c0_i32_0 = arith.constant 0 : i32
    %c0_i32_1 = arith.constant 0 : i32
    return %c0_i32, %c0_i32_0 : i32, i32
  }
  func.func @transform_6(%arg0: i32) -> (i32, i32) {
    %c0_i32 = arith.constant 0 : i32
    %c0_i32_0 = arith.constant 0 : i32
    %c0_i32_1 = arith.constant 0 : i32
    return %c0_i32, %c0_i32_0 : i32, i32
  }
  func.func @transform_7(%arg0: i32) -> (i32, i32) {
    %c0_i32 = arith.constant 0 : i32
    %c0_i32_0 = arith.constant 0 : i32
    %c0_i32_1 = arith.constant 0 : i32
    return %c0_i32, %c0_i32_0 : i32, i32
  }
  func.func @transform_8(%arg0: i32) -> (i32, i32) {
    %c0_i32 = arith.constant 0 : i32
    %c0_i32_0 = arith.constant 0 : i32
    %c0_i32_1 = arith.constant 0 : i32
    return %c0_i32, %c0_i32_0 : i32, i32
  }
  func.func @transform_9(%arg0: i32) -> (i32, i32) {
    %c0_i32 = arith.constant 0 : i32
    %c0_i32_0 = arith.constant 0 : i32
    %c0_i32_1 = arith.constant 0 : i32
    return %c0_i32, %c0_i32_0 : i32, i32
  }
  func.func @transform_10(%arg0: i32) -> (i32, i32) {
    %c0_i32 = arith.constant 0 : i32
    %c0_i32_0 = arith.constant 0 : i32
    return %arg0, %c0_i32 : i32, i32
  }
}

</mosaic_0001>

<sc_bundles>
// kernel: kernel.11.cloned.1.call-start
scs
__scs_entry_jumppad:
0x0: {  	(pc) =	sbr.rel $0x88, $3  }
0x1: {  	(tag) =	ssettag $0x0;
	lr =	simm.s32 $0x1  }
0x2: {  	[smem:$0x3F8D] =	sst lr;
	_ =	strace $0xD0000000  }
0x3: {  	_ = 	snop  }
0x4: {  	_ = 	snop  }
0x5: {  	_ = 	snop  }
0x6: {  	_ = 	snop  }
0x7: {  	_ = 	snop  }
__scs_overlays_trampoline_lowered:
0x8: {  	[smem:$0x3F9C] =	sst s0  }
0x9: {  	[smem:$0x3F9D] =	sst s1  }
0xa: {  	[smem:$0x3F9E] =	sst s2  }
0xb: {  	[smem:$0x3F9F] =	sst s3  }
0xc: {  	[smem:$0x3FA0] =	sst s4  }
0xd: {  	[smem:$0x3FA1] =	sst s5  }
0xe: {  	[smem:$0x3FA2] =	sst s6  }
0xf: {  	[smem:$0x3FA3] =	sst s7  }
0x10: {  	[smem:$0x3FA4] =	sst s8  }
0x11: {  	[smem:$0x3FA5] =	sst s9;
	s0 =	simm.s32 @!p0 $0x0  }
0x12: {  	s1 =	sld [smem:$0x3F8B];
	s0 =	simm.s32 @p0 $0x1  }
0x13: {  	[smem:$0x3FA6] =	sst s0;
	s0 =	simm.s32 @!p1 $0x0  }
0x14: {  	s2 =	sld [smem:$0x3F8A];
	s0 =	simm.s32 @p1 $0x1  }
0x15: {  	[smem:$0x3FA7] =	sst s0;
	s0 =	simm.s32 @!p2 $0x0  }
0x16: {  	s3 =	sld [smem:$0x3FDB];
	s0 =	simm.s32 @p2 $0x1  }
0x17: {  	s4 =	simm.s32 $0x1BF5;
	[smem:$0x3FA9] =	sst s0  }
0x18: {  	s0 =	sld [smem:$0x3F8C];
	_ =	swait.ge [sflag:s4], $0x0  }
0x19: {  	s7 =	sld [smem:$0x3F8D]  }
0x1a: {  	s8 =	sadd.s32 $0xFFFFE003, lr  }
0x1b: {  	s9 =	sadd.s32 $0xFFFFFEF7, lr;
	s5 =	simm.s32 $0xFFFFFFFF;
	p2 =	slt.u32 s8, $0xFFFFF086  }
0x1c: {  	p1 =	slt.u32 s9, $0xF7A;
	s5 =	simm.s32 @!p2 $0x0  }
0x1d: {  	s5 =	simm.s32 @p1 $0x1;
	p0 =	seq.s32 s7, s2  }
0x1e: {  	s7 =	smul.u32 @!p0 $0xF7A, s2;
	p2 =	seq.s32 @!p0 s5, $0x0  }
0x1f: {  	s9 =	smul.u32 $0xF7A, s1;
	s8 =	simm.s32 @!p0 $0x1BF5;
	p2 =	por !p2, p0  }
0x20: {  	[sflag:s8] =	ssyncset.s32 @!p0 $0xFFFFF086;
	s6 =	sadd.s32 @!p0 s3, s7;
	s7 =	simm.s32 @!p0 $0x108  }
0x21: {  	s3 =	sadd.s32 s3, s9;
	s6 =	sadd.s32 @!p0 $0x88, s6;
	s7 =	simm.s32 @p2 $0x1082  }
0x22: {  	[simem:s7], [sflag:s8] =	dma.local @!p0 [hbm:s6], $0xF7A  }
0x23: {  	s9 =	sor.u32 $0xD0000000, s2;
	s6 =	simm.s32 $0x108;
	_ =	swait.ge @!p0 [sflag:s8], $0x0  }
0x24: {  	s3 =	sadd.s32 $0x88, s3;
	s6 =	simm.s32 @!p1 $0x1082;
	[sflag:s4] =	ssyncset.s32 $0xFFFFF086  }
0x25: {  	[simem:s6], [sflag:s4] =	dma.local [hbm:s3], $0xF7A  }
0x26: {  	[smem:$0x3F8D] =	sst s1;
	(tag) =	ssettag s2;
	_ =	strace s9  }
0x27: {  	s1 =	sld [smem:$0x3F9D]  }
0x28: {  	s2 =	sld [smem:$0x3F9E]  }
0x29: {  	s4 =	sld [smem:$0x3FA0]  }
0x2a: {  	p0 =	seq.s32 s5, $0x0;
	s5 =	sld [smem:$0x3FA1]  }
0x2b: {  	s6 =	sld [smem:$0x3FA2]  }
0x2c: {  	s7 =	sld [smem:$0x3FA3]  }
0x2d: {  	s3 =	simm.s32 $0x108;
	s8 =	sld [smem:$0x3FA4]  }
0x2e: {  	s3 =	simm.s32 @!p0 $0x1082;
	s9 =	sld [smem:$0x3FA5]  }
0x2f: {  	lr =	sadd.s32 s0, s3;
	s0 =	sld [smem:$0x3F9C]  }
0x30: {  	s3 =	sld [smem:$0x3F9F]  }
0x31: {  	[smem:$0x3FA8] =	sst s10  }
0x32: {  	s10 =	sld [smem:$0x3FA6];
	_ =	sdelay $0x3  }
0x33: {  	p0 =	seq.s32 s10, $0x1;
	s10 =	sld [smem:$0x3FA8];
	_ =	sdelay $0x3  }
0x34: {  	[smem:$0x3FA8] =	sst s10  }
0x35: {  	s10 =	sld [smem:$0x3FA7];
	_ =	sdelay $0x3  }
0x36: {  	p1 =	seq.s32 s10, $0x1;
	s10 =	sld [smem:$0x3FA8];
	_ =	sdelay $0x3  }
0x37: {  	[smem:$0x3FA8] =	sst s10  }
0x38: {  	s10 =	sld [smem:$0x3FA9]  }
0x39: {  	_ = 	snop;
	(pc) =	sbr.ind lr, $3  }
0x3a: {  	_ = 	snop  }
0x3b: {  	_ = 	snop  }
0x3c: {  	p2 =	seq.s32 s10, $0x1;
	s10 =	sld [smem:$0x3FA8]  }
0x3d: {  	_ =	shalt  }
0x3e: {  	_ =	shalt  }
0x3f: {  	_ =	shalt  }
0x40: {  	_ =	shalt  }
0x41: {  	_ =	shalt  }
0x42: {  	_ =	shalt  }
0x43: {  	_ =	shalt  }
0x44: {  	_ =	shalt  }
0x45: {  	_ =	shalt  }
0x46: {  	_ =	shalt  }
0x47: {  	_ =	shalt  }
0x48: {  	_ =	shalt  }
0x49: {  	_ =	shalt  }
0x4a: {  	_ =	shalt  }
0x4b: {  	_ =	shalt  }
0x4c: {  	_ =	shalt  }
0x4d: {  	_ =	shalt  }
0x4e: {  	_ =	shalt  }
0x4f: {  	_ =	shalt  }
0x50: {  	_ =	shalt  }
0x51: {  	_ =	shalt  }
0x52: {  	_ =	shalt  }
0x53: {  	_ =	shalt  }
0x54: {  	_ =	shalt  }
0x55: {  	_ =	shalt  }
0x56: {  	_ =	shalt  }
0x57: {  	_ =	shalt  }
0x58: {  	_ =	shalt  }
0x59: {  	_ =	shalt  }
0x5a: {  	_ =	shalt  }
0x5b: {  	_ =	shalt  }
0x5c: {  	_ =	shalt  }
0x5d: {  	_ =	shalt  }
0x5e: {  	_ =	shalt  }
0x5f: {  	_ =	shalt  }
0x60: {  	_ =	shalt  }
0x61: {  	_ =	shalt  }
0x62: {  	_ =	shalt  }
0x63: {  	_ =	shalt  }
0x64: {  	_ =	shalt  }
0x65: {  	_ =	shalt  }
0x66: {  	_ =	shalt  }
0x67: {  	_ =	shalt  }
0x68: {  	_ =	shalt  }
0x69: {  	_ =	shalt  }
0x6a: {  	_ =	shalt  }
0x6b: {  	_ =	shalt  }
0x6c: {  	_ =	shalt  }
0x6d: {  	_ =	shalt  }
0x6e: {  	_ =	shalt  }
0x6f: {  	_ =	shalt  }
0x70: {  	_ =	shalt  }
0x71: {  	_ =	shalt  }
0x72: {  	_ =	shalt  }
0x73: {  	_ =	shalt  }
0x74: {  	_ =	shalt  }
0x75: {  	_ =	shalt  }
0x76: {  	_ =	shalt  }
0x77: {  	_ =	shalt  }
0x78: {  	_ =	shalt  }
0x79: {  	_ =	shalt  }
0x7a: {  	_ =	shalt  }
0x7b: {  	_ =	shalt  }
0x7c: {  	_ =	shalt  }
0x7d: {  	_ =	shalt  }
0x7e: {  	_ =	shalt  }
0x7f: {  	_ =	shalt  }
0x80: {  	_ =	shalt  }
0x81: {  	_ =	shalt  }
0x82: {  	_ =	shalt  }
0x83: {  	_ =	shalt  }
0x84: {  	_ =	shalt  }
0x85: {  	_ =	shalt  }
0x86: {  	_ =	shalt  }
0x87: {  	_ =	shalt  }
.Lfunc_end0:
.L_simem_size_0:
called_computation.1_lowered:
.L_overlay_start_0:
0x88: {  	s2 =	sld [smem:$0x3FD9]  }
0x89: {  	s3 =	sld [smem:$0x3FFE];
	_ =	sdelay $0x1  }
0x8a: {  	s1 =	srdreg.scid  }
0x8b: {  	s0 =	sand.u32 $0x1, s1  }
0x8c: {  	s17 =	sshll.u32 s0, $0xA;
	s2 =	sadd.s32 s3, s2  }
0x8d: {  	s2 =	sadd.s32 s2, s17  }
0x8e: {  	[smem:$0x3FB4] =	sst s2  }
0x8f: {  	_ = 	snop  }
0x90: {  	s18 =	sld [smem:$0x3FD0];
	(tm) =	ssettm $0x1  }
0x91: {  	s19 =	sld [smem:$0x3FFB];
	_ =	sdelay $0x3  }
0x92: {  	_ =	strace s19  }
0x93: {  	s2 =	sld [smem:$0x3FFC];
	_ =	sdelay $0x3  }
0x94: {  	_ =	strace s2  }
0x95: {  	s2 =	sld [smem:$0x3FFD];
	_ =	sdelay $0x3  }
0x96: {  	_ =	strace s2  }
0x97: {  	_ =	strace $0x8FFFFFFF  }
0x98: {  	s20 =	sld [smem:$0x3FDB];
	_ =	sdelay $0x1  }
0x99: {  	s4 =	simm.s32 $_scs_section_size  }
0x9a: {  	s5 =	simm.s32 $_size__tile_overlayer_lowered;
	s6 =	simm.s32 $_tile_overlayer_lowered  }
0x9b: {  	s7 =	simm.s32 $0x1BFF;
	s21 =	sshll.u32 s6, $0x1;
	s4 =	sadd.s32 s4, s20  }
0x9c: {  	s22 =	simm.s32 $0x0;
	s5 =	sshll.u32 s5, $0x1;
	s6 =	sadd.s32 s21, s4  }
0x9d: {  	[timem:s22], [sflag:s7] =	dma.local [hbm:s6], s5  }
0x9e: {  	_ =	swait.ge [sflag:s7], s5  }
0x9f: {  	s5 =	ssub.s32 $0x0, s5;
	[sflag:s7] =	ssyncset.done $0x0  }
0xa0: {  	[sflag:s7] =	ssyncadd.s32 s5;
	_ =	sdelay $0x1  }
0xa1: {  	s23 =	simm.s32 $0x1B8B  }
0xa2: {  	_ =	swait.ge [sflag:s23], $0x1  }
0xa3: {  	[sflag:s23] =	ssyncset.done $0x0  }
0xa4: {  	[sflag:s23] =	ssyncadd.s32 $0xFFFFFFFF  }
0xa5: {  	s5 =	sld [smem:$0x0]  }
0xa6: {  	s6 =	sand.u32 $0xFFFFFFFE, s1  }
0xa7: {  	p0 =	sne.s32 s1, s6  }
0xa8: {  	s6 =	sshll.u32 @p0 s6, $0xE  }
0xa9: {  	s6 =	sadd.s32 @p0 $0x11B8D, s6;
	s7 =	sshll.u32 @p0 s5, $0x11  }
0xaa: {  	s6 =	sor.u32 @p0 s7, s6  }
0xab: {  	[sflag:s6] =	ssyncadd.remote.s32 @p0 $0x1;
	_ =	sdelay $0x1  }
0xac: {  	s6 =	simm.s32 @p0 $0x1B8D  }
0xad: {  	_ =	swait.eq @p0 [sflag:s6], $0x1  }
0xae: {  	[sflag:s6] =	ssyncadd.s32 @p0 $0xFFFFFFFF  }
0xaf: {  	s7 =	sshll.u32 @!p0 s1, $0xE  }
0xb0: {  	s7 =	sor.u32 @!p0 $0x4000, s7;
	s6 =	simm.s32 @!p0 $0x1B8D  }
0xb1: {  	s5 =	sshll.u32 @!p0 s5, $0x11;
	s7 =	sadd.s32 @!p0 $0x11B8D, s7;
	_ =	swait.eq @!p0 [sflag:s6], $0x1  }
0xb2: {  	s5 =	sor.u32 @!p0 s5, s7;
	[sflag:s6] =	ssyncadd.s32 @!p0 $0xFFFFFFFF  }
0xb3: {  	s25 =	simm.s32 $0x1B8E;
	s24 =	sld [smem:$0x3FFE];
	[sflag:s5] =	ssyncadd.remote.s32 @!p0 $0x1  }
0xb4: {  	s26 =	simm.s32 $execute0_lowered;
	[smem:$0x3FD2] =	sst s25  }
0xb5: {  	s6 =	sshll.u32 s26, $0x1;
	_ =	strace $0x8000004F;
	[dreg:$0x1] =	wrdreg $0xFFFFFFFF  }
0xb6: {  	s28 =	simm.s32 $_size_execute0_lowered;
	s4 =	sadd.s32 s4, s6;
	[dreg:$0x0] =	wrdreg $0x0  }
0xb7: {  	s6 =	sshll.u32 s28, $0x1;
	[dreg:$0x2] =	wrdreg s4  }
0xb8: {  	[dreg:$0x3] =	wrdreg s6  }
0xb9: {  	[dreg:$0x4] =	wrdreg $0xC0  }
0xba: {  	_ =	task [dreg:s22], $0x5FFFF  }
0xbb: {  	[dreg:$0x1] =	wrdreg $0xFFFFFFFF  }
0xbc: {  	[dreg:$0x0] =	wrdreg $0x60  }
0xbd: {  	[dreg:$0x2] =	wrdreg s24  }
0xbe: {  	[dreg:$0x3] =	wrdreg s18  }
0xbf: {  	[dreg:$0x4] =	wrdreg $0x26000  }
0xc0: {  	[dreg:$0x5] =	wrdreg $0x9  }
0xc1: {  	_ =	task.clear_ibuf [dreg:s22], $0x6FFFF;
	_ =	strace $0x9000004F  }
0xc2: {  	s29 =	simm.s32 $0x9;
	_ =	strace $0x80000051  }
0xc3: {  	_ =	swait.ge [sflag:s29], $0x1  }
0xc4: {  	[sflag:s29] =	ssyncadd.s32 $0xFFFFFFFF  }
0xc5: {  	_ =	strace $0x90000051  }
0xc6: {  	_ =	sfence  }
0xc7: {  	s30 =	sld [smem:$0x0];
	_ =	sdelay $0x2  }
0xc8: {  	s31 =	sshll.u32 s1, $0xD;
	s1 =	sshrl.u32 s1, $0x2  }
0xc9: {  	s4 =	sand.u32 $0x4000, s31;
	s1 =	sadd.s32 s1, s30  }
0xca: {  	s0 =	sor.u32 s4, s0;
	s1 =	sshll.u32 s1, $0x11  }
0xcb: {  	s0 =	sor.u32 s1, s0  }
0xcc: {  	s0 =	sadd.s32 $0x8F2B, s0  }
0xcd: {  	[sflag:s0] =	ssyncadd.remote.s32 $0x1  }
0xce: {  	_ =	sfence.sel $0xFFFF  }
0xcf: {  	[dreg:$0x0] =	wrdreg $0xFFFFFFFF;
	(pc) =	sbr.abs _section_cstart, $3  }
0xd0: {  	[dreg:$0x1] =	wrdreg $0xFFFFFFFF  }
0xd1: {  	_ =	task.clear_ibuf [dreg:s22], $0x2FFFF;
	_ =	strace $0x9FFFFFFF  }
0xd2: {  	(tm) =	ssettm $0x7FFFFFFF  }
0xd3: {  	_ =	shalt  }
tec
execute0_lowered:
.L_overlay_start_1:
0x0: {  	(tag) =	ssettag $0x1  }
0x1: {  	s0 =	rddreg [dreg:$0x0]  }
0x2: {  	s2 =	rddreg [dreg:$0x1]  }
0x3: {  	s1 =	rddreg [dreg:$0x2];
	s3 =	simm.s32 $0x0;
	s19 =	stileid.u32  }
0x4: {  	s7 =	srdreg.scid;
	s16 =	simm.s32 $0x80;
	s18 =	simm.s32 $0x4  }
0x5: {  	s20 =	simm.s32 $0x1;
	s22 =	simm.s32 $0x2;
	s5 =	smul.u32 $0x30E, s19  }
0x6: {  	s23 =	simm.s32 $0x3;
	s24 =	simm.s32 $0x0;
	s8 =	smul.u32 $0x61C00, s19  }
0x7: {  	[smem:$0x7FF] =	sst s3;
	s4 =	sadd.s32 $0x600, s0;
	s13 =	smul.u32 $0x30E0, s19  }
0x8: {  	s6 =	sadd.s32 $0x252200, s0;
	s12 =	sand.u32 $0x1, s7;
	s10 =	smul.u32 $0xC380, s19  }
0x9: {  	s7 =	sadd.s32 $0x24F000, s0;
	s11 =	sshll.u32 s19, $0x6;
	s14 =	smul.u32 $0x186A00, s12  }
0xa: {  	_ =	strace $0x80000050;
	s29 =	ssub.s32 $0x2, s12;
	s15 =	smul.u32 $0x30D40, s12  }
0xb: {  	p0 =	seq.s32 s12, $0x0;
	s9 =	sshrl.u32 s29, $0x1;
	s8 =	sshrl.u32 s8, $0x2  }
0xc: {  	s0 =	ssub.s32 s29, s9;
	s8 =	sadd.s32 s8, s1;
	s9 =	sadd.s32 s4, s10  }
0xd: {  	s10 =	sor.u32 $0x1C04, s11;
	s14 =	sshrl.u32 s14, $0x3;
	s30 =	sadd.s32 s13, s15  }
0xe: {  	s11 =	sadd.s32 $0x40, s9;
	s31 =	sadd.s32 s2, s14;
	s12 =	sadd.s32 s2, s30  }
0xf: {  	s14 =	simm.s32 $0x80;
	s15 =	smax.u32 s0, $0x1;
	s17 =	sshrl.u32 s8, $0x3  }
0x10: {  	s13 =	sadd.s32 $0x2DD20, s31;
	s14 =	simm.s32 @!p0 $0x100;
	p0 =	seq.s32 s19, $0xF  }
.LBB2_1:
0x11: {  	[spmem:s17], [sflag:s10] =	dma.local [hbm:s7], $0x30E0  }
0x12: {  	_ =	swait.ge [sflag:s18], $0x30E0  }
0x13: {  	[sflag:s18] =	ssyncset.done $0x0  }
0x14: {  	[sflag:s18] =	ssyncadd.s32 $0xFFFFCF20  }
0x15: {  	[bflag:$0x0] =	sbarrier.arrive $0xFFFF  }
0x16: {  	[tilespmem:s3], [sflag:$0x1] =	stream.linear.gather [hbm4b:s9+s3], $0x200, $0x38;
	[tilespmem:$0x1AD00] =	vst v63  }
0x17: {  	s0 =	simm.s32 $0x200  }
0x18: {  	[tilespmem:s0], [sflag:$0x1] =	stream.linear.gather [hbm4b:s11+s3], $0x200, $0x38;
	[tilespmem:$0x1AD00] =	vst v63  }
0x19: {  	s31 =	simm.s32 $0x600;
	_ =	swait.ge [sflag:s20], $0x200  }
0x1a: {  	p1 =	por $0x0, $0x0;
	s25 =	simm.s32 $0x0;
	[sflag:s20] =	ssyncset.done $0x0  }
0x1b: {  	s26 =	simm.s32 $0x0;
	s28 =	simm.s32 $0x0;
	[sflag:s20] =	ssyncadd.s32 $0xFFFFFE00  }
0x1c: {  	[tilespmem:s31], [sflag:$0x2] =	stream.indirect.gather [hbm4b:s6+s16], $0x20, s14, s16, $0xb8;
	[tilespmem:$0x1AD00] =	vst v63  }
.LBB2_2:
0x1d: {  	p2 =	seq.s32 s28, $0x30D  }
0x1e: {  	s0 =	smov.u32 s28;
	s2 =	sand.u32 $0xFFFF, s25;
	s19 =	simm.s32 @!p2 $0x1  }
0x1f: {  	s28 =	sadd.s32 $0x1, s28;
	p3 =	seq.s32 @!p2 s0, $0x0;
	_ =	swait.ge @!p2 [sflag:s19], $0x200  }
0x20: {  	s29 =	smul.u32 @!p2 $0xAAAB, s28;
	p4 =	por p3, p2;
	[sflag:s19] =	ssyncset.done @!p2 $0x0  }
0x21: {  	s2 =	smul.u32 $0xAAAB, s2;
	[sflag:s19] =	ssyncadd.s32 @!p2 $0xFFFFFE00;
	s19 =	simm.s32 @!p4 $0x3  }
0x22: {  	p3 =	sgt.u32 @!p2 s0, $0x30B;
	s29 =	sshrl.u32 @!p2 s29, $0x11;
	_ =	swait.ge @!p4 [sflag:s19], $0x1000  }
0x23: {  	p3 =	por p3, p2;
	s29 =	smul.u32 @!p2 $0x3, s29;
	[sflag:s19] =	ssyncset.done @!p4 $0x0  }
0x24: {  	s30 =	sshll.u32 @!p2 s28, $0xC;
	[sflag:s19] =	ssyncadd.s32 @!p4 $0xFFFFF000;
	s19 =	sadd.s32 @!p3 $0x2, s0  }
0x25: {  	s21 =	simm.s32 @!p2 $0x80;
	s29 =	ssub.s32 @!p2 s28, s29;
	s31 =	smul.u32 @!p3 $0xAAAB, s19  }
0x26: {  	s30 =	sand.u32 @!p2 $0x1000, s30;
	s2 =	sshrl.u32 s2, $0x11;
	s29 =	sshll.u32 @!p2 s29, $0x9  }
0x27: {  	s2 =	smul.u32 $0x1800, s2;
	s29 =	sand.u32 @!p2 $0x3E00, s29;
	s31 =	sshrl.u32 @!p3 s31, $0x11  }
0x28: {  	s30 =	sor.u32 @!p2 $0x600, s30;
	s29 =	sor.u32 @!p2 s29, s14;
	s31 =	smul.u32 @!p3 $0x3, s31  }
0x29: {  	[tilespmem:s30], [sflag:$0x2] =	stream.indirect.gather @!p2 [hbm4b:s6+s21], $0x20, s29, s21, $0xb8;
	[tilespmem:$0x1AD00] =	vst v63  }
0x2a: {  	s21 =	ssub.s32 @!p3 s19, s31;
	s19 =	sadd.s32 @!p3 s5, s19  }
0x2b: {  	s2 =	ssub.s32 s26, s2;
	s21 =	sshll.u32 @!p3 s21, $0x9;
	s19 =	sshll.u32 @!p3 s19, $0x6  }
0x2c: {  	s29 =	simm.s32 @!p3 $0x0;
	s21 =	sand.u32 @!p3 $0x3E00, s21;
	s19 =	sadd.s32 @!p3 s4, s19  }
0x2d: {  	[tilespmem:s21], [sflag:$0x1] =	stream.linear.gather @!p3 [hbm4b:s19+s29], $0x200, $0x38;
	[tilespmem:$0x1AD00] =	vst v63  }
0x2e: {  	s2 =	sand.u32 $0xFFFC, s2;
	s21 =	simm.s32 $0x1;
	_ =	swait.ge [sflag:s22], $0x1000  }
0x2f: {  	s2 =	sshrl.u32 s2, $0x2;
	s21 =	simm.s32 @!p1 $0x0;
	[sflag:s22] =	ssyncset.done $0x0  }
0x30: {  	s19 =	sadd.s32 $0x190, s2;
	s21 =	sshll.u32 s21, $0xC;
	[sflag:s22] =	ssyncadd.s32 $0xFFFFF000  }
0x31: {  	s29 =	sor.u32 $0x800, s21;
	v1 =	vld [tilespmem:s19+$0xFFFFFFF0]  }
0x32: {  	v0 =	vld [tilespmem:s29+$0xFFFFFE00]  }
0x33: {  	v2 =	vld [tilespmem:s29+$0xFFFFFE10]  }
0x34: {  	v3 =	vld [tilespmem:s29+$0xFFFFFE20]  }
0x35: {  	v4 =	vld [tilespmem:s29+$0xFFFFFE30]  }
0x36: {  	v5 =	vld [tilespmem:s29+$0xFFFFFE40]  }
0x37: {  	v6 =	vld [tilespmem:s29+$0xFFFFFE50]  }
0x38: {  	v7 =	vld [tilespmem:s29+$0xFFFFFE60]  }
0x39: {  	v8 =	vld [tilespmem:s29+$0xFFFFFE70]  }
0x3a: {  	v9 =	vld [tilespmem:s29+$0xFFFFFE80]  }
0x3b: {  	v10 =	vld [tilespmem:s29+$0xFFFFFE90]  }
0x3c: {  	v11 =	vld [tilespmem:s29+$0xFFFFFEA0]  }
0x3d: {  	v12 =	vld [tilespmem:s29+$0xFFFFFEB0]  }
0x3e: {  	v13 =	vld [tilespmem:s29+$0xFFFFFEC0]  }
0x3f: {  	v14 =	vld [tilespmem:s29+$0xFFFFFED0]  }
0x40: {  	v15 =	vld [tilespmem:s29+$0xFFFFFEE0]  }
0x41: {  	v16 =	vld [tilespmem:s29+$0xFFFFFEF0]  }
0x42: {  	v18 =	vld [tilespmem:s29+$0xFFFFFF00]  }
0x43: {  	v19 =	vld [tilespmem:s29+$0xFFFFFF10];
	v17 =	vbroadcast v1, $0x0  }
0x44: {  	v20 =	vld [tilespmem:s29+$0xFFFFFF20]  }
0x45: {  	v21 =	vld [tilespmem:s29+$0xFFFFFF30];
	v22 =	vbroadcast v1, $0x1;
	v0 =	vmul.f32 v17, v0  }
0x46: {  	v23 =	vld [tilespmem:s19+$0x0];
	v24 =	vbroadcast v1, $0x5;
	v2 =	vmul.f32 v2, v17  }
0x47: {  	v49 =	vld [tilespmem:s29+$0x10];
	v4 =	vmul.f32 v4, v22;
	[tilespmem:s29+$0xFFFFFE00] =	vst v0  }
0x48: {  	v25 =	vld [tilespmem:s29+$0x20];
	v31 =	vbroadcast v1, $0x6;
	v11 =	vmul.f32 v11, v24;
	[tilespmem:s29+$0xFFFFFE10] =	vst v2  }
0x49: {  	v26 =	vld [tilespmem:s29+$0x30];
	v12 =	vmul.f32 v12, v24;
	[tilespmem:s29+$0xFFFFFE30] =	vst v4  }
0x4a: {  	v27 =	vld [tilespmem:s29+$0x40];
	v32 =	vbroadcast v1, $0x7;
	v13 =	vmul.f32 v13, v31;
	[tilespmem:s29+$0xFFFFFEA0] =	vst v11  }
0x4b: {  	v28 =	vld [tilespmem:s29+$0x50];
	v29 =	vbroadcast v23, $0x0;
	v14 =	vmul.f32 v14, v31;
	[tilespmem:s29+$0xFFFFFEB0] =	vst v12  }
0x4c: {  	v30 =	vld [tilespmem:s29+$0x60];
	v34 =	vbroadcast v1, $0x8;
	v15 =	vmul.f32 v15, v32;
	[tilespmem:s29+$0xFFFFFEC0] =	vst v13  }
0x4d: {  	v50 =	vld [tilespmem:s29+$0xA0];
	v35 =	vbroadcast v1, $0x9;
	v16 =	vmul.f32 v16, v32;
	[tilespmem:s29+$0xFFFFFED0] =	vst v14  }
0x4e: {  	v33 =	vld [tilespmem:s29+$0x70];
	v37 =	vbroadcast v1, $0xA;
	v18 =	vmul.f32 v18, v34;
	[tilespmem:s29+$0xFFFFFEE0] =	vst v15  }
0x4f: {  	v36 =	vld [tilespmem:s29+$0x80];
	v39 =	vbroadcast v1, $0xB;
	v20 =	vmul.f32 v20, v35;
	[tilespmem:s29+$0xFFFFFEF0] =	vst v16  }
0x50: {  	v38 =	vld [tilespmem:s29+$0x90];
	v44 =	vbroadcast v23, $0x5;
	v21 =	vmul.f32 v21, v35;
	[tilespmem:s29+$0xFFFFFF00] =	vst v18  }
0x51: {  	v52 =	vld [tilespmem:s29+$0xF0];
	v0 =	vmul.f32 v3, v22;
	v3 =	vbroadcast v1, $0x2;
	[tilespmem:s29+$0xFFFFFF20] =	vst v20  }
0x52: {  	v53 =	vld [tilespmem:s29+$0x100];
	v40 =	vbroadcast v1, $0xC;
	v31 =	vmul.f32 v50, v44;
	[tilespmem:s29+$0xFFFFFF30] =	vst v21  }
0x53: {  	v54 =	vld [tilespmem:s29+$0x130];
	v18 =	vbroadcast v23, $0x2;
	[tilespmem:s29+$0xFFFFFE20] =	vst v0;
	v0 =	vmul.f32 v5, v3  }
0x54: {  	v55 =	vld [tilespmem:s29+$0x140];
	v20 =	vbroadcast v23, $0x4;
	[tilespmem:s29+$0xA0] =	vst v31;
	v3 =	vmul.f32 v6, v3  }
0x55: {  	v12 =	vld [tilespmem:s29+$0x0];
	v5 =	vbroadcast v1, $0x3;
	v27 =	vmul.f32 v27, v18;
	[tilespmem:s29+$0xFFFFFE40] =	vst v0  }
0x56: {  	v41 =	vbroadcast v1, $0xD;
	v2 =	vld [tilespmem:s29+$0xFFFFFF50];
	v63 =	vmul.f32 v38, v20;
	[tilespmem:s29+$0xFFFFFE50] =	vst v3  }
0x57: {  	v51 =	vbroadcast v1, $0xE;
	v22 =	vld [tilespmem:s29+$0xFFFFFF60];
	v0 =	vmul.f32 v7, v5;
	[tilespmem:s29+$0x40] =	vst v27  }
0x58: {  	v59 =	vld [tilespmem:s29+$0x160];
	v42 =	vbroadcast v1, $0xF;
	v5 =	vmul.f32 v8, v5;
	[tilespmem:s29+$0x90] =	vst v63  }
0x59: {  	v60 =	vld [tilespmem:s29+$0x170];
	v7 =	vbroadcast v1, $0x4;
	v1 =	vmul.f32 v19, v34;
	[tilespmem:s29+$0xFFFFFE60] =	vst v0  }
0x5a: {  	v43 =	vbroadcast v23, $0x3;
	v17 =	vld [tilespmem:s29+$0xFFFFFF40];
	v12 =	vmul.f32 v29, v12;
	[tilespmem:s29+$0xFFFFFE70] =	vst v5  }
0x5b: {  	v45 =	vbroadcast v23, $0x6;
	v4 =	vld [tilespmem:s29+$0xFFFFFF70];
	v2 =	vmul.f32 v2, v37;
	[tilespmem:s29+$0xFFFFFF10] =	vst v1  }
0x5c: {  	v56 =	vbroadcast v23, $0x8;
	v11 =	vld [tilespmem:s29+$0xFFFFFFE0];
	v22 =	vmul.f32 v22, v39;
	[tilespmem:s29+$0x0] =	vst v12  }
0x5d: {  	v57 =	vbroadcast v23, $0x9;
	v6 =	vld [tilespmem:s29+$0xFFFFFF80];
	v0 =	vmul.f32 v9, v7;
	[tilespmem:s29+$0xFFFFFF50] =	vst v2  }
0x5e: {  	v13 =	vld [tilespmem:s29+$0xB0];
	v19 =	vbroadcast v23, $0x1;
	v7 =	vmul.f32 v10, v7;
	[tilespmem:s29+$0xFFFFFF60] =	vst v22  }
0x5f: {  	v58 =	vbroadcast v23, $0xB;
	v3 =	vld [tilespmem:s29+$0xFFFFFF90];
	v1 =	vmul.f32 v17, v37;
	[tilespmem:s29+$0xFFFFFE80] =	vst v0  }
0x60: {  	v46 =	vbroadcast v23, $0xC;
	v8 =	vld [tilespmem:s29+$0xFFFFFFA0];
	v2 =	vmul.f32 v25, v19;
	[tilespmem:s29+$0xFFFFFE90] =	vst v7  }
0x61: {  	v5 =	vld [tilespmem:s29+$0xFFFFFFB0];
	v12 =	vbroadcast v23, $0x7;
	v19 =	vmul.f32 v26, v19;
	[tilespmem:s29+$0xFFFFFF40] =	vst v1  }
0x62: {  	v9 =	vld [tilespmem:s29+$0x1F0];
	v22 =	vbroadcast v23, $0xA;
	v6 =	vmul.f32 v6, v40;
	[tilespmem:s29+$0x20] =	vst v2  }
0x63: {  	v10 =	vld [tilespmem:s29+$0xFFFFFFC0];
	v0 =	vbroadcast v23, $0xF;
	v1 =	vmul.f32 v49, v29;
	[tilespmem:s29+$0x30] =	vst v19  }
0x64: {  	v14 =	vld [tilespmem:s29+$0xC0];
	v2 =	vbroadcast v23, $0xD;
	v3 =	vmul.f32 v3, v40;
	[tilespmem:s29+$0xFFFFFF80] =	vst v6  }
0x65: {  	v16 =	vld [tilespmem:s29+$0xE0];
	v6 =	vmul.f32 v28, v18;
	v8 =	vmul.f32 v8, v41;
	[tilespmem:s29+$0x10] =	vst v1  }
0x66: {  	v7 =	vld [tilespmem:s29+$0xFFFFFFD0];
	v18 =	vmul.f32 v30, v43;
	v1 =	vmul.f32 v4, v39;
	[tilespmem:s29+$0xFFFFFF90] =	vst v3  }
0x67: {  	v15 =	vld [tilespmem:s29+$0xD0];
	v9 =	vmul.f32 v9, v0;
	v5 =	vmul.f32 v5, v41;
	[tilespmem:s29+$0x50] =	vst v6  }
0x68: {  	v61 =	vld [tilespmem:s29+$0x190];
	v10 =	vmul.f32 v10, v51;
	[tilespmem:s29+$0xFFFFFFA0] =	vst v8;
	v8 =	vmul.f32 v33, v43  }
0x69: {  	v21 =	vld [tilespmem:s29+$0x120];
	[tilespmem:s29+$0xFFFFFF70] =	vst v1;
	v1 =	vbroadcast v23, $0xE;
	v23 =	vmul.f32 v11, v42  }
0x6a: {  	s21 =	smul.u32 $0xAAAB, s0;
	v11 =	vmul.f32 v14, v45;
	v14 =	vmul.f32 v16, v12;
	[tilespmem:s29+$0x1F0] =	vst v9;
	v9 =	vld [tilespmem:s29+$0xFFFFFFF0]  }
0x6b: {  	v4 =	vld [tilespmem:s29+$0x150];
	[tilespmem:s29+$0x60] =	vst v18;
	v16 =	vmul.f32 v53, v56;
	v6 =	vmul.f32 v7, v51  }
0x6c: {  	s2 =	sshrl.u32 s21, $0x11;
	v17 =	vld [tilespmem:s29+$0x110];
	v7 =	vmul.f32 v13, v44;
	[tilespmem:s29+$0xFFFFFFC0] =	vst v10;
	v10 =	vmul.f32 v15, v45  }
0x6d: {  	s2 =	smul.u32 $0x3, s2;
	v3 =	vld [tilespmem:s29+$0x180];
	[tilespmem:s29+$0x70] =	vst v8;
	v15 =	vmul.f32 v52, v12;
	v12 =	vmul.f32 v54, v57  }
0x6e: {  	v18 =	vld [tilespmem:s29+$0x1A0];
	v8 =	vmul.f32 v59, v58;
	[tilespmem:s29+$0xFFFFFFD0] =	vst v6;
	v6 =	vmul.f32 v55, v22  }
0x6f: {  	s2 =	ssub.s32 s0, s2;
	v19 =	vld [tilespmem:s29+$0x1B0];
	[tilespmem:s29+$0xFFFFFFB0] =	vst v5;
	v62 =	vmul.f32 v9, v42;
	v9 =	vmul.f32 v36, v20  }
0x70: {  	s0 =	sshll.u32 s0, $0xC;
	s2 =	sshll.u32 s2, $0x9;
	[tilespmem:s29+$0xFFFFFFE0] =	vst v23;
	v5 =	vmul.f32 v4, v22;
	v4 =	vmul.f32 v60, v58;
	v20 =	vld [tilespmem:s29+$0x1C0]  }
0x71: {  	s19 =	sadd.s32 $0x20, s19;
	s0 =	sand.u32 $0x1000, s0;
	s30 =	sand.u32 $0x3E00, s2;
	[tilespmem:s29+$0x80] =	vst v9;
	v9 =	vmul.f32 v17, v56;
	v17 =	vmul.f32 v21, v57;
	v21 =	vld [tilespmem:s29+$0x1D0]  }
0x72: {  	s31 =	sor.u32 $0x600, s0;
	s2 =	simm.s32 $0x0;
	s0 =	smov.u32 s29;
	v22 =	vld [tilespmem:s29+$0x1E0];
	v13 =	vmul.f32 v3, v46;
	v3 =	vmul.f32 v61, v46;
	[tilespmem:s29+$0xFFFFFFF0] =	vst v62  }
.LBB2_3:
0x73: {  	v23 =	vld [tilespmem:s19+$0x0];
	s2 =	sadd.s32 $0x2, s2;
	[tilespmem:s29+$0xB0] =	vst v7;
	v18 =	vmul.f32 v18, v2  }
0x74: {  	s29 =	sadd.s32 $0x400, s29;
	v24 =	vld [tilespmem:s19+$0xFFFFFFF0];
	p2 =	slt.u32 s2, $0x6;
	[tilespmem:s0+$0xC0] =	vst v11;
	v2 =	vmul.f32 v19, v2  }
0x75: {  	v11 =	vld [tilespmem:s29+$0x1F0];
	[tilespmem:s0+$0xD0] =	vst v10;
	v19 =	vmul.f32 v20, v1  }
0x76: {  	v20 =	vld [tilespmem:s29+$0xFFFFFE00];
	[tilespmem:s0+$0xE0] =	vst v14;
	v1 =	vmul.f32 v21, v1  }
0x77: {  	v21 =	vld [tilespmem:s29+$0xFFFFFE10];
	[tilespmem:s0+$0xF0] =	vst v15;
	v22 =	vmul.f32 v22, v0  }
0x78: {  	v25 =	vld [tilespmem:s29+$0xFFFFFE20];
	v7 =	vbroadcast v23, $0x0;
	v0 =	vbroadcast v23, $0xF;
	[tilespmem:s0+$0x100] =	vst v16  }
0x79: {  	v16 =	vbroadcast v24, $0x0;
	v26 =	vbroadcast v24, $0x1;
	v27 =	vld [tilespmem:s29+$0xFFFFFE30];
	[tilespmem:s0+$0x110] =	vst v9  }
0x7a: {  	v29 =	vbroadcast v24, $0x2;
	v28 =	vld [tilespmem:s29+$0xFFFFFE40];
	v9 =	vmul.f32 v11, v0;
	[tilespmem:s0+$0x120] =	vst v17  }
0x7b: {  	v30 =	vbroadcast v24, $0x3;
	v31 =	vbroadcast v24, $0x4;
	v17 =	vld [tilespmem:s29+$0xFFFFFE50];
	[tilespmem:s0+$0x130] =	vst v12  }
0x7c: {  	v33 =	vbroadcast v24, $0x5;
	v34 =	vbroadcast v24, $0x6;
	v32 =	vld [tilespmem:s29+$0xFFFFFE60];
	[tilespmem:s29+$0x1F0] =	vst v9  }
0x7d: {  	v36 =	vbroadcast v24, $0x7;
	v37 =	vbroadcast v24, $0x8;
	v35 =	vld [tilespmem:s29+$0xFFFFFE70];
	[tilespmem:s0+$0x140] =	vst v6  }
0x7e: {  	v39 =	vbroadcast v24, $0x9;
	v40 =	vbroadcast v24, $0xA;
	v38 =	vld [tilespmem:s29+$0xFFFFFE80];
	[tilespmem:s0+$0x150] =	vst v5  }
0x7f: {  	v42 =	vbroadcast v24, $0xB;
	v43 =	vbroadcast v24, $0xC;
	v41 =	vld [tilespmem:s29+$0xFFFFFE90];
	[tilespmem:s0+$0x160] =	vst v8  }
0x80: {  	v45 =	vbroadcast v24, $0xD;
	v46 =	vbroadcast v24, $0xE;
	v44 =	vld [tilespmem:s29+$0xFFFFFEA0];
	[tilespmem:s0+$0x170] =	vst v4  }
0x81: {  	v15 =	vbroadcast v23, $0x1;
	v24 =	vbroadcast v24, $0xF;
	v47 =	vld [tilespmem:s29+$0xFFFFFEB0];
	[tilespmem:s0+$0x180] =	vst v13  }
0x82: {  	v14 =	vbroadcast v23, $0x2;
	v13 =	vbroadcast v23, $0x3;
	v48 =	vld [tilespmem:s29+$0xFFFFFEC0];
	[tilespmem:s0+$0x190] =	vst v3  }
0x83: {  	v11 =	vbroadcast v23, $0x5;
	v12 =	vbroadcast v23, $0x4;
	v49 =	vld [tilespmem:s29+$0xFFFFFED0];
	[tilespmem:s0+$0x1A0] =	vst v18  }
0x84: {  	v10 =	vbroadcast v23, $0x6;
	v9 =	vbroadcast v23, $0x7;
	v18 =	vld [tilespmem:s29+$0xFFFFFEE0];
	[tilespmem:s0+$0x1B0] =	vst v2  }
0x85: {  	v6 =	vbroadcast v23, $0x9;
	v8 =	vbroadcast v23, $0x8;
	v50 =	vld [tilespmem:s29+$0xFFFFFEF0];
	[tilespmem:s0+$0x1C0] =	vst v19  }
0x86: {  	v5 =	vbroadcast v23, $0xA;
	v4 =	vbroadcast v23, $0xB;
	v19 =	vld [tilespmem:s29+$0xFFFFFF00];
	[tilespmem:s0+$0x1D0] =	vst v1  }
0x87: {  	v3 =	vbroadcast v23, $0xC;
	v2 =	vbroadcast v23, $0xD;
	v51 =	vld [tilespmem:s29+$0xFFFFFF10];
	[tilespmem:s0+$0x1E0] =	vst v22;
	s0 =	smov.u32 s29  }
0x88: {  	v20 =	vmul.f32 v16, v20;
	v1 =	vbroadcast v23, $0xE;
	v22 =	vld [tilespmem:s29+$0xFFFFFF20]  }
0x89: {  	v16 =	vmul.f32 v21, v16;
	v21 =	vmul.f32 v25, v26;
	v23 =	vld [tilespmem:s29+$0xFFFFFF30]  }
0x8a: {  	v25 =	vmul.f32 v28, v29;
	[tilespmem:s29+$0xFFFFFE00] =	vst v20;
	v20 =	vmul.f32 v27, v26;
	v26 =	vld [tilespmem:s29+$0xFFFFFF40]  }
0x8b: {  	[tilespmem:s29+$0xFFFFFE10] =	vst v16;
	v16 =	vmul.f32 v17, v29;
	v17 =	vmul.f32 v32, v30;
	v27 =	vld [tilespmem:s29+$0xFFFFFF50]  }
0x8c: {  	v28 =	vmul.f32 v38, v31;
	[tilespmem:s29+$0xFFFFFE20] =	vst v21;
	v21 =	vmul.f32 v35, v30;
	v29 =	vld [tilespmem:s29+$0xFFFFFF60]  }
0x8d: {  	v30 =	vmul.f32 v44, v33;
	[tilespmem:s29+$0xFFFFFE30] =	vst v20;
	v20 =	vmul.f32 v41, v31;
	v31 =	vld [tilespmem:s29+$0xFFFFFF70]  }
0x8e: {  	v32 =	vmul.f32 v48, v34;
	[tilespmem:s29+$0xFFFFFE40] =	vst v25;
	v25 =	vmul.f32 v47, v33;
	v33 =	vld [tilespmem:s29+$0xFFFFFF80]  }
0x8f: {  	v18 =	vmul.f32 v18, v36;
	[tilespmem:s29+$0xFFFFFE50] =	vst v16;
	v16 =	vmul.f32 v49, v34;
	v34 =	vld [tilespmem:s29+$0xFFFFFF90]  }
0x90: {  	v19 =	vmul.f32 v19, v37;
	[tilespmem:s29+$0xFFFFFE60] =	vst v17;
	v17 =	vmul.f32 v50, v36;
	v35 =	vld [tilespmem:s29+$0xFFFFFFA0]  }
0x91: {  	v22 =	vmul.f32 v22, v39;
	[tilespmem:s29+$0xFFFFFE70] =	vst v21;
	v21 =	vmul.f32 v51, v37;
	v36 =	vld [tilespmem:s29+$0xFFFFFFB0]  }
0x92: {  	v23 =	vmul.f32 v23, v39;
	v26 =	vmul.f32 v26, v40;
	[tilespmem:s29+$0xFFFFFE80] =	vst v28;
	v28 =	vld [tilespmem:s29+$0xFFFFFFC0]  }
0x93: {  	[tilespmem:s29+$0xFFFFFE90] =	vst v20;
	v20 =	vmul.f32 v27, v40;
	v27 =	vmul.f32 v29, v42;
	v29 =	vld [tilespmem:s29+$0xFFFFFFD0]  }
0x94: {  	[tilespmem:s29+$0xFFFFFEA0] =	vst v30;
	v30 =	vmul.f32 v31, v42;
	v31 =	vmul.f32 v33, v43;
	v33 =	vld [tilespmem:s29+$0xFFFFFFE0]  }
0x95: {  	[tilespmem:s29+$0xFFFFFEB0] =	vst v25;
	v25 =	vmul.f32 v34, v43;
	v34 =	vmul.f32 v35, v45;
	v35 =	vld [tilespmem:s29+$0xFFFFFFF0]  }
0x96: {  	[tilespmem:s29+$0xFFFFFEC0] =	vst v32;
	v32 =	vmul.f32 v36, v45;
	v36 =	vld [tilespmem:s29+$0x0]  }
0x97: {  	[tilespmem:s29+$0xFFFFFED0] =	vst v16;
	v16 =	vmul.f32 v28, v46;
	v28 =	vld [tilespmem:s29+$0x10]  }
0x98: {  	[tilespmem:s29+$0xFFFFFEE0] =	vst v18;
	v18 =	vmul.f32 v29, v46;
	v29 =	vld [tilespmem:s29+$0x20]  }
0x99: {  	[tilespmem:s29+$0xFFFFFEF0] =	vst v17;
	v17 =	vmul.f32 v33, v24;
	v33 =	vld [tilespmem:s29+$0x30]  }
0x9a: {  	[tilespmem:s29+$0xFFFFFF00] =	vst v19;
	v19 =	vmul.f32 v35, v24;
	v24 =	vld [tilespmem:s29+$0x40]  }
0x9b: {  	[tilespmem:s29+$0xFFFFFF10] =	vst v21;
	v21 =	vmul.f32 v7, v36;
	v35 =	vld [tilespmem:s29+$0x50]  }
0x9c: {  	[tilespmem:s29+$0xFFFFFF20] =	vst v22;
	v22 =	vmul.f32 v28, v7;
	v7 =	vld [tilespmem:s29+$0x60]  }
0x9d: {  	[tilespmem:s29+$0xFFFFFF30] =	vst v23;
	v23 =	vmul.f32 v29, v15;
	v28 =	vld [tilespmem:s29+$0x70]  }
0x9e: {  	[tilespmem:s29+$0xFFFFFF40] =	vst v26;
	v26 =	vmul.f32 v33, v15;
	v15 =	vld [tilespmem:s29+$0x80]  }
0x9f: {  	[tilespmem:s29+$0xFFFFFF50] =	vst v20;
	v20 =	vmul.f32 v24, v14;
	v24 =	vld [tilespmem:s29+$0x90]  }
0xa0: {  	[tilespmem:s29+$0xFFFFFF60] =	vst v27;
	v27 =	vmul.f32 v35, v14;
	v14 =	vld [tilespmem:s29+$0xA0]  }
0xa1: {  	[tilespmem:s29+$0xFFFFFF70] =	vst v30;
	v29 =	vmul.f32 v7, v13;
	v7 =	vld [tilespmem:s29+$0xB0]  }
0xa2: {  	[tilespmem:s29+$0xFFFFFF80] =	vst v31;
	v13 =	vmul.f32 v28, v13;
	v28 =	vld [tilespmem:s29+$0xC0]  }
0xa3: {  	[tilespmem:s29+$0xFFFFFF90] =	vst v25;
	v25 =	vmul.f32 v15, v12;
	v15 =	vld [tilespmem:s29+$0xD0]  }
0xa4: {  	[tilespmem:s29+$0xFFFFFFA0] =	vst v34;
	v24 =	vmul.f32 v24, v12;
	v12 =	vld [tilespmem:s29+$0xE0]  }
0xa5: {  	[tilespmem:s29+$0xFFFFFFB0] =	vst v32;
	v30 =	vmul.f32 v14, v11;
	v31 =	vld [tilespmem:s29+$0xF0]  }
0xa6: {  	[tilespmem:s29+$0xFFFFFFC0] =	vst v16;
	v7 =	vmul.f32 v7, v11;
	v16 =	vld [tilespmem:s29+$0x100]  }
0xa7: {  	[tilespmem:s29+$0xFFFFFFD0] =	vst v18;
	v11 =	vmul.f32 v28, v10;
	v18 =	vld [tilespmem:s29+$0x110]  }
0xa8: {  	[tilespmem:s29+$0xFFFFFFE0] =	vst v17;
	v10 =	vmul.f32 v15, v10;
	v17 =	vld [tilespmem:s29+$0x120]  }
0xa9: {  	[tilespmem:s29+$0xFFFFFFF0] =	vst v19;
	v14 =	vmul.f32 v12, v9;
	v12 =	vld [tilespmem:s29+$0x130]  }
0xaa: {  	[tilespmem:s29+$0x0] =	vst v21;
	v15 =	vmul.f32 v31, v9;
	v19 =	vld [tilespmem:s29+$0x140]  }
0xab: {  	[tilespmem:s29+$0x10] =	vst v22;
	v16 =	vmul.f32 v16, v8;
	v21 =	vld [tilespmem:s29+$0x150]  }
0xac: {  	[tilespmem:s29+$0x20] =	vst v23;
	v9 =	vmul.f32 v18, v8;
	v8 =	vld [tilespmem:s29+$0x160]  }
0xad: {  	[tilespmem:s29+$0x30] =	vst v26;
	v17 =	vmul.f32 v17, v6;
	v22 =	vld [tilespmem:s29+$0x170]  }
0xae: {  	[tilespmem:s29+$0x40] =	vst v20;
	v12 =	vmul.f32 v12, v6;
	v23 =	vld [tilespmem:s29+$0x180]  }
0xaf: {  	[tilespmem:s29+$0x50] =	vst v27;
	v6 =	vmul.f32 v19, v5;
	v26 =	vld [tilespmem:s29+$0x190]  }
.Ltmp0:
0xb0: {  	[tilespmem:s29+$0x60] =	vst v29;
	v5 =	vmul.f32 v21, v5;
	v18 =	vld [tilespmem:s29+$0x1A0];
	(pc) =	sbr.rel @p2 .LBB2_3-.Ltmp0, $4  }
0xb1: {  	[tilespmem:s29+$0x70] =	vst v13;
	v8 =	vmul.f32 v8, v4;
	v19 =	vld [tilespmem:s29+$0x1B0]  }
0xb2: {  	[tilespmem:s29+$0x80] =	vst v25;
	v4 =	vmul.f32 v22, v4;
	v20 =	vld [tilespmem:s29+$0x1C0]  }
0xb3: {  	[tilespmem:s29+$0x90] =	vst v24;
	v13 =	vmul.f32 v23, v3;
	v21 =	vld [tilespmem:s29+$0x1D0]  }
0xb4: {  	s19 =	sadd.s32 $0x20, s19;
	[tilespmem:s29+$0xA0] =	vst v30;
	v3 =	vmul.f32 v26, v3;
	v22 =	vld [tilespmem:s29+$0x1E0]  }
0xb5: {  	[tilespmem:s29+$0xB0] =	vst v7  }
0xb6: {  	[tilespmem:s0+$0xC0] =	vst v11  }
0xb7: {  	[tilespmem:s0+$0xD0] =	vst v10  }
0xb8: {  	[tilespmem:s0+$0xE0] =	vst v14  }
0xb9: {  	[tilespmem:s0+$0xF0] =	vst v15  }
0xba: {  	[tilespmem:s0+$0x100] =	vst v16  }
0xbb: {  	[tilespmem:s0+$0x110] =	vst v9  }
0xbc: {  	[tilespmem:s0+$0x120] =	vst v17  }
0xbd: {  	[tilespmem:s0+$0x130] =	vst v12  }
0xbe: {  	[tilespmem:s0+$0x140] =	vst v6  }
0xbf: {  	[tilespmem:s0+$0x150] =	vst v5  }
0xc0: {  	[tilespmem:s0+$0x160] =	vst v8  }
0xc1: {  	[tilespmem:s0+$0x170] =	vst v4  }
0xc2: {  	v60 =	vmul.f32 v18, v2;
	[tilespmem:s0+$0x180] =	vst v13  }
0xc3: {  	v61 =	vmul.f32 v19, v2;
	[tilespmem:s0+$0x190] =	vst v3  }
0xc4: {  	p2 =	sne.s32 s28, $0x30E;
	v62 =	vmul.f32 v20, v1;
	[tilespmem:s0+$0x1A0] =	vst v60  }
.Ltmp1:
0xc5: {  	v63 =	vmul.f32 v21, v1;
	[tilespmem:s0+$0x1B0] =	vst v61;
	(pc) =	sbr.rel @p2 .LBB2_2-.Ltmp1, $4  }
0xc6: {  	v0 =	vmul.f32 v22, v0;
	[tilespmem:s0+$0x1C0] =	vst v62  }
0xc7: {  	[tilespmem:s0+$0x1D0] =	vst v63  }
0xc8: {  	s26 =	sadd.s32 $0x800, s26;
	s25 =	sadd.s32 $0x1, s25;
	p1 =	por !p1, !p1;
	[tilespmem:s0+$0x1E0] =	vst v0  }
0xc9: {  	[spmem:s1] =	stream.indirect.scatter.add.f32 [tilespmem:s31], [sflag:$0x3], $0x20, s30, s16, $0xb8;
	[tilespmem:$0x1AD00] =	vst v63  }
0xca: {  	_ =	swait.ge [sflag:s23], $0x1000  }
0xcb: {  	[sflag:s23] =	ssyncset.done $0x0  }
0xcc: {  	[sflag:s23] =	ssyncadd.s32 $0xFFFFF000  }
0xcd: {  	_ =	swait.ge [sflag:s23], $0x1000  }
0xce: {  	[sflag:s23] =	ssyncset.done $0x0  }
0xcf: {  	[sflag:s23] =	ssyncadd.s32 $0xFFFFF000  }
0xd0: {  	s0 =	sshrl.u32 @p0 s8, $0x3;
	[bflag:$0x0] =	sbarrier.arrive $0xFFFF  }
0xd1: {  	[hbm:s13], [sflag:s10] =	dma.local @p0 [spmem:s0], $0x3020  }
0xd2: {  	s0 =	simm.s32 @p0 $0x4  }
0xd3: {  	_ =	swait.ge @p0 [sflag:s0], $0x3020  }
0xd4: {  	s24 =	sadd.s32 $0x1, s24;
	[sflag:s0] =	ssyncset.done @p0 $0x0  }
0xd5: {  	p1 =	sne.s32 s24, s15;
	[sflag:s0] =	ssyncadd.s32 @p0 $0xFFFFCFE0;
	s0 =	sshrl.u32 @!p0 s8, $0x3  }
0xd6: {  	[hbm:s12], [sflag:s10] =	dma.local @!p0 [spmem:s0], $0x30E0  }
.Ltmp2:
0xd7: {  	_ = 	snop;
	(pc) =	sbr.rel @p1 .LBB2_1-.Ltmp2, $4  }
0xd8: {  	s0 =	simm.s32 @!p0 $0x4  }
0xd9: {  	_ =	swait.ge @!p0 [sflag:s0], $0x30E0  }
0xda: {  	[sflag:s0] =	ssyncset.done @!p0 $0x0  }
0xdb: {  	[sflag:s0] =	ssyncadd.s32 @!p0 $0xFFFFCF20  }
0xdc: {  	_ =	sfence.sel $0x180000  }
0xdd: {  	[bflag:$0x0] =	sbarrier.arrive $0xFFFF  }
0xde: {  	_ =	strace $0x90000050  }
0xdf: {  	s0 =	stileid.u32;
	[bflag:$0x2] =	sbarrier.arrive $0xFFFF  }
0xe0: {  	p0 =	sne.s32 s0, $0x0;
	s0 =	rddreg [dreg:$0x3]  }
0xe1: {  	s0 =	sadd.s32 @!p0 $0x100000, s0  }
0xe2: {  	[sflag:s0] =	ssyncadd.tile.s32 @!p0 $0x1;
	_ =	shalt  }
.Lfunc_end2:
_tile_overlayer_lowered:
.L_overlay_start_2:
0xe3: {  	(tag) =	ssettag $0x2  }
0xe4: {  	s0 =	rddreg [dreg:$0x0];
	s2 =	stileid.u32  }
0xe5: {  	s1 =	rddreg [dreg:$0x1];
	p0 =	sne.s32 s2, $0x0  }
0xe6: {  	s3 =	rddreg [dreg:$0x2];
	[bflag:$0x3] =	sbarrier.arrive $0xFFFF;
	s2 =	simm.s32 @!p0 $0x1C04  }
0xe7: {  	[timem:s3], [sflag:s2] =	dma.local @!p0 [hbm:s0], s1  }
0xe8: {  	s0 =	simm.s32 @!p0 $0x4  }
0xe9: {  	_ =	swait.ge @!p0 [sflag:s0], s1  }
0xea: {  	s1 =	ssub.s32 @!p0 $0x0, s1;
	[sflag:s0] =	ssyncset.done @!p0 $0x0  }
0xeb: {  	[sflag:s0] =	ssyncadd.s32 @!p0 s1  }
0xec: {  	[bflag:$0x3] =	sbarrier.arrive $0xFFFF  }
0xed: {  	_ =	shalt  }

// kernel: kernel.14.cloned.1.call-start
scs
__scs_entry_jumppad:
0x0: {  	(pc) =	sbr.rel $0x88, $3  }
0x1: {  	(tag) =	ssettag $0x0;
	lr =	simm.s32 $0x1  }
0x2: {  	[smem:$0x3F8D] =	sst lr;
	_ =	strace $0xD0000000  }
0x3: {  	_ = 	snop  }
0x4: {  	_ = 	snop  }
0x5: {  	_ = 	snop  }
0x6: {  	_ = 	snop  }
0x7: {  	_ = 	snop  }
__scs_overlays_trampoline_lowered:
0x8: {  	[smem:$0x3F9C] =	sst s0  }
0x9: {  	[smem:$0x3F9D] =	sst s1  }
0xa: {  	[smem:$0x3F9E] =	sst s2  }
0xb: {  	[smem:$0x3F9F] =	sst s3  }
0xc: {  	[smem:$0x3FA0] =	sst s4  }
0xd: {  	[smem:$0x3FA1] =	sst s5  }
0xe: {  	[smem:$0x3FA2] =	sst s6  }
0xf: {  	[smem:$0x3FA3] =	sst s7  }
0x10: {  	[smem:$0x3FA4] =	sst s8  }
0x11: {  	[smem:$0x3FA5] =	sst s9;
	s0 =	simm.s32 @!p0 $0x0  }
0x12: {  	s1 =	sld [smem:$0x3F8B];
	s0 =	simm.s32 @p0 $0x1  }
0x13: {  	[smem:$0x3FA6] =	sst s0;
	s0 =	simm.s32 @!p1 $0x0  }
0x14: {  	s2 =	sld [smem:$0x3F8A];
	s0 =	simm.s32 @p1 $0x1  }
0x15: {  	[smem:$0x3FA7] =	sst s0;
	s0 =	simm.s32 @!p2 $0x0  }
0x16: {  	s3 =	sld [smem:$0x3FDB];
	s0 =	simm.s32 @p2 $0x1  }
0x17: {  	s4 =	simm.s32 $0x1BF5;
	[smem:$0x3FA9] =	sst s0  }
0x18: {  	s0 =	sld [smem:$0x3F8C];
	_ =	swait.ge [sflag:s4], $0x0  }
0x19: {  	s7 =	sld [smem:$0x3F8D]  }
0x1a: {  	s8 =	sadd.s32 $0xFFFFE003, lr  }
0x1b: {  	s9 =	sadd.s32 $0xFFFFFEF7, lr;
	s5 =	simm.s32 $0xFFFFFFFF;
	p2 =	slt.u32 s8, $0xFFFFF086  }
0x1c: {  	p1 =	slt.u32 s9, $0xF7A;
	s5 =	simm.s32 @!p2 $0x0  }
0x1d: {  	s5 =	simm.s32 @p1 $0x1;
	p0 =	seq.s32 s7, s2  }
0x1e: {  	s7 =	smul.u32 @!p0 $0xF7A, s2;
	p2 =	seq.s32 @!p0 s5, $0x0  }
0x1f: {  	s9 =	smul.u32 $0xF7A, s1;
	s8 =	simm.s32 @!p0 $0x1BF5;
	p2 =	por !p2, p0  }
0x20: {  	[sflag:s8] =	ssyncset.s32 @!p0 $0xFFFFF086;
	s6 =	sadd.s32 @!p0 s3, s7;
	s7 =	simm.s32 @!p0 $0x108  }
0x21: {  	s3 =	sadd.s32 s3, s9;
	s6 =	sadd.s32 @!p0 $0x88, s6;
	s7 =	simm.s32 @p2 $0x1082  }
0x22: {  	[simem:s7], [sflag:s8] =	dma.local @!p0 [hbm:s6], $0xF7A  }
0x23: {  	s9 =	sor.u32 $0xD0000000, s2;
	s6 =	simm.s32 $0x108;
	_ =	swait.ge @!p0 [sflag:s8], $0x0  }
0x24: {  	s3 =	sadd.s32 $0x88, s3;
	s6 =	simm.s32 @!p1 $0x1082;
	[sflag:s4] =	ssyncset.s32 $0xFFFFF086  }
0x25: {  	[simem:s6], [sflag:s4] =	dma.local [hbm:s3], $0xF7A  }
0x26: {  	[smem:$0x3F8D] =	sst s1;
	(tag) =	ssettag s2;
	_ =	strace s9  }
0x27: {  	s1 =	sld [smem:$0x3F9D]  }
0x28: {  	s2 =	sld [smem:$0x3F9E]  }
0x29: {  	s4 =	sld [smem:$0x3FA0]  }
0x2a: {  	p0 =	seq.s32 s5, $0x0;
	s5 =	sld [smem:$0x3FA1]  }
0x2b: {  	s6 =	sld [smem:$0x3FA2]  }
0x2c: {  	s7 =	sld [smem:$0x3FA3]  }
0x2d: {  	s3 =	simm.s32 $0x108;
	s8 =	sld [smem:$0x3FA4]  }
0x2e: {  	s3 =	simm.s32 @!p0 $0x1082;
	s9 =	sld [smem:$0x3FA5]  }
0x2f: {  	lr =	sadd.s32 s0, s3;
	s0 =	sld [smem:$0x3F9C]  }
0x30: {  	s3 =	sld [smem:$0x3F9F]  }
0x31: {  	[smem:$0x3FA8] =	sst s10  }
0x32: {  	s10 =	sld [smem:$0x3FA6];
	_ =	sdelay $0x3  }
0x33: {  	p0 =	seq.s32 s10, $0x1;
	s10 =	sld [smem:$0x3FA8];
	_ =	sdelay $0x3  }
0x34: {  	[smem:$0x3FA8] =	sst s10  }
0x35: {  	s10 =	sld [smem:$0x3FA7];
	_ =	sdelay $0x3  }
0x36: {  	p1 =	seq.s32 s10, $0x1;
	s10 =	sld [smem:$0x3FA8];
	_ =	sdelay $0x3  }
0x37: {  	[smem:$0x3FA8] =	sst s10  }
0x38: {  	s10 =	sld [smem:$0x3FA9]  }
0x39: {  	_ = 	snop;
	(pc) =	sbr.ind lr, $3  }
0x3a: {  	_ = 	snop  }
0x3b: {  	_ = 	snop  }
0x3c: {  	p2 =	seq.s32 s10, $0x1;
	s10 =	sld [smem:$0x3FA8]  }
0x3d: {  	_ =	shalt  }
0x3e: {  	_ =	shalt  }
0x3f: {  	_ =	shalt  }
0x40: {  	_ =	shalt  }
0x41: {  	_ =	shalt  }
0x42: {  	_ =	shalt  }
0x43: {  	_ =	shalt  }
0x44: {  	_ =	shalt  }
0x45: {  	_ =	shalt  }
0x46: {  	_ =	shalt  }
0x47: {  	_ =	shalt  }
0x48: {  	_ =	shalt  }
0x49: {  	_ =	shalt  }
0x4a: {  	_ =	shalt  }
0x4b: {  	_ =	shalt  }
0x4c: {  	_ =	shalt  }
0x4d: {  	_ =	shalt  }
0x4e: {  	_ =	shalt  }
0x4f: {  	_ =	shalt  }
0x50: {  	_ =	shalt  }
0x51: {  	_ =	shalt  }
0x52: {  	_ =	shalt  }
0x53: {  	_ =	shalt  }
0x54: {  	_ =	shalt  }
0x55: {  	_ =	shalt  }
0x56: {  	_ =	shalt  }
0x57: {  	_ =	shalt  }
0x58: {  	_ =	shalt  }
0x59: {  	_ =	shalt  }
0x5a: {  	_ =	shalt  }
0x5b: {  	_ =	shalt  }
0x5c: {  	_ =	shalt  }
0x5d: {  	_ =	shalt  }
0x5e: {  	_ =	shalt  }
0x5f: {  	_ =	shalt  }
0x60: {  	_ =	shalt  }
0x61: {  	_ =	shalt  }
0x62: {  	_ =	shalt  }
0x63: {  	_ =	shalt  }
0x64: {  	_ =	shalt  }
0x65: {  	_ =	shalt  }
0x66: {  	_ =	shalt  }
0x67: {  	_ =	shalt  }
0x68: {  	_ =	shalt  }
0x69: {  	_ =	shalt  }
0x6a: {  	_ =	shalt  }
0x6b: {  	_ =	shalt  }
0x6c: {  	_ =	shalt  }
0x6d: {  	_ =	shalt  }
0x6e: {  	_ =	shalt  }
0x6f: {  	_ =	shalt  }
0x70: {  	_ =	shalt  }
0x71: {  	_ =	shalt  }
0x72: {  	_ =	shalt  }
0x73: {  	_ =	shalt  }
0x74: {  	_ =	shalt  }
0x75: {  	_ =	shalt  }
0x76: {  	_ =	shalt  }
0x77: {  	_ =	shalt  }
0x78: {  	_ =	shalt  }
0x79: {  	_ =	shalt  }
0x7a: {  	_ =	shalt  }
0x7b: {  	_ =	shalt  }
0x7c: {  	_ =	shalt  }
0x7d: {  	_ =	shalt  }
0x7e: {  	_ =	shalt  }
0x7f: {  	_ =	shalt  }
0x80: {  	_ =	shalt  }
0x81: {  	_ =	shalt  }
0x82: {  	_ =	shalt  }
0x83: {  	_ =	shalt  }
0x84: {  	_ =	shalt  }
0x85: {  	_ =	shalt  }
0x86: {  	_ =	shalt  }
0x87: {  	_ =	shalt  }
.Lfunc_end0:
.L_simem_size_0:
called_computation.2_lowered:
.L_overlay_start_0:
0x88: {  	s2 =	sld [smem:$0x3FD9]  }
0x89: {  	s3 =	sld [smem:$0x3FFE];
	_ =	sdelay $0x1  }
0x8a: {  	s1 =	srdreg.scid  }
0x8b: {  	s0 =	sand.u32 $0x1, s1  }
0x8c: {  	s16 =	sshll.u32 s0, $0xA;
	s2 =	sadd.s32 s3, s2  }
0x8d: {  	s2 =	sadd.s32 s2, s16  }
0x8e: {  	[smem:$0x3FB4] =	sst s2  }
0x8f: {  	_ = 	snop  }
0x90: {  	(tm) =	ssettm $0x1  }
0x91: {  	s17 =	sld [smem:$0x3FFB];
	_ =	sdelay $0x3  }
0x92: {  	_ =	strace s17  }
0x93: {  	s2 =	sld [smem:$0x3FFC];
	_ =	sdelay $0x3  }
0x94: {  	_ =	strace s2  }
0x95: {  	s2 =	sld [smem:$0x3FFD];
	_ =	sdelay $0x3  }
0x96: {  	_ =	strace s2  }
0x97: {  	_ =	strace $0x8FFFFFFF  }
0x98: {  	s18 =	sld [smem:$0x3FDB];
	_ =	sdelay $0x1  }
0x99: {  	s19 =	simm.s32 $_scs_section_size  }
0x9a: {  	s4 =	simm.s32 $_size__tile_overlayer_lowered;
	s5 =	simm.s32 $_tile_overlayer_lowered  }
0x9b: {  	s22 =	simm.s32 $0x1BFF;
	s21 =	sshll.u32 s5, $0x1;
	s2 =	sadd.s32 s19, s18  }
0x9c: {  	s6 =	simm.s32 $0x0;
	s20 =	sshll.u32 s4, $0x1;
	s4 =	sadd.s32 s21, s2  }
0x9d: {  	[timem:s6], [sflag:s22] =	dma.local [hbm:s4], s20  }
0x9e: {  	_ =	swait.ge [sflag:s22], s20  }
0x9f: {  	s3 =	ssub.s32 $0x0, s20;
	[sflag:s22] =	ssyncset.done $0x0  }
0xa0: {  	[sflag:s22] =	ssyncadd.s32 s3;
	_ =	sdelay $0x1  }
0xa1: {  	s23 =	simm.s32 $0x1B8B  }
0xa2: {  	_ =	swait.ge [sflag:s23], $0x1  }
0xa3: {  	[sflag:s23] =	ssyncset.done $0x0  }
0xa4: {  	s25 =	simm.s32 $0x1B8E;
	s24 =	sld [smem:$0x3FFE];
	[sflag:s23] =	ssyncadd.s32 $0xFFFFFFFF  }
0xa5: {  	s26 =	simm.s32 $execute0_lowered;
	[smem:$0x3FD2] =	sst s25  }
0xa6: {  	s4 =	sshll.u32 s26, $0x1;
	_ =	strace $0x80000046;
	[dreg:$0x1] =	wrdreg $0xFFFFFFFF  }
0xa7: {  	s28 =	simm.s32 $_size_execute0_lowered;
	s2 =	sadd.s32 s2, s4;
	[dreg:$0x0] =	wrdreg $0x0  }
0xa8: {  	s4 =	sshll.u32 s28, $0x1;
	[dreg:$0x2] =	wrdreg s2  }
0xa9: {  	[dreg:$0x3] =	wrdreg s4  }
0xaa: {  	[dreg:$0x4] =	wrdreg $0xC0  }
0xab: {  	_ =	task [dreg:s6], $0x5FFFF  }
0xac: {  	[dreg:$0x1] =	wrdreg $0xFFFFFFFF  }
0xad: {  	[dreg:$0x0] =	wrdreg $0x60  }
0xae: {  	[dreg:$0x2] =	wrdreg s24  }
0xaf: {  	[dreg:$0x3] =	wrdreg $0x26000  }
0xb0: {  	[dreg:$0x4] =	wrdreg $0xA  }
0xb1: {  	_ =	task.clear_ibuf [dreg:s6], $0x5FFFF;
	_ =	strace $0x90000046  }
0xb2: {  	s29 =	simm.s32 $0xA;
	_ =	strace $0x80000048  }
0xb3: {  	_ =	swait.ge [sflag:s29], $0x1  }
0xb4: {  	[sflag:s29] =	ssyncadd.s32 $0xFFFFFFFF  }
0xb5: {  	_ =	strace $0x90000048  }
0xb6: {  	_ =	sfence  }
0xb7: {  	s30 =	sld [smem:$0x0];
	_ =	sdelay $0x2  }
0xb8: {  	s31 =	sshll.u32 s1, $0xD;
	s1 =	sshrl.u32 s1, $0x2  }
0xb9: {  	s3 =	sand.u32 $0x4000, s31;
	s1 =	sadd.s32 s1, s30  }
0xba: {  	s0 =	sor.u32 s3, s0;
	s1 =	sshll.u32 s1, $0x11  }
0xbb: {  	s0 =	sor.u32 s1, s0  }
0xbc: {  	s0 =	sadd.s32 $0x8F2B, s0  }
0xbd: {  	[sflag:s0] =	ssyncadd.remote.s32 $0x1  }
0xbe: {  	_ =	sfence.sel $0xFFFF  }
0xbf: {  	[dreg:$0x0] =	wrdreg $0xFFFFFFFF;
	(pc) =	sbr.abs _section_cstart, $3  }
0xc0: {  	[dreg:$0x1] =	wrdreg $0xFFFFFFFF  }
0xc1: {  	_ =	task.clear_ibuf [dreg:s6], $0x2FFFF;
	_ =	strace $0x9FFFFFFF  }
0xc2: {  	(tm) =	ssettm $0x7FFFFFFF  }
0xc3: {  	_ =	shalt  }
tec
execute0_lowered:
.L_overlay_start_1:
0x0: {  	(tag) =	ssettag $0x1  }
0x1: {  	s0 =	rddreg [dreg:$0x0]  }
0x2: {  	s1 =	rddreg [dreg:$0x1];
	s2 =	simm.s32 $0x0;
	s23 =	stileid.u32  }
0x3: {  	s22 =	srdreg.scid;
	s18 =	simm.s32 $0x80;
	s5 =	smul.u32 $0x187, s23  }
0x4: {  	s20 =	simm.s32 $0x80;
	s28 =	simm.s32 $0x3;
	s3 =	smul.u32 $0xC38, s23  }
0x5: {  	s29 =	simm.s32 $0x0;
	[smem:$0x7FF] =	sst s2;
	s8 =	smul.u32 $0x61C00, s23  }
0x6: {  	s4 =	sadd.s32 $0x129E00, s0;
	s6 =	sadd.s32 $0x63000, s0;
	s10 =	smul.u32 $0x61C0, s23  }
0x7: {  	s2 =	sand.u32 $0x1, s22;
	s7 =	sadd.s32 $0xC4C00, s0;
	s11 =	smul.u32 $0x30E00, s23  }
0x8: {  	s0 =	sadd.s32 $0x18BA00, s0;
	s25 =	sshll.u32 s23, $0x6;
	s12 =	smul.u32 $0x186A0, s2  }
0x9: {  	s22 =	simm.s32 $0x4;
	_ =	strace $0x80000047;
	s13 =	smul.u32 $0xC350, s2  }
0xa: {  	[dreg:$0x3] =	wrdreg s7;
	s24 =	ssub.s32 $0x2, s2;
	s14 =	smul.u32 $0x30D400, s2  }
0xb: {  	p0 =	seq.s32 s2, $0x0;
	s2 =	smul.u32 $0x186A00, s2;
	s9 =	sshrl.u32 s24, $0x1  }
0xc: {  	s8 =	sshrl.u32 s8, $0x2;
	s10 =	sadd.s32 s4, s10;
	s26 =	sshrl.u32 s11, $0x3  }
0xd: {  	s18 =	simm.s32 @!p0 $0x100;
	p0 =	seq.s32 s23, $0xF;
	s7 =	ssub.s32 s24, s9  }
0xe: {  	s8 =	sadd.s32 s8, s1;
	s9 =	sor.u32 $0x1C04, s25;
	[dreg:$0x4] =	wrdreg s10  }
0xf: {  	s10 =	sadd.s32 s4, s26;
	s12 =	sadd.s32 s3, s12;
	s3 =	sadd.s32 s3, s13  }
0x10: {  	s31 =	sshrl.u32 s14, $0x3;
	s2 =	sshrl.u32 s2, $0x3;
	s24 =	simm.s32 $0x1  }
0x11: {  	s26 =	simm.s32 $0x2;
	s10 =	sadd.s32 $0x40, s10;
	s30 =	sshll.u32 s12, $0x2  }
0x12: {  	s3 =	sshll.u32 s3, $0x2;
	s2 =	sadd.s32 s6, s2;
	s19 =	smax.u32 s7, $0x1  }
0x13: {  	s21 =	sshrl.u32 s8, $0x3;
	[dreg:$0x5] =	wrdreg s10;
	s12 =	sadd.s32 s0, s30  }
0x14: {  	s0 =	sadd.s32 s0, s31;
	s14 =	sadd.s32 s6, s3;
	s17 =	sadd.s32 $0x2DD20, s2  }
0x15: {  	s13 =	sadd.s32 $0x30D40, s12;
	s15 =	sadd.s32 $0x2DD20, s0;
	s16 =	sadd.s32 $0x5EA60, s0  }
.LBB2_1:
0x16: {  	s0 =	rddreg [dreg:$0x3]  }
0x17: {  	[spmem:s21], [sflag:s9] =	dma.local [hbm:s0], $0x30E0  }
0x18: {  	_ =	swait.ge [sflag:s22], $0x30E0  }
0x19: {  	[sflag:s22] =	ssyncset.done $0x0  }
0x1a: {  	[sflag:s22] =	ssyncadd.s32 $0xFFFFCF20  }
0x1b: {  	[bflag:$0x0] =	sbarrier.arrive $0xFFFF  }
0x1c: {  	s11 =	simm.s32 $0x0;
	s2 =	rddreg [dreg:$0x4]  }
0x1d: {  	[tilespmem:s11], [sflag:$0x1] =	stream.linear.gather [hbm4b:s2+s11], $0x200, $0x38;
	[tilespmem:$0x1AD00] =	vst v63  }
0x1e: {  	s3 =	simm.s32 $0x200;
	s23 =	rddreg [dreg:$0x5]  }
0x1f: {  	[tilespmem:s3], [sflag:$0x1] =	stream.linear.gather [hbm4b:s23+s11], $0x200, $0x38;
	[tilespmem:$0x1AD00] =	vst v63  }
0x20: {  	s25 =	simm.s32 $0x600;
	_ =	swait.ge [sflag:s24], $0x200  }
0x21: {  	p1 =	por $0x0, $0x0;
	s30 =	simm.s32 $0x0;
	[sflag:s24] =	ssyncset.done $0x0  }
0x22: {  	s31 =	simm.s32 $0x0;
	s0 =	simm.s32 $0x0;
	[sflag:s24] =	ssyncadd.s32 $0xFFFFFE00  }
0x23: {  	[tilespmem:s25], [sflag:$0x2] =	stream.indirect.gather [hbm4b:s6+s20], $0x20, s18, s20, $0xb8;
	[tilespmem:$0x1AD00] =	vst v63  }
.LBB2_2:
0x24: {  	p2 =	seq.s32 s0, $0x186  }
0x25: {  	s3 =	smov.u32 s0;
	s2 =	sand.u32 $0xFFFF, s30;
	s7 =	simm.s32 @!p2 $0x1  }
0x26: {  	s0 =	sadd.s32 $0x1, s0;
	p3 =	seq.s32 @!p2 s3, $0x0;
	_ =	swait.ge @!p2 [sflag:s7], $0x200  }
0x27: {  	s10 =	smul.u32 @!p2 $0xAAAB, s0;
	p4 =	por p3, p2;
	[sflag:s7] =	ssyncset.done @!p2 $0x0  }
0x28: {  	s2 =	smul.u32 $0xAAAB, s2;
	[sflag:s7] =	ssyncadd.s32 @!p2 $0xFFFFFE00;
	s7 =	simm.s32 @!p4 $0x3  }
0x29: {  	p3 =	sgt.u32 @!p2 s3, $0x184;
	s10 =	sshrl.u32 @!p2 s10, $0x11;
	_ =	swait.ge @!p4 [sflag:s7], $0x1000  }
0x2a: {  	p3 =	por p3, p2;
	s10 =	smul.u32 @!p2 $0x3, s10;
	[sflag:s7] =	ssyncset.done @!p4 $0x0  }
0x2b: {  	s23 =	sshll.u32 @!p2 s0, $0xC;
	[sflag:s7] =	ssyncadd.s32 @!p4 $0xFFFFF000;
	s7 =	sadd.s32 @!p3 $0x2, s3  }
0x2c: {  	s11 =	simm.s32 @!p2 $0x80;
	s10 =	ssub.s32 @!p2 s0, s10;
	s25 =	smul.u32 @!p3 $0xAAAB, s7  }
0x2d: {  	s23 =	sand.u32 @!p2 $0x1000, s23;
	s2 =	sshrl.u32 s2, $0x11;
	s10 =	sshll.u32 @!p2 s10, $0x9  }
0x2e: {  	s2 =	smul.u32 $0x1800, s2;
	s10 =	sand.u32 @!p2 $0x3E00, s10;
	s25 =	sshrl.u32 @!p3 s25, $0x11  }
0x2f: {  	s23 =	sor.u32 @!p2 $0x600, s23;
	s10 =	sor.u32 @!p2 s10, s18;
	s25 =	smul.u32 @!p3 $0x3, s25  }
0x30: {  	[tilespmem:s23], [sflag:$0x2] =	stream.indirect.gather @!p2 [hbm4b:s6+s11], $0x20, s10, s11, $0xb8;
	[tilespmem:$0x1AD00] =	vst v63  }
0x31: {  	s10 =	ssub.s32 @!p3 s7, s25;
	s7 =	sadd.s32 @!p3 s5, s7  }
0x32: {  	s2 =	ssub.s32 s31, s2;
	s10 =	sshll.u32 @!p3 s10, $0x9;
	s7 =	sshll.u32 @!p3 s7, $0x6  }
0x33: {  	s11 =	simm.s32 @!p3 $0x0;
	s10 =	sand.u32 @!p3 $0x3E00, s10;
	s7 =	sadd.s32 @!p3 s4, s7  }
0x34: {  	[tilespmem:s10], [sflag:$0x1] =	stream.linear.gather @!p3 [hbm4b:s7+s11], $0x200, $0x38;
	[tilespmem:$0x1AD00] =	vst v63  }
0x35: {  	s2 =	sand.u32 $0xFFFC, s2;
	s7 =	simm.s32 $0x1;
	_ =	swait.ge [sflag:s26], $0x1000  }
0x36: {  	s2 =	sshrl.u32 s2, $0x2;
	s7 =	simm.s32 @!p1 $0x0;
	[sflag:s26] =	ssyncset.done $0x0  }
0x37: {  	s11 =	sadd.s32 $0x190, s2;
	s23 =	sshll.u32 s7, $0xC;
	[sflag:s26] =	ssyncadd.s32 $0xFFFFF000  }
0x38: {  	s2 =	sor.u32 $0x800, s23;
	v1 =	vld [tilespmem:s11+$0xFFFFFFF0]  }
0x39: {  	v0 =	vld [tilespmem:s2+$0xFFFFFE00]  }
0x3a: {  	v2 =	vld [tilespmem:s2+$0xFFFFFE10]  }
0x3b: {  	v3 =	vld [tilespmem:s2+$0xFFFFFE20]  }
0x3c: {  	v4 =	vld [tilespmem:s2+$0xFFFFFE30]  }
0x3d: {  	v5 =	vld [tilespmem:s2+$0xFFFFFE40]  }
0x3e: {  	v6 =	vld [tilespmem:s2+$0xFFFFFE50]  }
0x3f: {  	v7 =	vld [tilespmem:s2+$0xFFFFFE60]  }
0x40: {  	v8 =	vld [tilespmem:s2+$0xFFFFFE70]  }
0x41: {  	v9 =	vld [tilespmem:s2+$0xFFFFFE80]  }
0x42: {  	v10 =	vld [tilespmem:s2+$0xFFFFFE90]  }
0x43: {  	v11 =	vld [tilespmem:s2+$0xFFFFFEA0]  }
0x44: {  	v12 =	vld [tilespmem:s2+$0xFFFFFEB0]  }
0x45: {  	v13 =	vld [tilespmem:s2+$0xFFFFFEC0]  }
0x46: {  	v14 =	vld [tilespmem:s2+$0xFFFFFED0]  }
0x47: {  	v15 =	vld [tilespmem:s2+$0xFFFFFEE0]  }
0x48: {  	v16 =	vld [tilespmem:s2+$0xFFFFFEF0]  }
0x49: {  	v18 =	vld [tilespmem:s2+$0xFFFFFF00]  }
0x4a: {  	v19 =	vld [tilespmem:s2+$0xFFFFFF10];
	v17 =	vbroadcast v1, $0x0  }
0x4b: {  	v20 =	vld [tilespmem:s2+$0xFFFFFF20]  }
0x4c: {  	v21 =	vld [tilespmem:s2+$0xFFFFFF30];
	v22 =	vbroadcast v1, $0x1;
	v0 =	vmul.f32 v17, v0  }
0x4d: {  	v23 =	vld [tilespmem:s11+$0x0];
	v24 =	vbroadcast v1, $0x5;
	v2 =	vmul.f32 v2, v17  }
0x4e: {  	v49 =	vld [tilespmem:s2+$0x10];
	v4 =	vmul.f32 v4, v22;
	[tilespmem:s2+$0xFFFFFE00] =	vst v0  }
0x4f: {  	v25 =	vld [tilespmem:s2+$0x20];
	v31 =	vbroadcast v1, $0x6;
	v11 =	vmul.f32 v11, v24;
	[tilespmem:s2+$0xFFFFFE10] =	vst v2  }
0x50: {  	v26 =	vld [tilespmem:s2+$0x30];
	v12 =	vmul.f32 v12, v24;
	[tilespmem:s2+$0xFFFFFE30] =	vst v4  }
0x51: {  	v27 =	vld [tilespmem:s2+$0x40];
	v32 =	vbroadcast v1, $0x7;
	v13 =	vmul.f32 v13, v31;
	[tilespmem:s2+$0xFFFFFEA0] =	vst v11  }
0x52: {  	v28 =	vld [tilespmem:s2+$0x50];
	v29 =	vbroadcast v23, $0x0;
	v14 =	vmul.f32 v14, v31;
	[tilespmem:s2+$0xFFFFFEB0] =	vst v12  }
0x53: {  	v30 =	vld [tilespmem:s2+$0x60];
	v34 =	vbroadcast v1, $0x8;
	v15 =	vmul.f32 v15, v32;
	[tilespmem:s2+$0xFFFFFEC0] =	vst v13  }
0x54: {  	v50 =	vld [tilespmem:s2+$0xA0];
	v35 =	vbroadcast v1, $0x9;
	v16 =	vmul.f32 v16, v32;
	[tilespmem:s2+$0xFFFFFED0] =	vst v14  }
0x55: {  	v33 =	vld [tilespmem:s2+$0x70];
	v37 =	vbroadcast v1, $0xA;
	v18 =	vmul.f32 v18, v34;
	[tilespmem:s2+$0xFFFFFEE0] =	vst v15  }
0x56: {  	v36 =	vld [tilespmem:s2+$0x80];
	v39 =	vbroadcast v1, $0xB;
	v20 =	vmul.f32 v20, v35;
	[tilespmem:s2+$0xFFFFFEF0] =	vst v16  }
0x57: {  	v38 =	vld [tilespmem:s2+$0x90];
	v44 =	vbroadcast v23, $0x5;
	v21 =	vmul.f32 v21, v35;
	[tilespmem:s2+$0xFFFFFF00] =	vst v18  }
0x58: {  	v52 =	vld [tilespmem:s2+$0xF0];
	v0 =	vmul.f32 v3, v22;
	v3 =	vbroadcast v1, $0x2;
	[tilespmem:s2+$0xFFFFFF20] =	vst v20  }
0x59: {  	v53 =	vld [tilespmem:s2+$0x100];
	v40 =	vbroadcast v1, $0xC;
	v31 =	vmul.f32 v50, v44;
	[tilespmem:s2+$0xFFFFFF30] =	vst v21  }
0x5a: {  	v54 =	vld [tilespmem:s2+$0x130];
	v18 =	vbroadcast v23, $0x2;
	[tilespmem:s2+$0xFFFFFE20] =	vst v0;
	v0 =	vmul.f32 v5, v3  }
0x5b: {  	v55 =	vld [tilespmem:s2+$0x140];
	v20 =	vbroadcast v23, $0x4;
	[tilespmem:s2+$0xA0] =	vst v31;
	v3 =	vmul.f32 v6, v3  }
0x5c: {  	v12 =	vld [tilespmem:s2+$0x0];
	v5 =	vbroadcast v1, $0x3;
	v27 =	vmul.f32 v27, v18;
	[tilespmem:s2+$0xFFFFFE40] =	vst v0  }
0x5d: {  	v41 =	vbroadcast v1, $0xD;
	v2 =	vld [tilespmem:s2+$0xFFFFFF50];
	v63 =	vmul.f32 v38, v20;
	[tilespmem:s2+$0xFFFFFE50] =	vst v3  }
0x5e: {  	v51 =	vbroadcast v1, $0xE;
	v22 =	vld [tilespmem:s2+$0xFFFFFF60];
	v0 =	vmul.f32 v7, v5;
	[tilespmem:s2+$0x40] =	vst v27  }
0x5f: {  	v59 =	vld [tilespmem:s2+$0x160];
	v42 =	vbroadcast v1, $0xF;
	v5 =	vmul.f32 v8, v5;
	[tilespmem:s2+$0x90] =	vst v63  }
0x60: {  	v60 =	vld [tilespmem:s2+$0x170];
	v7 =	vbroadcast v1, $0x4;
	v1 =	vmul.f32 v19, v34;
	[tilespmem:s2+$0xFFFFFE60] =	vst v0  }
0x61: {  	v43 =	vbroadcast v23, $0x3;
	v17 =	vld [tilespmem:s2+$0xFFFFFF40];
	v12 =	vmul.f32 v29, v12;
	[tilespmem:s2+$0xFFFFFE70] =	vst v5  }
0x62: {  	v45 =	vbroadcast v23, $0x6;
	v4 =	vld [tilespmem:s2+$0xFFFFFF70];
	v2 =	vmul.f32 v2, v37;
	[tilespmem:s2+$0xFFFFFF10] =	vst v1  }
0x63: {  	v56 =	vbroadcast v23, $0x8;
	v11 =	vld [tilespmem:s2+$0xFFFFFFE0];
	v22 =	vmul.f32 v22, v39;
	[tilespmem:s2+$0x0] =	vst v12  }
0x64: {  	v57 =	vbroadcast v23, $0x9;
	v6 =	vld [tilespmem:s2+$0xFFFFFF80];
	v0 =	vmul.f32 v9, v7;
	[tilespmem:s2+$0xFFFFFF50] =	vst v2  }
0x65: {  	v13 =	vld [tilespmem:s2+$0xB0];
	v19 =	vbroadcast v23, $0x1;
	v7 =	vmul.f32 v10, v7;
	[tilespmem:s2+$0xFFFFFF60] =	vst v22  }
0x66: {  	v58 =	vbroadcast v23, $0xB;
	v3 =	vld [tilespmem:s2+$0xFFFFFF90];
	v1 =	vmul.f32 v17, v37;
	[tilespmem:s2+$0xFFFFFE80] =	vst v0  }
0x67: {  	v46 =	vbroadcast v23, $0xC;
	v8 =	vld [tilespmem:s2+$0xFFFFFFA0];
	v2 =	vmul.f32 v25, v19;
	[tilespmem:s2+$0xFFFFFE90] =	vst v7  }
0x68: {  	v5 =	vld [tilespmem:s2+$0xFFFFFFB0];
	v12 =	vbroadcast v23, $0x7;
	v19 =	vmul.f32 v26, v19;
	[tilespmem:s2+$0xFFFFFF40] =	vst v1  }
0x69: {  	v9 =	vld [tilespmem:s2+$0x1F0];
	v22 =	vbroadcast v23, $0xA;
	v6 =	vmul.f32 v6, v40;
	[tilespmem:s2+$0x20] =	vst v2  }
0x6a: {  	v10 =	vld [tilespmem:s2+$0xFFFFFFC0];
	v0 =	vbroadcast v23, $0xF;
	v1 =	vmul.f32 v49, v29;
	[tilespmem:s2+$0x30] =	vst v19  }
0x6b: {  	v14 =	vld [tilespmem:s2+$0xC0];
	v2 =	vbroadcast v23, $0xD;
	v3 =	vmul.f32 v3, v40;
	[tilespmem:s2+$0xFFFFFF80] =	vst v6  }
0x6c: {  	v16 =	vld [tilespmem:s2+$0xE0];
	v6 =	vmul.f32 v28, v18;
	v8 =	vmul.f32 v8, v41;
	[tilespmem:s2+$0x10] =	vst v1  }
0x6d: {  	v7 =	vld [tilespmem:s2+$0xFFFFFFD0];
	v18 =	vmul.f32 v30, v43;
	v1 =	vmul.f32 v4, v39;
	[tilespmem:s2+$0xFFFFFF90] =	vst v3  }
0x6e: {  	v15 =	vld [tilespmem:s2+$0xD0];
	v9 =	vmul.f32 v9, v0;
	v5 =	vmul.f32 v5, v41;
	[tilespmem:s2+$0x50] =	vst v6  }
0x6f: {  	v61 =	vld [tilespmem:s2+$0x190];
	v10 =	vmul.f32 v10, v51;
	[tilespmem:s2+$0xFFFFFFA0] =	vst v8;
	v8 =	vmul.f32 v33, v43  }
0x70: {  	v21 =	vld [tilespmem:s2+$0x120];
	[tilespmem:s2+$0xFFFFFF70] =	vst v1;
	v1 =	vbroadcast v23, $0xE;
	v23 =	vmul.f32 v11, v42  }
0x71: {  	s25 =	smul.u32 $0xAAAB, s3;
	v11 =	vmul.f32 v14, v45;
	v14 =	vmul.f32 v16, v12;
	[tilespmem:s2+$0x1F0] =	vst v9;
	v9 =	vld [tilespmem:s2+$0xFFFFFFF0]  }
0x72: {  	v4 =	vld [tilespmem:s2+$0x150];
	[tilespmem:s2+$0x60] =	vst v18;
	v16 =	vmul.f32 v53, v56;
	v6 =	vmul.f32 v7, v51  }
0x73: {  	s7 =	sshrl.u32 s25, $0x11;
	v17 =	vld [tilespmem:s2+$0x110];
	v7 =	vmul.f32 v13, v44;
	[tilespmem:s2+$0xFFFFFFC0] =	vst v10;
	v10 =	vmul.f32 v15, v45  }
0x74: {  	s7 =	smul.u32 $0x3, s7;
	v3 =	vld [tilespmem:s2+$0x180];
	[tilespmem:s2+$0x70] =	vst v8;
	v15 =	vmul.f32 v52, v12;
	v12 =	vmul.f32 v54, v57  }
0x75: {  	v18 =	vld [tilespmem:s2+$0x1A0];
	v8 =	vmul.f32 v59, v58;
	[tilespmem:s2+$0xFFFFFFD0] =	vst v6;
	v6 =	vmul.f32 v55, v22  }
0x76: {  	s7 =	ssub.s32 s3, s7;
	v19 =	vld [tilespmem:s2+$0x1B0];
	[tilespmem:s2+$0xFFFFFFB0] =	vst v5;
	v62 =	vmul.f32 v9, v42;
	v9 =	vmul.f32 v36, v20  }
0x77: {  	s3 =	sshll.u32 s3, $0xC;
	s7 =	sshll.u32 s7, $0x9;
	[tilespmem:s2+$0xFFFFFFE0] =	vst v23;
	v5 =	vmul.f32 v4, v22;
	v4 =	vmul.f32 v60, v58;
	v20 =	vld [tilespmem:s2+$0x1C0]  }
0x78: {  	s10 =	sadd.s32 $0x20, s11;
	s3 =	sand.u32 $0x1000, s3;
	s23 =	sand.u32 $0x3E00, s7;
	[tilespmem:s2+$0x80] =	vst v9;
	v9 =	vmul.f32 v17, v56;
	v17 =	vmul.f32 v21, v57;
	v21 =	vld [tilespmem:s2+$0x1D0]  }
0x79: {  	s25 =	sor.u32 $0x600, s3;
	s7 =	simm.s32 $0x0;
	s3 =	smov.u32 s2;
	v22 =	vld [tilespmem:s2+$0x1E0];
	v13 =	vmul.f32 v3, v46;
	v3 =	vmul.f32 v61, v46;
	[tilespmem:s2+$0xFFFFFFF0] =	vst v62  }
.LBB2_3:
0x7a: {  	v23 =	vld [tilespmem:s10+$0x0];
	s7 =	sadd.s32 $0x2, s7;
	[tilespmem:s2+$0xB0] =	vst v7;
	v18 =	vmul.f32 v18, v2  }
0x7b: {  	s2 =	sadd.s32 $0x400, s2;
	v24 =	vld [tilespmem:s10+$0xFFFFFFF0];
	p2 =	slt.u32 s7, $0x6;
	[tilespmem:s3+$0xC0] =	vst v11;
	v2 =	vmul.f32 v19, v2  }
0x7c: {  	v11 =	vld [tilespmem:s2+$0x1F0];
	[tilespmem:s3+$0xD0] =	vst v10;
	v19 =	vmul.f32 v20, v1  }
0x7d: {  	v20 =	vld [tilespmem:s2+$0xFFFFFE00];
	[tilespmem:s3+$0xE0] =	vst v14;
	v1 =	vmul.f32 v21, v1  }
0x7e: {  	v21 =	vld [tilespmem:s2+$0xFFFFFE10];
	[tilespmem:s3+$0xF0] =	vst v15;
	v22 =	vmul.f32 v22, v0  }
0x7f: {  	v25 =	vld [tilespmem:s2+$0xFFFFFE20];
	v7 =	vbroadcast v23, $0x0;
	v0 =	vbroadcast v23, $0xF;
	[tilespmem:s3+$0x100] =	vst v16  }
0x80: {  	v16 =	vbroadcast v24, $0x0;
	v26 =	vbroadcast v24, $0x1;
	v27 =	vld [tilespmem:s2+$0xFFFFFE30];
	[tilespmem:s3+$0x110] =	vst v9  }
0x81: {  	v29 =	vbroadcast v24, $0x2;
	v28 =	vld [tilespmem:s2+$0xFFFFFE40];
	v9 =	vmul.f32 v11, v0;
	[tilespmem:s3+$0x120] =	vst v17  }
0x82: {  	v30 =	vbroadcast v24, $0x3;
	v31 =	vbroadcast v24, $0x4;
	v17 =	vld [tilespmem:s2+$0xFFFFFE50];
	[tilespmem:s3+$0x130] =	vst v12  }
0x83: {  	v33 =	vbroadcast v24, $0x5;
	v34 =	vbroadcast v24, $0x6;
	v32 =	vld [tilespmem:s2+$0xFFFFFE60];
	[tilespmem:s2+$0x1F0] =	vst v9  }
0x84: {  	v36 =	vbroadcast v24, $0x7;
	v37 =	vbroadcast v24, $0x8;
	v35 =	vld [tilespmem:s2+$0xFFFFFE70];
	[tilespmem:s3+$0x140] =	vst v6  }
0x85: {  	v39 =	vbroadcast v24, $0x9;
	v40 =	vbroadcast v24, $0xA;
	v38 =	vld [tilespmem:s2+$0xFFFFFE80];
	[tilespmem:s3+$0x150] =	vst v5  }
0x86: {  	v42 =	vbroadcast v24, $0xB;
	v43 =	vbroadcast v24, $0xC;
	v41 =	vld [tilespmem:s2+$0xFFFFFE90];
	[tilespmem:s3+$0x160] =	vst v8  }
0x87: {  	v45 =	vbroadcast v24, $0xD;
	v46 =	vbroadcast v24, $0xE;
	v44 =	vld [tilespmem:s2+$0xFFFFFEA0];
	[tilespmem:s3+$0x170] =	vst v4  }
0x88: {  	v15 =	vbroadcast v23, $0x1;
	v24 =	vbroadcast v24, $0xF;
	v47 =	vld [tilespmem:s2+$0xFFFFFEB0];
	[tilespmem:s3+$0x180] =	vst v13  }
0x89: {  	v14 =	vbroadcast v23, $0x2;
	v13 =	vbroadcast v23, $0x3;
	v48 =	vld [tilespmem:s2+$0xFFFFFEC0];
	[tilespmem:s3+$0x190] =	vst v3  }
0x8a: {  	v11 =	vbroadcast v23, $0x5;
	v12 =	vbroadcast v23, $0x4;
	v49 =	vld [tilespmem:s2+$0xFFFFFED0];
	[tilespmem:s3+$0x1A0] =	vst v18  }
0x8b: {  	v10 =	vbroadcast v23, $0x6;
	v9 =	vbroadcast v23, $0x7;
	v18 =	vld [tilespmem:s2+$0xFFFFFEE0];
	[tilespmem:s3+$0x1B0] =	vst v2  }
0x8c: {  	v6 =	vbroadcast v23, $0x9;
	v8 =	vbroadcast v23, $0x8;
	v50 =	vld [tilespmem:s2+$0xFFFFFEF0];
	[tilespmem:s3+$0x1C0] =	vst v19  }
0x8d: {  	v5 =	vbroadcast v23, $0xA;
	v4 =	vbroadcast v23, $0xB;
	v19 =	vld [tilespmem:s2+$0xFFFFFF00];
	[tilespmem:s3+$0x1D0] =	vst v1  }
0x8e: {  	v3 =	vbroadcast v23, $0xC;
	v2 =	vbroadcast v23, $0xD;
	v51 =	vld [tilespmem:s2+$0xFFFFFF10];
	[tilespmem:s3+$0x1E0] =	vst v22;
	s3 =	smov.u32 s2  }
0x8f: {  	v20 =	vmul.f32 v16, v20;
	v1 =	vbroadcast v23, $0xE;
	v22 =	vld [tilespmem:s2+$0xFFFFFF20]  }
0x90: {  	v16 =	vmul.f32 v21, v16;
	v21 =	vmul.f32 v25, v26;
	v23 =	vld [tilespmem:s2+$0xFFFFFF30]  }
0x91: {  	v25 =	vmul.f32 v28, v29;
	[tilespmem:s2+$0xFFFFFE00] =	vst v20;
	v20 =	vmul.f32 v27, v26;
	v26 =	vld [tilespmem:s2+$0xFFFFFF40]  }
0x92: {  	[tilespmem:s2+$0xFFFFFE10] =	vst v16;
	v16 =	vmul.f32 v17, v29;
	v17 =	vmul.f32 v32, v30;
	v27 =	vld [tilespmem:s2+$0xFFFFFF50]  }
0x93: {  	v28 =	vmul.f32 v38, v31;
	[tilespmem:s2+$0xFFFFFE20] =	vst v21;
	v21 =	vmul.f32 v35, v30;
	v29 =	vld [tilespmem:s2+$0xFFFFFF60]  }
0x94: {  	v30 =	vmul.f32 v44, v33;
	[tilespmem:s2+$0xFFFFFE30] =	vst v20;
	v20 =	vmul.f32 v41, v31;
	v31 =	vld [tilespmem:s2+$0xFFFFFF70]  }
0x95: {  	v32 =	vmul.f32 v48, v34;
	[tilespmem:s2+$0xFFFFFE40] =	vst v25;
	v25 =	vmul.f32 v47, v33;
	v33 =	vld [tilespmem:s2+$0xFFFFFF80]  }
0x96: {  	v18 =	vmul.f32 v18, v36;
	[tilespmem:s2+$0xFFFFFE50] =	vst v16;
	v16 =	vmul.f32 v49, v34;
	v34 =	vld [tilespmem:s2+$0xFFFFFF90]  }
0x97: {  	v19 =	vmul.f32 v19, v37;
	[tilespmem:s2+$0xFFFFFE60] =	vst v17;
	v17 =	vmul.f32 v50, v36;
	v35 =	vld [tilespmem:s2+$0xFFFFFFA0]  }
0x98: {  	v22 =	vmul.f32 v22, v39;
	[tilespmem:s2+$0xFFFFFE70] =	vst v21;
	v21 =	vmul.f32 v51, v37;
	v36 =	vld [tilespmem:s2+$0xFFFFFFB0]  }
0x99: {  	v23 =	vmul.f32 v23, v39;
	v26 =	vmul.f32 v26, v40;
	[tilespmem:s2+$0xFFFFFE80] =	vst v28;
	v28 =	vld [tilespmem:s2+$0xFFFFFFC0]  }
0x9a: {  	[tilespmem:s2+$0xFFFFFE90] =	vst v20;
	v20 =	vmul.f32 v27, v40;
	v27 =	vmul.f32 v29, v42;
	v29 =	vld [tilespmem:s2+$0xFFFFFFD0]  }
0x9b: {  	[tilespmem:s2+$0xFFFFFEA0] =	vst v30;
	v30 =	vmul.f32 v31, v42;
	v31 =	vmul.f32 v33, v43;
	v33 =	vld [tilespmem:s2+$0xFFFFFFE0]  }
0x9c: {  	[tilespmem:s2+$0xFFFFFEB0] =	vst v25;
	v25 =	vmul.f32 v34, v43;
	v34 =	vmul.f32 v35, v45;
	v35 =	vld [tilespmem:s2+$0xFFFFFFF0]  }
0x9d: {  	[tilespmem:s2+$0xFFFFFEC0] =	vst v32;
	v32 =	vmul.f32 v36, v45;
	v36 =	vld [tilespmem:s2+$0x0]  }
0x9e: {  	[tilespmem:s2+$0xFFFFFED0] =	vst v16;
	v16 =	vmul.f32 v28, v46;
	v28 =	vld [tilespmem:s2+$0x10]  }
0x9f: {  	[tilespmem:s2+$0xFFFFFEE0] =	vst v18;
	v18 =	vmul.f32 v29, v46;
	v29 =	vld [tilespmem:s2+$0x20]  }
0xa0: {  	[tilespmem:s2+$0xFFFFFEF0] =	vst v17;
	v17 =	vmul.f32 v33, v24;
	v33 =	vld [tilespmem:s2+$0x30]  }
0xa1: {  	[tilespmem:s2+$0xFFFFFF00] =	vst v19;
	v19 =	vmul.f32 v35, v24;
	v24 =	vld [tilespmem:s2+$0x40]  }
0xa2: {  	[tilespmem:s2+$0xFFFFFF10] =	vst v21;
	v21 =	vmul.f32 v7, v36;
	v35 =	vld [tilespmem:s2+$0x50]  }
0xa3: {  	[tilespmem:s2+$0xFFFFFF20] =	vst v22;
	v22 =	vmul.f32 v28, v7;
	v7 =	vld [tilespmem:s2+$0x60]  }
0xa4: {  	[tilespmem:s2+$0xFFFFFF30] =	vst v23;
	v23 =	vmul.f32 v29, v15;
	v28 =	vld [tilespmem:s2+$0x70]  }
0xa5: {  	[tilespmem:s2+$0xFFFFFF40] =	vst v26;
	v26 =	vmul.f32 v33, v15;
	v15 =	vld [tilespmem:s2+$0x80]  }
0xa6: {  	[tilespmem:s2+$0xFFFFFF50] =	vst v20;
	v20 =	vmul.f32 v24, v14;
	v24 =	vld [tilespmem:s2+$0x90]  }
0xa7: {  	[tilespmem:s2+$0xFFFFFF60] =	vst v27;
	v27 =	vmul.f32 v35, v14;
	v14 =	vld [tilespmem:s2+$0xA0]  }
0xa8: {  	[tilespmem:s2+$0xFFFFFF70] =	vst v30;
	v29 =	vmul.f32 v7, v13;
	v7 =	vld [tilespmem:s2+$0xB0]  }
0xa9: {  	[tilespmem:s2+$0xFFFFFF80] =	vst v31;
	v13 =	vmul.f32 v28, v13;
	v28 =	vld [tilespmem:s2+$0xC0]  }
0xaa: {  	[tilespmem:s2+$0xFFFFFF90] =	vst v25;
	v25 =	vmul.f32 v15, v12;
	v15 =	vld [tilespmem:s2+$0xD0]  }
0xab: {  	[tilespmem:s2+$0xFFFFFFA0] =	vst v34;
	v24 =	vmul.f32 v24, v12;
	v12 =	vld [tilespmem:s2+$0xE0]  }
0xac: {  	[tilespmem:s2+$0xFFFFFFB0] =	vst v32;
	v30 =	vmul.f32 v14, v11;
	v31 =	vld [tilespmem:s2+$0xF0]  }
0xad: {  	[tilespmem:s2+$0xFFFFFFC0] =	vst v16;
	v7 =	vmul.f32 v7, v11;
	v16 =	vld [tilespmem:s2+$0x100]  }
0xae: {  	[tilespmem:s2+$0xFFFFFFD0] =	vst v18;
	v11 =	vmul.f32 v28, v10;
	v18 =	vld [tilespmem:s2+$0x110]  }
0xaf: {  	[tilespmem:s2+$0xFFFFFFE0] =	vst v17;
	v10 =	vmul.f32 v15, v10;
	v17 =	vld [tilespmem:s2+$0x120]  }
0xb0: {  	[tilespmem:s2+$0xFFFFFFF0] =	vst v19;
	v14 =	vmul.f32 v12, v9;
	v12 =	vld [tilespmem:s2+$0x130]  }
0xb1: {  	[tilespmem:s2+$0x0] =	vst v21;
	v15 =	vmul.f32 v31, v9;
	v19 =	vld [tilespmem:s2+$0x140]  }
0xb2: {  	[tilespmem:s2+$0x10] =	vst v22;
	v16 =	vmul.f32 v16, v8;
	v21 =	vld [tilespmem:s2+$0x150]  }
0xb3: {  	[tilespmem:s2+$0x20] =	vst v23;
	v9 =	vmul.f32 v18, v8;
	v8 =	vld [tilespmem:s2+$0x160]  }
0xb4: {  	[tilespmem:s2+$0x30] =	vst v26;
	v17 =	vmul.f32 v17, v6;
	v22 =	vld [tilespmem:s2+$0x170]  }
0xb5: {  	[tilespmem:s2+$0x40] =	vst v20;
	v12 =	vmul.f32 v12, v6;
	v23 =	vld [tilespmem:s2+$0x180]  }
0xb6: {  	[tilespmem:s2+$0x50] =	vst v27;
	v6 =	vmul.f32 v19, v5;
	v26 =	vld [tilespmem:s2+$0x190]  }
.Ltmp0:
0xb7: {  	[tilespmem:s2+$0x60] =	vst v29;
	v5 =	vmul.f32 v21, v5;
	v18 =	vld [tilespmem:s2+$0x1A0];
	(pc) =	sbr.rel @p2 .LBB2_3-.Ltmp0, $4  }
0xb8: {  	[tilespmem:s2+$0x70] =	vst v13;
	v8 =	vmul.f32 v8, v4;
	v19 =	vld [tilespmem:s2+$0x1B0]  }
0xb9: {  	[tilespmem:s2+$0x80] =	vst v25;
	v4 =	vmul.f32 v22, v4;
	v20 =	vld [tilespmem:s2+$0x1C0]  }
0xba: {  	[tilespmem:s2+$0x90] =	vst v24;
	v13 =	vmul.f32 v23, v3;
	v21 =	vld [tilespmem:s2+$0x1D0]  }
0xbb: {  	s10 =	sadd.s32 $0x20, s10;
	[tilespmem:s2+$0xA0] =	vst v30;
	v3 =	vmul.f32 v26, v3;
	v22 =	vld [tilespmem:s2+$0x1E0]  }
0xbc: {  	[tilespmem:s2+$0xB0] =	vst v7  }
0xbd: {  	[tilespmem:s3+$0xC0] =	vst v11  }
0xbe: {  	[tilespmem:s3+$0xD0] =	vst v10  }
0xbf: {  	[tilespmem:s3+$0xE0] =	vst v14  }
0xc0: {  	[tilespmem:s3+$0xF0] =	vst v15  }
0xc1: {  	[tilespmem:s3+$0x100] =	vst v16  }
0xc2: {  	[tilespmem:s3+$0x110] =	vst v9  }
0xc3: {  	[tilespmem:s3+$0x120] =	vst v17  }
0xc4: {  	[tilespmem:s3+$0x130] =	vst v12  }
0xc5: {  	[tilespmem:s3+$0x140] =	vst v6  }
0xc6: {  	[tilespmem:s3+$0x150] =	vst v5  }
0xc7: {  	[tilespmem:s3+$0x160] =	vst v8  }
0xc8: {  	[tilespmem:s3+$0x170] =	vst v4  }
0xc9: {  	v60 =	vmul.f32 v18, v2;
	[tilespmem:s3+$0x180] =	vst v13  }
0xca: {  	v61 =	vmul.f32 v19, v2;
	[tilespmem:s3+$0x190] =	vst v3  }
0xcb: {  	p2 =	sne.s32 s0, $0x187;
	v62 =	vmul.f32 v20, v1;
	[tilespmem:s3+$0x1A0] =	vst v60  }
.Ltmp1:
0xcc: {  	v63 =	vmul.f32 v21, v1;
	[tilespmem:s3+$0x1B0] =	vst v61;
	(pc) =	sbr.rel @p2 .LBB2_2-.Ltmp1, $4  }
0xcd: {  	v0 =	vmul.f32 v22, v0;
	[tilespmem:s3+$0x1C0] =	vst v62  }
0xce: {  	[tilespmem:s3+$0x1D0] =	vst v63  }
0xcf: {  	s31 =	sadd.s32 $0x800, s31;
	s30 =	sadd.s32 $0x1, s30;
	p1 =	por !p1, !p1;
	[tilespmem:s3+$0x1E0] =	vst v0  }
0xd0: {  	[spmem:s1] =	stream.indirect.scatter.add.f32 [tilespmem:s25], [sflag:$0x3], $0x20, s23, s20, $0xb8;
	[tilespmem:$0x1AD00] =	vst v63  }
0xd1: {  	_ =	swait.ge [sflag:s28], $0x1000  }
0xd2: {  	[sflag:s28] =	ssyncset.done $0x0  }
0xd3: {  	[sflag:s28] =	ssyncadd.s32 $0xFFFFF000  }
0xd4: {  	_ =	swait.ge [sflag:s28], $0x1000  }
0xd5: {  	[sflag:s28] =	ssyncset.done $0x0  }
0xd6: {  	[sflag:s28] =	ssyncadd.s32 $0xFFFFF000  }
0xd7: {  	s0 =	sshrl.u32 @p0 s8, $0x3;
	[bflag:$0x0] =	sbarrier.arrive $0xFFFF  }
0xd8: {  	[hbm:s15], [sflag:s9] =	dma.local @p0 [spmem:s0], $0x3020  }
0xd9: {  	s0 =	simm.s32 @p0 $0x4  }
0xda: {  	_ =	swait.ge @p0 [sflag:s0], $0x3020  }
0xdb: {  	[sflag:s0] =	ssyncset.done @p0 $0x0  }
0xdc: {  	[sflag:s0] =	ssyncadd.s32 @p0 $0xFFFFCFE0  }
0xdd: {  	[hbm:s16], [sflag:s9] =	dma.local @p0 [hbm:s17], $0x3020  }
0xde: {  	_ =	swait.ge @p0 [sflag:s0], $0x3020  }
0xdf: {  	[sflag:s0] =	ssyncset.done @p0 $0x0  }
0xe0: {  	[sflag:s0] =	ssyncadd.s32 @p0 $0xFFFFCFE0;
	s0 =	sshrl.u32 @!p0 s8, $0x3  }
0xe1: {  	[hbm:s12], [sflag:s9] =	dma.local @!p0 [spmem:s0], $0x30E0  }
0xe2: {  	s0 =	simm.s32 @!p0 $0x4  }
0xe3: {  	s29 =	sadd.s32 $0x1, s29;
	_ =	swait.ge @!p0 [sflag:s0], $0x30E0  }
0xe4: {  	p1 =	sne.s32 s29, s19;
	[sflag:s0] =	ssyncset.done @!p0 $0x0  }
.Ltmp2:
0xe5: {  	[sflag:s0] =	ssyncadd.s32 @!p0 $0xFFFFCF20;
	(pc) =	sbr.rel @p1 .LBB2_1-.Ltmp2, $4  }
0xe6: {  	[hbm:s13], [sflag:s9] =	dma.local @!p0 [hbm:s14], $0x30E0  }
0xe7: {  	_ =	swait.ge @!p0 [sflag:s0], $0x30E0  }
0xe8: {  	[sflag:s0] =	ssyncset.done @!p0 $0x0  }
0xe9: {  	[sflag:s0] =	ssyncadd.s32 @!p0 $0xFFFFCF20  }
0xea: {  	_ =	sfence.sel $0x180000  }
0xeb: {  	[bflag:$0x0] =	sbarrier.arrive $0xFFFF  }
0xec: {  	_ =	strace $0x90000047  }
0xed: {  	s0 =	stileid.u32;
	[bflag:$0x2] =	sbarrier.arrive $0xFFFF  }
0xee: {  	p0 =	sne.s32 s0, $0x0;
	s0 =	rddreg [dreg:$0x2]  }
0xef: {  	s0 =	sadd.s32 @!p0 $0x100000, s0  }
0xf0: {  	[sflag:s0] =	ssyncadd.tile.s32 @!p0 $0x1;
	_ =	shalt  }
.Lfunc_end2:
_tile_overlayer_lowered:
.L_overlay_start_2:
0xf1: {  	(tag) =	ssettag $0x2  }
0xf2: {  	s0 =	rddreg [dreg:$0x0];
	s2 =	stileid.u32  }
0xf3: {  	s1 =	rddreg [dreg:$0x1];
	p0 =	sne.s32 s2, $0x0  }
0xf4: {  	s3 =	rddreg [dreg:$0x2];
	[bflag:$0x3] =	sbarrier.arrive $0xFFFF;
	s2 =	simm.s32 @!p0 $0x1C04  }
0xf5: {  	[timem:s3], [sflag:s2] =	dma.local @!p0 [hbm:s0], s1  }
0xf6: {  	s0 =	simm.s32 @!p0 $0x4  }
0xf7: {  	_ =	swait.ge @!p0 [sflag:s0], s1  }
0xf8: {  	s1 =	ssub.s32 @!p0 $0x0, s1;
	[sflag:s0] =	ssyncset.done @!p0 $0x0  }
0xf9: {  	[sflag:s0] =	ssyncadd.s32 @!p0 s1  }
0xfa: {  	[bflag:$0x3] =	sbarrier.arrive $0xFFFF  }
0xfb: {  	_ =	shalt  }

// kernel: kernel.17.cloned.1.call-start
scs
__scs_entry_jumppad:
0x0: {  	(pc) =	sbr.rel $0x88, $3  }
0x1: {  	(tag) =	ssettag $0x0;
	lr =	simm.s32 $0x1  }
0x2: {  	[smem:$0x3F8D] =	sst lr;
	_ =	strace $0xD0000000  }
0x3: {  	_ = 	snop  }
0x4: {  	_ = 	snop  }
0x5: {  	_ = 	snop  }
0x6: {  	_ = 	snop  }
0x7: {  	_ = 	snop  }
__scs_overlays_trampoline_lowered:
0x8: {  	[smem:$0x3F9C] =	sst s0  }
0x9: {  	[smem:$0x3F9D] =	sst s1  }
0xa: {  	[smem:$0x3F9E] =	sst s2  }
0xb: {  	[smem:$0x3F9F] =	sst s3  }
0xc: {  	[smem:$0x3FA0] =	sst s4  }
0xd: {  	[smem:$0x3FA1] =	sst s5  }
0xe: {  	[smem:$0x3FA2] =	sst s6  }
0xf: {  	[smem:$0x3FA3] =	sst s7  }
0x10: {  	[smem:$0x3FA4] =	sst s8  }
0x11: {  	[smem:$0x3FA5] =	sst s9;
	s0 =	simm.s32 @!p0 $0x0  }
0x12: {  	s1 =	sld [smem:$0x3F8B];
	s0 =	simm.s32 @p0 $0x1  }
0x13: {  	[smem:$0x3FA6] =	sst s0;
	s0 =	simm.s32 @!p1 $0x0  }
0x14: {  	s2 =	sld [smem:$0x3F8A];
	s0 =	simm.s32 @p1 $0x1  }
0x15: {  	[smem:$0x3FA7] =	sst s0;
	s0 =	simm.s32 @!p2 $0x0  }
0x16: {  	s3 =	sld [smem:$0x3FDB];
	s0 =	simm.s32 @p2 $0x1  }
0x17: {  	s4 =	simm.s32 $0x1BF5;
	[smem:$0x3FA9] =	sst s0  }
0x18: {  	s0 =	sld [smem:$0x3F8C];
	_ =	swait.ge [sflag:s4], $0x0  }
0x19: {  	s7 =	sld [smem:$0x3F8D]  }
0x1a: {  	s8 =	sadd.s32 $0xFFFFE003, lr  }
0x1b: {  	s9 =	sadd.s32 $0xFFFFFEF7, lr;
	s5 =	simm.s32 $0xFFFFFFFF;
	p2 =	slt.u32 s8, $0xFFFFF086  }
0x1c: {  	p1 =	slt.u32 s9, $0xF7A;
	s5 =	simm.s32 @!p2 $0x0  }
0x1d: {  	s5 =	simm.s32 @p1 $0x1;
	p0 =	seq.s32 s7, s2  }
0x1e: {  	s7 =	smul.u32 @!p0 $0xF7A, s2;
	p2 =	seq.s32 @!p0 s5, $0x0  }
0x1f: {  	s9 =	smul.u32 $0xF7A, s1;
	s8 =	simm.s32 @!p0 $0x1BF5;
	p2 =	por !p2, p0  }
0x20: {  	[sflag:s8] =	ssyncset.s32 @!p0 $0xFFFFF086;
	s6 =	sadd.s32 @!p0 s3, s7;
	s7 =	simm.s32 @!p0 $0x108  }
0x21: {  	s3 =	sadd.s32 s3, s9;
	s6 =	sadd.s32 @!p0 $0x88, s6;
	s7 =	simm.s32 @p2 $0x1082  }
0x22: {  	[simem:s7], [sflag:s8] =	dma.local @!p0 [hbm:s6], $0xF7A  }
0x23: {  	s9 =	sor.u32 $0xD0000000, s2;
	s6 =	simm.s32 $0x108;
	_ =	swait.ge @!p0 [sflag:s8], $0x0  }
0x24: {  	s3 =	sadd.s32 $0x88, s3;
	s6 =	simm.s32 @!p1 $0x1082;
	[sflag:s4] =	ssyncset.s32 $0xFFFFF086  }
0x25: {  	[simem:s6], [sflag:s4] =	dma.local [hbm:s3], $0xF7A  }
0x26: {  	[smem:$0x3F8D] =	sst s1;
	(tag) =	ssettag s2;
	_ =	strace s9  }
0x27: {  	s1 =	sld [smem:$0x3F9D]  }
0x28: {  	s2 =	sld [smem:$0x3F9E]  }
0x29: {  	s4 =	sld [smem:$0x3FA0]  }
0x2a: {  	p0 =	seq.s32 s5, $0x0;
	s5 =	sld [smem:$0x3FA1]  }
0x2b: {  	s6 =	sld [smem:$0x3FA2]  }
0x2c: {  	s7 =	sld [smem:$0x3FA3]  }
0x2d: {  	s3 =	simm.s32 $0x108;
	s8 =	sld [smem:$0x3FA4]  }
0x2e: {  	s3 =	simm.s32 @!p0 $0x1082;
	s9 =	sld [smem:$0x3FA5]  }
0x2f: {  	lr =	sadd.s32 s0, s3;
	s0 =	sld [smem:$0x3F9C]  }
0x30: {  	s3 =	sld [smem:$0x3F9F]  }
0x31: {  	[smem:$0x3FA8] =	sst s10  }
0x32: {  	s10 =	sld [smem:$0x3FA6];
	_ =	sdelay $0x3  }
0x33: {  	p0 =	seq.s32 s10, $0x1;
	s10 =	sld [smem:$0x3FA8];
	_ =	sdelay $0x3  }
0x34: {  	[smem:$0x3FA8] =	sst s10  }
0x35: {  	s10 =	sld [smem:$0x3FA7];
	_ =	sdelay $0x3  }
0x36: {  	p1 =	seq.s32 s10, $0x1;
	s10 =	sld [smem:$0x3FA8];
	_ =	sdelay $0x3  }
0x37: {  	[smem:$0x3FA8] =	sst s10  }
0x38: {  	s10 =	sld [smem:$0x3FA9]  }
0x39: {  	_ = 	snop;
	(pc) =	sbr.ind lr, $3  }
0x3a: {  	_ = 	snop  }
0x3b: {  	_ = 	snop  }
0x3c: {  	p2 =	seq.s32 s10, $0x1;
	s10 =	sld [smem:$0x3FA8]  }
0x3d: {  	_ =	shalt  }
0x3e: {  	_ =	shalt  }
0x3f: {  	_ =	shalt  }
0x40: {  	_ =	shalt  }
0x41: {  	_ =	shalt  }
0x42: {  	_ =	shalt  }
0x43: {  	_ =	shalt  }
0x44: {  	_ =	shalt  }
0x45: {  	_ =	shalt  }
0x46: {  	_ =	shalt  }
0x47: {  	_ =	shalt  }
0x48: {  	_ =	shalt  }
0x49: {  	_ =	shalt  }
0x4a: {  	_ =	shalt  }
0x4b: {  	_ =	shalt  }
0x4c: {  	_ =	shalt  }
0x4d: {  	_ =	shalt  }
0x4e: {  	_ =	shalt  }
0x4f: {  	_ =	shalt  }
0x50: {  	_ =	shalt  }
0x51: {  	_ =	shalt  }
0x52: {  	_ =	shalt  }
0x53: {  	_ =	shalt  }
0x54: {  	_ =	shalt  }
0x55: {  	_ =	shalt  }
0x56: {  	_ =	shalt  }
0x57: {  	_ =	shalt  }
0x58: {  	_ =	shalt  }
0x59: {  	_ =	shalt  }
0x5a: {  	_ =	shalt  }
0x5b: {  	_ =	shalt  }
0x5c: {  	_ =	shalt  }
0x5d: {  	_ =	shalt  }
0x5e: {  	_ =	shalt  }
0x5f: {  	_ =	shalt  }
0x60: {  	_ =	shalt  }
0x61: {  	_ =	shalt  }
0x62: {  	_ =	shalt  }
0x63: {  	_ =	shalt  }
0x64: {  	_ =	shalt  }
0x65: {  	_ =	shalt  }
0x66: {  	_ =	shalt  }
0x67: {  	_ =	shalt  }
0x68: {  	_ =	shalt  }
0x69: {  	_ =	shalt  }
0x6a: {  	_ =	shalt  }
0x6b: {  	_ =	shalt  }
0x6c: {  	_ =	shalt  }
0x6d: {  	_ =	shalt  }
0x6e: {  	_ =	shalt  }
0x6f: {  	_ =	shalt  }
0x70: {  	_ =	shalt  }
0x71: {  	_ =	shalt  }
0x72: {  	_ =	shalt  }
0x73: {  	_ =	shalt  }
0x74: {  	_ =	shalt  }
0x75: {  	_ =	shalt  }
0x76: {  	_ =	shalt  }
0x77: {  	_ =	shalt  }
0x78: {  	_ =	shalt  }
0x79: {  	_ =	shalt  }
0x7a: {  	_ =	shalt  }
0x7b: {  	_ =	shalt  }
0x7c: {  	_ =	shalt  }
0x7d: {  	_ =	shalt  }
0x7e: {  	_ =	shalt  }
0x7f: {  	_ =	shalt  }
0x80: {  	_ =	shalt  }
0x81: {  	_ =	shalt  }
0x82: {  	_ =	shalt  }
0x83: {  	_ =	shalt  }
0x84: {  	_ =	shalt  }
0x85: {  	_ =	shalt  }
0x86: {  	_ =	shalt  }
0x87: {  	_ =	shalt  }
.Lfunc_end0:
.L_simem_size_0:
called_computation.3_lowered:
.L_overlay_start_0:
0x88: {  	s2 =	sld [smem:$0x3FD9]  }
0x89: {  	s3 =	sld [smem:$0x3FFE];
	_ =	sdelay $0x1  }
0x8a: {  	s1 =	srdreg.scid  }
0x8b: {  	s0 =	sand.u32 $0x1, s1  }
0x8c: {  	s17 =	sshll.u32 s0, $0xA;
	s2 =	sadd.s32 s3, s2  }
0x8d: {  	s2 =	sadd.s32 s2, s17  }
0x8e: {  	[smem:$0x3FB4] =	sst s2  }
0x8f: {  	_ = 	snop  }
0x90: {  	(tm) =	ssettm $0x1  }
0x91: {  	s18 =	sld [smem:$0x3FFB];
	_ =	sdelay $0x3  }
0x92: {  	_ =	strace s18  }
0x93: {  	s2 =	sld [smem:$0x3FFC];
	_ =	sdelay $0x3  }
0x94: {  	_ =	strace s2  }
0x95: {  	s2 =	sld [smem:$0x3FFD];
	_ =	sdelay $0x3  }
0x96: {  	_ =	strace s2  }
0x97: {  	_ =	strace $0x8FFFFFFF  }
0x98: {  	s19 =	sld [smem:$0x3FDB];
	_ =	sdelay $0x1  }
0x99: {  	s20 =	simm.s32 $_scs_section_size  }
0x9a: {  	s4 =	simm.s32 $_size__tile_overlayer_lowered;
	s5 =	simm.s32 $_tile_overlayer_lowered  }
0x9b: {  	s6 =	simm.s32 $0x1BFF;
	s21 =	sshll.u32 s5, $0x1;
	s3 =	sadd.s32 s20, s19  }
0x9c: {  	s22 =	simm.s32 $0x0;
	s4 =	sshll.u32 s4, $0x1;
	s5 =	sadd.s32 s21, s3  }
0x9d: {  	[timem:s22], [sflag:s6] =	dma.local [hbm:s5], s4  }
0x9e: {  	_ =	swait.ge [sflag:s6], s4  }
0x9f: {  	s4 =	ssub.s32 $0x0, s4;
	[sflag:s6] =	ssyncset.done $0x0  }
0xa0: {  	[sflag:s6] =	ssyncadd.s32 s4;
	_ =	sdelay $0x1  }
0xa1: {  	s23 =	simm.s32 $0x1B8B  }
0xa2: {  	_ =	swait.ge [sflag:s23], $0x1  }
0xa3: {  	[sflag:s23] =	ssyncset.done $0x0  }
0xa4: {  	[sflag:s23] =	ssyncadd.s32 $0xFFFFFFFF  }
0xa5: {  	s4 =	sld [smem:$0x0]  }
0xa6: {  	s5 =	sand.u32 $0xFFFFFFFE, s1  }
0xa7: {  	p0 =	sne.s32 s1, s5  }
0xa8: {  	s5 =	sshll.u32 @p0 s5, $0xE  }
0xa9: {  	s5 =	sadd.s32 @p0 $0x11B8D, s5;
	s6 =	sshll.u32 @p0 s4, $0x11  }
0xaa: {  	s5 =	sor.u32 @p0 s6, s5  }
0xab: {  	[sflag:s5] =	ssyncadd.remote.s32 @p0 $0x1;
	_ =	sdelay $0x1  }
0xac: {  	s5 =	simm.s32 @p0 $0x1B8D  }
0xad: {  	_ =	swait.eq @p0 [sflag:s5], $0x1  }
0xae: {  	[sflag:s5] =	ssyncadd.s32 @p0 $0xFFFFFFFF  }
0xaf: {  	s6 =	sshll.u32 @!p0 s1, $0xE  }
0xb0: {  	s6 =	sor.u32 @!p0 $0x4000, s6;
	s5 =	simm.s32 @!p0 $0x1B8D  }
0xb1: {  	s4 =	sshll.u32 @!p0 s4, $0x11;
	s6 =	sadd.s32 @!p0 $0x11B8D, s6;
	_ =	swait.eq @!p0 [sflag:s5], $0x1  }
0xb2: {  	s4 =	sor.u32 @!p0 s4, s6;
	[sflag:s5] =	ssyncadd.s32 @!p0 $0xFFFFFFFF  }
0xb3: {  	s25 =	simm.s32 $0x1B8E;
	s24 =	sld [smem:$0x3FFE];
	[sflag:s4] =	ssyncadd.remote.s32 @!p0 $0x1  }
0xb4: {  	s26 =	simm.s32 $execute0_lowered;
	[smem:$0x3FD2] =	sst s25  }
0xb5: {  	s5 =	sshll.u32 s26, $0x1;
	_ =	strace $0x8000004C;
	[dreg:$0x1] =	wrdreg $0xFFFFFFFF  }
0xb6: {  	s28 =	simm.s32 $_size_execute0_lowered;
	s3 =	sadd.s32 s3, s5;
	[dreg:$0x0] =	wrdreg $0x0  }
0xb7: {  	s5 =	sshll.u32 s28, $0x1;
	[dreg:$0x2] =	wrdreg s3  }
0xb8: {  	[dreg:$0x3] =	wrdreg s5  }
0xb9: {  	[dreg:$0x4] =	wrdreg $0xC0  }
0xba: {  	_ =	task [dreg:s22], $0x5FFFF  }
0xbb: {  	[dreg:$0x1] =	wrdreg $0xFFFFFFFF  }
0xbc: {  	[dreg:$0x0] =	wrdreg $0x60  }
0xbd: {  	[dreg:$0x2] =	wrdreg s24  }
0xbe: {  	[dreg:$0x3] =	wrdreg $0x26000  }
0xbf: {  	[dreg:$0x4] =	wrdreg $0xA  }
0xc0: {  	_ =	task.clear_ibuf [dreg:s22], $0x5FFFF;
	_ =	strace $0x9000004C  }
0xc1: {  	s29 =	simm.s32 $0xA;
	_ =	strace $0x8000004E  }
0xc2: {  	_ =	swait.ge [sflag:s29], $0x1  }
0xc3: {  	[sflag:s29] =	ssyncadd.s32 $0xFFFFFFFF  }
0xc4: {  	_ =	strace $0x9000004E  }
0xc5: {  	_ =	sfence  }
0xc6: {  	s30 =	sld [smem:$0x0];
	_ =	sdelay $0x2  }
0xc7: {  	s31 =	sshll.u32 s1, $0xD;
	s1 =	sshrl.u32 s1, $0x2  }
0xc8: {  	s4 =	sand.u32 $0x4000, s31;
	s1 =	sadd.s32 s1, s30  }
0xc9: {  	s0 =	sor.u32 s4, s0;
	s1 =	sshll.u32 s1, $0x11  }
0xca: {  	s0 =	sor.u32 s1, s0  }
0xcb: {  	s0 =	sadd.s32 $0x8F2B, s0  }
0xcc: {  	[sflag:s0] =	ssyncadd.remote.s32 $0x1  }
0xcd: {  	_ =	sfence.sel $0xFFFF  }
0xce: {  	[dreg:$0x0] =	wrdreg $0xFFFFFFFF;
	(pc) =	sbr.abs _section_cstart, $3  }
0xcf: {  	[dreg:$0x1] =	wrdreg $0xFFFFFFFF  }
0xd0: {  	_ =	task.clear_ibuf [dreg:s22], $0x2FFFF;
	_ =	strace $0x9FFFFFFF  }
0xd1: {  	(tm) =	ssettm $0x7FFFFFFF  }
tec
execute0_lowered:
.L_overlay_start_1:
0x0: {  	(tag) =	ssettag $0x1  }
0x1: {  	s0 =	rddreg [dreg:$0x0]  }
0x2: {  	s1 =	rddreg [dreg:$0x1]  }
0x3: {  	s3 =	simm.s32 $0x0;
	s19 =	stileid.u32;
	s2 =	srdreg.scid  }
0x4: {  	s16 =	simm.s32 $0x80;
	s18 =	simm.s32 $0x4;
	s20 =	simm.s32 $0x1  }
0x5: {  	s22 =	simm.s32 $0x2;
	s23 =	simm.s32 $0x3;
	s6 =	smul.u32 $0x30E, s19  }
0x6: {  	s24 =	simm.s32 $0x0;
	s4 =	sadd.s32 $0x495600, s0;
	s8 =	smul.u32 $0x61C00, s19  }
0x7: {  	[smem:$0x7FF] =	sst s3;
	s5 =	sadd.s32 $0x18BA00, s0;
	s12 =	smul.u32 $0x30E0, s19  }
0x8: {  	s7 =	sadd.s32 $0x24F000, s0;
	s2 =	sand.u32 $0x1, s2;
	s11 =	smul.u32 $0xC380, s19  }
0x9: {  	s0 =	sadd.s32 $0x315800, s0;
	s30 =	sshll.u32 s19, $0x6;
	s13 =	smul.u32 $0x186A00, s2  }
0xa: {  	_ =	strace $0x8000004D;
	s9 =	ssub.s32 $0x2, s2;
	s14 =	smul.u32 $0x30D40, s2  }
0xb: {  	p0 =	seq.s32 s2, $0x0;
	s10 =	sshrl.u32 s9, $0x1;
	s8 =	sshrl.u32 s8, $0x2  }
0xc: {  	s15 =	ssub.s32 s9, s10;
	s8 =	sadd.s32 s8, s1;
	s9 =	sadd.s32 s4, s11  }
0xd: {  	s10 =	sor.u32 $0x1C04, s30;
	s13 =	sshrl.u32 s13, $0x3;
	s31 =	sadd.s32 s12, s14  }
0xe: {  	s14 =	simm.s32 $0x80;
	s11 =	sadd.s32 $0x40, s9;
	s13 =	sadd.s32 s0, s13  }
0xf: {  	s12 =	sadd.s32 s0, s31;
	s15 =	smax.u32 s15, $0x1;
	s14 =	simm.s32 @!p0 $0x100  }
0x10: {  	s17 =	sshrl.u32 s8, $0x3;
	p0 =	seq.s32 s19, $0xF;
	s13 =	sadd.s32 $0x2DD20, s13  }
.LBB2_1:
0x11: {  	[spmem:s17], [sflag:s10] =	dma.local [hbm:s7], $0x30E0  }
0x12: {  	_ =	swait.ge [sflag:s18], $0x30E0  }
0x13: {  	[sflag:s18] =	ssyncset.done $0x0  }
0x14: {  	[sflag:s18] =	ssyncadd.s32 $0xFFFFCF20  }
0x15: {  	[bflag:$0x0] =	sbarrier.arrive $0xFFFF  }
0x16: {  	[tilespmem:s3], [sflag:$0x1] =	stream.linear.gather [hbm4b:s9+s3], $0x200, $0x38;
	[tilespmem:$0x1AD00] =	vst v63  }
0x17: {  	s0 =	simm.s32 $0x200  }
0x18: {  	[tilespmem:s0], [sflag:$0x1] =	stream.linear.gather [hbm4b:s11+s3], $0x200, $0x38;
	[tilespmem:$0x1AD00] =	vst v63  }
0x19: {  	s31 =	simm.s32 $0x600;
	_ =	swait.ge [sflag:s20], $0x200  }
0x1a: {  	p1 =	por $0x0, $0x0;
	s25 =	simm.s32 $0x0;
	[sflag:s20] =	ssyncset.done $0x0  }
0x1b: {  	s26 =	simm.s32 $0x0;
	s28 =	simm.s32 $0x0;
	[sflag:s20] =	ssyncadd.s32 $0xFFFFFE00  }
0x1c: {  	[tilespmem:s31], [sflag:$0x2] =	stream.indirect.gather [hbm4b:s5+s16], $0x20, s14, s16, $0xb8;
	[tilespmem:$0x1AD00] =	vst v63  }
.LBB2_2:
0x1d: {  	p2 =	seq.s32 s28, $0x30D  }
0x1e: {  	s0 =	smov.u32 s28;
	s2 =	sand.u32 $0xFFFF, s25;
	s19 =	simm.s32 @!p2 $0x1  }
0x1f: {  	s28 =	sadd.s32 $0x1, s28;
	p3 =	seq.s32 @!p2 s0, $0x0;
	_ =	swait.ge @!p2 [sflag:s19], $0x200  }
0x20: {  	s29 =	smul.u32 @!p2 $0xAAAB, s28;
	p4 =	por p3, p2;
	[sflag:s19] =	ssyncset.done @!p2 $0x0  }
0x21: {  	s2 =	smul.u32 $0xAAAB, s2;
	[sflag:s19] =	ssyncadd.s32 @!p2 $0xFFFFFE00;
	s19 =	simm.s32 @!p4 $0x3  }
0x22: {  	p3 =	sgt.u32 @!p2 s0, $0x30B;
	s29 =	sshrl.u32 @!p2 s29, $0x11;
	_ =	swait.ge @!p4 [sflag:s19], $0x1000  }
0x23: {  	p3 =	por p3, p2;
	s29 =	smul.u32 @!p2 $0x3, s29;
	[sflag:s19] =	ssyncset.done @!p4 $0x0  }
0x24: {  	s30 =	sshll.u32 @!p2 s28, $0xC;
	[sflag:s19] =	ssyncadd.s32 @!p4 $0xFFFFF000;
	s19 =	sadd.s32 @!p3 $0x2, s0  }
0x25: {  	s21 =	simm.s32 @!p2 $0x80;
	s29 =	ssub.s32 @!p2 s28, s29;
	s31 =	smul.u32 @!p3 $0xAAAB, s19  }
0x26: {  	s30 =	sand.u32 @!p2 $0x1000, s30;
	s2 =	sshrl.u32 s2, $0x11;
	s29 =	sshll.u32 @!p2 s29, $0x9  }
0x27: {  	s2 =	smul.u32 $0x1800, s2;
	s29 =	sand.u32 @!p2 $0x3E00, s29;
	s31 =	sshrl.u32 @!p3 s31, $0x11  }
0x28: {  	s30 =	sor.u32 @!p2 $0x600, s30;
	s29 =	sor.u32 @!p2 s29, s14;
	s31 =	smul.u32 @!p3 $0x3, s31  }
0x29: {  	[tilespmem:s30], [sflag:$0x2] =	stream.indirect.gather @!p2 [hbm4b:s5+s21], $0x20, s29, s21, $0xb8;
	[tilespmem:$0x1AD00] =	vst v63  }
0x2a: {  	s21 =	ssub.s32 @!p3 s19, s31;
	s19 =	sadd.s32 @!p3 s6, s19  }
0x2b: {  	s2 =	ssub.s32 s26, s2;
	s21 =	sshll.u32 @!p3 s21, $0x9;
	s19 =	sshll.u32 @!p3 s19, $0x6  }
0x2c: {  	s29 =	simm.s32 @!p3 $0x0;
	s21 =	sand.u32 @!p3 $0x3E00, s21;
	s19 =	sadd.s32 @!p3 s4, s19  }
0x2d: {  	[tilespmem:s21], [sflag:$0x1] =	stream.linear.gather @!p3 [hbm4b:s19+s29], $0x200, $0x38;
	[tilespmem:$0x1AD00] =	vst v63  }
0x2e: {  	s2 =	sand.u32 $0xFFFC, s2;
	s21 =	simm.s32 $0x1;
	_ =	swait.ge [sflag:s22], $0x1000  }
0x2f: {  	s2 =	sshrl.u32 s2, $0x2;
	s21 =	simm.s32 @!p1 $0x0;
	[sflag:s22] =	ssyncset.done $0x0  }
0x30: {  	s19 =	sadd.s32 $0x190, s2;
	s21 =	sshll.u32 s21, $0xC;
	[sflag:s22] =	ssyncadd.s32 $0xFFFFF000  }
0x31: {  	s29 =	sor.u32 $0x800, s21;
	v1 =	vld [tilespmem:s19+$0xFFFFFFF0]  }
0x32: {  	v0 =	vld [tilespmem:s29+$0xFFFFFE00]  }
0x33: {  	v2 =	vld [tilespmem:s29+$0xFFFFFE10]  }
0x34: {  	v3 =	vld [tilespmem:s29+$0xFFFFFE20]  }
0x35: {  	v4 =	vld [tilespmem:s29+$0xFFFFFE30]  }
0x36: {  	v5 =	vld [tilespmem:s29+$0xFFFFFE40]  }
0x37: {  	v6 =	vld [tilespmem:s29+$0xFFFFFE50]  }
0x38: {  	v7 =	vld [tilespmem:s29+$0xFFFFFE60]  }
0x39: {  	v8 =	vld [tilespmem:s29+$0xFFFFFE70]  }
0x3a: {  	v9 =	vld [tilespmem:s29+$0xFFFFFE80]  }
0x3b: {  	v10 =	vld [tilespmem:s29+$0xFFFFFE90]  }
0x3c: {  	v11 =	vld [tilespmem:s29+$0xFFFFFEA0]  }
0x3d: {  	v12 =	vld [tilespmem:s29+$0xFFFFFEB0]  }
0x3e: {  	v13 =	vld [tilespmem:s29+$0xFFFFFEC0]  }
0x3f: {  	v14 =	vld [tilespmem:s29+$0xFFFFFED0]  }
0x40: {  	v15 =	vld [tilespmem:s29+$0xFFFFFEE0]  }
0x41: {  	v16 =	vld [tilespmem:s29+$0xFFFFFEF0]  }
0x42: {  	v18 =	vld [tilespmem:s29+$0xFFFFFF00]  }
0x43: {  	v19 =	vld [tilespmem:s29+$0xFFFFFF10];
	v17 =	vbroadcast v1, $0x0  }
0x44: {  	v20 =	vld [tilespmem:s29+$0xFFFFFF20]  }
0x45: {  	v21 =	vld [tilespmem:s29+$0xFFFFFF30];
	v22 =	vbroadcast v1, $0x1;
	v0 =	vmul.f32 v17, v0  }
0x46: {  	v23 =	vld [tilespmem:s19+$0x0];
	v24 =	vbroadcast v1, $0x5;
	v2 =	vmul.f32 v2, v17  }
0x47: {  	v49 =	vld [tilespmem:s29+$0x10];
	v4 =	vmul.f32 v4, v22;
	[tilespmem:s29+$0xFFFFFE00] =	vst v0  }
0x48: {  	v25 =	vld [tilespmem:s29+$0x20];
	v31 =	vbroadcast v1, $0x6;
	v11 =	vmul.f32 v11, v24;
	[tilespmem:s29+$0xFFFFFE10] =	vst v2  }
0x49: {  	v26 =	vld [tilespmem:s29+$0x30];
	v12 =	vmul.f32 v12, v24;
	[tilespmem:s29+$0xFFFFFE30] =	vst v4  }
0x4a: {  	v27 =	vld [tilespmem:s29+$0x40];
	v32 =	vbroadcast v1, $0x7;
	v13 =	vmul.f32 v13, v31;
	[tilespmem:s29+$0xFFFFFEA0] =	vst v11  }
0x4b: {  	v28 =	vld [tilespmem:s29+$0x50];
	v29 =	vbroadcast v23, $0x0;
	v14 =	vmul.f32 v14, v31;
	[tilespmem:s29+$0xFFFFFEB0] =	vst v12  }
0x4c: {  	v30 =	vld [tilespmem:s29+$0x60];
	v34 =	vbroadcast v1, $0x8;
	v15 =	vmul.f32 v15, v32;
	[tilespmem:s29+$0xFFFFFEC0] =	vst v13  }
0x4d: {  	v50 =	vld [tilespmem:s29+$0xA0];
	v35 =	vbroadcast v1, $0x9;
	v16 =	vmul.f32 v16, v32;
	[tilespmem:s29+$0xFFFFFED0] =	vst v14  }
0x4e: {  	v33 =	vld [tilespmem:s29+$0x70];
	v37 =	vbroadcast v1, $0xA;
	v18 =	vmul.f32 v18, v34;
	[tilespmem:s29+$0xFFFFFEE0] =	vst v15  }
0x4f: {  	v36 =	vld [tilespmem:s29+$0x80];
	v39 =	vbroadcast v1, $0xB;
	v20 =	vmul.f32 v20, v35;
	[tilespmem:s29+$0xFFFFFEF0] =	vst v16  }
0x50: {  	v38 =	vld [tilespmem:s29+$0x90];
	v44 =	vbroadcast v23, $0x5;
	v21 =	vmul.f32 v21, v35;
	[tilespmem:s29+$0xFFFFFF00] =	vst v18  }
0x51: {  	v52 =	vld [tilespmem:s29+$0xF0];
	v0 =	vmul.f32 v3, v22;
	v3 =	vbroadcast v1, $0x2;
	[tilespmem:s29+$0xFFFFFF20] =	vst v20  }
0x52: {  	v53 =	vld [tilespmem:s29+$0x100];
	v40 =	vbroadcast v1, $0xC;
	v31 =	vmul.f32 v50, v44;
	[tilespmem:s29+$0xFFFFFF30] =	vst v21  }
0x53: {  	v54 =	vld [tilespmem:s29+$0x130];
	v18 =	vbroadcast v23, $0x2;
	[tilespmem:s29+$0xFFFFFE20] =	vst v0;
	v0 =	vmul.f32 v5, v3  }
0x54: {  	v55 =	vld [tilespmem:s29+$0x140];
	v20 =	vbroadcast v23, $0x4;
	[tilespmem:s29+$0xA0] =	vst v31;
	v3 =	vmul.f32 v6, v3  }
0x55: {  	v12 =	vld [tilespmem:s29+$0x0];
	v5 =	vbroadcast v1, $0x3;
	v27 =	vmul.f32 v27, v18;
	[tilespmem:s29+$0xFFFFFE40] =	vst v0  }
0x56: {  	v41 =	vbroadcast v1, $0xD;
	v2 =	vld [tilespmem:s29+$0xFFFFFF50];
	v63 =	vmul.f32 v38, v20;
	[tilespmem:s29+$0xFFFFFE50] =	vst v3  }
0x57: {  	v51 =	vbroadcast v1, $0xE;
	v22 =	vld [tilespmem:s29+$0xFFFFFF60];
	v0 =	vmul.f32 v7, v5;
	[tilespmem:s29+$0x40] =	vst v27  }
0x58: {  	v59 =	vld [tilespmem:s29+$0x160];
	v42 =	vbroadcast v1, $0xF;
	v5 =	vmul.f32 v8, v5;
	[tilespmem:s29+$0x90] =	vst v63  }
0x59: {  	v60 =	vld [tilespmem:s29+$0x170];
	v7 =	vbroadcast v1, $0x4;
	v1 =	vmul.f32 v19, v34;
	[tilespmem:s29+$0xFFFFFE60] =	vst v0  }
0x5a: {  	v43 =	vbroadcast v23, $0x3;
	v17 =	vld [tilespmem:s29+$0xFFFFFF40];
	v12 =	vmul.f32 v29, v12;
	[tilespmem:s29+$0xFFFFFE70] =	vst v5  }
0x5b: {  	v45 =	vbroadcast v23, $0x6;
	v4 =	vld [tilespmem:s29+$0xFFFFFF70];
	v2 =	vmul.f32 v2, v37;
	[tilespmem:s29+$0xFFFFFF10] =	vst v1  }
0x5c: {  	v56 =	vbroadcast v23, $0x8;
	v11 =	vld [tilespmem:s29+$0xFFFFFFE0];
	v22 =	vmul.f32 v22, v39;
	[tilespmem:s29+$0x0] =	vst v12  }
0x5d: {  	v57 =	vbroadcast v23, $0x9;
	v6 =	vld [tilespmem:s29+$0xFFFFFF80];
	v0 =	vmul.f32 v9, v7;
	[tilespmem:s29+$0xFFFFFF50] =	vst v2  }
0x5e: {  	v13 =	vld [tilespmem:s29+$0xB0];
	v19 =	vbroadcast v23, $0x1;
	v7 =	vmul.f32 v10, v7;
	[tilespmem:s29+$0xFFFFFF60] =	vst v22  }
0x5f: {  	v58 =	vbroadcast v23, $0xB;
	v3 =	vld [tilespmem:s29+$0xFFFFFF90];
	v1 =	vmul.f32 v17, v37;
	[tilespmem:s29+$0xFFFFFE80] =	vst v0  }
0x60: {  	v46 =	vbroadcast v23, $0xC;
	v8 =	vld [tilespmem:s29+$0xFFFFFFA0];
	v2 =	vmul.f32 v25, v19;
	[tilespmem:s29+$0xFFFFFE90] =	vst v7  }
0x61: {  	v5 =	vld [tilespmem:s29+$0xFFFFFFB0];
	v12 =	vbroadcast v23, $0x7;
	v19 =	vmul.f32 v26, v19;
	[tilespmem:s29+$0xFFFFFF40] =	vst v1  }
0x62: {  	v9 =	vld [tilespmem:s29+$0x1F0];
	v22 =	vbroadcast v23, $0xA;
	v6 =	vmul.f32 v6, v40;
	[tilespmem:s29+$0x20] =	vst v2  }
0x63: {  	v10 =	vld [tilespmem:s29+$0xFFFFFFC0];
	v0 =	vbroadcast v23, $0xF;
	v1 =	vmul.f32 v49, v29;
	[tilespmem:s29+$0x30] =	vst v19  }
0x64: {  	v14 =	vld [tilespmem:s29+$0xC0];
	v2 =	vbroadcast v23, $0xD;
	v3 =	vmul.f32 v3, v40;
	[tilespmem:s29+$0xFFFFFF80] =	vst v6  }
0x65: {  	v16 =	vld [tilespmem:s29+$0xE0];
	v6 =	vmul.f32 v28, v18;
	v8 =	vmul.f32 v8, v41;
	[tilespmem:s29+$0x10] =	vst v1  }
0x66: {  	v7 =	vld [tilespmem:s29+$0xFFFFFFD0];
	v18 =	vmul.f32 v30, v43;
	v1 =	vmul.f32 v4, v39;
	[tilespmem:s29+$0xFFFFFF90] =	vst v3  }
0x67: {  	v15 =	vld [tilespmem:s29+$0xD0];
	v9 =	vmul.f32 v9, v0;
	v5 =	vmul.f32 v5, v41;
	[tilespmem:s29+$0x50] =	vst v6  }
0x68: {  	v61 =	vld [tilespmem:s29+$0x190];
	v10 =	vmul.f32 v10, v51;
	[tilespmem:s29+$0xFFFFFFA0] =	vst v8;
	v8 =	vmul.f32 v33, v43  }
0x69: {  	v21 =	vld [tilespmem:s29+$0x120];
	[tilespmem:s29+$0xFFFFFF70] =	vst v1;
	v1 =	vbroadcast v23, $0xE;
	v23 =	vmul.f32 v11, v42  }
0x6a: {  	s21 =	smul.u32 $0xAAAB, s0;
	v11 =	vmul.f32 v14, v45;
	v14 =	vmul.f32 v16, v12;
	[tilespmem:s29+$0x1F0] =	vst v9;
	v9 =	vld [tilespmem:s29+$0xFFFFFFF0]  }
0x6b: {  	v4 =	vld [tilespmem:s29+$0x150];
	[tilespmem:s29+$0x60] =	vst v18;
	v16 =	vmul.f32 v53, v56;
	v6 =	vmul.f32 v7, v51  }
0x6c: {  	s2 =	sshrl.u32 s21, $0x11;
	v17 =	vld [tilespmem:s29+$0x110];
	v7 =	vmul.f32 v13, v44;
	[tilespmem:s29+$0xFFFFFFC0] =	vst v10;
	v10 =	vmul.f32 v15, v45  }
0x6d: {  	s2 =	smul.u32 $0x3, s2;
	v3 =	vld [tilespmem:s29+$0x180];
	[tilespmem:s29+$0x70] =	vst v8;
	v15 =	vmul.f32 v52, v12;
	v12 =	vmul.f32 v54, v57  }
0x6e: {  	v18 =	vld [tilespmem:s29+$0x1A0];
	v8 =	vmul.f32 v59, v58;
	[tilespmem:s29+$0xFFFFFFD0] =	vst v6;
	v6 =	vmul.f32 v55, v22  }
0x6f: {  	s2 =	ssub.s32 s0, s2;
	v19 =	vld [tilespmem:s29+$0x1B0];
	[tilespmem:s29+$0xFFFFFFB0] =	vst v5;
	v62 =	vmul.f32 v9, v42;
	v9 =	vmul.f32 v36, v20  }
0x70: {  	s0 =	sshll.u32 s0, $0xC;
	s2 =	sshll.u32 s2, $0x9;
	[tilespmem:s29+$0xFFFFFFE0] =	vst v23;
	v5 =	vmul.f32 v4, v22;
	v4 =	vmul.f32 v60, v58;
	v20 =	vld [tilespmem:s29+$0x1C0]  }
0x71: {  	s19 =	sadd.s32 $0x20, s19;
	s0 =	sand.u32 $0x1000, s0;
	s30 =	sand.u32 $0x3E00, s2;
	[tilespmem:s29+$0x80] =	vst v9;
	v9 =	vmul.f32 v17, v56;
	v17 =	vmul.f32 v21, v57;
	v21 =	vld [tilespmem:s29+$0x1D0]  }
0x72: {  	s31 =	sor.u32 $0x600, s0;
	s2 =	simm.s32 $0x0;
	s0 =	smov.u32 s29;
	v22 =	vld [tilespmem:s29+$0x1E0];
	v13 =	vmul.f32 v3, v46;
	v3 =	vmul.f32 v61, v46;
	[tilespmem:s29+$0xFFFFFFF0] =	vst v62  }
.LBB2_3:
0x73: {  	v23 =	vld [tilespmem:s19+$0x0];
	s2 =	sadd.s32 $0x2, s2;
	[tilespmem:s29+$0xB0] =	vst v7;
	v18 =	vmul.f32 v18, v2  }
0x74: {  	s29 =	sadd.s32 $0x400, s29;
	v24 =	vld [tilespmem:s19+$0xFFFFFFF0];
	p2 =	slt.u32 s2, $0x6;
	[tilespmem:s0+$0xC0] =	vst v11;
	v2 =	vmul.f32 v19, v2  }
0x75: {  	v11 =	vld [tilespmem:s29+$0x1F0];
	[tilespmem:s0+$0xD0] =	vst v10;
	v19 =	vmul.f32 v20, v1  }
0x76: {  	v20 =	vld [tilespmem:s29+$0xFFFFFE00];
	[tilespmem:s0+$0xE0] =	vst v14;
	v1 =	vmul.f32 v21, v1  }
0x77: {  	v21 =	vld [tilespmem:s29+$0xFFFFFE10];
	[tilespmem:s0+$0xF0] =	vst v15;
	v22 =	vmul.f32 v22, v0  }
0x78: {  	v25 =	vld [tilespmem:s29+$0xFFFFFE20];
	v7 =	vbroadcast v23, $0x0;
	v0 =	vbroadcast v23, $0xF;
	[tilespmem:s0+$0x100] =	vst v16  }
0x79: {  	v16 =	vbroadcast v24, $0x0;
	v26 =	vbroadcast v24, $0x1;
	v27 =	vld [tilespmem:s29+$0xFFFFFE30];
	[tilespmem:s0+$0x110] =	vst v9  }
0x7a: {  	v29 =	vbroadcast v24, $0x2;
	v28 =	vld [tilespmem:s29+$0xFFFFFE40];
	v9 =	vmul.f32 v11, v0;
	[tilespmem:s0+$0x120] =	vst v17  }
0x7b: {  	v30 =	vbroadcast v24, $0x3;
	v31 =	vbroadcast v24, $0x4;
	v17 =	vld [tilespmem:s29+$0xFFFFFE50];
	[tilespmem:s0+$0x130] =	vst v12  }
0x7c: {  	v33 =	vbroadcast v24, $0x5;
	v34 =	vbroadcast v24, $0x6;
	v32 =	vld [tilespmem:s29+$0xFFFFFE60];
	[tilespmem:s29+$0x1F0] =	vst v9  }
0x7d: {  	v36 =	vbroadcast v24, $0x7;
	v37 =	vbroadcast v24, $0x8;
	v35 =	vld [tilespmem:s29+$0xFFFFFE70];
	[tilespmem:s0+$0x140] =	vst v6  }
0x7e: {  	v39 =	vbroadcast v24, $0x9;
	v40 =	vbroadcast v24, $0xA;
	v38 =	vld [tilespmem:s29+$0xFFFFFE80];
	[tilespmem:s0+$0x150] =	vst v5  }
0x7f: {  	v42 =	vbroadcast v24, $0xB;
	v43 =	vbroadcast v24, $0xC;
	v41 =	vld [tilespmem:s29+$0xFFFFFE90];
	[tilespmem:s0+$0x160] =	vst v8  }
0x80: {  	v45 =	vbroadcast v24, $0xD;
	v46 =	vbroadcast v24, $0xE;
	v44 =	vld [tilespmem:s29+$0xFFFFFEA0];
	[tilespmem:s0+$0x170] =	vst v4  }
0x81: {  	v15 =	vbroadcast v23, $0x1;
	v24 =	vbroadcast v24, $0xF;
	v47 =	vld [tilespmem:s29+$0xFFFFFEB0];
	[tilespmem:s0+$0x180] =	vst v13  }
0x82: {  	v14 =	vbroadcast v23, $0x2;
	v13 =	vbroadcast v23, $0x3;
	v48 =	vld [tilespmem:s29+$0xFFFFFEC0];
	[tilespmem:s0+$0x190] =	vst v3  }
0x83: {  	v11 =	vbroadcast v23, $0x5;
	v12 =	vbroadcast v23, $0x4;
	v49 =	vld [tilespmem:s29+$0xFFFFFED0];
	[tilespmem:s0+$0x1A0] =	vst v18  }
0x84: {  	v10 =	vbroadcast v23, $0x6;
	v9 =	vbroadcast v23, $0x7;
	v18 =	vld [tilespmem:s29+$0xFFFFFEE0];
	[tilespmem:s0+$0x1B0] =	vst v2  }
0x85: {  	v6 =	vbroadcast v23, $0x9;
	v8 =	vbroadcast v23, $0x8;
	v50 =	vld [tilespmem:s29+$0xFFFFFEF0];
	[tilespmem:s0+$0x1C0] =	vst v19  }
0x86: {  	v5 =	vbroadcast v23, $0xA;
	v4 =	vbroadcast v23, $0xB;
	v19 =	vld [tilespmem:s29+$0xFFFFFF00];
	[tilespmem:s0+$0x1D0] =	vst v1  }
0x87: {  	v3 =	vbroadcast v23, $0xC;
	v2 =	vbroadcast v23, $0xD;
	v51 =	vld [tilespmem:s29+$0xFFFFFF10];
	[tilespmem:s0+$0x1E0] =	vst v22;
	s0 =	smov.u32 s29  }
0x88: {  	v20 =	vmul.f32 v16, v20;
	v1 =	vbroadcast v23, $0xE;
	v22 =	vld [tilespmem:s29+$0xFFFFFF20]  }
0x89: {  	v16 =	vmul.f32 v21, v16;
	v21 =	vmul.f32 v25, v26;
	v23 =	vld [tilespmem:s29+$0xFFFFFF30]  }
0x8a: {  	v25 =	vmul.f32 v28, v29;
	[tilespmem:s29+$0xFFFFFE00] =	vst v20;
	v20 =	vmul.f32 v27, v26;
	v26 =	vld [tilespmem:s29+$0xFFFFFF40]  }
0x8b: {  	[tilespmem:s29+$0xFFFFFE10] =	vst v16;
	v16 =	vmul.f32 v17, v29;
	v17 =	vmul.f32 v32, v30;
	v27 =	vld [tilespmem:s29+$0xFFFFFF50]  }
0x8c: {  	v28 =	vmul.f32 v38, v31;
	[tilespmem:s29+$0xFFFFFE20] =	vst v21;
	v21 =	vmul.f32 v35, v30;
	v29 =	vld [tilespmem:s29+$0xFFFFFF60]  }
0x8d: {  	v30 =	vmul.f32 v44, v33;
	[tilespmem:s29+$0xFFFFFE30] =	vst v20;
	v20 =	vmul.f32 v41, v31;
	v31 =	vld [tilespmem:s29+$0xFFFFFF70]  }
0x8e: {  	v32 =	vmul.f32 v48, v34;
	[tilespmem:s29+$0xFFFFFE40] =	vst v25;
	v25 =	vmul.f32 v47, v33;
	v33 =	vld [tilespmem:s29+$0xFFFFFF80]  }
0x8f: {  	v18 =	vmul.f32 v18, v36;
	[tilespmem:s29+$0xFFFFFE50] =	vst v16;
	v16 =	vmul.f32 v49, v34;
	v34 =	vld [tilespmem:s29+$0xFFFFFF90]  }
0x90: {  	v19 =	vmul.f32 v19, v37;
	[tilespmem:s29+$0xFFFFFE60] =	vst v17;
	v17 =	vmul.f32 v50, v36;
	v35 =	vld [tilespmem:s29+$0xFFFFFFA0]  }
0x91: {  	v22 =	vmul.f32 v22, v39;
	[tilespmem:s29+$0xFFFFFE70] =	vst v21;
	v21 =	vmul.f32 v51, v37;
	v36 =	vld [tilespmem:s29+$0xFFFFFFB0]  }
0x92: {  	v23 =	vmul.f32 v23, v39;
	v26 =	vmul.f32 v26, v40;
	[tilespmem:s29+$0xFFFFFE80] =	vst v28;
	v28 =	vld [tilespmem:s29+$0xFFFFFFC0]  }
0x93: {  	[tilespmem:s29+$0xFFFFFE90] =	vst v20;
	v20 =	vmul.f32 v27, v40;
	v27 =	vmul.f32 v29, v42;
	v29 =	vld [tilespmem:s29+$0xFFFFFFD0]  }
0x94: {  	[tilespmem:s29+$0xFFFFFEA0] =	vst v30;
	v30 =	vmul.f32 v31, v42;
	v31 =	vmul.f32 v33, v43;
	v33 =	vld [tilespmem:s29+$0xFFFFFFE0]  }
0x95: {  	[tilespmem:s29+$0xFFFFFEB0] =	vst v25;
	v25 =	vmul.f32 v34, v43;
	v34 =	vmul.f32 v35, v45;
	v35 =	vld [tilespmem:s29+$0xFFFFFFF0]  }
0x96: {  	[tilespmem:s29+$0xFFFFFEC0] =	vst v32;
	v32 =	vmul.f32 v36, v45;
	v36 =	vld [tilespmem:s29+$0x0]  }
0x97: {  	[tilespmem:s29+$0xFFFFFED0] =	vst v16;
	v16 =	vmul.f32 v28, v46;
	v28 =	vld [tilespmem:s29+$0x10]  }
0x98: {  	[tilespmem:s29+$0xFFFFFEE0] =	vst v18;
	v18 =	vmul.f32 v29, v46;
	v29 =	vld [tilespmem:s29+$0x20]  }
0x99: {  	[tilespmem:s29+$0xFFFFFEF0] =	vst v17;
	v17 =	vmul.f32 v33, v24;
	v33 =	vld [tilespmem:s29+$0x30]  }
0x9a: {  	[tilespmem:s29+$0xFFFFFF00] =	vst v19;
	v19 =	vmul.f32 v35, v24;
	v24 =	vld [tilespmem:s29+$0x40]  }
0x9b: {  	[tilespmem:s29+$0xFFFFFF10] =	vst v21;
	v21 =	vmul.f32 v7, v36;
	v35 =	vld [tilespmem:s29+$0x50]  }
0x9c: {  	[tilespmem:s29+$0xFFFFFF20] =	vst v22;
	v22 =	vmul.f32 v28, v7;
	v7 =	vld [tilespmem:s29+$0x60]  }
0x9d: {  	[tilespmem:s29+$0xFFFFFF30] =	vst v23;
	v23 =	vmul.f32 v29, v15;
	v28 =	vld [tilespmem:s29+$0x70]  }
0x9e: {  	[tilespmem:s29+$0xFFFFFF40] =	vst v26;
	v26 =	vmul.f32 v33, v15;
	v15 =	vld [tilespmem:s29+$0x80]  }
0x9f: {  	[tilespmem:s29+$0xFFFFFF50] =	vst v20;
	v20 =	vmul.f32 v24, v14;
	v24 =	vld [tilespmem:s29+$0x90]  }
0xa0: {  	[tilespmem:s29+$0xFFFFFF60] =	vst v27;
	v27 =	vmul.f32 v35, v14;
	v14 =	vld [tilespmem:s29+$0xA0]  }
0xa1: {  	[tilespmem:s29+$0xFFFFFF70] =	vst v30;
	v29 =	vmul.f32 v7, v13;
	v7 =	vld [tilespmem:s29+$0xB0]  }
0xa2: {  	[tilespmem:s29+$0xFFFFFF80] =	vst v31;
	v13 =	vmul.f32 v28, v13;
	v28 =	vld [tilespmem:s29+$0xC0]  }
0xa3: {  	[tilespmem:s29+$0xFFFFFF90] =	vst v25;
	v25 =	vmul.f32 v15, v12;
	v15 =	vld [tilespmem:s29+$0xD0]  }
0xa4: {  	[tilespmem:s29+$0xFFFFFFA0] =	vst v34;
	v24 =	vmul.f32 v24, v12;
	v12 =	vld [tilespmem:s29+$0xE0]  }
0xa5: {  	[tilespmem:s29+$0xFFFFFFB0] =	vst v32;
	v30 =	vmul.f32 v14, v11;
	v31 =	vld [tilespmem:s29+$0xF0]  }
0xa6: {  	[tilespmem:s29+$0xFFFFFFC0] =	vst v16;
	v7 =	vmul.f32 v7, v11;
	v16 =	vld [tilespmem:s29+$0x100]  }
0xa7: {  	[tilespmem:s29+$0xFFFFFFD0] =	vst v18;
	v11 =	vmul.f32 v28, v10;
	v18 =	vld [tilespmem:s29+$0x110]  }
0xa8: {  	[tilespmem:s29+$0xFFFFFFE0] =	vst v17;
	v10 =	vmul.f32 v15, v10;
	v17 =	vld [tilespmem:s29+$0x120]  }
0xa9: {  	[tilespmem:s29+$0xFFFFFFF0] =	vst v19;
	v14 =	vmul.f32 v12, v9;
	v12 =	vld [tilespmem:s29+$0x130]  }
0xaa: {  	[tilespmem:s29+$0x0] =	vst v21;
	v15 =	vmul.f32 v31, v9;
	v19 =	vld [tilespmem:s29+$0x140]  }
0xab: {  	[tilespmem:s29+$0x10] =	vst v22;
	v16 =	vmul.f32 v16, v8;
	v21 =	vld [tilespmem:s29+$0x150]  }
0xac: {  	[tilespmem:s29+$0x20] =	vst v23;
	v9 =	vmul.f32 v18, v8;
	v8 =	vld [tilespmem:s29+$0x160]  }
0xad: {  	[tilespmem:s29+$0x30] =	vst v26;
	v17 =	vmul.f32 v17, v6;
	v22 =	vld [tilespmem:s29+$0x170]  }
0xae: {  	[tilespmem:s29+$0x40] =	vst v20;
	v12 =	vmul.f32 v12, v6;
	v23 =	vld [tilespmem:s29+$0x180]  }
0xaf: {  	[tilespmem:s29+$0x50] =	vst v27;
	v6 =	vmul.f32 v19, v5;
	v26 =	vld [tilespmem:s29+$0x190]  }
.Ltmp0:
0xb0: {  	[tilespmem:s29+$0x60] =	vst v29;
	v5 =	vmul.f32 v21, v5;
	v18 =	vld [tilespmem:s29+$0x1A0];
	(pc) =	sbr.rel @p2 .LBB2_3-.Ltmp0, $4  }
0xb1: {  	[tilespmem:s29+$0x70] =	vst v13;
	v8 =	vmul.f32 v8, v4;
	v19 =	vld [tilespmem:s29+$0x1B0]  }
0xb2: {  	[tilespmem:s29+$0x80] =	vst v25;
	v4 =	vmul.f32 v22, v4;
	v20 =	vld [tilespmem:s29+$0x1C0]  }
0xb3: {  	[tilespmem:s29+$0x90] =	vst v24;
	v13 =	vmul.f32 v23, v3;
	v21 =	vld [tilespmem:s29+$0x1D0]  }
0xb4: {  	s19 =	sadd.s32 $0x20, s19;
	[tilespmem:s29+$0xA0] =	vst v30;
	v3 =	vmul.f32 v26, v3;
	v22 =	vld [tilespmem:s29+$0x1E0]  }
0xb5: {  	[tilespmem:s29+$0xB0] =	vst v7  }
0xb6: {  	[tilespmem:s0+$0xC0] =	vst v11  }
0xb7: {  	[tilespmem:s0+$0xD0] =	vst v10  }
0xb8: {  	[tilespmem:s0+$0xE0] =	vst v14  }
0xb9: {  	[tilespmem:s0+$0xF0] =	vst v15  }
0xba: {  	[tilespmem:s0+$0x100] =	vst v16  }
0xbb: {  	[tilespmem:s0+$0x110] =	vst v9  }
0xbc: {  	[tilespmem:s0+$0x120] =	vst v17  }
0xbd: {  	[tilespmem:s0+$0x130] =	vst v12  }
0xbe: {  	[tilespmem:s0+$0x140] =	vst v6  }
0xbf: {  	[tilespmem:s0+$0x150] =	vst v5  }
0xc0: {  	[tilespmem:s0+$0x160] =	vst v8  }
0xc1: {  	[tilespmem:s0+$0x170] =	vst v4  }
0xc2: {  	v60 =	vmul.f32 v18, v2;
	[tilespmem:s0+$0x180] =	vst v13  }
0xc3: {  	v61 =	vmul.f32 v19, v2;
	[tilespmem:s0+$0x190] =	vst v3  }
0xc4: {  	p2 =	sne.s32 s28, $0x30E;
	v62 =	vmul.f32 v20, v1;
	[tilespmem:s0+$0x1A0] =	vst v60  }
.Ltmp1:
0xc5: {  	v63 =	vmul.f32 v21, v1;
	[tilespmem:s0+$0x1B0] =	vst v61;
	(pc) =	sbr.rel @p2 .LBB2_2-.Ltmp1, $4  }
0xc6: {  	v0 =	vmul.f32 v22, v0;
	[tilespmem:s0+$0x1C0] =	vst v62  }
0xc7: {  	[tilespmem:s0+$0x1D0] =	vst v63  }
0xc8: {  	s26 =	sadd.s32 $0x800, s26;
	s25 =	sadd.s32 $0x1, s25;
	p1 =	por !p1, !p1;
	[tilespmem:s0+$0x1E0] =	vst v0  }
0xc9: {  	[spmem:s1] =	stream.indirect.scatter.add.f32 [tilespmem:s31], [sflag:$0x3], $0x20, s30, s16, $0xb8;
	[tilespmem:$0x1AD00] =	vst v63  }
0xca: {  	_ =	swait.ge [sflag:s23], $0x1000  }
0xcb: {  	[sflag:s23] =	ssyncset.done $0x0  }
0xcc: {  	[sflag:s23] =	ssyncadd.s32 $0xFFFFF000  }
0xcd: {  	_ =	swait.ge [sflag:s23], $0x1000  }
0xce: {  	[sflag:s23] =	ssyncset.done $0x0  }
0xcf: {  	[sflag:s23] =	ssyncadd.s32 $0xFFFFF000  }
0xd0: {  	s0 =	sshrl.u32 @p0 s8, $0x3;
	[bflag:$0x0] =	sbarrier.arrive $0xFFFF  }
0xd1: {  	[hbm:s13], [sflag:s10] =	dma.local @p0 [spmem:s0], $0x3020  }
0xd2: {  	s0 =	simm.s32 @p0 $0x4  }
0xd3: {  	_ =	swait.ge @p0 [sflag:s0], $0x3020  }
0xd4: {  	s24 =	sadd.s32 $0x1, s24;
	[sflag:s0] =	ssyncset.done @p0 $0x0  }
0xd5: {  	p1 =	sne.s32 s24, s15;
	[sflag:s0] =	ssyncadd.s32 @p0 $0xFFFFCFE0;
	s0 =	sshrl.u32 @!p0 s8, $0x3  }
0xd6: {  	[hbm:s12], [sflag:s10] =	dma.local @!p0 [spmem:s0], $0x30E0  }
.Ltmp2:
0xd7: {  	_ = 	snop;
	(pc) =	sbr.rel @p1 .LBB2_1-.Ltmp2, $4  }
0xd8: {  	s0 =	simm.s32 @!p0 $0x4  }
0xd9: {  	_ =	swait.ge @!p0 [sflag:s0], $0x30E0  }
0xda: {  	[sflag:s0] =	ssyncset.done @!p0 $0x0  }
0xdb: {  	[sflag:s0] =	ssyncadd.s32 @!p0 $0xFFFFCF20  }
0xdc: {  	_ =	sfence.sel $0x180000  }
0xdd: {  	[bflag:$0x0] =	sbarrier.arrive $0xFFFF  }
0xde: {  	_ =	strace $0x9000004D  }
0xdf: {  	s0 =	stileid.u32;
	[bflag:$0x2] =	sbarrier.arrive $0xFFFF  }
0xe0: {  	p0 =	sne.s32 s0, $0x0;
	s0 =	rddreg [dreg:$0x2]  }
0xe1: {  	s0 =	sadd.s32 @!p0 $0x100000, s0  }
0xe2: {  	[sflag:s0] =	ssyncadd.tile.s32 @!p0 $0x1;
	_ =	shalt  }
.Lfunc_end2:
_tile_overlayer_lowered:
.L_overlay_start_2:
0xe3: {  	(tag) =	ssettag $0x2  }
0xe4: {  	s0 =	rddreg [dreg:$0x0];
	s2 =	stileid.u32  }
0xe5: {  	s1 =	rddreg [dreg:$0x1];
	p0 =	sne.s32 s2, $0x0  }
0xe6: {  	s3 =	rddreg [dreg:$0x2];
	[bflag:$0x3] =	sbarrier.arrive $0xFFFF;
	s2 =	simm.s32 @!p0 $0x1C04  }
0xe7: {  	[timem:s3], [sflag:s2] =	dma.local @!p0 [hbm:s0], s1  }
0xe8: {  	s0 =	simm.s32 @!p0 $0x4  }
0xe9: {  	_ =	swait.ge @!p0 [sflag:s0], s1  }
0xea: {  	s1 =	ssub.s32 @!p0 $0x0, s1;
	[sflag:s0] =	ssyncset.done @!p0 $0x0  }
0xeb: {  	[sflag:s0] =	ssyncadd.s32 @!p0 s1  }
0xec: {  	[bflag:$0x3] =	sbarrier.arrive $0xFFFF  }
0xed: {  	_ =	shalt  }

// kernel: kernel.8.cloned.1.call-start
scs
__scs_entry_jumppad:
0x0: {  	(pc) =	sbr.rel $0x88, $3  }
0x1: {  	(tag) =	ssettag $0x0;
	lr =	simm.s32 $0x1  }
0x2: {  	[smem:$0x3F8D] =	sst lr;
	_ =	strace $0xD0000000  }
0x3: {  	_ = 	snop  }
0x4: {  	_ = 	snop  }
0x5: {  	_ = 	snop  }
0x6: {  	_ = 	snop  }
0x7: {  	_ = 	snop  }
__scs_overlays_trampoline_lowered:
0x8: {  	[smem:$0x3F9C] =	sst s0  }
0x9: {  	[smem:$0x3F9D] =	sst s1  }
0xa: {  	[smem:$0x3F9E] =	sst s2  }
0xb: {  	[smem:$0x3F9F] =	sst s3  }
0xc: {  	[smem:$0x3FA0] =	sst s4  }
0xd: {  	[smem:$0x3FA1] =	sst s5  }
0xe: {  	[smem:$0x3FA2] =	sst s6  }
0xf: {  	[smem:$0x3FA3] =	sst s7  }
0x10: {  	[smem:$0x3FA4] =	sst s8  }
0x11: {  	[smem:$0x3FA5] =	sst s9;
	s0 =	simm.s32 @!p0 $0x0  }
0x12: {  	s1 =	sld [smem:$0x3F8B];
	s0 =	simm.s32 @p0 $0x1  }
0x13: {  	[smem:$0x3FA6] =	sst s0;
	s0 =	simm.s32 @!p1 $0x0  }
0x14: {  	s2 =	sld [smem:$0x3F8A];
	s0 =	simm.s32 @p1 $0x1  }
0x15: {  	[smem:$0x3FA7] =	sst s0;
	s0 =	simm.s32 @!p2 $0x0  }
0x16: {  	s3 =	sld [smem:$0x3FDB];
	s0 =	simm.s32 @p2 $0x1  }
0x17: {  	s4 =	simm.s32 $0x1BF5;
	[smem:$0x3FA9] =	sst s0  }
0x18: {  	s0 =	sld [smem:$0x3F8C];
	_ =	swait.ge [sflag:s4], $0x0  }
0x19: {  	s7 =	sld [smem:$0x3F8D]  }
0x1a: {  	s8 =	sadd.s32 $0xFFFFE003, lr  }
0x1b: {  	s9 =	sadd.s32 $0xFFFFFEF7, lr;
	s5 =	simm.s32 $0xFFFFFFFF;
	p2 =	slt.u32 s8, $0xFFFFF086  }
0x1c: {  	p1 =	slt.u32 s9, $0xF7A;
	s5 =	simm.s32 @!p2 $0x0  }
0x1d: {  	s5 =	simm.s32 @p1 $0x1;
	p0 =	seq.s32 s7, s2  }
0x1e: {  	s7 =	smul.u32 @!p0 $0xF7A, s2;
	p2 =	seq.s32 @!p0 s5, $0x0  }
0x1f: {  	s9 =	smul.u32 $0xF7A, s1;
	s8 =	simm.s32 @!p0 $0x1BF5;
	p2 =	por !p2, p0  }
0x20: {  	[sflag:s8] =	ssyncset.s32 @!p0 $0xFFFFF086;
	s6 =	sadd.s32 @!p0 s3, s7;
	s7 =	simm.s32 @!p0 $0x108  }
0x21: {  	s3 =	sadd.s32 s3, s9;
	s6 =	sadd.s32 @!p0 $0x88, s6;
	s7 =	simm.s32 @p2 $0x1082  }
0x22: {  	[simem:s7], [sflag:s8] =	dma.local @!p0 [hbm:s6], $0xF7A  }
0x23: {  	s9 =	sor.u32 $0xD0000000, s2;
	s6 =	simm.s32 $0x108;
	_ =	swait.ge @!p0 [sflag:s8], $0x0  }
0x24: {  	s3 =	sadd.s32 $0x88, s3;
	s6 =	simm.s32 @!p1 $0x1082;
	[sflag:s4] =	ssyncset.s32 $0xFFFFF086  }
0x25: {  	[simem:s6], [sflag:s4] =	dma.local [hbm:s3], $0xF7A  }
0x26: {  	[smem:$0x3F8D] =	sst s1;
	(tag) =	ssettag s2;
	_ =	strace s9  }
0x27: {  	s1 =	sld [smem:$0x3F9D]  }
0x28: {  	s2 =	sld [smem:$0x3F9E]  }
0x29: {  	s4 =	sld [smem:$0x3FA0]  }
0x2a: {  	p0 =	seq.s32 s5, $0x0;
	s5 =	sld [smem:$0x3FA1]  }
0x2b: {  	s6 =	sld [smem:$0x3FA2]  }
0x2c: {  	s7 =	sld [smem:$0x3FA3]  }
0x2d: {  	s3 =	simm.s32 $0x108;
	s8 =	sld [smem:$0x3FA4]  }
0x2e: {  	s3 =	simm.s32 @!p0 $0x1082;
	s9 =	sld [smem:$0x3FA5]  }
0x2f: {  	lr =	sadd.s32 s0, s3;
	s0 =	sld [smem:$0x3F9C]  }
0x30: {  	s3 =	sld [smem:$0x3F9F]  }
0x31: {  	[smem:$0x3FA8] =	sst s10  }
0x32: {  	s10 =	sld [smem:$0x3FA6];
	_ =	sdelay $0x3  }
0x33: {  	p0 =	seq.s32 s10, $0x1;
	s10 =	sld [smem:$0x3FA8];
	_ =	sdelay $0x3  }
0x34: {  	[smem:$0x3FA8] =	sst s10  }
0x35: {  	s10 =	sld [smem:$0x3FA7];
	_ =	sdelay $0x3  }
0x36: {  	p1 =	seq.s32 s10, $0x1;
	s10 =	sld [smem:$0x3FA8];
	_ =	sdelay $0x3  }
0x37: {  	[smem:$0x3FA8] =	sst s10  }
0x38: {  	s10 =	sld [smem:$0x3FA9]  }
0x39: {  	_ = 	snop;
	(pc) =	sbr.ind lr, $3  }
0x3a: {  	_ = 	snop  }
0x3b: {  	_ = 	snop  }
0x3c: {  	p2 =	seq.s32 s10, $0x1;
	s10 =	sld [smem:$0x3FA8]  }
0x3d: {  	_ =	shalt  }
0x3e: {  	_ =	shalt  }
0x3f: {  	_ =	shalt  }
0x40: {  	_ =	shalt  }
0x41: {  	_ =	shalt  }
0x42: {  	_ =	shalt  }
0x43: {  	_ =	shalt  }
0x44: {  	_ =	shalt  }
0x45: {  	_ =	shalt  }
0x46: {  	_ =	shalt  }
0x47: {  	_ =	shalt  }
0x48: {  	_ =	shalt  }
0x49: {  	_ =	shalt  }
0x4a: {  	_ =	shalt  }
0x4b: {  	_ =	shalt  }
0x4c: {  	_ =	shalt  }
0x4d: {  	_ =	shalt  }
0x4e: {  	_ =	shalt  }
0x4f: {  	_ =	shalt  }
0x50: {  	_ =	shalt  }
0x51: {  	_ =	shalt  }
0x52: {  	_ =	shalt  }
0x53: {  	_ =	shalt  }
0x54: {  	_ =	shalt  }
0x55: {  	_ =	shalt  }
0x56: {  	_ =	shalt  }
0x57: {  	_ =	shalt  }
0x58: {  	_ =	shalt  }
0x59: {  	_ =	shalt  }
0x5a: {  	_ =	shalt  }
0x5b: {  	_ =	shalt  }
0x5c: {  	_ =	shalt  }
0x5d: {  	_ =	shalt  }
0x5e: {  	_ =	shalt  }
0x5f: {  	_ =	shalt  }
0x60: {  	_ =	shalt  }
0x61: {  	_ =	shalt  }
0x62: {  	_ =	shalt  }
0x63: {  	_ =	shalt  }
0x64: {  	_ =	shalt  }
0x65: {  	_ =	shalt  }
0x66: {  	_ =	shalt  }
0x67: {  	_ =	shalt  }
0x68: {  	_ =	shalt  }
0x69: {  	_ =	shalt  }
0x6a: {  	_ =	shalt  }
0x6b: {  	_ =	shalt  }
0x6c: {  	_ =	shalt  }
0x6d: {  	_ =	shalt  }
0x6e: {  	_ =	shalt  }
0x6f: {  	_ =	shalt  }
0x70: {  	_ =	shalt  }
0x71: {  	_ =	shalt  }
0x72: {  	_ =	shalt  }
0x73: {  	_ =	shalt  }
0x74: {  	_ =	shalt  }
0x75: {  	_ =	shalt  }
0x76: {  	_ =	shalt  }
0x77: {  	_ =	shalt  }
0x78: {  	_ =	shalt  }
0x79: {  	_ =	shalt  }
0x7a: {  	_ =	shalt  }
0x7b: {  	_ =	shalt  }
0x7c: {  	_ =	shalt  }
0x7d: {  	_ =	shalt  }
0x7e: {  	_ =	shalt  }
0x7f: {  	_ =	shalt  }
0x80: {  	_ =	shalt  }
0x81: {  	_ =	shalt  }
0x82: {  	_ =	shalt  }
0x83: {  	_ =	shalt  }
0x84: {  	_ =	shalt  }
0x85: {  	_ =	shalt  }
0x86: {  	_ =	shalt  }
0x87: {  	_ =	shalt  }
.Lfunc_end0:
.L_simem_size_0:
called_computation_lowered:
.L_overlay_start_0:
0x88: {  	s2 =	sld [smem:$0x3FD9]  }
0x89: {  	s3 =	sld [smem:$0x3FFE];
	_ =	sdelay $0x1  }
0x8a: {  	s1 =	srdreg.scid  }
0x8b: {  	s0 =	sand.u32 $0x1, s1  }
0x8c: {  	s17 =	sshll.u32 s0, $0xA;
	s2 =	sadd.s32 s3, s2  }
0x8d: {  	s2 =	sadd.s32 s2, s17  }
0x8e: {  	[smem:$0x3FB4] =	sst s2  }
0x8f: {  	_ = 	snop  }
0x90: {  	s18 =	sld [smem:$0x3FD0];
	(tm) =	ssettm $0x1  }
0x91: {  	s19 =	sld [smem:$0x3FFB];
	_ =	sdelay $0x3  }
0x92: {  	_ =	strace s19  }
0x93: {  	s2 =	sld [smem:$0x3FFC];
	_ =	sdelay $0x3  }
0x94: {  	_ =	strace s2  }
0x95: {  	s2 =	sld [smem:$0x3FFD];
	_ =	sdelay $0x3  }
0x96: {  	_ =	strace s2  }
0x97: {  	_ =	strace $0x8FFFFFFF  }
0x98: {  	s20 =	sld [smem:$0x3FDB];
	_ =	sdelay $0x1  }
0x99: {  	s4 =	simm.s32 $_scs_section_size  }
0x9a: {  	s5 =	simm.s32 $_size__tile_overlayer_lowered;
	s6 =	simm.s32 $_tile_overlayer_lowered  }
0x9b: {  	s7 =	simm.s32 $0x1BFF;
	s21 =	sshll.u32 s6, $0x1;
	s4 =	sadd.s32 s4, s20  }
0x9c: {  	s22 =	simm.s32 $0x0;
	s5 =	sshll.u32 s5, $0x1;
	s6 =	sadd.s32 s21, s4  }
0x9d: {  	[timem:s22], [sflag:s7] =	dma.local [hbm:s6], s5  }
0x9e: {  	_ =	swait.ge [sflag:s7], s5  }
0x9f: {  	s5 =	ssub.s32 $0x0, s5;
	[sflag:s7] =	ssyncset.done $0x0  }
0xa0: {  	[sflag:s7] =	ssyncadd.s32 s5;
	_ =	sdelay $0x1  }
0xa1: {  	s23 =	simm.s32 $0x1B8B  }
0xa2: {  	_ =	swait.ge [sflag:s23], $0x1  }
0xa3: {  	[sflag:s23] =	ssyncset.done $0x0  }
0xa4: {  	[sflag:s23] =	ssyncadd.s32 $0xFFFFFFFF  }
0xa5: {  	s5 =	sld [smem:$0x0]  }
0xa6: {  	s6 =	sand.u32 $0xFFFFFFFE, s1  }
0xa7: {  	p0 =	sne.s32 s1, s6  }
0xa8: {  	s6 =	sshll.u32 @p0 s6, $0xE  }
0xa9: {  	s6 =	sadd.s32 @p0 $0x11B8D, s6;
	s7 =	sshll.u32 @p0 s5, $0x11  }
0xaa: {  	s6 =	sor.u32 @p0 s7, s6  }
0xab: {  	[sflag:s6] =	ssyncadd.remote.s32 @p0 $0x1;
	_ =	sdelay $0x1  }
0xac: {  	s6 =	simm.s32 @p0 $0x1B8D  }
0xad: {  	_ =	swait.eq @p0 [sflag:s6], $0x1  }
0xae: {  	[sflag:s6] =	ssyncadd.s32 @p0 $0xFFFFFFFF  }
0xaf: {  	s7 =	sshll.u32 @!p0 s1, $0xE  }
0xb0: {  	s7 =	sor.u32 @!p0 $0x4000, s7;
	s6 =	simm.s32 @!p0 $0x1B8D  }
0xb1: {  	s5 =	sshll.u32 @!p0 s5, $0x11;
	s7 =	sadd.s32 @!p0 $0x11B8D, s7;
	_ =	swait.eq @!p0 [sflag:s6], $0x1  }
0xb2: {  	s5 =	sor.u32 @!p0 s5, s7;
	[sflag:s6] =	ssyncadd.s32 @!p0 $0xFFFFFFFF  }
0xb3: {  	s25 =	simm.s32 $0x1B8E;
	s24 =	sld [smem:$0x3FFE];
	[sflag:s5] =	ssyncadd.remote.s32 @!p0 $0x1  }
0xb4: {  	s26 =	simm.s32 $execute0_lowered;
	[smem:$0x3FD2] =	sst s25  }
0xb5: {  	s6 =	sshll.u32 s26, $0x1;
	_ =	strace $0x80000049;
	[dreg:$0x1] =	wrdreg $0xFFFFFFFF  }
0xb6: {  	s28 =	simm.s32 $_size_execute0_lowered;
	s4 =	sadd.s32 s4, s6;
	[dreg:$0x0] =	wrdreg $0x0  }
0xb7: {  	s6 =	sshll.u32 s28, $0x1;
	[dreg:$0x2] =	wrdreg s4  }
0xb8: {  	[dreg:$0x3] =	wrdreg s6  }
0xb9: {  	[dreg:$0x4] =	wrdreg $0xC0  }
0xba: {  	_ =	task [dreg:s22], $0x5FFFF  }
0xbb: {  	[dreg:$0x1] =	wrdreg $0xFFFFFFFF  }
0xbc: {  	[dreg:$0x0] =	wrdreg $0x60  }
0xbd: {  	[dreg:$0x2] =	wrdreg s18  }
0xbe: {  	[dreg:$0x3] =	wrdreg s24  }
0xbf: {  	[dreg:$0x4] =	wrdreg $0x26000  }
0xc0: {  	[dreg:$0x5] =	wrdreg $0x9  }
0xc1: {  	_ =	task.clear_ibuf [dreg:s22], $0x6FFFF;
	_ =	strace $0x90000049  }
0xc2: {  	s29 =	simm.s32 $0x9;
	_ =	strace $0x8000004B  }
0xc3: {  	_ =	swait.ge [sflag:s29], $0x1  }
0xc4: {  	[sflag:s29] =	ssyncadd.s32 $0xFFFFFFFF  }
0xc5: {  	_ =	strace $0x9000004B  }
0xc6: {  	_ =	sfence  }
0xc7: {  	s30 =	sld [smem:$0x0];
	_ =	sdelay $0x2  }
0xc8: {  	s31 =	sshll.u32 s1, $0xD;
	s1 =	sshrl.u32 s1, $0x2  }
0xc9: {  	s4 =	sand.u32 $0x4000, s31;
	s1 =	sadd.s32 s1, s30  }
0xca: {  	s0 =	sor.u32 s4, s0;
	s1 =	sshll.u32 s1, $0x11  }
0xcb: {  	s0 =	sor.u32 s1, s0  }
0xcc: {  	s0 =	sadd.s32 $0x8F2B, s0  }
0xcd: {  	[sflag:s0] =	ssyncadd.remote.s32 $0x1  }
0xce: {  	_ =	sfence.sel $0xFFFF  }
0xcf: {  	[dreg:$0x0] =	wrdreg $0xFFFFFFFF;
	(pc) =	sbr.abs _section_cstart, $3  }
0xd0: {  	[dreg:$0x1] =	wrdreg $0xFFFFFFFF  }
0xd1: {  	_ =	task.clear_ibuf [dreg:s22], $0x2FFFF;
	_ =	strace $0x9FFFFFFF  }
0xd2: {  	(tm) =	ssettm $0x7FFFFFFF  }
0xd3: {  	_ =	shalt  }
tec
execute0_lowered:
.L_overlay_start_1:
0x0: {  	(tag) =	ssettag $0x1  }
0x1: {  	s1 =	rddreg [dreg:$0x0]  }
0x2: {  	s0 =	rddreg [dreg:$0x1]  }
0x3: {  	s3 =	rddreg [dreg:$0x2];
	s23 =	stileid.u32  }
0x4: {  	s2 =	simm.s32 $0x0;
	s22 =	srdreg.scid;
	s5 =	smul.u32 $0x187, s23  }
0x5: {  	s18 =	simm.s32 $0x80;
	s20 =	simm.s32 $0x80;
	s4 =	smul.u32 $0xC38, s23  }
0x6: {  	s28 =	simm.s32 $0x3;
	s29 =	simm.s32 $0x0;
	s8 =	smul.u32 $0x61C00, s23  }
0x7: {  	[smem:$0x7FF] =	sst s2;
	s6 =	sadd.s32 $0x433A00, s0;
	s10 =	smul.u32 $0x61C0, s23  }
0x8: {  	s2 =	sand.u32 $0x1, s22;
	s7 =	sadd.s32 $0x24F000, s0;
	s11 =	smul.u32 $0x30E00, s23  }
0x9: {  	s0 =	sadd.s32 $0x252200, s0;
	s25 =	sshll.u32 s23, $0x6;
	s12 =	smul.u32 $0x186A0, s2  }
0xa: {  	s22 =	simm.s32 $0x4;
	_ =	strace $0x8000004A;
	s13 =	smul.u32 $0xC350, s2  }
0xb: {  	[dreg:$0x4] =	wrdreg s7;
	s24 =	ssub.s32 $0x2, s2;
	s14 =	smul.u32 $0x30D400, s2  }
0xc: {  	p0 =	seq.s32 s2, $0x0;
	s2 =	smul.u32 $0x186A00, s2;
	s9 =	sshrl.u32 s24, $0x1  }
0xd: {  	s8 =	sshrl.u32 s8, $0x2;
	s10 =	sadd.s32 s1, s10;
	s26 =	sshrl.u32 s11, $0x3  }
0xe: {  	s18 =	simm.s32 @!p0 $0x100;
	p0 =	seq.s32 s23, $0xF;
	s7 =	ssub.s32 s24, s9  }
0xf: {  	s8 =	sadd.s32 s8, s3;
	s9 =	sor.u32 $0x1C04, s25;
	[dreg:$0x5] =	wrdreg s10  }
0x10: {  	s10 =	sadd.s32 s1, s26;
	s12 =	sadd.s32 s4, s12;
	s4 =	sadd.s32 s4, s13  }
0x11: {  	s31 =	sshrl.u32 s14, $0x3;
	s2 =	sshrl.u32 s2, $0x3;
	s24 =	simm.s32 $0x1  }
0x12: {  	s26 =	simm.s32 $0x2;
	s10 =	sadd.s32 $0x40, s10;
	s30 =	sshll.u32 s12, $0x2  }
0x13: {  	s4 =	sshll.u32 s4, $0x2;
	s2 =	sadd.s32 s6, s2;
	s19 =	smax.u32 s7, $0x1  }
0x14: {  	s21 =	sshrl.u32 s8, $0x3;
	[dreg:$0x6] =	wrdreg s10;
	s12 =	sadd.s32 s0, s30  }
0x15: {  	s0 =	sadd.s32 s0, s31;
	s14 =	sadd.s32 s6, s4;
	s17 =	sadd.s32 $0x2DD20, s2  }
0x16: {  	s13 =	sadd.s32 $0x30D40, s12;
	s15 =	sadd.s32 $0x2DD20, s0;
	s16 =	sadd.s32 $0x5EA60, s0  }
.LBB2_1:
0x17: {  	s0 =	rddreg [dreg:$0x4]  }
0x18: {  	[spmem:s21], [sflag:s9] =	dma.local [hbm:s0], $0x30E0  }
0x19: {  	_ =	swait.ge [sflag:s22], $0x30E0  }
0x1a: {  	[sflag:s22] =	ssyncset.done $0x0  }
0x1b: {  	[sflag:s22] =	ssyncadd.s32 $0xFFFFCF20  }
0x1c: {  	[bflag:$0x0] =	sbarrier.arrive $0xFFFF  }
0x1d: {  	s11 =	simm.s32 $0x0;
	s2 =	rddreg [dreg:$0x5]  }
0x1e: {  	[tilespmem:s11], [sflag:$0x1] =	stream.linear.gather [hbm4b:s2+s11], $0x200, $0x38;
	[tilespmem:$0x1AD00] =	vst v63  }
0x1f: {  	s4 =	simm.s32 $0x200;
	s23 =	rddreg [dreg:$0x6]  }
0x20: {  	[tilespmem:s4], [sflag:$0x1] =	stream.linear.gather [hbm4b:s23+s11], $0x200, $0x38;
	[tilespmem:$0x1AD00] =	vst v63  }
0x21: {  	s25 =	simm.s32 $0x600;
	_ =	swait.ge [sflag:s24], $0x200  }
0x22: {  	p1 =	por $0x0, $0x0;
	s30 =	simm.s32 $0x0;
	[sflag:s24] =	ssyncset.done $0x0  }
0x23: {  	s31 =	simm.s32 $0x0;
	s0 =	simm.s32 $0x0;
	[sflag:s24] =	ssyncadd.s32 $0xFFFFFE00  }
0x24: {  	[tilespmem:s25], [sflag:$0x2] =	stream.indirect.gather [hbm4b:s6+s20], $0x20, s18, s20, $0xb8;
	[tilespmem:$0x1AD00] =	vst v63  }
.LBB2_2:
0x25: {  	p2 =	seq.s32 s0, $0x186  }
0x26: {  	s4 =	smov.u32 s0;
	s2 =	sand.u32 $0xFFFF, s30;
	s7 =	simm.s32 @!p2 $0x1  }
0x27: {  	s0 =	sadd.s32 $0x1, s0;
	p3 =	seq.s32 @!p2 s4, $0x0;
	_ =	swait.ge @!p2 [sflag:s7], $0x200  }
0x28: {  	s10 =	smul.u32 @!p2 $0xAAAB, s0;
	p4 =	por p3, p2;
	[sflag:s7] =	ssyncset.done @!p2 $0x0  }
0x29: {  	s2 =	smul.u32 $0xAAAB, s2;
	[sflag:s7] =	ssyncadd.s32 @!p2 $0xFFFFFE00;
	s7 =	simm.s32 @!p4 $0x3  }
0x2a: {  	p3 =	sgt.u32 @!p2 s4, $0x184;
	s10 =	sshrl.u32 @!p2 s10, $0x11;
	_ =	swait.ge @!p4 [sflag:s7], $0x1000  }
0x2b: {  	p3 =	por p3, p2;
	s10 =	smul.u32 @!p2 $0x3, s10;
	[sflag:s7] =	ssyncset.done @!p4 $0x0  }
0x2c: {  	s23 =	sshll.u32 @!p2 s0, $0xC;
	[sflag:s7] =	ssyncadd.s32 @!p4 $0xFFFFF000;
	s7 =	sadd.s32 @!p3 $0x2, s4  }
0x2d: {  	s11 =	simm.s32 @!p2 $0x80;
	s10 =	ssub.s32 @!p2 s0, s10;
	s25 =	smul.u32 @!p3 $0xAAAB, s7  }
0x2e: {  	s23 =	sand.u32 @!p2 $0x1000, s23;
	s2 =	sshrl.u32 s2, $0x11;
	s10 =	sshll.u32 @!p2 s10, $0x9  }
0x2f: {  	s2 =	smul.u32 $0x1800, s2;
	s10 =	sand.u32 @!p2 $0x3E00, s10;
	s25 =	sshrl.u32 @!p3 s25, $0x11  }
0x30: {  	s23 =	sor.u32 @!p2 $0x600, s23;
	s10 =	sor.u32 @!p2 s10, s18;
	s25 =	smul.u32 @!p3 $0x3, s25  }
0x31: {  	[tilespmem:s23], [sflag:$0x2] =	stream.indirect.gather @!p2 [hbm4b:s6+s11], $0x20, s10, s11, $0xb8;
	[tilespmem:$0x1AD00] =	vst v63  }
0x32: {  	s10 =	ssub.s32 @!p3 s7, s25;
	s7 =	sadd.s32 @!p3 s5, s7  }
0x33: {  	s2 =	ssub.s32 s31, s2;
	s10 =	sshll.u32 @!p3 s10, $0x9;
	s7 =	sshll.u32 @!p3 s7, $0x6  }
0x34: {  	s11 =	simm.s32 @!p3 $0x0;
	s10 =	sand.u32 @!p3 $0x3E00, s10;
	s7 =	sadd.s32 @!p3 s1, s7  }
0x35: {  	[tilespmem:s10], [sflag:$0x1] =	stream.linear.gather @!p3 [hbm4b:s7+s11], $0x200, $0x38;
	[tilespmem:$0x1AD00] =	vst v63  }
0x36: {  	s2 =	sand.u32 $0xFFFC, s2;
	s7 =	simm.s32 $0x1;
	_ =	swait.ge [sflag:s26], $0x1000  }
0x37: {  	s2 =	sshrl.u32 s2, $0x2;
	s7 =	simm.s32 @!p1 $0x0;
	[sflag:s26] =	ssyncset.done $0x0  }
0x38: {  	s11 =	sadd.s32 $0x190, s2;
	s23 =	sshll.u32 s7, $0xC;
	[sflag:s26] =	ssyncadd.s32 $0xFFFFF000  }
0x39: {  	s2 =	sor.u32 $0x800, s23;
	v1 =	vld [tilespmem:s11+$0xFFFFFFF0]  }
0x3a: {  	v0 =	vld [tilespmem:s2+$0xFFFFFE00]  }
0x3b: {  	v2 =	vld [tilespmem:s2+$0xFFFFFE10]  }
0x3c: {  	v3 =	vld [tilespmem:s2+$0xFFFFFE20]  }
0x3d: {  	v4 =	vld [tilespmem:s2+$0xFFFFFE30]  }
0x3e: {  	v5 =	vld [tilespmem:s2+$0xFFFFFE40]  }
0x3f: {  	v6 =	vld [tilespmem:s2+$0xFFFFFE50]  }
0x40: {  	v7 =	vld [tilespmem:s2+$0xFFFFFE60]  }
0x41: {  	v8 =	vld [tilespmem:s2+$0xFFFFFE70]  }
0x42: {  	v9 =	vld [tilespmem:s2+$0xFFFFFE80]  }
0x43: {  	v10 =	vld [tilespmem:s2+$0xFFFFFE90]  }
0x44: {  	v11 =	vld [tilespmem:s2+$0xFFFFFEA0]  }
0x45: {  	v12 =	vld [tilespmem:s2+$0xFFFFFEB0]  }
0x46: {  	v13 =	vld [tilespmem:s2+$0xFFFFFEC0]  }
0x47: {  	v14 =	vld [tilespmem:s2+$0xFFFFFED0]  }
0x48: {  	v15 =	vld [tilespmem:s2+$0xFFFFFEE0]  }
0x49: {  	v16 =	vld [tilespmem:s2+$0xFFFFFEF0]  }
0x4a: {  	v18 =	vld [tilespmem:s2+$0xFFFFFF00]  }
0x4b: {  	v19 =	vld [tilespmem:s2+$0xFFFFFF10];
	v17 =	vbroadcast v1, $0x0  }
0x4c: {  	v20 =	vld [tilespmem:s2+$0xFFFFFF20]  }
0x4d: {  	v21 =	vld [tilespmem:s2+$0xFFFFFF30];
	v22 =	vbroadcast v1, $0x1;
	v0 =	vmul.f32 v17, v0  }
0x4e: {  	v23 =	vld [tilespmem:s11+$0x0];
	v24 =	vbroadcast v1, $0x5;
	v2 =	vmul.f32 v2, v17  }
0x4f: {  	v49 =	vld [tilespmem:s2+$0x10];
	v4 =	vmul.f32 v4, v22;
	[tilespmem:s2+$0xFFFFFE00] =	vst v0  }
0x50: {  	v25 =	vld [tilespmem:s2+$0x20];
	v31 =	vbroadcast v1, $0x6;
	v11 =	vmul.f32 v11, v24;
	[tilespmem:s2+$0xFFFFFE10] =	vst v2  }
0x51: {  	v26 =	vld [tilespmem:s2+$0x30];
	v12 =	vmul.f32 v12, v24;
	[tilespmem:s2+$0xFFFFFE30] =	vst v4  }
0x52: {  	v27 =	vld [tilespmem:s2+$0x40];
	v32 =	vbroadcast v1, $0x7;
	v13 =	vmul.f32 v13, v31;
	[tilespmem:s2+$0xFFFFFEA0] =	vst v11  }
0x53: {  	v28 =	vld [tilespmem:s2+$0x50];
	v29 =	vbroadcast v23, $0x0;
	v14 =	vmul.f32 v14, v31;
	[tilespmem:s2+$0xFFFFFEB0] =	vst v12  }
0x54: {  	v30 =	vld [tilespmem:s2+$0x60];
	v34 =	vbroadcast v1, $0x8;
	v15 =	vmul.f32 v15, v32;
	[tilespmem:s2+$0xFFFFFEC0] =	vst v13  }
0x55: {  	v50 =	vld [tilespmem:s2+$0xA0];
	v35 =	vbroadcast v1, $0x9;
	v16 =	vmul.f32 v16, v32;
	[tilespmem:s2+$0xFFFFFED0] =	vst v14  }
0x56: {  	v33 =	vld [tilespmem:s2+$0x70];
	v37 =	vbroadcast v1, $0xA;
	v18 =	vmul.f32 v18, v34;
	[tilespmem:s2+$0xFFFFFEE0] =	vst v15  }
0x57: {  	v36 =	vld [tilespmem:s2+$0x80];
	v39 =	vbroadcast v1, $0xB;
	v20 =	vmul.f32 v20, v35;
	[tilespmem:s2+$0xFFFFFEF0] =	vst v16  }
0x58: {  	v38 =	vld [tilespmem:s2+$0x90];
	v44 =	vbroadcast v23, $0x5;
	v21 =	vmul.f32 v21, v35;
	[tilespmem:s2+$0xFFFFFF00] =	vst v18  }
0x59: {  	v52 =	vld [tilespmem:s2+$0xF0];
	v0 =	vmul.f32 v3, v22;
	v3 =	vbroadcast v1, $0x2;
	[tilespmem:s2+$0xFFFFFF20] =	vst v20  }
0x5a: {  	v53 =	vld [tilespmem:s2+$0x100];
	v40 =	vbroadcast v1, $0xC;
	v31 =	vmul.f32 v50, v44;
	[tilespmem:s2+$0xFFFFFF30] =	vst v21  }
0x5b: {  	v54 =	vld [tilespmem:s2+$0x130];
	v18 =	vbroadcast v23, $0x2;
	[tilespmem:s2+$0xFFFFFE20] =	vst v0;
	v0 =	vmul.f32 v5, v3  }
0x5c: {  	v55 =	vld [tilespmem:s2+$0x140];
	v20 =	vbroadcast v23, $0x4;
	[tilespmem:s2+$0xA0] =	vst v31;
	v3 =	vmul.f32 v6, v3  }
0x5d: {  	v12 =	vld [tilespmem:s2+$0x0];
	v5 =	vbroadcast v1, $0x3;
	v27 =	vmul.f32 v27, v18;
	[tilespmem:s2+$0xFFFFFE40] =	vst v0  }
0x5e: {  	v41 =	vbroadcast v1, $0xD;
	v2 =	vld [tilespmem:s2+$0xFFFFFF50];
	v63 =	vmul.f32 v38, v20;
	[tilespmem:s2+$0xFFFFFE50] =	vst v3  }
0x5f: {  	v51 =	vbroadcast v1, $0xE;
	v22 =	vld [tilespmem:s2+$0xFFFFFF60];
	v0 =	vmul.f32 v7, v5;
	[tilespmem:s2+$0x40] =	vst v27  }
0x60: {  	v59 =	vld [tilespmem:s2+$0x160];
	v42 =	vbroadcast v1, $0xF;
	v5 =	vmul.f32 v8, v5;
	[tilespmem:s2+$0x90] =	vst v63  }
0x61: {  	v60 =	vld [tilespmem:s2+$0x170];
	v7 =	vbroadcast v1, $0x4;
	v1 =	vmul.f32 v19, v34;
	[tilespmem:s2+$0xFFFFFE60] =	vst v0  }
0x62: {  	v43 =	vbroadcast v23, $0x3;
	v17 =	vld [tilespmem:s2+$0xFFFFFF40];
	v12 =	vmul.f32 v29, v12;
	[tilespmem:s2+$0xFFFFFE70] =	vst v5  }
0x63: {  	v45 =	vbroadcast v23, $0x6;
	v4 =	vld [tilespmem:s2+$0xFFFFFF70];
	v2 =	vmul.f32 v2, v37;
	[tilespmem:s2+$0xFFFFFF10] =	vst v1  }
0x64: {  	v56 =	vbroadcast v23, $0x8;
	v11 =	vld [tilespmem:s2+$0xFFFFFFE0];
	v22 =	vmul.f32 v22, v39;
	[tilespmem:s2+$0x0] =	vst v12  }
0x65: {  	v57 =	vbroadcast v23, $0x9;
	v6 =	vld [tilespmem:s2+$0xFFFFFF80];
	v0 =	vmul.f32 v9, v7;
	[tilespmem:s2+$0xFFFFFF50] =	vst v2  }
0x66: {  	v13 =	vld [tilespmem:s2+$0xB0];
	v19 =	vbroadcast v23, $0x1;
	v7 =	vmul.f32 v10, v7;
	[tilespmem:s2+$0xFFFFFF60] =	vst v22  }
0x67: {  	v58 =	vbroadcast v23, $0xB;
	v3 =	vld [tilespmem:s2+$0xFFFFFF90];
	v1 =	vmul.f32 v17, v37;
	[tilespmem:s2+$0xFFFFFE80] =	vst v0  }
0x68: {  	v46 =	vbroadcast v23, $0xC;
	v8 =	vld [tilespmem:s2+$0xFFFFFFA0];
	v2 =	vmul.f32 v25, v19;
	[tilespmem:s2+$0xFFFFFE90] =	vst v7  }
0x69: {  	v5 =	vld [tilespmem:s2+$0xFFFFFFB0];
	v12 =	vbroadcast v23, $0x7;
	v19 =	vmul.f32 v26, v19;
	[tilespmem:s2+$0xFFFFFF40] =	vst v1  }
0x6a: {  	v9 =	vld [tilespmem:s2+$0x1F0];
	v22 =	vbroadcast v23, $0xA;
	v6 =	vmul.f32 v6, v40;
	[tilespmem:s2+$0x20] =	vst v2  }
0x6b: {  	v10 =	vld [tilespmem:s2+$0xFFFFFFC0];
	v0 =	vbroadcast v23, $0xF;
	v1 =	vmul.f32 v49, v29;
	[tilespmem:s2+$0x30] =	vst v19  }
0x6c: {  	v14 =	vld [tilespmem:s2+$0xC0];
	v2 =	vbroadcast v23, $0xD;
	v3 =	vmul.f32 v3, v40;
	[tilespmem:s2+$0xFFFFFF80] =	vst v6  }
0x6d: {  	v16 =	vld [tilespmem:s2+$0xE0];
	v6 =	vmul.f32 v28, v18;
	v8 =	vmul.f32 v8, v41;
	[tilespmem:s2+$0x10] =	vst v1  }
0x6e: {  	v7 =	vld [tilespmem:s2+$0xFFFFFFD0];
	v18 =	vmul.f32 v30, v43;
	v1 =	vmul.f32 v4, v39;
	[tilespmem:s2+$0xFFFFFF90] =	vst v3  }
0x6f: {  	v15 =	vld [tilespmem:s2+$0xD0];
	v9 =	vmul.f32 v9, v0;
	v5 =	vmul.f32 v5, v41;
	[tilespmem:s2+$0x50] =	vst v6  }
0x70: {  	v61 =	vld [tilespmem:s2+$0x190];
	v10 =	vmul.f32 v10, v51;
	[tilespmem:s2+$0xFFFFFFA0] =	vst v8;
	v8 =	vmul.f32 v33, v43  }
0x71: {  	v21 =	vld [tilespmem:s2+$0x120];
	[tilespmem:s2+$0xFFFFFF70] =	vst v1;
	v1 =	vbroadcast v23, $0xE;
	v23 =	vmul.f32 v11, v42  }
0x72: {  	s25 =	smul.u32 $0xAAAB, s4;
	v11 =	vmul.f32 v14, v45;
	v14 =	vmul.f32 v16, v12;
	[tilespmem:s2+$0x1F0] =	vst v9;
	v9 =	vld [tilespmem:s2+$0xFFFFFFF0]  }
0x73: {  	v4 =	vld [tilespmem:s2+$0x150];
	[tilespmem:s2+$0x60] =	vst v18;
	v16 =	vmul.f32 v53, v56;
	v6 =	vmul.f32 v7, v51  }
0x74: {  	s7 =	sshrl.u32 s25, $0x11;
	v17 =	vld [tilespmem:s2+$0x110];
	v7 =	vmul.f32 v13, v44;
	[tilespmem:s2+$0xFFFFFFC0] =	vst v10;
	v10 =	vmul.f32 v15, v45  }
0x75: {  	s7 =	smul.u32 $0x3, s7;
	v3 =	vld [tilespmem:s2+$0x180];
	[tilespmem:s2+$0x70] =	vst v8;
	v15 =	vmul.f32 v52, v12;
	v12 =	vmul.f32 v54, v57  }
0x76: {  	v18 =	vld [tilespmem:s2+$0x1A0];
	v8 =	vmul.f32 v59, v58;
	[tilespmem:s2+$0xFFFFFFD0] =	vst v6;
	v6 =	vmul.f32 v55, v22  }
0x77: {  	s7 =	ssub.s32 s4, s7;
	v19 =	vld [tilespmem:s2+$0x1B0];
	[tilespmem:s2+$0xFFFFFFB0] =	vst v5;
	v62 =	vmul.f32 v9, v42;
	v9 =	vmul.f32 v36, v20  }
0x78: {  	s4 =	sshll.u32 s4, $0xC;
	s7 =	sshll.u32 s7, $0x9;
	[tilespmem:s2+$0xFFFFFFE0] =	vst v23;
	v5 =	vmul.f32 v4, v22;
	v4 =	vmul.f32 v60, v58;
	v20 =	vld [tilespmem:s2+$0x1C0]  }
0x79: {  	s10 =	sadd.s32 $0x20, s11;
	s4 =	sand.u32 $0x1000, s4;
	s23 =	sand.u32 $0x3E00, s7;
	[tilespmem:s2+$0x80] =	vst v9;
	v9 =	vmul.f32 v17, v56;
	v17 =	vmul.f32 v21, v57;
	v21 =	vld [tilespmem:s2+$0x1D0]  }
0x7a: {  	s25 =	sor.u32 $0x600, s4;
	s7 =	simm.s32 $0x0;
	s4 =	smov.u32 s2;
	v22 =	vld [tilespmem:s2+$0x1E0];
	v13 =	vmul.f32 v3, v46;
	v3 =	vmul.f32 v61, v46;
	[tilespmem:s2+$0xFFFFFFF0] =	vst v62  }
.LBB2_3:
0x7b: {  	v23 =	vld [tilespmem:s10+$0x0];
	s7 =	sadd.s32 $0x2, s7;
	[tilespmem:s2+$0xB0] =	vst v7;
	v18 =	vmul.f32 v18, v2  }
0x7c: {  	s2 =	sadd.s32 $0x400, s2;
	v24 =	vld [tilespmem:s10+$0xFFFFFFF0];
	p2 =	slt.u32 s7, $0x6;
	[tilespmem:s4+$0xC0] =	vst v11;
	v2 =	vmul.f32 v19, v2  }
0x7d: {  	v11 =	vld [tilespmem:s2+$0x1F0];
	[tilespmem:s4+$0xD0] =	vst v10;
	v19 =	vmul.f32 v20, v1  }
0x7e: {  	v20 =	vld [tilespmem:s2+$0xFFFFFE00];
	[tilespmem:s4+$0xE0] =	vst v14;
	v1 =	vmul.f32 v21, v1  }
0x7f: {  	v21 =	vld [tilespmem:s2+$0xFFFFFE10];
	[tilespmem:s4+$0xF0] =	vst v15;
	v22 =	vmul.f32 v22, v0  }
0x80: {  	v25 =	vld [tilespmem:s2+$0xFFFFFE20];
	v7 =	vbroadcast v23, $0x0;
	v0 =	vbroadcast v23, $0xF;
	[tilespmem:s4+$0x100] =	vst v16  }
0x81: {  	v16 =	vbroadcast v24, $0x0;
	v26 =	vbroadcast v24, $0x1;
	v27 =	vld [tilespmem:s2+$0xFFFFFE30];
	[tilespmem:s4+$0x110] =	vst v9  }
0x82: {  	v29 =	vbroadcast v24, $0x2;
	v28 =	vld [tilespmem:s2+$0xFFFFFE40];
	v9 =	vmul.f32 v11, v0;
	[tilespmem:s4+$0x120] =	vst v17  }
0x83: {  	v30 =	vbroadcast v24, $0x3;
	v31 =	vbroadcast v24, $0x4;
	v17 =	vld [tilespmem:s2+$0xFFFFFE50];
	[tilespmem:s4+$0x130] =	vst v12  }
0x84: {  	v33 =	vbroadcast v24, $0x5;
	v34 =	vbroadcast v24, $0x6;
	v32 =	vld [tilespmem:s2+$0xFFFFFE60];
	[tilespmem:s2+$0x1F0] =	vst v9  }
0x85: {  	v36 =	vbroadcast v24, $0x7;
	v37 =	vbroadcast v24, $0x8;
	v35 =	vld [tilespmem:s2+$0xFFFFFE70];
	[tilespmem:s4+$0x140] =	vst v6  }
0x86: {  	v39 =	vbroadcast v24, $0x9;
	v40 =	vbroadcast v24, $0xA;
	v38 =	vld [tilespmem:s2+$0xFFFFFE80];
	[tilespmem:s4+$0x150] =	vst v5  }
0x87: {  	v42 =	vbroadcast v24, $0xB;
	v43 =	vbroadcast v24, $0xC;
	v41 =	vld [tilespmem:s2+$0xFFFFFE90];
	[tilespmem:s4+$0x160] =	vst v8  }
0x88: {  	v45 =	vbroadcast v24, $0xD;
	v46 =	vbroadcast v24, $0xE;
	v44 =	vld [tilespmem:s2+$0xFFFFFEA0];
	[tilespmem:s4+$0x170] =	vst v4  }
0x89: {  	v15 =	vbroadcast v23, $0x1;
	v24 =	vbroadcast v24, $0xF;
	v47 =	vld [tilespmem:s2+$0xFFFFFEB0];
	[tilespmem:s4+$0x180] =	vst v13  }
0x8a: {  	v14 =	vbroadcast v23, $0x2;
	v13 =	vbroadcast v23, $0x3;
	v48 =	vld [tilespmem:s2+$0xFFFFFEC0];
	[tilespmem:s4+$0x190] =	vst v3  }
0x8b: {  	v11 =	vbroadcast v23, $0x5;
	v12 =	vbroadcast v23, $0x4;
	v49 =	vld [tilespmem:s2+$0xFFFFFED0];
	[tilespmem:s4+$0x1A0] =	vst v18  }
0x8c: {  	v10 =	vbroadcast v23, $0x6;
	v9 =	vbroadcast v23, $0x7;
	v18 =	vld [tilespmem:s2+$0xFFFFFEE0];
	[tilespmem:s4+$0x1B0] =	vst v2  }
0x8d: {  	v6 =	vbroadcast v23, $0x9;
	v8 =	vbroadcast v23, $0x8;
	v50 =	vld [tilespmem:s2+$0xFFFFFEF0];
	[tilespmem:s4+$0x1C0] =	vst v19  }
0x8e: {  	v5 =	vbroadcast v23, $0xA;
	v4 =	vbroadcast v23, $0xB;
	v19 =	vld [tilespmem:s2+$0xFFFFFF00];
	[tilespmem:s4+$0x1D0] =	vst v1  }
0x8f: {  	v3 =	vbroadcast v23, $0xC;
	v2 =	vbroadcast v23, $0xD;
	v51 =	vld [tilespmem:s2+$0xFFFFFF10];
	[tilespmem:s4+$0x1E0] =	vst v22;
	s4 =	smov.u32 s2  }
0x90: {  	v20 =	vmul.f32 v16, v20;
	v1 =	vbroadcast v23, $0xE;
	v22 =	vld [tilespmem:s2+$0xFFFFFF20]  }
0x91: {  	v16 =	vmul.f32 v21, v16;
	v21 =	vmul.f32 v25, v26;
	v23 =	vld [tilespmem:s2+$0xFFFFFF30]  }
0x92: {  	v25 =	vmul.f32 v28, v29;
	[tilespmem:s2+$0xFFFFFE00] =	vst v20;
	v20 =	vmul.f32 v27, v26;
	v26 =	vld [tilespmem:s2+$0xFFFFFF40]  }
0x93: {  	[tilespmem:s2+$0xFFFFFE10] =	vst v16;
	v16 =	vmul.f32 v17, v29;
	v17 =	vmul.f32 v32, v30;
	v27 =	vld [tilespmem:s2+$0xFFFFFF50]  }
0x94: {  	v28 =	vmul.f32 v38, v31;
	[tilespmem:s2+$0xFFFFFE20] =	vst v21;
	v21 =	vmul.f32 v35, v30;
	v29 =	vld [tilespmem:s2+$0xFFFFFF60]  }
0x95: {  	v30 =	vmul.f32 v44, v33;
	[tilespmem:s2+$0xFFFFFE30] =	vst v20;
	v20 =	vmul.f32 v41, v31;
	v31 =	vld [tilespmem:s2+$0xFFFFFF70]  }
0x96: {  	v32 =	vmul.f32 v48, v34;
	[tilespmem:s2+$0xFFFFFE40] =	vst v25;
	v25 =	vmul.f32 v47, v33;
	v33 =	vld [tilespmem:s2+$0xFFFFFF80]  }
0x97: {  	v18 =	vmul.f32 v18, v36;
	[tilespmem:s2+$0xFFFFFE50] =	vst v16;
	v16 =	vmul.f32 v49, v34;
	v34 =	vld [tilespmem:s2+$0xFFFFFF90]  }
0x98: {  	v19 =	vmul.f32 v19, v37;
	[tilespmem:s2+$0xFFFFFE60] =	vst v17;
	v17 =	vmul.f32 v50, v36;
	v35 =	vld [tilespmem:s2+$0xFFFFFFA0]  }
0x99: {  	v22 =	vmul.f32 v22, v39;
	[tilespmem:s2+$0xFFFFFE70] =	vst v21;
	v21 =	vmul.f32 v51, v37;
	v36 =	vld [tilespmem:s2+$0xFFFFFFB0]  }
0x9a: {  	v23 =	vmul.f32 v23, v39;
	v26 =	vmul.f32 v26, v40;
	[tilespmem:s2+$0xFFFFFE80] =	vst v28;
	v28 =	vld [tilespmem:s2+$0xFFFFFFC0]  }
0x9b: {  	[tilespmem:s2+$0xFFFFFE90] =	vst v20;
	v20 =	vmul.f32 v27, v40;
	v27 =	vmul.f32 v29, v42;
	v29 =	vld [tilespmem:s2+$0xFFFFFFD0]  }
0x9c: {  	[tilespmem:s2+$0xFFFFFEA0] =	vst v30;
	v30 =	vmul.f32 v31, v42;
	v31 =	vmul.f32 v33, v43;
	v33 =	vld [tilespmem:s2+$0xFFFFFFE0]  }
0x9d: {  	[tilespmem:s2+$0xFFFFFEB0] =	vst v25;
	v25 =	vmul.f32 v34, v43;
	v34 =	vmul.f32 v35, v45;
	v35 =	vld [tilespmem:s2+$0xFFFFFFF0]  }
0x9e: {  	[tilespmem:s2+$0xFFFFFEC0] =	vst v32;
	v32 =	vmul.f32 v36, v45;
	v36 =	vld [tilespmem:s2+$0x0]  }
0x9f: {  	[tilespmem:s2+$0xFFFFFED0] =	vst v16;
	v16 =	vmul.f32 v28, v46;
	v28 =	vld [tilespmem:s2+$0x10]  }
0xa0: {  	[tilespmem:s2+$0xFFFFFEE0] =	vst v18;
	v18 =	vmul.f32 v29, v46;
	v29 =	vld [tilespmem:s2+$0x20]  }
0xa1: {  	[tilespmem:s2+$0xFFFFFEF0] =	vst v17;
	v17 =	vmul.f32 v33, v24;
	v33 =	vld [tilespmem:s2+$0x30]  }
0xa2: {  	[tilespmem:s2+$0xFFFFFF00] =	vst v19;
	v19 =	vmul.f32 v35, v24;
	v24 =	vld [tilespmem:s2+$0x40]  }
0xa3: {  	[tilespmem:s2+$0xFFFFFF10] =	vst v21;
	v21 =	vmul.f32 v7, v36;
	v35 =	vld [tilespmem:s2+$0x50]  }
0xa4: {  	[tilespmem:s2+$0xFFFFFF20] =	vst v22;
	v22 =	vmul.f32 v28, v7;
	v7 =	vld [tilespmem:s2+$0x60]  }
0xa5: {  	[tilespmem:s2+$0xFFFFFF30] =	vst v23;
	v23 =	vmul.f32 v29, v15;
	v28 =	vld [tilespmem:s2+$0x70]  }
0xa6: {  	[tilespmem:s2+$0xFFFFFF40] =	vst v26;
	v26 =	vmul.f32 v33, v15;
	v15 =	vld [tilespmem:s2+$0x80]  }
0xa7: {  	[tilespmem:s2+$0xFFFFFF50] =	vst v20;
	v20 =	vmul.f32 v24, v14;
	v24 =	vld [tilespmem:s2+$0x90]  }
0xa8: {  	[tilespmem:s2+$0xFFFFFF60] =	vst v27;
	v27 =	vmul.f32 v35, v14;
	v14 =	vld [tilespmem:s2+$0xA0]  }
0xa9: {  	[tilespmem:s2+$0xFFFFFF70] =	vst v30;
	v29 =	vmul.f32 v7, v13;
	v7 =	vld [tilespmem:s2+$0xB0]  }
0xaa: {  	[tilespmem:s2+$0xFFFFFF80] =	vst v31;
	v13 =	vmul.f32 v28, v13;
	v28 =	vld [tilespmem:s2+$0xC0]  }
0xab: {  	[tilespmem:s2+$0xFFFFFF90] =	vst v25;
	v25 =	vmul.f32 v15, v12;
	v15 =	vld [tilespmem:s2+$0xD0]  }
0xac: {  	[tilespmem:s2+$0xFFFFFFA0] =	vst v34;
	v24 =	vmul.f32 v24, v12;
	v12 =	vld [tilespmem:s2+$0xE0]  }
0xad: {  	[tilespmem:s2+$0xFFFFFFB0] =	vst v32;
	v30 =	vmul.f32 v14, v11;
	v31 =	vld [tilespmem:s2+$0xF0]  }
0xae: {  	[tilespmem:s2+$0xFFFFFFC0] =	vst v16;
	v7 =	vmul.f32 v7, v11;
	v16 =	vld [tilespmem:s2+$0x100]  }
0xaf: {  	[tilespmem:s2+$0xFFFFFFD0] =	vst v18;
	v11 =	vmul.f32 v28, v10;
	v18 =	vld [tilespmem:s2+$0x110]  }
0xb0: {  	[tilespmem:s2+$0xFFFFFFE0] =	vst v17;
	v10 =	vmul.f32 v15, v10;
	v17 =	vld [tilespmem:s2+$0x120]  }
0xb1: {  	[tilespmem:s2+$0xFFFFFFF0] =	vst v19;
	v14 =	vmul.f32 v12, v9;
	v12 =	vld [tilespmem:s2+$0x130]  }
0xb2: {  	[tilespmem:s2+$0x0] =	vst v21;
	v15 =	vmul.f32 v31, v9;
	v19 =	vld [tilespmem:s2+$0x140]  }
0xb3: {  	[tilespmem:s2+$0x10] =	vst v22;
	v16 =	vmul.f32 v16, v8;
	v21 =	vld [tilespmem:s2+$0x150]  }
0xb4: {  	[tilespmem:s2+$0x20] =	vst v23;
	v9 =	vmul.f32 v18, v8;
	v8 =	vld [tilespmem:s2+$0x160]  }
0xb5: {  	[tilespmem:s2+$0x30] =	vst v26;
	v17 =	vmul.f32 v17, v6;
	v22 =	vld [tilespmem:s2+$0x170]  }
0xb6: {  	[tilespmem:s2+$0x40] =	vst v20;
	v12 =	vmul.f32 v12, v6;
	v23 =	vld [tilespmem:s2+$0x180]  }
0xb7: {  	[tilespmem:s2+$0x50] =	vst v27;
	v6 =	vmul.f32 v19, v5;
	v26 =	vld [tilespmem:s2+$0x190]  }
.Ltmp0:
0xb8: {  	[tilespmem:s2+$0x60] =	vst v29;
	v5 =	vmul.f32 v21, v5;
	v18 =	vld [tilespmem:s2+$0x1A0];
	(pc) =	sbr.rel @p2 .LBB2_3-.Ltmp0, $4  }
0xb9: {  	[tilespmem:s2+$0x70] =	vst v13;
	v8 =	vmul.f32 v8, v4;
	v19 =	vld [tilespmem:s2+$0x1B0]  }
0xba: {  	[tilespmem:s2+$0x80] =	vst v25;
	v4 =	vmul.f32 v22, v4;
	v20 =	vld [tilespmem:s2+$0x1C0]  }
0xbb: {  	[tilespmem:s2+$0x90] =	vst v24;
	v13 =	vmul.f32 v23, v3;
	v21 =	vld [tilespmem:s2+$0x1D0]  }
0xbc: {  	s10 =	sadd.s32 $0x20, s10;
	[tilespmem:s2+$0xA0] =	vst v30;
	v3 =	vmul.f32 v26, v3;
	v22 =	vld [tilespmem:s2+$0x1E0]  }
0xbd: {  	[tilespmem:s2+$0xB0] =	vst v7  }
0xbe: {  	[tilespmem:s4+$0xC0] =	vst v11  }
0xbf: {  	[tilespmem:s4+$0xD0] =	vst v10  }
0xc0: {  	[tilespmem:s4+$0xE0] =	vst v14  }
0xc1: {  	[tilespmem:s4+$0xF0] =	vst v15  }
0xc2: {  	[tilespmem:s4+$0x100] =	vst v16  }
0xc3: {  	[tilespmem:s4+$0x110] =	vst v9  }
0xc4: {  	[tilespmem:s4+$0x120] =	vst v17  }
0xc5: {  	[tilespmem:s4+$0x130] =	vst v12  }
0xc6: {  	[tilespmem:s4+$0x140] =	vst v6  }
0xc7: {  	[tilespmem:s4+$0x150] =	vst v5  }
0xc8: {  	[tilespmem:s4+$0x160] =	vst v8  }
0xc9: {  	[tilespmem:s4+$0x170] =	vst v4  }
0xca: {  	v60 =	vmul.f32 v18, v2;
	[tilespmem:s4+$0x180] =	vst v13  }
0xcb: {  	v61 =	vmul.f32 v19, v2;
	[tilespmem:s4+$0x190] =	vst v3  }
0xcc: {  	p2 =	sne.s32 s0, $0x187;
	v62 =	vmul.f32 v20, v1;
	[tilespmem:s4+$0x1A0] =	vst v60  }
.Ltmp1:
0xcd: {  	v63 =	vmul.f32 v21, v1;
	[tilespmem:s4+$0x1B0] =	vst v61;
	(pc) =	sbr.rel @p2 .LBB2_2-.Ltmp1, $4  }
0xce: {  	v0 =	vmul.f32 v22, v0;
	[tilespmem:s4+$0x1C0] =	vst v62  }
0xcf: {  	[tilespmem:s4+$0x1D0] =	vst v63  }
0xd0: {  	s31 =	sadd.s32 $0x800, s31;
	s30 =	sadd.s32 $0x1, s30;
	p1 =	por !p1, !p1;
	[tilespmem:s4+$0x1E0] =	vst v0  }
0xd1: {  	[spmem:s3] =	stream.indirect.scatter.add.f32 [tilespmem:s25], [sflag:$0x3], $0x20, s23, s20, $0xb8;
	[tilespmem:$0x1AD00] =	vst v63  }
0xd2: {  	_ =	swait.ge [sflag:s28], $0x1000  }
0xd3: {  	[sflag:s28] =	ssyncset.done $0x0  }
0xd4: {  	[sflag:s28] =	ssyncadd.s32 $0xFFFFF000  }
0xd5: {  	_ =	swait.ge [sflag:s28], $0x1000  }
0xd6: {  	[sflag:s28] =	ssyncset.done $0x0  }
0xd7: {  	[sflag:s28] =	ssyncadd.s32 $0xFFFFF000  }
0xd8: {  	s0 =	sshrl.u32 @p0 s8, $0x3;
	[bflag:$0x0] =	sbarrier.arrive $0xFFFF  }
0xd9: {  	[hbm:s15], [sflag:s9] =	dma.local @p0 [spmem:s0], $0x3020  }
0xda: {  	s0 =	simm.s32 @p0 $0x4  }
0xdb: {  	_ =	swait.ge @p0 [sflag:s0], $0x3020  }
0xdc: {  	[sflag:s0] =	ssyncset.done @p0 $0x0  }
0xdd: {  	[sflag:s0] =	ssyncadd.s32 @p0 $0xFFFFCFE0  }
0xde: {  	[hbm:s16], [sflag:s9] =	dma.local @p0 [hbm:s17], $0x3020  }
0xdf: {  	_ =	swait.ge @p0 [sflag:s0], $0x3020  }
0xe0: {  	[sflag:s0] =	ssyncset.done @p0 $0x0  }
0xe1: {  	[sflag:s0] =	ssyncadd.s32 @p0 $0xFFFFCFE0;
	s0 =	sshrl.u32 @!p0 s8, $0x3  }
0xe2: {  	[hbm:s12], [sflag:s9] =	dma.local @!p0 [spmem:s0], $0x30E0  }
0xe3: {  	s0 =	simm.s32 @!p0 $0x4  }
0xe4: {  	s29 =	sadd.s32 $0x1, s29;
	_ =	swait.ge @!p0 [sflag:s0], $0x30E0  }
0xe5: {  	p1 =	sne.s32 s29, s19;
	[sflag:s0] =	ssyncset.done @!p0 $0x0  }
.Ltmp2:
0xe6: {  	[sflag:s0] =	ssyncadd.s32 @!p0 $0xFFFFCF20;
	(pc) =	sbr.rel @p1 .LBB2_1-.Ltmp2, $4  }
0xe7: {  	[hbm:s13], [sflag:s9] =	dma.local @!p0 [hbm:s14], $0x30E0  }
0xe8: {  	_ =	swait.ge @!p0 [sflag:s0], $0x30E0  }
0xe9: {  	[sflag:s0] =	ssyncset.done @!p0 $0x0  }
0xea: {  	[sflag:s0] =	ssyncadd.s32 @!p0 $0xFFFFCF20  }
0xeb: {  	_ =	sfence.sel $0x180000  }
0xec: {  	[bflag:$0x0] =	sbarrier.arrive $0xFFFF  }
0xed: {  	_ =	strace $0x9000004A  }
0xee: {  	s0 =	stileid.u32;
	[bflag:$0x2] =	sbarrier.arrive $0xFFFF  }
0xef: {  	p0 =	sne.s32 s0, $0x0;
	s0 =	rddreg [dreg:$0x3]  }
0xf0: {  	s0 =	sadd.s32 @!p0 $0x100000, s0  }
0xf1: {  	[sflag:s0] =	ssyncadd.tile.s32 @!p0 $0x1;
	_ =	shalt  }
.Lfunc_end2:
_tile_overlayer_lowered:
.L_overlay_start_2:
0xf2: {  	(tag) =	ssettag $0x2  }
0xf3: {  	s0 =	rddreg [dreg:$0x0];
	s2 =	stileid.u32  }
0xf4: {  	s1 =	rddreg [dreg:$0x1];
	p0 =	sne.s32 s2, $0x0  }
0xf5: {  	s3 =	rddreg [dreg:$0x2];
	[bflag:$0x3] =	sbarrier.arrive $0xFFFF;
	s2 =	simm.s32 @!p0 $0x1C04  }
0xf6: {  	[timem:s3], [sflag:s2] =	dma.local @!p0 [hbm:s0], s1  }
0xf7: {  	s0 =	simm.s32 @!p0 $0x4  }
0xf8: {  	_ =	swait.ge @!p0 [sflag:s0], s1  }
0xf9: {  	s1 =	ssub.s32 @!p0 $0x0, s1;
	[sflag:s0] =	ssyncset.done @!p0 $0x0  }
0xfa: {  	[sflag:s0] =	ssyncadd.s32 @!p0 s1  }
0xfb: {  	[bflag:$0x3] =	sbarrier.arrive $0xFFFF  }
0xfc: {  	_ =	shalt  }

</sc_bundles>
